<compile_context>
chip_gen: v7x
topology: tpu7x:2x2x1
jax: 0.10.2.dev20260603
libtpu: 0.0.44.dev20260713+nightly
codegen_flags: <defaults>
</compile_context>

<pallas_src>
import jax
import jax.numpy as jnp
from jax import lax
from jax.experimental import pallas as pl
from jax.experimental.pallas import tpu as pltpu
from jax.experimental.pallas import tpu_sc as plsc

N_NODES = 50000
N_EDGES = 1600000
NC = 2
NS = 16
NW = NC * NS
EPW = N_EDGES // NW
GC = 2000
RW = 80
ROWS = N_EDGES // RW
SK = 8
SCH = ROWS // SK
SCPT = (SCH + NW - 1) // NW
NP = 50176
RPT = NP // NS
MB = 2560

import functools


@functools.cache
def _sc_mesh():
    return plsc.VectorSubcoreMesh(core_axis_name="c", subcore_axis_name="s",
                                  num_cores=NC, num_subcores=NS)


def _gather_body(ne, xf_h, src_h, dst_h, dr0_h, dr1_h,
                 xf_v, src_v, dst_v, dr0_v, dr1_v):
    epw = ne // NW
    wid = lax.axis_index("s") * NC + lax.axis_index("c")
    pltpu.sync_copy(xf_h, xf_v)
    base = wid * epw

    def chunk(j, carry):
        off = base + j * GC
        pltpu.sync_copy(src_h.at[pl.ds(off, GC)], src_v)
        pltpu.sync_copy(dst_h.at[pl.ds(off, GC)], dst_v)

        def vec(i, c2):
            s2 = src_v[pl.ds(i * 16, 16)] * 2
            t2 = dst_v[pl.ds(i * 16, 16)] * 2
            dr0_v[pl.ds(i * 16, 16)] = (plsc.load_gather(xf_v, [t2])
                                        - plsc.load_gather(xf_v, [s2]))
            dr1_v[pl.ds(i * 16, 16)] = (plsc.load_gather(xf_v, [t2 + 1])
                                        - plsc.load_gather(xf_v, [s2 + 1]))
            return c2

        lax.fori_loop(0, GC // 16, vec, 0)
        pltpu.sync_copy(dr0_v, dr0_h.at[pl.ds(off, GC)])
        pltpu.sync_copy(dr1_v, dr1_h.at[pl.ds(off, GC)])
        return carry

    lax.fori_loop(0, epw // GC, chunk, 0)


@functools.cache
def _gather_kernel(ne):
    return pl.kernel(
        functools.partial(_gather_body, ne),
        out_type=[jax.ShapeDtypeStruct((ne,), jnp.float32),
                  jax.ShapeDtypeStruct((ne,), jnp.float32)],
        mesh=_sc_mesh(),
        compiler_params=pltpu.CompilerParams(needs_layout_passes=False,
                                             use_tc_tiling_on_sc=False),
        scratch_types=[
            pltpu.VMEM((2 * N_NODES,), jnp.float32),
            pltpu.VMEM((GC,), jnp.int32),
            pltpu.VMEM((GC,), jnp.int32),
            pltpu.VMEM((GC,), jnp.float32),
            pltpu.VMEM((GC,), jnp.float32),
        ],
    )


def _mlp_body(dr0_r, dr1_r, w0c_r, b0c_r, w1t_r, b1c_r, w2t_r, b2c_r, w3r_r,
              b3_r, m0_r, m1_r):
    dr0 = dr0_r[...]
    dr1 = dr1_r[...]
    a = jnp.sqrt(dr0 * dr0 + dr1 * dr1)
    inv = 1.0 / jnp.maximum(a, 1e-12)
    h = jnp.maximum(w0c_r[...] * a + b0c_r[...], 0.0)
    h = jnp.maximum(
        jnp.dot(w1t_r[...], h.astype(jnp.bfloat16),
                preferred_element_type=jnp.float32) + b1c_r[...], 0.0)
    h = jnp.maximum(
        jnp.dot(w2t_r[...], h.astype(jnp.bfloat16),
                preferred_element_type=jnp.float32) + b2c_r[...], 0.0)
    f = (jnp.dot(w3r_r[...], h, preferred_element_type=jnp.float32)
         + b3_r[...])
    m0_r[...] = f * dr0 * inv
    m1_r[...] = f * dr1 * inv


NE = 16000


@functools.cache
def _mlp_kernel(ne_total):
    return pl.pallas_call(
        _mlp_body,
        grid=(ne_total // NE,),
        in_specs=[
            pl.BlockSpec((1, NE), lambda i: (0, i)),
            pl.BlockSpec((1, NE), lambda i: (0, i)),
            pl.BlockSpec((128, 1), lambda i: (0, 0)),
            pl.BlockSpec((128, 1), lambda i: (0, 0)),
            pl.BlockSpec((128, 128), lambda i: (0, 0)),
            pl.BlockSpec((128, 1), lambda i: (0, 0)),
            pl.BlockSpec((128, 128), lambda i: (0, 0)),
            pl.BlockSpec((128, 1), lambda i: (0, 0)),
            pl.BlockSpec((1, 128), lambda i: (0, 0)),
            pl.BlockSpec((1, 1), lambda i: (0, 0)),
        ],
        out_specs=[pl.BlockSpec((1, NE), lambda i: (0, i)),
                   pl.BlockSpec((1, NE), lambda i: (0, i))],
        out_shape=[jax.ShapeDtypeStruct((1, ne_total), jnp.float32),
                   jax.ShapeDtypeStruct((1, ne_total), jnp.float32)],
    )


def _scatter_body(rows, m0_h, m1_h, dst_h, zeros_h, out_h,
                  dst_v, m0_v, m1_v, srcs_v, obuf_v, acc_sh, sem):
    sch = rows // SK
    scpt = (sch + NW - 1) // NW
    cid = lax.axis_index("c")
    sid = lax.axis_index("s")
    wid = sid * NC + cid
    pltpu.sync_copy(zeros_h.at[pl.ds(sid * RPT, RPT)], obuf_v)
    pltpu.sync_copy(obuf_v, acc_sh.at[pl.ds(sid * RPT, RPT)])
    for j in range(SK):
        pltpu.sync_copy(zeros_h.at[pl.ds(0, RW)], srcs_v.at[j])
    plsc.subcore_barrier()

    iota16 = lax.iota(jnp.int32, 16)
    zero16 = jnp.zeros((16,), jnp.int32)
    one16 = zero16 + 1

    def chunk(k, carry):
        c = k * NW + wid

        @pl.when(c < sch)
        def _():
            pltpu.sync_copy(dst_h.at[pl.ds(c * SK, SK)], dst_v)
            pltpu.sync_copy(m0_h.at[pl.ds(c * SK, SK)], m0_v)
            pltpu.sync_copy(m1_h.at[pl.ds(c * SK, SK)], m1_v)
            for j in range(SK):
                for g in range(RW // 16):
                    rows = iota16 + g * 16
                    m0 = m0_v[j, pl.ds(g * 16, 16)]
                    m1 = m1_v[j, pl.ds(g * 16, 16)]
                    plsc.store_scatter(srcs_v.at[j], [rows, zero16], m0)
                    plsc.store_scatter(srcs_v.at[j], [rows, one16], m1)
            descs = []
            for j in range(SK):
                d = pltpu.make_async_copy(srcs_v.at[j],
                                          acc_sh.at[dst_v.at[j]], sem)
                d.start(add=True)
                descs.append(d)
            for d in descs:
                d.wait()

        return carry

    lax.fori_loop(0, scpt, chunk, 0)
    plsc.subcore_barrier()
    pltpu.sync_copy(acc_sh.at[pl.ds(sid * RPT, RPT)], obuf_v)
    pltpu.sync_copy(obuf_v, out_h.at[cid].at[pl.ds(sid * RPT, RPT)])


@functools.cache
def _scatter_kernel(rows):
    return pl.kernel(
        functools.partial(_scatter_body, rows),
        out_type=jax.ShapeDtypeStruct((NC, NP, 8), jnp.float32),
        mesh=_sc_mesh(),
        compiler_params=pltpu.CompilerParams(needs_layout_passes=False,
                                             use_tc_tiling_on_sc=False),
        scratch_types=[
            pltpu.VMEM((SK, RW), jnp.int32),
            pltpu.VMEM((SK, RW), jnp.float32),
            pltpu.VMEM((SK, RW), jnp.float32),
            pltpu.VMEM((SK, RW, 8), jnp.float32),
            pltpu.VMEM((RPT, 8), jnp.float32),
            pltpu.VMEM_SHARED((NP, 8), jnp.float32),
            pltpu.SemaphoreType.DMA,
        ],
    )


def _combine_body(p0_r, p1_r, p2_r, p3_r, gv_r, o_r):
    o_r[...] = (p0_r[...] + p1_r[...] + p2_r[...] + p3_r[...]) - gv_r[...]


_combine = pl.pallas_call(
    _combine_body,
    out_shape=jax.ShapeDtypeStruct((800, 125), jnp.float32),
)


def kernel(x, v, edge_index, W0, b0, W1, b1, W2, b2, W3, b3, gamma):
    ei = edge_index.astype(jnp.int32)
    src = ei[0]
    dst = ei[1]
    xf = x.reshape(2 * N_NODES)
    EHS = (768000, 832000)
    zeros = jnp.zeros((NP, 8), jnp.float32)
    w_args = (W0.reshape(128, 1), b0.reshape(128, 1),
              W1.T.astype(jnp.bfloat16), b1.reshape(128, 1),
              W2.T.astype(jnp.bfloat16), b2.reshape(128, 1),
              W3.reshape(1, 128), b3.reshape(1, 1))
    parts = []
    drs = []
    off = 0
    for h in range(2):
        EH = EHS[h]
        s_h = src[off:off + EH]
        d_h = dst[off:off + EH]
        off += EH
        dr0, dr1 = _gather_kernel(EH)(xf, s_h, d_h)
        drs.append((dr0, dr1, d_h))
    for h in range(2):
        EH = EHS[h]
        RH = EH // RW
        dr0, dr1, d_h = drs[h]
        m0, m1 = _mlp_kernel(EH)(dr0.reshape(1, EH), dr1.reshape(1, EH),
                                 *w_args)
        partial = _scatter_kernel(RH)(m0.reshape(RH, RW), m1.reshape(RH, RW),
                                      d_h.reshape(RH, RW), zeros)
        parts.append(partial)
    ps = [parts[h][c, :N_NODES, :2].reshape(800, 125)
          for h in range(2) for c in range(NC)]
    gv = (gamma * v).reshape(800, 125)
    return _combine(*ps, gv).reshape(N_NODES, 2)

# --- scband reference (transcript-rebuilt; emitter-appended) ---
"""Pipeline reference for scband-interaction-module-non-parametric-acceleration-65549790871653 (READ-ONLY COPY).

The authoritative reference and input builder live on the scoring server;
editing this copy changes nothing except your own understanding.
"""

import jax, jax.numpy as jnp
import numpy as np

N_NODES = 50000
N_EDGES = 1600000
N_DIM = 2
FNN_SHAPE = [128, 128, 128]


def _linear_init(key, fan_in, fan_out):
    # mimic torch nn.Linear default init: U(-1/sqrt(fan_in), 1/sqrt(fan_in))
    kw, kb = jax.random.split(key)
    bound = 1.0 / np.sqrt(fan_in)
    W = jax.random.uniform(kw, (fan_in, fan_out), minval=-bound, maxval=bound, dtype=jnp.float32)
    b = jax.random.uniform(kb, (fan_out,), minval=-bound, maxval=bound, dtype=jnp.float32)
    return W, b


def setup_inputs(seed: int = 0) -> dict:
    key = jax.random.key(seed)
    k_x, k_v, k_e, k0, k1, k2, k3 = jax.random.split(key, 7)
    x = jax.random.normal(k_x, (N_NODES, N_DIM), dtype=jnp.float32)
    v = jax.random.normal(k_v, (N_NODES, N_DIM), dtype=jnp.float32)
    edge_index = jax.random.randint(k_e, (2, N_EDGES), 0, N_NODES, dtype=jnp.int64)
    # fNN: 1 -> 128 -> 128 -> 128 -> 1 with ReLU between hidden layers
    W0, b0 = _linear_init(k0, 1, FNN_SHAPE[0])
    W1, b1 = _linear_init(k1, FNN_SHAPE[0], FNN_SHAPE[1])
    W2, b2 = _linear_init(k2, FNN_SHAPE[1], FNN_SHAPE[2])
    W3, b3 = _linear_init(k3, FNN_SHAPE[2], 1)
    gamma = jnp.asarray(0.1, dtype=jnp.float32)
    return {"x": x, "v": v, "edge_index": edge_index,
            "W0": W0, "b0": b0, "W1": W1, "b1": b1,
            "W2": W2, "b2": b2, "W3": W3, "b3": b3,
            "gamma": gamma}


def _fnn(abs_dr, W0, b0, W1, b1, W2, b2, W3, b3):
    h = jax.nn.relu(abs_dr @ W0 + b0)
    h = jax.nn.relu(h @ W1 + b1)
    h = jax.nn.relu(h @ W2 + b2)
    return h @ W3 + b3


def reference(x, v, edge_index, W0, b0, W1, b1, W2, b2, W3, b3, gamma):
    src = edge_index[0]
    dst = edge_index[1]
    # non-periodic euclidean displacement: dst position minus src position
    dr = jnp.take(x, dst, axis=0) - jnp.take(x, src, axis=0)
    abs_dr = jnp.linalg.norm(dr, axis=-1, keepdims=True)
    # F.normalize(dr, dim=-1) with eps=1e-12
    unit_dr = dr / jnp.maximum(abs_dr, 1e-12)
    force = _fnn(abs_dr, W0, b0, W1, b1, W2, b2, W3, b3)  # [E, 1]
    message = force * unit_dr  # [E, N_dim]
    # aggregate: sum of incoming messages at dst nodes
    sum_force = jax.ops.segment_sum(message, dst, num_segments=N_NODES)
    accel = sum_force - gamma * v
    return accel


if False:  # reference __main__ guard neutralized (emitter)
    inp = setup_inputs()
    out = reference(**inp)
    print(out.shape, out.dtype)

if __name__ == "__main__":
    import jax
    _d = setup_inputs()
    print(jax.jit(kernel)(*tuple(_d.values())))

</pallas_src>

<mosaic_0001>
#map = affine_map<(d0, d1) -> (0)>
module attributes {stable_mosaic.version = 14 : i64} {
  func.func @_gather_body(%arg0: i32, %arg1: i32, %arg2: memref<100000xf32, #tpu.memory_space<hbm>>, %arg3: memref<832000xi32, #tpu.memory_space<hbm>>, %arg4: memref<832000xi32, #tpu.memory_space<hbm>>, %arg5: memref<832000xf32, #tpu.memory_space<hbm>>, %arg6: memref<832000xf32, #tpu.memory_space<hbm>>, %arg7: memref<100000xf32, #tpu.memory_space<vmem>>, %arg8: memref<2000xi32, #tpu.memory_space<vmem>>, %arg9: memref<2000xi32, #tpu.memory_space<vmem>>, %arg10: memref<2000xf32, #tpu.memory_space<vmem>>, %arg11: memref<2000xf32, #tpu.memory_space<vmem>>) attributes {dimension_semantics = [#tpu.dimension_semantics<core_parallel>, #tpu.dimension_semantics<subcore_parallel>], iteration_bounds = array<i64: 2, 16>, scalar_prefetch = 0 : i64, scratch_operands = 5 : i64, tpu.core_type = #tpu.core_type<sc_vector_subcore>, window_params = [{transform_indices = #map}, {transform_indices = #map}, {transform_indices = #map}, {transform_indices = #map}, {transform_indices = #map}]} {
    %mul3A = arith.constant 2 : i32
    %mul3A_0 = arith.muli %arg1, %mul3A : i32
    %add3A = arith.addi %mul3A_0, %arg0 : i32
    "tpu.region"() ({
      %run_scoped3A = tpu.sem_alloc : memref<!tpu.dma_semaphore, #tpu.memory_space<semaphore_mem>>
      tpu.enqueue_dma source(%arg2 : memref<100000xf32, #tpu.memory_space<hbm>>) target(%arg7 : memref<100000xf32, #tpu.memory_space<vmem>>) target_semaphore(%run_scoped3A : memref<!tpu.dma_semaphore, #tpu.memory_space<semaphore_mem>>)
      tpu.wait_dma2 semaphore(%run_scoped3A : memref<!tpu.dma_semaphore, #tpu.memory_space<semaphore_mem>>) src(%arg2 : memref<100000xf32, #tpu.memory_space<hbm>>) dst(%arg7 : memref<100000xf32, #tpu.memory_space<vmem>>)
      tpu.yield
    }) : () -> ()
    %mul3A_1 = arith.constant 26000 : i32
    %mul3A_2 = arith.muli %add3A, %mul3A_1 : i32
    %scan3A = arith.constant 0 : i32
    %scan3A_3 = arith.constant 0 : i32
    %scan3A_4 = arith.constant 13 : i32
    %scan3A_5 = arith.addi %scan3A_3, %scan3A_4 : i32
    %scan3A_6 = arith.constant 1 : i32
    scf.for %scan3A_8 = %scan3A_3 to %scan3A_5 step %scan3A_6  : i32 {
      %mul3A_9 = arith.constant 2000 : i32
      %mul3A_10 = arith.muli %scan3A_8, %mul3A_9 : i32
      %add3A_11 = arith.addi %mul3A_2, %mul3A_10 : i32
      "tpu.region"() ({
        %run_scoped3A = tpu.sem_alloc : memref<!tpu.dma_semaphore, #tpu.memory_space<semaphore_mem>>
        %dma_start3A = tpu.memref_slice %arg3[%add3A_11] : memref<832000xi32, #tpu.memory_space<hbm>> -> memref<2000xi32, #tpu.memory_space<hbm>>
        %dma_start3A_18 = tpu.memref_slice %arg3[%add3A_11] : memref<832000xi32, #tpu.memory_space<hbm>> -> memref<2000xi32, #tpu.memory_space<hbm>>
        tpu.enqueue_dma source(%dma_start3A_18 : memref<2000xi32, #tpu.memory_space<hbm>>) target(%arg8 : memref<2000xi32, #tpu.memory_space<vmem>>) target_semaphore(%run_scoped3A : memref<!tpu.dma_semaphore, #tpu.memory_space<semaphore_mem>>)
        %dma_wait3A = tpu.memref_slice %arg3[%add3A_11] : memref<832000xi32, #tpu.memory_space<hbm>> -> memref<2000xi32, #tpu.memory_space<hbm>>
        %dma_wait3A_19 = tpu.memref_slice %arg3[%add3A_11] : memref<832000xi32, #tpu.memory_space<hbm>> -> memref<2000xi32, #tpu.memory_space<hbm>>
        tpu.wait_dma2 semaphore(%run_scoped3A : memref<!tpu.dma_semaphore, #tpu.memory_space<semaphore_mem>>) src(%dma_wait3A_19 : memref<2000xi32, #tpu.memory_space<hbm>>) dst(%arg8 : memref<2000xi32, #tpu.memory_space<vmem>>)
        tpu.yield
      }) : () -> ()
      "tpu.region"() ({
        %run_scoped3A = tpu.sem_alloc : memref<!tpu.dma_semaphore, #tpu.memory_space<semaphore_mem>>
        %dma_start3A = tpu.memref_slice %arg4[%add3A_11] : memref<832000xi32, #tpu.memory_space<hbm>> -> memref<2000xi32, #tpu.memory_space<hbm>>
        %dma_start3A_18 = tpu.memref_slice %arg4[%add3A_11] : memref<832000xi32, #tpu.memory_space<hbm>> -> memref<2000xi32, #tpu.memory_space<hbm>>
        tpu.enqueue_dma source(%dma_start3A_18 : memref<2000xi32, #tpu.memory_space<hbm>>) target(%arg9 : memref<2000xi32, #tpu.memory_space<vmem>>) target_semaphore(%run_scoped3A : memref<!tpu.dma_semaphore, #tpu.memory_space<semaphore_mem>>)
        %dma_wait3A = tpu.memref_slice %arg4[%add3A_11] : memref<832000xi32, #tpu.memory_space<hbm>> -> memref<2000xi32, #tpu.memory_space<hbm>>
        %dma_wait3A_19 = tpu.memref_slice %arg4[%add3A_11] : memref<832000xi32, #tpu.memory_space<hbm>> -> memref<2000xi32, #tpu.memory_space<hbm>>
        tpu.wait_dma2 semaphore(%run_scoped3A : memref<!tpu.dma_semaphore, #tpu.memory_space<semaphore_mem>>) src(%dma_wait3A_19 : memref<2000xi32, #tpu.memory_space<hbm>>) dst(%arg9 : memref<2000xi32, #tpu.memory_space<vmem>>)
        tpu.yield
      }) : () -> ()
      %scan3A_12 = arith.constant 0 : i32
      %scan3A_13 = arith.constant 0 : i32
      %scan3A_14 = arith.constant 125 : i32
      %scan3A_15 = arith.addi %scan3A_13, %scan3A_14 : i32
      %scan3A_16 = arith.constant 1 : i32
      scf.for %scan3A_18 = %scan3A_13 to %scan3A_15 step %scan3A_16  : i32 {
        %mul3A_19 = arith.constant 16 : i32
        %mul3A_20 = arith.muli %scan3A_18, %mul3A_19 : i32
        %get3A = arith.index_cast %mul3A_20 : i32 to index
        %get3A_21 = tpu.vector_load %arg8[%get3A] {strides = array<i32>} : memref<2000xi32, #tpu.memory_space<vmem>>, vector<16xi32>,
        %mul3A_22 = arith.constant 2 : i32
        %mul3A_23 = vector.broadcast %mul3A_22 : i32 to vector<16xi32>
        %mul3A_24 = arith.muli %get3A_21, %mul3A_23 : vector<16xi32>
        %mul3A_25 = arith.constant 16 : i32
        %mul3A_26 = arith.muli %scan3A_18, %mul3A_25 : i32
        %get3A_27 = arith.index_cast %mul3A_26 : i32 to index
        %get3A_28 = tpu.vector_load %arg9[%get3A_27] {strides = array<i32>} : memref<2000xi32, #tpu.memory_space<vmem>>, vector<16xi32>,
        %mul3A_29 = arith.constant 2 : i32
        %mul3A_30 = vector.broadcast %mul3A_29 : i32 to vector<16xi32>
        %mul3A_31 = arith.muli %get3A_28, %mul3A_30 : vector<16xi32>
        %gather3A = tpu.vector_load_idx %arg7[%mul3A_31] : memref<100000xf32, #tpu.memory_space<vmem>>[vector<16xi32>], vector<16xf32>,
        %gather3A_32 = tpu.vector_load_idx %arg7[%mul3A_24] : memref<100000xf32, #tpu.memory_space<vmem>>[vector<16xi32>], vector<16xf32>,
        %sub3A = arith.subf %gather3A, %gather3A_32 : vector<16xf32>
        %mul3A_33 = arith.constant 16 : i32
        %mul3A_34 = arith.muli %scan3A_18, %mul3A_33 : i32
        %swap3A = arith.index_cast %mul3A_34 : i32 to index
        %swap3A_35 = tpu.vector_load %arg10[%swap3A] {strides = array<i32>} : memref<2000xf32, #tpu.memory_space<vmem>>, vector<16xf32>,
        tpu.vector_store %arg10[%swap3A], %sub3A {strides = array<i32>} : memref<2000xf32, #tpu.memory_space<vmem>>, vector<16xf32>,
        %add3A_36 = arith.constant 1 : i32
        %add3A_37 = vector.broadcast %add3A_36 : i32 to vector<16xi32>
        %add3A_38 = arith.addi %mul3A_31, %add3A_37 : vector<16xi32>
        %gather3A_39 = tpu.vector_load_idx %arg7[%add3A_38] : memref<100000xf32, #tpu.memory_space<vmem>>[vector<16xi32>], vector<16xf32>,
        %add3A_40 = arith.constant 1 : i32
        %add3A_41 = vector.broadcast %add3A_40 : i32 to vector<16xi32>
        %add3A_42 = arith.addi %mul3A_24, %add3A_41 : vector<16xi32>
        %gather3A_43 = tpu.vector_load_idx %arg7[%add3A_42] : memref<100000xf32, #tpu.memory_space<vmem>>[vector<16xi32>], vector<16xf32>,
        %sub3A_44 = arith.subf %gather3A_39, %gather3A_43 : vector<16xf32>
        %mul3A_45 = arith.constant 16 : i32
        %mul3A_46 = arith.muli %scan3A_18, %mul3A_45 : i32
        %swap3A_47 = arith.index_cast %mul3A_46 : i32 to index
        %swap3A_48 = tpu.vector_load %arg11[%swap3A_47] {strides = array<i32>} : memref<2000xf32, #tpu.memory_space<vmem>>, vector<16xf32>,
        tpu.vector_store %arg11[%swap3A_47], %sub3A_44 {strides = array<i32>} : memref<2000xf32, #tpu.memory_space<vmem>>, vector<16xf32>,
      }
      %scan3A_17 = arith.constant 125 : i32
      "tpu.region"() ({
        %run_scoped3A = tpu.sem_alloc : memref<!tpu.dma_semaphore, #tpu.memory_space<semaphore_mem>>
        %dma_start3A = tpu.memref_slice %arg5[%add3A_11] : memref<832000xf32, #tpu.memory_space<hbm>> -> memref<2000xf32, #tpu.memory_space<hbm>>
        %dma_start3A_18 = tpu.memref_slice %arg5[%add3A_11] : memref<832000xf32, #tpu.memory_space<hbm>> -> memref<2000xf32, #tpu.memory_space<hbm>>
        tpu.enqueue_dma source(%arg10 : memref<2000xf32, #tpu.memory_space<vmem>>) target(%dma_start3A_18 : memref<2000xf32, #tpu.memory_space<hbm>>) target_semaphore(%run_scoped3A : memref<!tpu.dma_semaphore, #tpu.memory_space<semaphore_mem>>)
        %dma_wait3A = tpu.memref_slice %arg5[%add3A_11] : memref<832000xf32, #tpu.memory_space<hbm>> -> memref<2000xf32, #tpu.memory_space<hbm>>
        %dma_wait3A_19 = tpu.memref_slice %arg5[%add3A_11] : memref<832000xf32, #tpu.memory_space<hbm>> -> memref<2000xf32, #tpu.memory_space<hbm>>
        tpu.wait_dma2 semaphore(%run_scoped3A : memref<!tpu.dma_semaphore, #tpu.memory_space<semaphore_mem>>) src(%arg10 : memref<2000xf32, #tpu.memory_space<vmem>>) dst(%dma_wait3A_19 : memref<2000xf32, #tpu.memory_space<hbm>>)
        tpu.yield
      }) : () -> ()
      "tpu.region"() ({
        %run_scoped3A = tpu.sem_alloc : memref<!tpu.dma_semaphore, #tpu.memory_space<semaphore_mem>>
        %dma_start3A = tpu.memref_slice %arg6[%add3A_11] : memref<832000xf32, #tpu.memory_space<hbm>> -> memref<2000xf32, #tpu.memory_space<hbm>>
        %dma_start3A_18 = tpu.memref_slice %arg6[%add3A_11] : memref<832000xf32, #tpu.memory_space<hbm>> -> memref<2000xf32, #tpu.memory_space<hbm>>
        tpu.enqueue_dma source(%arg11 : memref<2000xf32, #tpu.memory_space<vmem>>) target(%dma_start3A_18 : memref<2000xf32, #tpu.memory_space<hbm>>) target_semaphore(%run_scoped3A : memref<!tpu.dma_semaphore, #tpu.memory_space<semaphore_mem>>)
        %dma_wait3A = tpu.memref_slice %arg6[%add3A_11] : memref<832000xf32, #tpu.memory_space<hbm>> -> memref<2000xf32, #tpu.memory_space<hbm>>
        %dma_wait3A_19 = tpu.memref_slice %arg6[%add3A_11] : memref<832000xf32, #tpu.memory_space<hbm>> -> memref<2000xf32, #tpu.memory_space<hbm>>
        tpu.wait_dma2 semaphore(%run_scoped3A : memref<!tpu.dma_semaphore, #tpu.memory_space<semaphore_mem>>) src(%arg11 : memref<2000xf32, #tpu.memory_space<vmem>>) dst(%dma_wait3A_19 : memref<2000xf32, #tpu.memory_space<hbm>>)
        tpu.yield
      }) : () -> ()
    }
    %scan3A_7 = arith.constant 13 : i32
    return
  }
}

#map = affine_map<(d0, d1) -> (0, 0)>
#map1 = affine_map<(d0, d1) -> (0, 0, 0)>
module attributes {stable_mosaic.version = 14 : i64} {
  func.func @_scatter_body(%arg0: i32, %arg1: i32, %arg2: memref<10400x80xf32, #tpu.memory_space<hbm>>, %arg3: memref<10400x80xf32, #tpu.memory_space<hbm>>, %arg4: memref<10400x80xi32, #tpu.memory_space<hbm>>, %arg5: memref<50176x8xf32, #tpu.memory_space<hbm>>, %arg6: memref<2x50176x8xf32, #tpu.memory_space<hbm>>, %arg7: memref<8x80xi32, #tpu.memory_space<vmem>>, %arg8: memref<8x80xf32, #tpu.memory_space<vmem>>, %arg9: memref<8x80xf32, #tpu.memory_space<vmem>>, %arg10: memref<8x80x8xf32, #tpu.memory_space<vmem>>, %arg11: memref<3136x8xf32, #tpu.memory_space<vmem>>, %arg12: memref<50176x8xf32, #tpu.memory_space<vmem_shared>>, %arg13: memref<!tpu.dma_semaphore, #tpu.memory_space<semaphore_mem>>) attributes {dimension_semantics = [#tpu.dimension_semantics<core_parallel>, #tpu.dimension_semantics<subcore_parallel>], iteration_bounds = array<i64: 2, 16>, scalar_prefetch = 0 : i64, scratch_operands = 7 : i64, tpu.core_type = #tpu.core_type<sc_vector_subcore>, window_params = [{transform_indices = #map}, {transform_indices = #map}, {transform_indices = #map}, {transform_indices = #map}, {transform_indices = #map1}]} {
    %mul3A = arith.constant 2 : i32
    %mul3A_0 = arith.muli %arg1, %mul3A : i32
    %add3A = arith.addi %mul3A_0, %arg0 : i32
    %mul3A_1 = arith.constant 3136 : i32
    %mul3A_2 = arith.muli %arg1, %mul3A_1 : i32
    "tpu.region"() ({
      %run_scoped3A_26 = tpu.sem_alloc : memref<!tpu.dma_semaphore, #tpu.memory_space<semaphore_mem>>
      %dma_start3A = arith.constant 0 : i32
      %dma_start3A_27 = tpu.memref_slice %arg5[%mul3A_2, %dma_start3A] : memref<50176x8xf32, #tpu.memory_space<hbm>> -> memref<3136x8xf32, #tpu.memory_space<hbm>>
      %dma_start3A_28 = arith.constant 0 : i32
      %dma_start3A_29 = tpu.memref_slice %arg5[%mul3A_2, %dma_start3A_28] : memref<50176x8xf32, #tpu.memory_space<hbm>> -> memref<3136x8xf32, #tpu.memory_space<hbm>>
      tpu.enqueue_dma source(%dma_start3A_29 : memref<3136x8xf32, #tpu.memory_space<hbm>>) target(%arg11 : memref<3136x8xf32, #tpu.memory_space<vmem>>) target_semaphore(%run_scoped3A_26 : memref<!tpu.dma_semaphore, #tpu.memory_space<semaphore_mem>>)
      %dma_wait3A = arith.constant 0 : i32
      %dma_wait3A_30 = tpu.memref_slice %arg5[%mul3A_2, %dma_wait3A] : memref<50176x8xf32, #tpu.memory_space<hbm>> -> memref<3136x8xf32, #tpu.memory_space<hbm>>
      %dma_wait3A_31 = arith.constant 0 : i32
      %dma_wait3A_32 = tpu.memref_slice %arg5[%mul3A_2, %dma_wait3A_31] : memref<50176x8xf32, #tpu.memory_space<hbm>> -> memref<3136x8xf32, #tpu.memory_space<hbm>>
      tpu.wait_dma2 semaphore(%run_scoped3A_26 : memref<!tpu.dma_semaphore, #tpu.memory_space<semaphore_mem>>) src(%dma_wait3A_32 : memref<3136x8xf32, #tpu.memory_space<hbm>>) dst(%arg11 : memref<3136x8xf32, #tpu.memory_space<vmem>>)
      tpu.yield
    }) : () -> ()
    %mul3A_3 = arith.constant 3136 : i32
    %mul3A_4 = arith.muli %arg1, %mul3A_3 : i32
    "tpu.region"() ({
      %run_scoped3A_26 = tpu.sem_alloc : memref<!tpu.dma_semaphore, #tpu.memory_space<semaphore_mem>>
      %dma_start3A = arith.constant 0 : i32
      %dma_start3A_27 = tpu.memref_slice %arg12[%mul3A_4, %dma_start3A] : memref<50176x8xf32, #tpu.memory_space<vmem_shared>> -> memref<3136x8xf32, #tpu.memory_space<vmem_shared>>
      %dma_start3A_28 = arith.constant 0 : i32
      %dma_start3A_29 = tpu.memref_slice %arg12[%mul3A_4, %dma_start3A_28] : memref<50176x8xf32, #tpu.memory_space<vmem_shared>> -> memref<3136x8xf32, #tpu.memory_space<vmem_shared>>
      tpu.enqueue_dma source(%arg11 : memref<3136x8xf32, #tpu.memory_space<vmem>>) target(%dma_start3A_29 : memref<3136x8xf32, #tpu.memory_space<vmem_shared>>) target_semaphore(%run_scoped3A_26 : memref<!tpu.dma_semaphore, #tpu.memory_space<semaphore_mem>>)
      %dma_wait3A = arith.constant 0 : i32
      %dma_wait3A_30 = tpu.memref_slice %arg12[%mul3A_4, %dma_wait3A] : memref<50176x8xf32, #tpu.memory_space<vmem_shared>> -> memref<3136x8xf32, #tpu.memory_space<vmem_shared>>
      %dma_wait3A_31 = arith.constant 0 : i32
      %dma_wait3A_32 = tpu.memref_slice %arg12[%mul3A_4, %dma_wait3A_31] : memref<50176x8xf32, #tpu.memory_space<vmem_shared>> -> memref<3136x8xf32, #tpu.memory_space<vmem_shared>>
      tpu.wait_dma2 semaphore(%run_scoped3A_26 : memref<!tpu.dma_semaphore, #tpu.memory_space<semaphore_mem>>) src(%arg11 : memref<3136x8xf32, #tpu.memory_space<vmem>>) dst(%dma_wait3A_32 : memref<3136x8xf32, #tpu.memory_space<vmem_shared>>)
      tpu.yield
    }) : () -> ()
    %run_scoped3A = arith.constant 0 : i32
    "tpu.region"() ({
      %run_scoped3A_26 = tpu.sem_alloc : memref<!tpu.dma_semaphore, #tpu.memory_space<semaphore_mem>>
      %dma_start3A = arith.constant 0 : i32
      %dma_start3A_27 = arith.constant 0 : i32
      %dma_start3A_28 = tpu.memref_slice %arg10[%run_scoped3A, %dma_start3A, %dma_start3A_27] : memref<8x80x8xf32, #tpu.memory_space<vmem>> -> memref<1x80x8xf32, #tpu.memory_space<vmem>>
      %dma_start3A_29 = tpu.memref_squeeze %dma_start3A_28 : memref<1x80x8xf32, #tpu.memory_space<vmem>> -> memref<80x8xf32, #tpu.memory_space<vmem>>
      %dma_start3A_30 = arith.constant 0 : i32
      %dma_start3A_31 = arith.constant 0 : i32
      %dma_start3A_32 = tpu.memref_slice %arg5[%dma_start3A_30, %dma_start3A_31] : memref<50176x8xf32, #tpu.memory_space<hbm>> -> memref<80x8xf32, #tpu.memory_space<hbm>>
      %dma_start3A_33 = arith.constant 0 : i32
      %dma_start3A_34 = arith.constant 0 : i32
      %dma_start3A_35 = tpu.memref_slice %arg10[%run_scoped3A, %dma_start3A_33, %dma_start3A_34] : memref<8x80x8xf32, #tpu.memory_space<vmem>> -> memref<1x80x8xf32, #tpu.memory_space<vmem>>
      %dma_start3A_36 = tpu.memref_squeeze %dma_start3A_35 : memref<1x80x8xf32, #tpu.memory_space<vmem>> -> memref<80x8xf32, #tpu.memory_space<vmem>>
      %dma_start3A_37 = arith.constant 0 : i32
      %dma_start3A_38 = arith.constant 0 : i32
      %dma_start3A_39 = tpu.memref_slice %arg5[%dma_start3A_37, %dma_start3A_38] : memref<50176x8xf32, #tpu.memory_space<hbm>> -> memref<80x8xf32, #tpu.memory_space<hbm>>
      tpu.enqueue_dma source(%dma_start3A_39 : memref<80x8xf32, #tpu.memory_space<hbm>>) target(%dma_start3A_36 : memref<80x8xf32, #tpu.memory_space<vmem>>) target_semaphore(%run_scoped3A_26 : memref<!tpu.dma_semaphore, #tpu.memory_space<semaphore_mem>>)
      %dma_wait3A = arith.constant 0 : i32
      %dma_wait3A_40 = arith.constant 0 : i32
      %dma_wait3A_41 = tpu.memref_slice %arg10[%run_scoped3A, %dma_wait3A, %dma_wait3A_40] : memref<8x80x8xf32, #tpu.memory_space<vmem>> -> memref<1x80x8xf32, #tpu.memory_space<vmem>>
      %dma_wait3A_42 = tpu.memref_squeeze %dma_wait3A_41 : memref<1x80x8xf32, #tpu.memory_space<vmem>> -> memref<80x8xf32, #tpu.memory_space<vmem>>
      %dma_wait3A_43 = arith.constant 0 : i32
      %dma_wait3A_44 = arith.constant 0 : i32
      %dma_wait3A_45 = tpu.memref_slice %arg5[%dma_wait3A_43, %dma_wait3A_44] : memref<50176x8xf32, #tpu.memory_space<hbm>> -> memref<80x8xf32, #tpu.memory_space<hbm>>
      %dma_wait3A_46 = arith.constant 0 : i32
      %dma_wait3A_47 = arith.constant 0 : i32
      %dma_wait3A_48 = tpu.memref_slice %arg10[%run_scoped3A, %dma_wait3A_46, %dma_wait3A_47] : memref<8x80x8xf32, #tpu.memory_space<vmem>> -> memref<1x80x8xf32, #tpu.memory_space<vmem>>
      %dma_wait3A_49 = tpu.memref_squeeze %dma_wait3A_48 : memref<1x80x8xf32, #tpu.memory_space<vmem>> -> memref<80x8xf32, #tpu.memory_space<vmem>>
      %dma_wait3A_50 = arith.constant 0 : i32
      %dma_wait3A_51 = arith.constant 0 : i32
      %dma_wait3A_52 = tpu.memref_slice %arg5[%dma_wait3A_50, %dma_wait3A_51] : memref<50176x8xf32, #tpu.memory_space<hbm>> -> memref<80x8xf32, #tpu.memory_space<hbm>>
      tpu.wait_dma2 semaphore(%run_scoped3A_26 : memref<!tpu.dma_semaphore, #tpu.memory_space<semaphore_mem>>) src(%dma_wait3A_52 : memref<80x8xf32, #tpu.memory_space<hbm>>) dst(%dma_wait3A_49 : memref<80x8xf32, #tpu.memory_space<vmem>>)
      tpu.yield
    }) : () -> ()
    %run_scoped3A_5 = arith.constant 1 : i32
    "tpu.region"() ({
      %run_scoped3A_26 = tpu.sem_alloc : memref<!tpu.dma_semaphore, #tpu.memory_space<semaphore_mem>>
      %dma_start3A = arith.constant 0 : i32
      %dma_start3A_27 = arith.constant 0 : i32
      %dma_start3A_28 = tpu.memref_slice %arg10[%run_scoped3A_5, %dma_start3A, %dma_start3A_27] : memref<8x80x8xf32, #tpu.memory_space<vmem>> -> memref<1x80x8xf32, #tpu.memory_space<vmem>>
      %dma_start3A_29 = tpu.memref_squeeze %dma_start3A_28 : memref<1x80x8xf32, #tpu.memory_space<vmem>> -> memref<80x8xf32, #tpu.memory_space<vmem>>
      %dma_start3A_30 = arith.constant 0 : i32
      %dma_start3A_31 = arith.constant 0 : i32
      %dma_start3A_32 = tpu.memref_slice %arg5[%dma_start3A_30, %dma_start3A_31] : memref<50176x8xf32, #tpu.memory_space<hbm>> -> memref<80x8xf32, #tpu.memory_space<hbm>>
      %dma_start3A_33 = arith.constant 0 : i32
      %dma_start3A_34 = arith.constant 0 : i32
      %dma_start3A_35 = tpu.memref_slice %arg10[%run_scoped3A_5, %dma_start3A_33, %dma_start3A_34] : memref<8x80x8xf32, #tpu.memory_space<vmem>> -> memref<1x80x8xf32, #tpu.memory_space<vmem>>
      %dma_start3A_36 = tpu.memref_squeeze %dma_start3A_35 : memref<1x80x8xf32, #tpu.memory_space<vmem>> -> memref<80x8xf32, #tpu.memory_space<vmem>>
      %dma_start3A_37 = arith.constant 0 : i32
      %dma_start3A_38 = arith.constant 0 : i32
      %dma_start3A_39 = tpu.memref_slice %arg5[%dma_start3A_37, %dma_start3A_38] : memref<50176x8xf32, #tpu.memory_space<hbm>> -> memref<80x8xf32, #tpu.memory_space<hbm>>
      tpu.enqueue_dma source(%dma_start3A_39 : memref<80x8xf32, #tpu.memory_space<hbm>>) target(%dma_start3A_36 : memref<80x8xf32, #tpu.memory_space<vmem>>) target_semaphore(%run_scoped3A_26 : memref<!tpu.dma_semaphore, #tpu.memory_space<semaphore_mem>>)
      %dma_wait3A = arith.constant 0 : i32
      %dma_wait3A_40 = arith.constant 0 : i32
      %dma_wait3A_41 = tpu.memref_slice %arg10[%run_scoped3A_5, %dma_wait3A, %dma_wait3A_40] : memref<8x80x8xf32, #tpu.memory_space<vmem>> -> memref<1x80x8xf32, #tpu.memory_space<vmem>>
      %dma_wait3A_42 = tpu.memref_squeeze %dma_wait3A_41 : memref<1x80x8xf32, #tpu.memory_space<vmem>> -> memref<80x8xf32, #tpu.memory_space<vmem>>
      %dma_wait3A_43 = arith.constant 0 : i32
      %dma_wait3A_44 = arith.constant 0 : i32
      %dma_wait3A_45 = tpu.memref_slice %arg5[%dma_wait3A_43, %dma_wait3A_44] : memref<50176x8xf32, #tpu.memory_space<hbm>> -> memref<80x8xf32, #tpu.memory_space<hbm>>
      %dma_wait3A_46 = arith.constant 0 : i32
      %dma_wait3A_47 = arith.constant 0 : i32
      %dma_wait3A_48 = tpu.memref_slice %arg10[%run_scoped3A_5, %dma_wait3A_46, %dma_wait3A_47] : memref<8x80x8xf32, #tpu.memory_space<vmem>> -> memref<1x80x8xf32, #tpu.memory_space<vmem>>
      %dma_wait3A_49 = tpu.memref_squeeze %dma_wait3A_48 : memref<1x80x8xf32, #tpu.memory_space<vmem>> -> memref<80x8xf32, #tpu.memory_space<vmem>>
      %dma_wait3A_50 = arith.constant 0 : i32
      %dma_wait3A_51 = arith.constant 0 : i32
      %dma_wait3A_52 = tpu.memref_slice %arg5[%dma_wait3A_50, %dma_wait3A_51] : memref<50176x8xf32, #tpu.memory_space<hbm>> -> memref<80x8xf32, #tpu.memory_space<hbm>>
      tpu.wait_dma2 semaphore(%run_scoped3A_26 : memref<!tpu.dma_semaphore, #tpu.memory_space<semaphore_mem>>) src(%dma_wait3A_52 : memref<80x8xf32, #tpu.memory_space<hbm>>) dst(%dma_wait3A_49 : memref<80x8xf32, #tpu.memory_space<vmem>>)
      tpu.yield
    }) : () -> ()
    %run_scoped3A_6 = arith.constant 2 : i32
    "tpu.region"() ({
      %run_scoped3A_26 = tpu.sem_alloc : memref<!tpu.dma_semaphore, #tpu.memory_space<semaphore_mem>>
      %dma_start3A = arith.constant 0 : i32
      %dma_start3A_27 = arith.constant 0 : i32
      %dma_start3A_28 = tpu.memref_slice %arg10[%run_scoped3A_6, %dma_start3A, %dma_start3A_27] : memref<8x80x8xf32, #tpu.memory_space<vmem>> -> memref<1x80x8xf32, #tpu.memory_space<vmem>>
      %dma_start3A_29 = tpu.memref_squeeze %dma_start3A_28 : memref<1x80x8xf32, #tpu.memory_space<vmem>> -> memref<80x8xf32, #tpu.memory_space<vmem>>
      %dma_start3A_30 = arith.constant 0 : i32
      %dma_start3A_31 = arith.constant 0 : i32
      %dma_start3A_32 = tpu.memref_slice %arg5[%dma_start3A_30, %dma_start3A_31] : memref<50176x8xf32, #tpu.memory_space<hbm>> -> memref<80x8xf32, #tpu.memory_space<hbm>>
      %dma_start3A_33 = arith.constant 0 : i32
      %dma_start3A_34 = arith.constant 0 : i32
      %dma_start3A_35 = tpu.memref_slice %arg10[%run_scoped3A_6, %dma_start3A_33, %dma_start3A_34] : memref<8x80x8xf32, #tpu.memory_space<vmem>> -> memref<1x80x8xf32, #tpu.memory_space<vmem>>
      %dma_start3A_36 = tpu.memref_squeeze %dma_start3A_35 : memref<1x80x8xf32, #tpu.memory_space<vmem>> -> memref<80x8xf32, #tpu.memory_space<vmem>>
      %dma_start3A_37 = arith.constant 0 : i32
      %dma_start3A_38 = arith.constant 0 : i32
      %dma_start3A_39 = tpu.memref_slice %arg5[%dma_start3A_37, %dma_start3A_38] : memref<50176x8xf32, #tpu.memory_space<hbm>> -> memref<80x8xf32, #tpu.memory_space<hbm>>
      tpu.enqueue_dma source(%dma_start3A_39 : memref<80x8xf32, #tpu.memory_space<hbm>>) target(%dma_start3A_36 : memref<80x8xf32, #tpu.memory_space<vmem>>) target_semaphore(%run_scoped3A_26 : memref<!tpu.dma_semaphore, #tpu.memory_space<semaphore_mem>>)
      %dma_wait3A = arith.constant 0 : i32
      %dma_wait3A_40 = arith.constant 0 : i32
      %dma_wait3A_41 = tpu.memref_slice %arg10[%run_scoped3A_6, %dma_wait3A, %dma_wait3A_40] : memref<8x80x8xf32, #tpu.memory_space<vmem>> -> memref<1x80x8xf32, #tpu.memory_space<vmem>>
      %dma_wait3A_42 = tpu.memref_squeeze %dma_wait3A_41 : memref<1x80x8xf32, #tpu.memory_space<vmem>> -> memref<80x8xf32, #tpu.memory_space<vmem>>
      %dma_wait3A_43 = arith.constant 0 : i32
      %dma_wait3A_44 = arith.constant 0 : i32
      %dma_wait3A_45 = tpu.memref_slice %arg5[%dma_wait3A_43, %dma_wait3A_44] : memref<50176x8xf32, #tpu.memory_space<hbm>> -> memref<80x8xf32, #tpu.memory_space<hbm>>
      %dma_wait3A_46 = arith.constant 0 : i32
      %dma_wait3A_47 = arith.constant 0 : i32
      %dma_wait3A_48 = tpu.memref_slice %arg10[%run_scoped3A_6, %dma_wait3A_46, %dma_wait3A_47] : memref<8x80x8xf32, #tpu.memory_space<vmem>> -> memref<1x80x8xf32, #tpu.memory_space<vmem>>
      %dma_wait3A_49 = tpu.memref_squeeze %dma_wait3A_48 : memref<1x80x8xf32, #tpu.memory_space<vmem>> -> memref<80x8xf32, #tpu.memory_space<vmem>>
      %dma_wait3A_50 = arith.constant 0 : i32
      %dma_wait3A_51 = arith.constant 0 : i32
      %dma_wait3A_52 = tpu.memref_slice %arg5[%dma_wait3A_50, %dma_wait3A_51] : memref<50176x8xf32, #tpu.memory_space<hbm>> -> memref<80x8xf32, #tpu.memory_space<hbm>>
      tpu.wait_dma2 semaphore(%run_scoped3A_26 : memref<!tpu.dma_semaphore, #tpu.memory_space<semaphore_mem>>) src(%dma_wait3A_52 : memref<80x8xf32, #tpu.memory_space<hbm>>) dst(%dma_wait3A_49 : memref<80x8xf32, #tpu.memory_space<vmem>>)
      tpu.yield
    }) : () -> ()
    %run_scoped3A_7 = arith.constant 3 : i32
    "tpu.region"() ({
      %run_scoped3A_26 = tpu.sem_alloc : memref<!tpu.dma_semaphore, #tpu.memory_space<semaphore_mem>>
      %dma_start3A = arith.constant 0 : i32
      %dma_start3A_27 = arith.constant 0 : i32
      %dma_start3A_28 = tpu.memref_slice %arg10[%run_scoped3A_7, %dma_start3A, %dma_start3A_27] : memref<8x80x8xf32, #tpu.memory_space<vmem>> -> memref<1x80x8xf32, #tpu.memory_space<vmem>>
      %dma_start3A_29 = tpu.memref_squeeze %dma_start3A_28 : memref<1x80x8xf32, #tpu.memory_space<vmem>> -> memref<80x8xf32, #tpu.memory_space<vmem>>
      %dma_start3A_30 = arith.constant 0 : i32
      %dma_start3A_31 = arith.constant 0 : i32
      %dma_start3A_32 = tpu.memref_slice %arg5[%dma_start3A_30, %dma_start3A_31] : memref<50176x8xf32, #tpu.memory_space<hbm>> -> memref<80x8xf32, #tpu.memory_space<hbm>>
      %dma_start3A_33 = arith.constant 0 : i32
      %dma_start3A_34 = arith.constant 0 : i32
      %dma_start3A_35 = tpu.memref_slice %arg10[%run_scoped3A_7, %dma_start3A_33, %dma_start3A_34] : memref<8x80x8xf32, #tpu.memory_space<vmem>> -> memref<1x80x8xf32, #tpu.memory_space<vmem>>
      %dma_start3A_36 = tpu.memref_squeeze %dma_start3A_35 : memref<1x80x8xf32, #tpu.memory_space<vmem>> -> memref<80x8xf32, #tpu.memory_space<vmem>>
      %dma_start3A_37 = arith.constant 0 : i32
      %dma_start3A_38 = arith.constant 0 : i32
      %dma_start3A_39 = tpu.memref_slice %arg5[%dma_start3A_37, %dma_start3A_38] : memref<50176x8xf32, #tpu.memory_space<hbm>> -> memref<80x8xf32, #tpu.memory_space<hbm>>
      tpu.enqueue_dma source(%dma_start3A_39 : memref<80x8xf32, #tpu.memory_space<hbm>>) target(%dma_start3A_36 : memref<80x8xf32, #tpu.memory_space<vmem>>) target_semaphore(%run_scoped3A_26 : memref<!tpu.dma_semaphore, #tpu.memory_space<semaphore_mem>>)
      %dma_wait3A = arith.constant 0 : i32
      %dma_wait3A_40 = arith.constant 0 : i32
      %dma_wait3A_41 = tpu.memref_slice %arg10[%run_scoped3A_7, %dma_wait3A, %dma_wait3A_40] : memref<8x80x8xf32, #tpu.memory_space<vmem>> -> memref<1x80x8xf32, #tpu.memory_space<vmem>>
      %dma_wait3A_42 = tpu.memref_squeeze %dma_wait3A_41 : memref<1x80x8xf32, #tpu.memory_space<vmem>> -> memref<80x8xf32, #tpu.memory_space<vmem>>
      %dma_wait3A_43 = arith.constant 0 : i32
      %dma_wait3A_44 = arith.constant 0 : i32
      %dma_wait3A_45 = tpu.memref_slice %arg5[%dma_wait3A_43, %dma_wait3A_44] : memref<50176x8xf32, #tpu.memory_space<hbm>> -> memref<80x8xf32, #tpu.memory_space<hbm>>
      %dma_wait3A_46 = arith.constant 0 : i32
      %dma_wait3A_47 = arith.constant 0 : i32
      %dma_wait3A_48 = tpu.memref_slice %arg10[%run_scoped3A_7, %dma_wait3A_46, %dma_wait3A_47] : memref<8x80x8xf32, #tpu.memory_space<vmem>> -> memref<1x80x8xf32, #tpu.memory_space<vmem>>
      %dma_wait3A_49 = tpu.memref_squeeze %dma_wait3A_48 : memref<1x80x8xf32, #tpu.memory_space<vmem>> -> memref<80x8xf32, #tpu.memory_space<vmem>>
      %dma_wait3A_50 = arith.constant 0 : i32
      %dma_wait3A_51 = arith.constant 0 : i32
      %dma_wait3A_52 = tpu.memref_slice %arg5[%dma_wait3A_50, %dma_wait3A_51] : memref<50176x8xf32, #tpu.memory_space<hbm>> -> memref<80x8xf32, #tpu.memory_space<hbm>>
      tpu.wait_dma2 semaphore(%run_scoped3A_26 : memref<!tpu.dma_semaphore, #tpu.memory_space<semaphore_mem>>) src(%dma_wait3A_52 : memref<80x8xf32, #tpu.memory_space<hbm>>) dst(%dma_wait3A_49 : memref<80x8xf32, #tpu.memory_space<vmem>>)
      tpu.yield
    }) : () -> ()
    %run_scoped3A_8 = arith.constant 4 : i32
    "tpu.region"() ({
      %run_scoped3A_26 = tpu.sem_alloc : memref<!tpu.dma_semaphore, #tpu.memory_space<semaphore_mem>>
      %dma_start3A = arith.constant 0 : i32
      %dma_start3A_27 = arith.constant 0 : i32
      %dma_start3A_28 = tpu.memref_slice %arg10[%run_scoped3A_8, %dma_start3A, %dma_start3A_27] : memref<8x80x8xf32, #tpu.memory_space<vmem>> -> memref<1x80x8xf32, #tpu.memory_space<vmem>>
      %dma_start3A_29 = tpu.memref_squeeze %dma_start3A_28 : memref<1x80x8xf32, #tpu.memory_space<vmem>> -> memref<80x8xf32, #tpu.memory_space<vmem>>
      %dma_start3A_30 = arith.constant 0 : i32
      %dma_start3A_31 = arith.constant 0 : i32
      %dma_start3A_32 = tpu.memref_slice %arg5[%dma_start3A_30, %dma_start3A_31] : memref<50176x8xf32, #tpu.memory_space<hbm>> -> memref<80x8xf32, #tpu.memory_space<hbm>>
      %dma_start3A_33 = arith.constant 0 : i32
      %dma_start3A_34 = arith.constant 0 : i32
      %dma_start3A_35 = tpu.memref_slice %arg10[%run_scoped3A_8, %dma_start3A_33, %dma_start3A_34] : memref<8x80x8xf32, #tpu.memory_space<vmem>> -> memref<1x80x8xf32, #tpu.memory_space<vmem>>
      %dma_start3A_36 = tpu.memref_squeeze %dma_start3A_35 : memref<1x80x8xf32, #tpu.memory_space<vmem>> -> memref<80x8xf32, #tpu.memory_space<vmem>>
      %dma_start3A_37 = arith.constant 0 : i32
      %dma_start3A_38 = arith.constant 0 : i32
      %dma_start3A_39 = tpu.memref_slice %arg5[%dma_start3A_37, %dma_start3A_38] : memref<50176x8xf32, #tpu.memory_space<hbm>> -> memref<80x8xf32, #tpu.memory_space<hbm>>
      tpu.enqueue_dma source(%dma_start3A_39 : memref<80x8xf32, #tpu.memory_space<hbm>>) target(%dma_start3A_36 : memref<80x8xf32, #tpu.memory_space<vmem>>) target_semaphore(%run_scoped3A_26 : memref<!tpu.dma_semaphore, #tpu.memory_space<semaphore_mem>>)
      %dma_wait3A = arith.constant 0 : i32
      %dma_wait3A_40 = arith.constant 0 : i32
      %dma_wait3A_41 = tpu.memref_slice %arg10[%run_scoped3A_8, %dma_wait3A, %dma_wait3A_40] : memref<8x80x8xf32, #tpu.memory_space<vmem>> -> memref<1x80x8xf32, #tpu.memory_space<vmem>>
      %dma_wait3A_42 = tpu.memref_squeeze %dma_wait3A_41 : memref<1x80x8xf32, #tpu.memory_space<vmem>> -> memref<80x8xf32, #tpu.memory_space<vmem>>
      %dma_wait3A_43 = arith.constant 0 : i32
      %dma_wait3A_44 = arith.constant 0 : i32
      %dma_wait3A_45 = tpu.memref_slice %arg5[%dma_wait3A_43, %dma_wait3A_44] : memref<50176x8xf32, #tpu.memory_space<hbm>> -> memref<80x8xf32, #tpu.memory_space<hbm>>
      %dma_wait3A_46 = arith.constant 0 : i32
      %dma_wait3A_47 = arith.constant 0 : i32
      %dma_wait3A_48 = tpu.memref_slice %arg10[%run_scoped3A_8, %dma_wait3A_46, %dma_wait3A_47] : memref<8x80x8xf32, #tpu.memory_space<vmem>> -> memref<1x80x8xf32, #tpu.memory_space<vmem>>
      %dma_wait3A_49 = tpu.memref_squeeze %dma_wait3A_48 : memref<1x80x8xf32, #tpu.memory_space<vmem>> -> memref<80x8xf32, #tpu.memory_space<vmem>>
      %dma_wait3A_50 = arith.constant 0 : i32
      %dma_wait3A_51 = arith.constant 0 : i32
      %dma_wait3A_52 = tpu.memref_slice %arg5[%dma_wait3A_50, %dma_wait3A_51] : memref<50176x8xf32, #tpu.memory_space<hbm>> -> memref<80x8xf32, #tpu.memory_space<hbm>>
      tpu.wait_dma2 semaphore(%run_scoped3A_26 : memref<!tpu.dma_semaphore, #tpu.memory_space<semaphore_mem>>) src(%dma_wait3A_52 : memref<80x8xf32, #tpu.memory_space<hbm>>) dst(%dma_wait3A_49 : memref<80x8xf32, #tpu.memory_space<vmem>>)
      tpu.yield
    }) : () -> ()
    %run_scoped3A_9 = arith.constant 5 : i32
    "tpu.region"() ({
      %run_scoped3A_26 = tpu.sem_alloc : memref<!tpu.dma_semaphore, #tpu.memory_space<semaphore_mem>>
      %dma_start3A = arith.constant 0 : i32
      %dma_start3A_27 = arith.constant 0 : i32
      %dma_start3A_28 = tpu.memref_slice %arg10[%run_scoped3A_9, %dma_start3A, %dma_start3A_27] : memref<8x80x8xf32, #tpu.memory_space<vmem>> -> memref<1x80x8xf32, #tpu.memory_space<vmem>>
      %dma_start3A_29 = tpu.memref_squeeze %dma_start3A_28 : memref<1x80x8xf32, #tpu.memory_space<vmem>> -> memref<80x8xf32, #tpu.memory_space<vmem>>
      %dma_start3A_30 = arith.constant 0 : i32
      %dma_start3A_31 = arith.constant 0 : i32
      %dma_start3A_32 = tpu.memref_slice %arg5[%dma_start3A_30, %dma_start3A_31] : memref<50176x8xf32, #tpu.memory_space<hbm>> -> memref<80x8xf32, #tpu.memory_space<hbm>>
      %dma_start3A_33 = arith.constant 0 : i32
      %dma_start3A_34 = arith.constant 0 : i32
      %dma_start3A_35 = tpu.memref_slice %arg10[%run_scoped3A_9, %dma_start3A_33, %dma_start3A_34] : memref<8x80x8xf32, #tpu.memory_space<vmem>> -> memref<1x80x8xf32, #tpu.memory_space<vmem>>
      %dma_start3A_36 = tpu.memref_squeeze %dma_start3A_35 : memref<1x80x8xf32, #tpu.memory_space<vmem>> -> memref<80x8xf32, #tpu.memory_space<vmem>>
      %dma_start3A_37 = arith.constant 0 : i32
      %dma_start3A_38 = arith.constant 0 : i32
      %dma_start3A_39 = tpu.memref_slice %arg5[%dma_start3A_37, %dma_start3A_38] : memref<50176x8xf32, #tpu.memory_space<hbm>> -> memref<80x8xf32, #tpu.memory_space<hbm>>
      tpu.enqueue_dma source(%dma_start3A_39 : memref<80x8xf32, #tpu.memory_space<hbm>>) target(%dma_start3A_36 : memref<80x8xf32, #tpu.memory_space<vmem>>) target_semaphore(%run_scoped3A_26 : memref<!tpu.dma_semaphore, #tpu.memory_space<semaphore_mem>>)
      %dma_wait3A = arith.constant 0 : i32
      %dma_wait3A_40 = arith.constant 0 : i32
      %dma_wait3A_41 = tpu.memref_slice %arg10[%run_scoped3A_9, %dma_wait3A, %dma_wait3A_40] : memref<8x80x8xf32, #tpu.memory_space<vmem>> -> memref<1x80x8xf32, #tpu.memory_space<vmem>>
      %dma_wait3A_42 = tpu.memref_squeeze %dma_wait3A_41 : memref<1x80x8xf32, #tpu.memory_space<vmem>> -> memref<80x8xf32, #tpu.memory_space<vmem>>
      %dma_wait3A_43 = arith.constant 0 : i32
      %dma_wait3A_44 = arith.constant 0 : i32
      %dma_wait3A_45 = tpu.memref_slice %arg5[%dma_wait3A_43, %dma_wait3A_44] : memref<50176x8xf32, #tpu.memory_space<hbm>> -> memref<80x8xf32, #tpu.memory_space<hbm>>
      %dma_wait3A_46 = arith.constant 0 : i32
      %dma_wait3A_47 = arith.constant 0 : i32
      %dma_wait3A_48 = tpu.memref_slice %arg10[%run_scoped3A_9, %dma_wait3A_46, %dma_wait3A_47] : memref<8x80x8xf32, #tpu.memory_space<vmem>> -> memref<1x80x8xf32, #tpu.memory_space<vmem>>
      %dma_wait3A_49 = tpu.memref_squeeze %dma_wait3A_48 : memref<1x80x8xf32, #tpu.memory_space<vmem>> -> memref<80x8xf32, #tpu.memory_space<vmem>>
      %dma_wait3A_50 = arith.constant 0 : i32
      %dma_wait3A_51 = arith.constant 0 : i32
      %dma_wait3A_52 = tpu.memref_slice %arg5[%dma_wait3A_50, %dma_wait3A_51] : memref<50176x8xf32, #tpu.memory_space<hbm>> -> memref<80x8xf32, #tpu.memory_space<hbm>>
      tpu.wait_dma2 semaphore(%run_scoped3A_26 : memref<!tpu.dma_semaphore, #tpu.memory_space<semaphore_mem>>) src(%dma_wait3A_52 : memref<80x8xf32, #tpu.memory_space<hbm>>) dst(%dma_wait3A_49 : memref<80x8xf32, #tpu.memory_space<vmem>>)
      tpu.yield
    }) : () -> ()
    %run_scoped3A_10 = arith.constant 6 : i32
    "tpu.region"() ({
      %run_scoped3A_26 = tpu.sem_alloc : memref<!tpu.dma_semaphore, #tpu.memory_space<semaphore_mem>>
      %dma_start3A = arith.constant 0 : i32
      %dma_start3A_27 = arith.constant 0 : i32
      %dma_start3A_28 = tpu.memref_slice %arg10[%run_scoped3A_10, %dma_start3A, %dma_start3A_27] : memref<8x80x8xf32, #tpu.memory_space<vmem>> -> memref<1x80x8xf32, #tpu.memory_space<vmem>>
      %dma_start3A_29 = tpu.memref_squeeze %dma_start3A_28 : memref<1x80x8xf32, #tpu.memory_space<vmem>> -> memref<80x8xf32, #tpu.memory_space<vmem>>
      %dma_start3A_30 = arith.constant 0 : i32
      %dma_start3A_31 = arith.constant 0 : i32
      %dma_start3A_32 = tpu.memref_slice %arg5[%dma_start3A_30, %dma_start3A_31] : memref<50176x8xf32, #tpu.memory_space<hbm>> -> memref<80x8xf32, #tpu.memory_space<hbm>>
      %dma_start3A_33 = arith.constant 0 : i32
      %dma_start3A_34 = arith.constant 0 : i32
      %dma_start3A_35 = tpu.memref_slice %arg10[%run_scoped3A_10, %dma_start3A_33, %dma_start3A_34] : memref<8x80x8xf32, #tpu.memory_space<vmem>> -> memref<1x80x8xf32, #tpu.memory_space<vmem>>
      %dma_start3A_36 = tpu.memref_squeeze %dma_start3A_35 : memref<1x80x8xf32, #tpu.memory_space<vmem>> -> memref<80x8xf32, #tpu.memory_space<vmem>>
      %dma_start3A_37 = arith.constant 0 : i32
      %dma_start3A_38 = arith.constant 0 : i32
      %dma_start3A_39 = tpu.memref_slice %arg5[%dma_start3A_37, %dma_start3A_38] : memref<50176x8xf32, #tpu.memory_space<hbm>> -> memref<80x8xf32, #tpu.memory_space<hbm>>
      tpu.enqueue_dma source(%dma_start3A_39 : memref<80x8xf32, #tpu.memory_space<hbm>>) target(%dma_start3A_36 : memref<80x8xf32, #tpu.memory_space<vmem>>) target_semaphore(%run_scoped3A_26 : memref<!tpu.dma_semaphore, #tpu.memory_space<semaphore_mem>>)
      %dma_wait3A = arith.constant 0 : i32
      %dma_wait3A_40 = arith.constant 0 : i32
      %dma_wait3A_41 = tpu.memref_slice %arg10[%run_scoped3A_10, %dma_wait3A, %dma_wait3A_40] : memref<8x80x8xf32, #tpu.memory_space<vmem>> -> memref<1x80x8xf32, #tpu.memory_space<vmem>>
      %dma_wait3A_42 = tpu.memref_squeeze %dma_wait3A_41 : memref<1x80x8xf32, #tpu.memory_space<vmem>> -> memref<80x8xf32, #tpu.memory_space<vmem>>
      %dma_wait3A_43 = arith.constant 0 : i32
      %dma_wait3A_44 = arith.constant 0 : i32
      %dma_wait3A_45 = tpu.memref_slice %arg5[%dma_wait3A_43, %dma_wait3A_44] : memref<50176x8xf32, #tpu.memory_space<hbm>> -> memref<80x8xf32, #tpu.memory_space<hbm>>
      %dma_wait3A_46 = arith.constant 0 : i32
      %dma_wait3A_47 = arith.constant 0 : i32
      %dma_wait3A_48 = tpu.memref_slice %arg10[%run_scoped3A_10, %dma_wait3A_46, %dma_wait3A_47] : memref<8x80x8xf32, #tpu.memory_space<vmem>> -> memref<1x80x8xf32, #tpu.memory_space<vmem>>
      %dma_wait3A_49 = tpu.memref_squeeze %dma_wait3A_48 : memref<1x80x8xf32, #tpu.memory_space<vmem>> -> memref<80x8xf32, #tpu.memory_space<vmem>>
      %dma_wait3A_50 = arith.constant 0 : i32
      %dma_wait3A_51 = arith.constant 0 : i32
      %dma_wait3A_52 = tpu.memref_slice %arg5[%dma_wait3A_50, %dma_wait3A_51] : memref<50176x8xf32, #tpu.memory_space<hbm>> -> memref<80x8xf32, #tpu.memory_space<hbm>>
      tpu.wait_dma2 semaphore(%run_scoped3A_26 : memref<!tpu.dma_semaphore, #tpu.memory_space<semaphore_mem>>) src(%dma_wait3A_52 : memref<80x8xf32, #tpu.memory_space<hbm>>) dst(%dma_wait3A_49 : memref<80x8xf32, #tpu.memory_space<vmem>>)
      tpu.yield
    }) : () -> ()
    %run_scoped3A_11 = arith.constant 7 : i32
    "tpu.region"() ({
      %run_scoped3A_26 = tpu.sem_alloc : memref<!tpu.dma_semaphore, #tpu.memory_space<semaphore_mem>>
      %dma_start3A = arith.constant 0 : i32
      %dma_start3A_27 = arith.constant 0 : i32
      %dma_start3A_28 = tpu.memref_slice %arg10[%run_scoped3A_11, %dma_start3A, %dma_start3A_27] : memref<8x80x8xf32, #tpu.memory_space<vmem>> -> memref<1x80x8xf32, #tpu.memory_space<vmem>>
      %dma_start3A_29 = tpu.memref_squeeze %dma_start3A_28 : memref<1x80x8xf32, #tpu.memory_space<vmem>> -> memref<80x8xf32, #tpu.memory_space<vmem>>
      %dma_start3A_30 = arith.constant 0 : i32
      %dma_start3A_31 = arith.constant 0 : i32
      %dma_start3A_32 = tpu.memref_slice %arg5[%dma_start3A_30, %dma_start3A_31] : memref<50176x8xf32, #tpu.memory_space<hbm>> -> memref<80x8xf32, #tpu.memory_space<hbm>>
      %dma_start3A_33 = arith.constant 0 : i32
      %dma_start3A_34 = arith.constant 0 : i32
      %dma_start3A_35 = tpu.memref_slice %arg10[%run_scoped3A_11, %dma_start3A_33, %dma_start3A_34] : memref<8x80x8xf32, #tpu.memory_space<vmem>> -> memref<1x80x8xf32, #tpu.memory_space<vmem>>
      %dma_start3A_36 = tpu.memref_squeeze %dma_start3A_35 : memref<1x80x8xf32, #tpu.memory_space<vmem>> -> memref<80x8xf32, #tpu.memory_space<vmem>>
      %dma_start3A_37 = arith.constant 0 : i32
      %dma_start3A_38 = arith.constant 0 : i32
      %dma_start3A_39 = tpu.memref_slice %arg5[%dma_start3A_37, %dma_start3A_38] : memref<50176x8xf32, #tpu.memory_space<hbm>> -> memref<80x8xf32, #tpu.memory_space<hbm>>
      tpu.enqueue_dma source(%dma_start3A_39 : memref<80x8xf32, #tpu.memory_space<hbm>>) target(%dma_start3A_36 : memref<80x8xf32, #tpu.memory_space<vmem>>) target_semaphore(%run_scoped3A_26 : memref<!tpu.dma_semaphore, #tpu.memory_space<semaphore_mem>>)
      %dma_wait3A = arith.constant 0 : i32
      %dma_wait3A_40 = arith.constant 0 : i32
      %dma_wait3A_41 = tpu.memref_slice %arg10[%run_scoped3A_11, %dma_wait3A, %dma_wait3A_40] : memref<8x80x8xf32, #tpu.memory_space<vmem>> -> memref<1x80x8xf32, #tpu.memory_space<vmem>>
      %dma_wait3A_42 = tpu.memref_squeeze %dma_wait3A_41 : memref<1x80x8xf32, #tpu.memory_space<vmem>> -> memref<80x8xf32, #tpu.memory_space<vmem>>
      %dma_wait3A_43 = arith.constant 0 : i32
      %dma_wait3A_44 = arith.constant 0 : i32
      %dma_wait3A_45 = tpu.memref_slice %arg5[%dma_wait3A_43, %dma_wait3A_44] : memref<50176x8xf32, #tpu.memory_space<hbm>> -> memref<80x8xf32, #tpu.memory_space<hbm>>
      %dma_wait3A_46 = arith.constant 0 : i32
      %dma_wait3A_47 = arith.constant 0 : i32
      %dma_wait3A_48 = tpu.memref_slice %arg10[%run_scoped3A_11, %dma_wait3A_46, %dma_wait3A_47] : memref<8x80x8xf32, #tpu.memory_space<vmem>> -> memref<1x80x8xf32, #tpu.memory_space<vmem>>
      %dma_wait3A_49 = tpu.memref_squeeze %dma_wait3A_48 : memref<1x80x8xf32, #tpu.memory_space<vmem>> -> memref<80x8xf32, #tpu.memory_space<vmem>>
      %dma_wait3A_50 = arith.constant 0 : i32
      %dma_wait3A_51 = arith.constant 0 : i32
      %dma_wait3A_52 = tpu.memref_slice %arg5[%dma_wait3A_50, %dma_wait3A_51] : memref<50176x8xf32, #tpu.memory_space<hbm>> -> memref<80x8xf32, #tpu.memory_space<hbm>>
      tpu.wait_dma2 semaphore(%run_scoped3A_26 : memref<!tpu.dma_semaphore, #tpu.memory_space<semaphore_mem>>) src(%dma_wait3A_52 : memref<80x8xf32, #tpu.memory_space<hbm>>) dst(%dma_wait3A_49 : memref<80x8xf32, #tpu.memory_space<vmem>>)
      tpu.yield
    }) : () -> ()
    %barrier3A = arith.constant 0 : index
    tpu.barrier barrier_id(%barrier3A)
    %iota3A = tpu.iota {dimensions = array<i32: 0>} : vector<16xi32>
    %broadcast_in_dim3A = arith.constant 0 : i32
    %broadcast_in_dim3A_12 = vector.broadcast %broadcast_in_dim3A : i32 to vector<16xi32>
    %add3A_13 = arith.constant 1 : i32
    %add3A_14 = vector.broadcast %add3A_13 : i32 to vector<16xi32>
    %add3A_15 = arith.addi %broadcast_in_dim3A_12, %add3A_14 : vector<16xi32>
    %scan3A = arith.constant 0 : i32
    %scan3A_16 = arith.constant 0 : i32
    %scan3A_17 = arith.constant 41 : i32
    %scan3A_18 = arith.addi %scan3A_16, %scan3A_17 : i32
    %scan3A_19 = arith.constant 1 : i32
    scf.for %scan3A_26 = %scan3A_16 to %scan3A_18 step %scan3A_19  : i32 {
      %mul3A_27 = arith.constant 32 : i32
      %mul3A_28 = arith.muli %scan3A_26, %mul3A_27 : i32
      %add3A_29 = arith.addi %mul3A_28, %add3A : i32
      %lt3A = arith.constant 1300 : i32
      %lt3A_30 = arith.cmpi slt, %add3A_29, %lt3A : i32
      %convert_element_type3A = arith.extui %lt3A_30 : i1 to i32
      %cond3A = arith.constant 0 : i32
      %cond3A_31 = arith.cmpi ne, %convert_element_type3A, %cond3A : i32
      scf.if %cond3A_31 {
        %mul3A_32 = arith.constant 8 : i32
        %mul3A_33 = arith.muli %add3A_29, %mul3A_32 : i32
        "tpu.region"() ({
          %run_scoped3A_1066 = tpu.sem_alloc : memref<!tpu.dma_semaphore, #tpu.memory_space<semaphore_mem>>
          %dma_start3A_1067 = arith.constant 0 : i32
          %dma_start3A_1068 = tpu.memref_slice %arg4[%mul3A_33, %dma_start3A_1067] : memref<10400x80xi32, #tpu.memory_space<hbm>> -> memref<8x80xi32, #tpu.memory_space<hbm>>
          %dma_start3A_1069 = arith.constant 0 : i32
          %dma_start3A_1070 = tpu.memref_slice %arg4[%mul3A_33, %dma_start3A_1069] : memref<10400x80xi32, #tpu.memory_space<hbm>> -> memref<8x80xi32, #tpu.memory_space<hbm>>
          tpu.enqueue_dma source(%dma_start3A_1070 : memref<8x80xi32, #tpu.memory_space<hbm>>) target(%arg7 : memref<8x80xi32, #tpu.memory_space<vmem>>) target_semaphore(%run_scoped3A_1066 : memref<!tpu.dma_semaphore, #tpu.memory_space<semaphore_mem>>)
          %dma_wait3A_1071 = arith.constant 0 : i32
          %dma_wait3A_1072 = tpu.memref_slice %arg4[%mul3A_33, %dma_wait3A_1071] : memref<10400x80xi32, #tpu.memory_space<hbm>> -> memref<8x80xi32, #tpu.memory_space<hbm>>
          %dma_wait3A_1073 = arith.constant 0 : i32
          %dma_wait3A_1074 = tpu.memref_slice %arg4[%mul3A_33, %dma_wait3A_1073] : memref<10400x80xi32, #tpu.memory_space<hbm>> -> memref<8x80xi32, #tpu.memory_space<hbm>>
          tpu.wait_dma2 semaphore(%run_scoped3A_1066 : memref<!tpu.dma_semaphore, #tpu.memory_space<semaphore_mem>>) src(%dma_wait3A_1074 : memref<8x80xi32, #tpu.memory_space<hbm>>) dst(%arg7 : memref<8x80xi32, #tpu.memory_space<vmem>>)
          tpu.yield
        }) : () -> ()
        %mul3A_34 = arith.constant 8 : i32
        %mul3A_35 = arith.muli %add3A_29, %mul3A_34 : i32
        "tpu.region"() ({
          %run_scoped3A_1066 = tpu.sem_alloc : memref<!tpu.dma_semaphore, #tpu.memory_space<semaphore_mem>>
          %dma_start3A_1067 = arith.constant 0 : i32
          %dma_start3A_1068 = tpu.memref_slice %arg2[%mul3A_35, %dma_start3A_1067] : memref<10400x80xf32, #tpu.memory_space<hbm>> -> memref<8x80xf32, #tpu.memory_space<hbm>>
          %dma_start3A_1069 = arith.constant 0 : i32
          %dma_start3A_1070 = tpu.memref_slice %arg2[%mul3A_35, %dma_start3A_1069] : memref<10400x80xf32, #tpu.memory_space<hbm>> -> memref<8x80xf32, #tpu.memory_space<hbm>>
          tpu.enqueue_dma source(%dma_start3A_1070 : memref<8x80xf32, #tpu.memory_space<hbm>>) target(%arg8 : memref<8x80xf32, #tpu.memory_space<vmem>>) target_semaphore(%run_scoped3A_1066 : memref<!tpu.dma_semaphore, #tpu.memory_space<semaphore_mem>>)
          %dma_wait3A_1071 = arith.constant 0 : i32
          %dma_wait3A_1072 = tpu.memref_slice %arg2[%mul3A_35, %dma_wait3A_1071] : memref<10400x80xf32, #tpu.memory_space<hbm>> -> memref<8x80xf32, #tpu.memory_space<hbm>>
          %dma_wait3A_1073 = arith.constant 0 : i32
          %dma_wait3A_1074 = tpu.memref_slice %arg2[%mul3A_35, %dma_wait3A_1073] : memref<10400x80xf32, #tpu.memory_space<hbm>> -> memref<8x80xf32, #tpu.memory_space<hbm>>
          tpu.wait_dma2 semaphore(%run_scoped3A_1066 : memref<!tpu.dma_semaphore, #tpu.memory_space<semaphore_mem>>) src(%dma_wait3A_1074 : memref<8x80xf32, #tpu.memory_space<hbm>>) dst(%arg8 : memref<8x80xf32, #tpu.memory_space<vmem>>)
          tpu.yield
        }) : () -> ()
        %mul3A_36 = arith.constant 8 : i32
        %mul3A_37 = arith.muli %add3A_29, %mul3A_36 : i32
        "tpu.region"() ({
          %run_scoped3A_1066 = tpu.sem_alloc : memref<!tpu.dma_semaphore, #tpu.memory_space<semaphore_mem>>
          %dma_start3A_1067 = arith.constant 0 : i32
          %dma_start3A_1068 = tpu.memref_slice %arg3[%mul3A_37, %dma_start3A_1067] : memref<10400x80xf32, #tpu.memory_space<hbm>> -> memref<8x80xf32, #tpu.memory_space<hbm>>
          %dma_start3A_1069 = arith.constant 0 : i32
          %dma_start3A_1070 = tpu.memref_slice %arg3[%mul3A_37, %dma_start3A_1069] : memref<10400x80xf32, #tpu.memory_space<hbm>> -> memref<8x80xf32, #tpu.memory_space<hbm>>
          tpu.enqueue_dma source(%dma_start3A_1070 : memref<8x80xf32, #tpu.memory_space<hbm>>) target(%arg9 : memref<8x80xf32, #tpu.memory_space<vmem>>) target_semaphore(%run_scoped3A_1066 : memref<!tpu.dma_semaphore, #tpu.memory_space<semaphore_mem>>)
          %dma_wait3A_1071 = arith.constant 0 : i32
          %dma_wait3A_1072 = tpu.memref_slice %arg3[%mul3A_37, %dma_wait3A_1071] : memref<10400x80xf32, #tpu.memory_space<hbm>> -> memref<8x80xf32, #tpu.memory_space<hbm>>
          %dma_wait3A_1073 = arith.constant 0 : i32
          %dma_wait3A_1074 = tpu.memref_slice %arg3[%mul3A_37, %dma_wait3A_1073] : memref<10400x80xf32, #tpu.memory_space<hbm>> -> memref<8x80xf32, #tpu.memory_space<hbm>>
          tpu.wait_dma2 semaphore(%run_scoped3A_1066 : memref<!tpu.dma_semaphore, #tpu.memory_space<semaphore_mem>>) src(%dma_wait3A_1074 : memref<8x80xf32, #tpu.memory_space<hbm>>) dst(%arg9 : memref<8x80xf32, #tpu.memory_space<vmem>>)
          tpu.yield
        }) : () -> ()
        %add3A_38 = arith.constant 0 : i32
        %add3A_39 = vector.broadcast %add3A_38 : i32 to vector<16xi32>
        %add3A_40 = arith.addi %iota3A, %add3A_39 : vector<16xi32>
        %get3A = arith.constant 0 : i32
        %get3A_41 = arith.index_cast %get3A : i32 to index
        %get3A_42 = arith.constant 0 : index
        %get3A_43 = tpu.vector_load %arg8[%get3A_41, %get3A_42] {strides = array<i32>} : memref<8x80xf32, #tpu.memory_space<vmem>>, vector<16xf32>,
        %get3A_44 = arith.constant 0 : i32
        %get3A_45 = arith.index_cast %get3A_44 : i32 to index
        %get3A_46 = arith.constant 0 : index
        %get3A_47 = tpu.vector_load %arg9[%get3A_45, %get3A_46] {strides = array<i32>} : memref<8x80xf32, #tpu.memory_space<vmem>>, vector<16xf32>,
        %scatter3A = arith.constant 0 : i32
        %scatter3A_48 = arith.constant 0 : i32
        %scatter3A_49 = arith.constant 0 : i32
        %scatter3A_50 = tpu.memref_slice %arg10[%scatter3A, %scatter3A_48, %scatter3A_49] : memref<8x80x8xf32, #tpu.memory_space<vmem>> -> memref<1x80x8xf32, #tpu.memory_space<vmem>>
        %scatter3A_51 = tpu.memref_squeeze %scatter3A_50 : memref<1x80x8xf32, #tpu.memory_space<vmem>> -> memref<80x8xf32, #tpu.memory_space<vmem>>
        tpu.vector_store_idx %scatter3A_51[%add3A_40, %broadcast_in_dim3A_12], %get3A_43 : memref<80x8xf32, #tpu.memory_space<vmem>>[vector<16xi32>, vector<16xi32>], vector<16xf32>,
        %scatter3A_52 = arith.constant 0 : i32
        %scatter3A_53 = arith.constant 0 : i32
        %scatter3A_54 = arith.constant 0 : i32
        %scatter3A_55 = tpu.memref_slice %arg10[%scatter3A_52, %scatter3A_53, %scatter3A_54] : memref<8x80x8xf32, #tpu.memory_space<vmem>> -> memref<1x80x8xf32, #tpu.memory_space<vmem>>
        %scatter3A_56 = tpu.memref_squeeze %scatter3A_55 : memref<1x80x8xf32, #tpu.memory_space<vmem>> -> memref<80x8xf32, #tpu.memory_space<vmem>>
        tpu.vector_store_idx %scatter3A_56[%add3A_40, %add3A_15], %get3A_47 : memref<80x8xf32, #tpu.memory_space<vmem>>[vector<16xi32>, vector<16xi32>], vector<16xf32>,
        %add3A_57 = arith.constant 16 : i32
        %add3A_58 = vector.broadcast %add3A_57 : i32 to vector<16xi32>
        %add3A_59 = arith.addi %iota3A, %add3A_58 : vector<16xi32>
        %get3A_60 = arith.constant 0 : i32
        %get3A_61 = arith.index_cast %get3A_60 : i32 to index
        %get3A_62 = arith.constant 16 : index
        %get3A_63 = tpu.vector_load %arg8[%get3A_61, %get3A_62] {strides = array<i32>} : memref<8x80xf32, #tpu.memory_space<vmem>>, vector<16xf32>,
        %get3A_64 = arith.constant 0 : i32
        %get3A_65 = arith.index_cast %get3A_64 : i32 to index
        %get3A_66 = arith.constant 16 : index
        %get3A_67 = tpu.vector_load %arg9[%get3A_65, %get3A_66] {strides = array<i32>} : memref<8x80xf32, #tpu.memory_space<vmem>>, vector<16xf32>,
        %scatter3A_68 = arith.constant 0 : i32
        %scatter3A_69 = arith.constant 0 : i32
        %scatter3A_70 = arith.constant 0 : i32
        %scatter3A_71 = tpu.memref_slice %arg10[%scatter3A_68, %scatter3A_69, %scatter3A_70] : memref<8x80x8xf32, #tpu.memory_space<vmem>> -> memref<1x80x8xf32, #tpu.memory_space<vmem>>
        %scatter3A_72 = tpu.memref_squeeze %scatter3A_71 : memref<1x80x8xf32, #tpu.memory_space<vmem>> -> memref<80x8xf32, #tpu.memory_space<vmem>>
        tpu.vector_store_idx %scatter3A_72[%add3A_59, %broadcast_in_dim3A_12], %get3A_63 : memref<80x8xf32, #tpu.memory_space<vmem>>[vector<16xi32>, vector<16xi32>], vector<16xf32>,
        %scatter3A_73 = arith.constant 0 : i32
        %scatter3A_74 = arith.constant 0 : i32
        %scatter3A_75 = arith.constant 0 : i32
        %scatter3A_76 = tpu.memref_slice %arg10[%scatter3A_73, %scatter3A_74, %scatter3A_75] : memref<8x80x8xf32, #tpu.memory_space<vmem>> -> memref<1x80x8xf32, #tpu.memory_space<vmem>>
        %scatter3A_77 = tpu.memref_squeeze %scatter3A_76 : memref<1x80x8xf32, #tpu.memory_space<vmem>> -> memref<80x8xf32, #tpu.memory_space<vmem>>
        tpu.vector_store_idx %scatter3A_77[%add3A_59, %add3A_15], %get3A_67 : memref<80x8xf32, #tpu.memory_space<vmem>>[vector<16xi32>, vector<16xi32>], vector<16xf32>,
        %add3A_78 = arith.constant 32 : i32
        %add3A_79 = vector.broadcast %add3A_78 : i32 to vector<16xi32>
        %add3A_80 = arith.addi %iota3A, %add3A_79 : vector<16xi32>
        %get3A_81 = arith.constant 0 : i32
        %get3A_82 = arith.index_cast %get3A_81 : i32 to index
        %get3A_83 = arith.constant 32 : index
        %get3A_84 = tpu.vector_load %arg8[%get3A_82, %get3A_83] {strides = array<i32>} : memref<8x80xf32, #tpu.memory_space<vmem>>, vector<16xf32>,
        %get3A_85 = arith.constant 0 : i32
        %get3A_86 = arith.index_cast %get3A_85 : i32 to index
        %get3A_87 = arith.constant 32 : index
        %get3A_88 = tpu.vector_load %arg9[%get3A_86, %get3A_87] {strides = array<i32>} : memref<8x80xf32, #tpu.memory_space<vmem>>, vector<16xf32>,
        %scatter3A_89 = arith.constant 0 : i32
        %scatter3A_90 = arith.constant 0 : i32
        %scatter3A_91 = arith.constant 0 : i32
        %scatter3A_92 = tpu.memref_slice %arg10[%scatter3A_89, %scatter3A_90, %scatter3A_91] : memref<8x80x8xf32, #tpu.memory_space<vmem>> -> memref<1x80x8xf32, #tpu.memory_space<vmem>>
        %scatter3A_93 = tpu.memref_squeeze %scatter3A_92 : memref<1x80x8xf32, #tpu.memory_space<vmem>> -> memref<80x8xf32, #tpu.memory_space<vmem>>
        tpu.vector_store_idx %scatter3A_93[%add3A_80, %broadcast_in_dim3A_12], %get3A_84 : memref<80x8xf32, #tpu.memory_space<vmem>>[vector<16xi32>, vector<16xi32>], vector<16xf32>,
        %scatter3A_94 = arith.constant 0 : i32
        %scatter3A_95 = arith.constant 0 : i32
        %scatter3A_96 = arith.constant 0 : i32
        %scatter3A_97 = tpu.memref_slice %arg10[%scatter3A_94, %scatter3A_95, %scatter3A_96] : memref<8x80x8xf32, #tpu.memory_space<vmem>> -> memref<1x80x8xf32, #tpu.memory_space<vmem>>
        %scatter3A_98 = tpu.memref_squeeze %scatter3A_97 : memref<1x80x8xf32, #tpu.memory_space<vmem>> -> memref<80x8xf32, #tpu.memory_space<vmem>>
        tpu.vector_store_idx %scatter3A_98[%add3A_80, %add3A_15], %get3A_88 : memref<80x8xf32, #tpu.memory_space<vmem>>[vector<16xi32>, vector<16xi32>], vector<16xf32>,
        %add3A_99 = arith.constant 48 : i32
        %add3A_100 = vector.broadcast %add3A_99 : i32 to vector<16xi32>
        %add3A_101 = arith.addi %iota3A, %add3A_100 : vector<16xi32>
        %get3A_102 = arith.constant 0 : i32
        %get3A_103 = arith.index_cast %get3A_102 : i32 to index
        %get3A_104 = arith.constant 48 : index
        %get3A_105 = tpu.vector_load %arg8[%get3A_103, %get3A_104] {strides = array<i32>} : memref<8x80xf32, #tpu.memory_space<vmem>>, vector<16xf32>,
        %get3A_106 = arith.constant 0 : i32
        %get3A_107 = arith.index_cast %get3A_106 : i32 to index
        %get3A_108 = arith.constant 48 : index
        %get3A_109 = tpu.vector_load %arg9[%get3A_107, %get3A_108] {strides = array<i32>} : memref<8x80xf32, #tpu.memory_space<vmem>>, vector<16xf32>,
        %scatter3A_110 = arith.constant 0 : i32
        %scatter3A_111 = arith.constant 0 : i32
        %scatter3A_112 = arith.constant 0 : i32
        %scatter3A_113 = tpu.memref_slice %arg10[%scatter3A_110, %scatter3A_111, %scatter3A_112] : memref<8x80x8xf32, #tpu.memory_space<vmem>> -> memref<1x80x8xf32, #tpu.memory_space<vmem>>
        %scatter3A_114 = tpu.memref_squeeze %scatter3A_113 : memref<1x80x8xf32, #tpu.memory_space<vmem>> -> memref<80x8xf32, #tpu.memory_space<vmem>>
        tpu.vector_store_idx %scatter3A_114[%add3A_101, %broadcast_in_dim3A_12], %get3A_105 : memref<80x8xf32, #tpu.memory_space<vmem>>[vector<16xi32>, vector<16xi32>], vector<16xf32>,
        %scatter3A_115 = arith.constant 0 : i32
        %scatter3A_116 = arith.constant 0 : i32
        %scatter3A_117 = arith.constant 0 : i32
        %scatter3A_118 = tpu.memref_slice %arg10[%scatter3A_115, %scatter3A_116, %scatter3A_117] : memref<8x80x8xf32, #tpu.memory_space<vmem>> -> memref<1x80x8xf32, #tpu.memory_space<vmem>>
        %scatter3A_119 = tpu.memref_squeeze %scatter3A_118 : memref<1x80x8xf32, #tpu.memory_space<vmem>> -> memref<80x8xf32, #tpu.memory_space<vmem>>
        tpu.vector_store_idx %scatter3A_119[%add3A_101, %add3A_15], %get3A_109 : memref<80x8xf32, #tpu.memory_space<vmem>>[vector<16xi32>, vector<16xi32>], vector<16xf32>,
        %add3A_120 = arith.constant 64 : i32
        %add3A_121 = vector.broadcast %add3A_120 : i32 to vector<16xi32>
        %add3A_122 = arith.addi %iota3A, %add3A_121 : vector<16xi32>
        %get3A_123 = arith.constant 0 : i32
        %get3A_124 = arith.index_cast %get3A_123 : i32 to index
        %get3A_125 = arith.constant 64 : index
        %get3A_126 = tpu.vector_load %arg8[%get3A_124, %get3A_125] {strides = array<i32>} : memref<8x80xf32, #tpu.memory_space<vmem>>, vector<16xf32>,
        %get3A_127 = arith.constant 0 : i32
        %get3A_128 = arith.index_cast %get3A_127 : i32 to index
        %get3A_129 = arith.constant 64 : index
        %get3A_130 = tpu.vector_load %arg9[%get3A_128, %get3A_129] {strides = array<i32>} : memref<8x80xf32, #tpu.memory_space<vmem>>, vector<16xf32>,
        %scatter3A_131 = arith.constant 0 : i32
        %scatter3A_132 = arith.constant 0 : i32
        %scatter3A_133 = arith.constant 0 : i32
        %scatter3A_134 = tpu.memref_slice %arg10[%scatter3A_131, %scatter3A_132, %scatter3A_133] : memref<8x80x8xf32, #tpu.memory_space<vmem>> -> memref<1x80x8xf32, #tpu.memory_space<vmem>>
        %scatter3A_135 = tpu.memref_squeeze %scatter3A_134 : memref<1x80x8xf32, #tpu.memory_space<vmem>> -> memref<80x8xf32, #tpu.memory_space<vmem>>
        tpu.vector_store_idx %scatter3A_135[%add3A_122, %broadcast_in_dim3A_12], %get3A_126 : memref<80x8xf32, #tpu.memory_space<vmem>>[vector<16xi32>, vector<16xi32>], vector<16xf32>,
        %scatter3A_136 = arith.constant 0 : i32
        %scatter3A_137 = arith.constant 0 : i32
        %scatter3A_138 = arith.constant 0 : i32
        %scatter3A_139 = tpu.memref_slice %arg10[%scatter3A_136, %scatter3A_137, %scatter3A_138] : memref<8x80x8xf32, #tpu.memory_space<vmem>> -> memref<1x80x8xf32, #tpu.memory_space<vmem>>
        %scatter3A_140 = tpu.memref_squeeze %scatter3A_139 : memref<1x80x8xf32, #tpu.memory_space<vmem>> -> memref<80x8xf32, #tpu.memory_space<vmem>>
        tpu.vector_store_idx %scatter3A_140[%add3A_122, %add3A_15], %get3A_130 : memref<80x8xf32, #tpu.memory_space<vmem>>[vector<16xi32>, vector<16xi32>], vector<16xf32>,
        %add3A_141 = arith.constant 0 : i32
        %add3A_142 = vector.broadcast %add3A_141 : i32 to vector<16xi32>
        %add3A_143 = arith.addi %iota3A, %add3A_142 : vector<16xi32>
        %get3A_144 = arith.constant 1 : i32
        %get3A_145 = arith.index_cast %get3A_144 : i32 to index
        %get3A_146 = arith.constant 0 : index
        %get3A_147 = tpu.vector_load %arg8[%get3A_145, %get3A_146] {strides = array<i32>} : memref<8x80xf32, #tpu.memory_space<vmem>>, vector<16xf32>,
        %get3A_148 = arith.constant 1 : i32
        %get3A_149 = arith.index_cast %get3A_148 : i32 to index
        %get3A_150 = arith.constant 0 : index
        %get3A_151 = tpu.vector_load %arg9[%get3A_149, %get3A_150] {strides = array<i32>} : memref<8x80xf32, #tpu.memory_space<vmem>>, vector<16xf32>,
        %scatter3A_152 = arith.constant 1 : i32
        %scatter3A_153 = arith.constant 0 : i32
        %scatter3A_154 = arith.constant 0 : i32
        %scatter3A_155 = tpu.memref_slice %arg10[%scatter3A_152, %scatter3A_153, %scatter3A_154] : memref<8x80x8xf32, #tpu.memory_space<vmem>> -> memref<1x80x8xf32, #tpu.memory_space<vmem>>
        %scatter3A_156 = tpu.memref_squeeze %scatter3A_155 : memref<1x80x8xf32, #tpu.memory_space<vmem>> -> memref<80x8xf32, #tpu.memory_space<vmem>>
        tpu.vector_store_idx %scatter3A_156[%add3A_143, %broadcast_in_dim3A_12], %get3A_147 : memref<80x8xf32, #tpu.memory_space<vmem>>[vector<16xi32>, vector<16xi32>], vector<16xf32>,
        %scatter3A_157 = arith.constant 1 : i32
        %scatter3A_158 = arith.constant 0 : i32
        %scatter3A_159 = arith.constant 0 : i32
        %scatter3A_160 = tpu.memref_slice %arg10[%scatter3A_157, %scatter3A_158, %scatter3A_159] : memref<8x80x8xf32, #tpu.memory_space<vmem>> -> memref<1x80x8xf32, #tpu.memory_space<vmem>>
        %scatter3A_161 = tpu.memref_squeeze %scatter3A_160 : memref<1x80x8xf32, #tpu.memory_space<vmem>> -> memref<80x8xf32, #tpu.memory_space<vmem>>
        tpu.vector_store_idx %scatter3A_161[%add3A_143, %add3A_15], %get3A_151 : memref<80x8xf32, #tpu.memory_space<vmem>>[vector<16xi32>, vector<16xi32>], vector<16xf32>,
        %add3A_162 = arith.constant 16 : i32
        %add3A_163 = vector.broadcast %add3A_162 : i32 to vector<16xi32>
        %add3A_164 = arith.addi %iota3A, %add3A_163 : vector<16xi32>
        %get3A_165 = arith.constant 1 : i32
        %get3A_166 = arith.index_cast %get3A_165 : i32 to index
        %get3A_167 = arith.constant 16 : index
        %get3A_168 = tpu.vector_load %arg8[%get3A_166, %get3A_167] {strides = array<i32>} : memref<8x80xf32, #tpu.memory_space<vmem>>, vector<16xf32>,
        %get3A_169 = arith.constant 1 : i32
        %get3A_170 = arith.index_cast %get3A_169 : i32 to index
        %get3A_171 = arith.constant 16 : index
        %get3A_172 = tpu.vector_load %arg9[%get3A_170, %get3A_171] {strides = array<i32>} : memref<8x80xf32, #tpu.memory_space<vmem>>, vector<16xf32>,
        %scatter3A_173 = arith.constant 1 : i32
        %scatter3A_174 = arith.constant 0 : i32
        %scatter3A_175 = arith.constant 0 : i32
        %scatter3A_176 = tpu.memref_slice %arg10[%scatter3A_173, %scatter3A_174, %scatter3A_175] : memref<8x80x8xf32, #tpu.memory_space<vmem>> -> memref<1x80x8xf32, #tpu.memory_space<vmem>>
        %scatter3A_177 = tpu.memref_squeeze %scatter3A_176 : memref<1x80x8xf32, #tpu.memory_space<vmem>> -> memref<80x8xf32, #tpu.memory_space<vmem>>
        tpu.vector_store_idx %scatter3A_177[%add3A_164, %broadcast_in_dim3A_12], %get3A_168 : memref<80x8xf32, #tpu.memory_space<vmem>>[vector<16xi32>, vector<16xi32>], vector<16xf32>,
        %scatter3A_178 = arith.constant 1 : i32
        %scatter3A_179 = arith.constant 0 : i32
        %scatter3A_180 = arith.constant 0 : i32
        %scatter3A_181 = tpu.memref_slice %arg10[%scatter3A_178, %scatter3A_179, %scatter3A_180] : memref<8x80x8xf32, #tpu.memory_space<vmem>> -> memref<1x80x8xf32, #tpu.memory_space<vmem>>
        %scatter3A_182 = tpu.memref_squeeze %scatter3A_181 : memref<1x80x8xf32, #tpu.memory_space<vmem>> -> memref<80x8xf32, #tpu.memory_space<vmem>>
        tpu.vector_store_idx %scatter3A_182[%add3A_164, %add3A_15], %get3A_172 : memref<80x8xf32, #tpu.memory_space<vmem>>[vector<16xi32>, vector<16xi32>], vector<16xf32>,
        %add3A_183 = arith.constant 32 : i32
        %add3A_184 = vector.broadcast %add3A_183 : i32 to vector<16xi32>
        %add3A_185 = arith.addi %iota3A, %add3A_184 : vector<16xi32>
        %get3A_186 = arith.constant 1 : i32
        %get3A_187 = arith.index_cast %get3A_186 : i32 to index
        %get3A_188 = arith.constant 32 : index
        %get3A_189 = tpu.vector_load %arg8[%get3A_187, %get3A_188] {strides = array<i32>} : memref<8x80xf32, #tpu.memory_space<vmem>>, vector<16xf32>,
        %get3A_190 = arith.constant 1 : i32
        %get3A_191 = arith.index_cast %get3A_190 : i32 to index
        %get3A_192 = arith.constant 32 : index
        %get3A_193 = tpu.vector_load %arg9[%get3A_191, %get3A_192] {strides = array<i32>} : memref<8x80xf32, #tpu.memory_space<vmem>>, vector<16xf32>,
        %scatter3A_194 = arith.constant 1 : i32
        %scatter3A_195 = arith.constant 0 : i32
        %scatter3A_196 = arith.constant 0 : i32
        %scatter3A_197 = tpu.memref_slice %arg10[%scatter3A_194, %scatter3A_195, %scatter3A_196] : memref<8x80x8xf32, #tpu.memory_space<vmem>> -> memref<1x80x8xf32, #tpu.memory_space<vmem>>
        %scatter3A_198 = tpu.memref_squeeze %scatter3A_197 : memref<1x80x8xf32, #tpu.memory_space<vmem>> -> memref<80x8xf32, #tpu.memory_space<vmem>>
        tpu.vector_store_idx %scatter3A_198[%add3A_185, %broadcast_in_dim3A_12], %get3A_189 : memref<80x8xf32, #tpu.memory_space<vmem>>[vector<16xi32>, vector<16xi32>], vector<16xf32>,
        %scatter3A_199 = arith.constant 1 : i32
        %scatter3A_200 = arith.constant 0 : i32
        %scatter3A_201 = arith.constant 0 : i32
        %scatter3A_202 = tpu.memref_slice %arg10[%scatter3A_199, %scatter3A_200, %scatter3A_201] : memref<8x80x8xf32, #tpu.memory_space<vmem>> -> memref<1x80x8xf32, #tpu.memory_space<vmem>>
        %scatter3A_203 = tpu.memref_squeeze %scatter3A_202 : memref<1x80x8xf32, #tpu.memory_space<vmem>> -> memref<80x8xf32, #tpu.memory_space<vmem>>
        tpu.vector_store_idx %scatter3A_203[%add3A_185, %add3A_15], %get3A_193 : memref<80x8xf32, #tpu.memory_space<vmem>>[vector<16xi32>, vector<16xi32>], vector<16xf32>,
        %add3A_204 = arith.constant 48 : i32
        %add3A_205 = vector.broadcast %add3A_204 : i32 to vector<16xi32>
        %add3A_206 = arith.addi %iota3A, %add3A_205 : vector<16xi32>
        %get3A_207 = arith.constant 1 : i32
        %get3A_208 = arith.index_cast %get3A_207 : i32 to index
        %get3A_209 = arith.constant 48 : index
        %get3A_210 = tpu.vector_load %arg8[%get3A_208, %get3A_209] {strides = array<i32>} : memref<8x80xf32, #tpu.memory_space<vmem>>, vector<16xf32>,
        %get3A_211 = arith.constant 1 : i32
        %get3A_212 = arith.index_cast %get3A_211 : i32 to index
        %get3A_213 = arith.constant 48 : index
        %get3A_214 = tpu.vector_load %arg9[%get3A_212, %get3A_213] {strides = array<i32>} : memref<8x80xf32, #tpu.memory_space<vmem>>, vector<16xf32>,
        %scatter3A_215 = arith.constant 1 : i32
        %scatter3A_216 = arith.constant 0 : i32
        %scatter3A_217 = arith.constant 0 : i32
        %scatter3A_218 = tpu.memref_slice %arg10[%scatter3A_215, %scatter3A_216, %scatter3A_217] : memref<8x80x8xf32, #tpu.memory_space<vmem>> -> memref<1x80x8xf32, #tpu.memory_space<vmem>>
        %scatter3A_219 = tpu.memref_squeeze %scatter3A_218 : memref<1x80x8xf32, #tpu.memory_space<vmem>> -> memref<80x8xf32, #tpu.memory_space<vmem>>
        tpu.vector_store_idx %scatter3A_219[%add3A_206, %broadcast_in_dim3A_12], %get3A_210 : memref<80x8xf32, #tpu.memory_space<vmem>>[vector<16xi32>, vector<16xi32>], vector<16xf32>,
        %scatter3A_220 = arith.constant 1 : i32
        %scatter3A_221 = arith.constant 0 : i32
        %scatter3A_222 = arith.constant 0 : i32
        %scatter3A_223 = tpu.memref_slice %arg10[%scatter3A_220, %scatter3A_221, %scatter3A_222] : memref<8x80x8xf32, #tpu.memory_space<vmem>> -> memref<1x80x8xf32, #tpu.memory_space<vmem>>
        %scatter3A_224 = tpu.memref_squeeze %scatter3A_223 : memref<1x80x8xf32, #tpu.memory_space<vmem>> -> memref<80x8xf32, #tpu.memory_space<vmem>>
        tpu.vector_store_idx %scatter3A_224[%add3A_206, %add3A_15], %get3A_214 : memref<80x8xf32, #tpu.memory_space<vmem>>[vector<16xi32>, vector<16xi32>], vector<16xf32>,
        %add3A_225 = arith.constant 64 : i32
        %add3A_226 = vector.broadcast %add3A_225 : i32 to vector<16xi32>
        %add3A_227 = arith.addi %iota3A, %add3A_226 : vector<16xi32>
        %get3A_228 = arith.constant 1 : i32
        %get3A_229 = arith.index_cast %get3A_228 : i32 to index
        %get3A_230 = arith.constant 64 : index
        %get3A_231 = tpu.vector_load %arg8[%get3A_229, %get3A_230] {strides = array<i32>} : memref<8x80xf32, #tpu.memory_space<vmem>>, vector<16xf32>,
        %get3A_232 = arith.constant 1 : i32
        %get3A_233 = arith.index_cast %get3A_232 : i32 to index
        %get3A_234 = arith.constant 64 : index
        %get3A_235 = tpu.vector_load %arg9[%get3A_233, %get3A_234] {strides = array<i32>} : memref<8x80xf32, #tpu.memory_space<vmem>>, vector<16xf32>,
        %scatter3A_236 = arith.constant 1 : i32
        %scatter3A_237 = arith.constant 0 : i32
        %scatter3A_238 = arith.constant 0 : i32
        %scatter3A_239 = tpu.memref_slice %arg10[%scatter3A_236, %scatter3A_237, %scatter3A_238] : memref<8x80x8xf32, #tpu.memory_space<vmem>> -> memref<1x80x8xf32, #tpu.memory_space<vmem>>
        %scatter3A_240 = tpu.memref_squeeze %scatter3A_239 : memref<1x80x8xf32, #tpu.memory_space<vmem>> -> memref<80x8xf32, #tpu.memory_space<vmem>>
        tpu.vector_store_idx %scatter3A_240[%add3A_227, %broadcast_in_dim3A_12], %get3A_231 : memref<80x8xf32, #tpu.memory_space<vmem>>[vector<16xi32>, vector<16xi32>], vector<16xf32>,
        %scatter3A_241 = arith.constant 1 : i32
        %scatter3A_242 = arith.constant 0 : i32
        %scatter3A_243 = arith.constant 0 : i32
        %scatter3A_244 = tpu.memref_slice %arg10[%scatter3A_241, %scatter3A_242, %scatter3A_243] : memref<8x80x8xf32, #tpu.memory_space<vmem>> -> memref<1x80x8xf32, #tpu.memory_space<vmem>>
        %scatter3A_245 = tpu.memref_squeeze %scatter3A_244 : memref<1x80x8xf32, #tpu.memory_space<vmem>> -> memref<80x8xf32, #tpu.memory_space<vmem>>
        tpu.vector_store_idx %scatter3A_245[%add3A_227, %add3A_15], %get3A_235 : memref<80x8xf32, #tpu.memory_space<vmem>>[vector<16xi32>, vector<16xi32>], vector<16xf32>,
        %add3A_246 = arith.constant 0 : i32
        %add3A_247 = vector.broadcast %add3A_246 : i32 to vector<16xi32>
        %add3A_248 = arith.addi %iota3A, %add3A_247 : vector<16xi32>
        %get3A_249 = arith.constant 2 : i32
        %get3A_250 = arith.index_cast %get3A_249 : i32 to index
        %get3A_251 = arith.constant 0 : index
        %get3A_252 = tpu.vector_load %arg8[%get3A_250, %get3A_251] {strides = array<i32>} : memref<8x80xf32, #tpu.memory_space<vmem>>, vector<16xf32>,
        %get3A_253 = arith.constant 2 : i32
        %get3A_254 = arith.index_cast %get3A_253 : i32 to index
        %get3A_255 = arith.constant 0 : index
        %get3A_256 = tpu.vector_load %arg9[%get3A_254, %get3A_255] {strides = array<i32>} : memref<8x80xf32, #tpu.memory_space<vmem>>, vector<16xf32>,
        %scatter3A_257 = arith.constant 2 : i32
        %scatter3A_258 = arith.constant 0 : i32
        %scatter3A_259 = arith.constant 0 : i32
        %scatter3A_260 = tpu.memref_slice %arg10[%scatter3A_257, %scatter3A_258, %scatter3A_259] : memref<8x80x8xf32, #tpu.memory_space<vmem>> -> memref<1x80x8xf32, #tpu.memory_space<vmem>>
        %scatter3A_261 = tpu.memref_squeeze %scatter3A_260 : memref<1x80x8xf32, #tpu.memory_space<vmem>> -> memref<80x8xf32, #tpu.memory_space<vmem>>
        tpu.vector_store_idx %scatter3A_261[%add3A_248, %broadcast_in_dim3A_12], %get3A_252 : memref<80x8xf32, #tpu.memory_space<vmem>>[vector<16xi32>, vector<16xi32>], vector<16xf32>,
        %scatter3A_262 = arith.constant 2 : i32
        %scatter3A_263 = arith.constant 0 : i32
        %scatter3A_264 = arith.constant 0 : i32
        %scatter3A_265 = tpu.memref_slice %arg10[%scatter3A_262, %scatter3A_263, %scatter3A_264] : memref<8x80x8xf32, #tpu.memory_space<vmem>> -> memref<1x80x8xf32, #tpu.memory_space<vmem>>
        %scatter3A_266 = tpu.memref_squeeze %scatter3A_265 : memref<1x80x8xf32, #tpu.memory_space<vmem>> -> memref<80x8xf32, #tpu.memory_space<vmem>>
        tpu.vector_store_idx %scatter3A_266[%add3A_248, %add3A_15], %get3A_256 : memref<80x8xf32, #tpu.memory_space<vmem>>[vector<16xi32>, vector<16xi32>], vector<16xf32>,
        %add3A_267 = arith.constant 16 : i32
        %add3A_268 = vector.broadcast %add3A_267 : i32 to vector<16xi32>
        %add3A_269 = arith.addi %iota3A, %add3A_268 : vector<16xi32>
        %get3A_270 = arith.constant 2 : i32
        %get3A_271 = arith.index_cast %get3A_270 : i32 to index
        %get3A_272 = arith.constant 16 : index
        %get3A_273 = tpu.vector_load %arg8[%get3A_271, %get3A_272] {strides = array<i32>} : memref<8x80xf32, #tpu.memory_space<vmem>>, vector<16xf32>,
        %get3A_274 = arith.constant 2 : i32
        %get3A_275 = arith.index_cast %get3A_274 : i32 to index
        %get3A_276 = arith.constant 16 : index
        %get3A_277 = tpu.vector_load %arg9[%get3A_275, %get3A_276] {strides = array<i32>} : memref<8x80xf32, #tpu.memory_space<vmem>>, vector<16xf32>,
        %scatter3A_278 = arith.constant 2 : i32
        %scatter3A_279 = arith.constant 0 : i32
        %scatter3A_280 = arith.constant 0 : i32
        %scatter3A_281 = tpu.memref_slice %arg10[%scatter3A_278, %scatter3A_279, %scatter3A_280] : memref<8x80x8xf32, #tpu.memory_space<vmem>> -> memref<1x80x8xf32, #tpu.memory_space<vmem>>
        %scatter3A_282 = tpu.memref_squeeze %scatter3A_281 : memref<1x80x8xf32, #tpu.memory_space<vmem>> -> memref<80x8xf32, #tpu.memory_space<vmem>>
        tpu.vector_store_idx %scatter3A_282[%add3A_269, %broadcast_in_dim3A_12], %get3A_273 : memref<80x8xf32, #tpu.memory_space<vmem>>[vector<16xi32>, vector<16xi32>], vector<16xf32>,
        %scatter3A_283 = arith.constant 2 : i32
        %scatter3A_284 = arith.constant 0 : i32
        %scatter3A_285 = arith.constant 0 : i32
        %scatter3A_286 = tpu.memref_slice %arg10[%scatter3A_283, %scatter3A_284, %scatter3A_285] : memref<8x80x8xf32, #tpu.memory_space<vmem>> -> memref<1x80x8xf32, #tpu.memory_space<vmem>>
        %scatter3A_287 = tpu.memref_squeeze %scatter3A_286 : memref<1x80x8xf32, #tpu.memory_space<vmem>> -> memref<80x8xf32, #tpu.memory_space<vmem>>
        tpu.vector_store_idx %scatter3A_287[%add3A_269, %add3A_15], %get3A_277 : memref<80x8xf32, #tpu.memory_space<vmem>>[vector<16xi32>, vector<16xi32>], vector<16xf32>,
        %add3A_288 = arith.constant 32 : i32
        %add3A_289 = vector.broadcast %add3A_288 : i32 to vector<16xi32>
        %add3A_290 = arith.addi %iota3A, %add3A_289 : vector<16xi32>
        %get3A_291 = arith.constant 2 : i32
        %get3A_292 = arith.index_cast %get3A_291 : i32 to index
        %get3A_293 = arith.constant 32 : index
        %get3A_294 = tpu.vector_load %arg8[%get3A_292, %get3A_293] {strides = array<i32>} : memref<8x80xf32, #tpu.memory_space<vmem>>, vector<16xf32>,
        %get3A_295 = arith.constant 2 : i32
        %get3A_296 = arith.index_cast %get3A_295 : i32 to index
        %get3A_297 = arith.constant 32 : index
        %get3A_298 = tpu.vector_load %arg9[%get3A_296, %get3A_297] {strides = array<i32>} : memref<8x80xf32, #tpu.memory_space<vmem>>, vector<16xf32>,
        %scatter3A_299 = arith.constant 2 : i32
        %scatter3A_300 = arith.constant 0 : i32
        %scatter3A_301 = arith.constant 0 : i32
        %scatter3A_302 = tpu.memref_slice %arg10[%scatter3A_299, %scatter3A_300, %scatter3A_301] : memref<8x80x8xf32, #tpu.memory_space<vmem>> -> memref<1x80x8xf32, #tpu.memory_space<vmem>>
        %scatter3A_303 = tpu.memref_squeeze %scatter3A_302 : memref<1x80x8xf32, #tpu.memory_space<vmem>> -> memref<80x8xf32, #tpu.memory_space<vmem>>
        tpu.vector_store_idx %scatter3A_303[%add3A_290, %broadcast_in_dim3A_12], %get3A_294 : memref<80x8xf32, #tpu.memory_space<vmem>>[vector<16xi32>, vector<16xi32>], vector<16xf32>,
        %scatter3A_304 = arith.constant 2 : i32
        %scatter3A_305 = arith.constant 0 : i32
        %scatter3A_306 = arith.constant 0 : i32
        %scatter3A_307 = tpu.memref_slice %arg10[%scatter3A_304, %scatter3A_305, %scatter3A_306] : memref<8x80x8xf32, #tpu.memory_space<vmem>> -> memref<1x80x8xf32, #tpu.memory_space<vmem>>
        %scatter3A_308 = tpu.memref_squeeze %scatter3A_307 : memref<1x80x8xf32, #tpu.memory_space<vmem>> -> memref<80x8xf32, #tpu.memory_space<vmem>>
        tpu.vector_store_idx %scatter3A_308[%add3A_290, %add3A_15], %get3A_298 : memref<80x8xf32, #tpu.memory_space<vmem>>[vector<16xi32>, vector<16xi32>], vector<16xf32>,
        %add3A_309 = arith.constant 48 : i32
        %add3A_310 = vector.broadcast %add3A_309 : i32 to vector<16xi32>
        %add3A_311 = arith.addi %iota3A, %add3A_310 : vector<16xi32>
        %get3A_312 = arith.constant 2 : i32
        %get3A_313 = arith.index_cast %get3A_312 : i32 to index
        %get3A_314 = arith.constant 48 : index
        %get3A_315 = tpu.vector_load %arg8[%get3A_313, %get3A_314] {strides = array<i32>} : memref<8x80xf32, #tpu.memory_space<vmem>>, vector<16xf32>,
        %get3A_316 = arith.constant 2 : i32
        %get3A_317 = arith.index_cast %get3A_316 : i32 to index
        %get3A_318 = arith.constant 48 : index
        %get3A_319 = tpu.vector_load %arg9[%get3A_317, %get3A_318] {strides = array<i32>} : memref<8x80xf32, #tpu.memory_space<vmem>>, vector<16xf32>,
        %scatter3A_320 = arith.constant 2 : i32
        %scatter3A_321 = arith.constant 0 : i32
        %scatter3A_322 = arith.constant 0 : i32
        %scatter3A_323 = tpu.memref_slice %arg10[%scatter3A_320, %scatter3A_321, %scatter3A_322] : memref<8x80x8xf32, #tpu.memory_space<vmem>> -> memref<1x80x8xf32, #tpu.memory_space<vmem>>
        %scatter3A_324 = tpu.memref_squeeze %scatter3A_323 : memref<1x80x8xf32, #tpu.memory_space<vmem>> -> memref<80x8xf32, #tpu.memory_space<vmem>>
        tpu.vector_store_idx %scatter3A_324[%add3A_311, %broadcast_in_dim3A_12], %get3A_315 : memref<80x8xf32, #tpu.memory_space<vmem>>[vector<16xi32>, vector<16xi32>], vector<16xf32>,
        %scatter3A_325 = arith.constant 2 : i32
        %scatter3A_326 = arith.constant 0 : i32
        %scatter3A_327 = arith.constant 0 : i32
        %scatter3A_328 = tpu.memref_slice %arg10[%scatter3A_325, %scatter3A_326, %scatter3A_327] : memref<8x80x8xf32, #tpu.memory_space<vmem>> -> memref<1x80x8xf32, #tpu.memory_space<vmem>>
        %scatter3A_329 = tpu.memref_squeeze %scatter3A_328 : memref<1x80x8xf32, #tpu.memory_space<vmem>> -> memref<80x8xf32, #tpu.memory_space<vmem>>
        tpu.vector_store_idx %scatter3A_329[%add3A_311, %add3A_15], %get3A_319 : memref<80x8xf32, #tpu.memory_space<vmem>>[vector<16xi32>, vector<16xi32>], vector<16xf32>,
        %add3A_330 = arith.constant 64 : i32
        %add3A_331 = vector.broadcast %add3A_330 : i32 to vector<16xi32>
        %add3A_332 = arith.addi %iota3A, %add3A_331 : vector<16xi32>
        %get3A_333 = arith.constant 2 : i32
        %get3A_334 = arith.index_cast %get3A_333 : i32 to index
        %get3A_335 = arith.constant 64 : index
        %get3A_336 = tpu.vector_load %arg8[%get3A_334, %get3A_335] {strides = array<i32>} : memref<8x80xf32, #tpu.memory_space<vmem>>, vector<16xf32>,
        %get3A_337 = arith.constant 2 : i32
        %get3A_338 = arith.index_cast %get3A_337 : i32 to index
        %get3A_339 = arith.constant 64 : index
        %get3A_340 = tpu.vector_load %arg9[%get3A_338, %get3A_339] {strides = array<i32>} : memref<8x80xf32, #tpu.memory_space<vmem>>, vector<16xf32>,
        %scatter3A_341 = arith.constant 2 : i32
        %scatter3A_342 = arith.constant 0 : i32
        %scatter3A_343 = arith.constant 0 : i32
        %scatter3A_344 = tpu.memref_slice %arg10[%scatter3A_341, %scatter3A_342, %scatter3A_343] : memref<8x80x8xf32, #tpu.memory_space<vmem>> -> memref<1x80x8xf32, #tpu.memory_space<vmem>>
        %scatter3A_345 = tpu.memref_squeeze %scatter3A_344 : memref<1x80x8xf32, #tpu.memory_space<vmem>> -> memref<80x8xf32, #tpu.memory_space<vmem>>
        tpu.vector_store_idx %scatter3A_345[%add3A_332, %broadcast_in_dim3A_12], %get3A_336 : memref<80x8xf32, #tpu.memory_space<vmem>>[vector<16xi32>, vector<16xi32>], vector<16xf32>,
        %scatter3A_346 = arith.constant 2 : i32
        %scatter3A_347 = arith.constant 0 : i32
        %scatter3A_348 = arith.constant 0 : i32
        %scatter3A_349 = tpu.memref_slice %arg10[%scatter3A_346, %scatter3A_347, %scatter3A_348] : memref<8x80x8xf32, #tpu.memory_space<vmem>> -> memref<1x80x8xf32, #tpu.memory_space<vmem>>
        %scatter3A_350 = tpu.memref_squeeze %scatter3A_349 : memref<1x80x8xf32, #tpu.memory_space<vmem>> -> memref<80x8xf32, #tpu.memory_space<vmem>>
        tpu.vector_store_idx %scatter3A_350[%add3A_332, %add3A_15], %get3A_340 : memref<80x8xf32, #tpu.memory_space<vmem>>[vector<16xi32>, vector<16xi32>], vector<16xf32>,
        %add3A_351 = arith.constant 0 : i32
        %add3A_352 = vector.broadcast %add3A_351 : i32 to vector<16xi32>
        %add3A_353 = arith.addi %iota3A, %add3A_352 : vector<16xi32>
        %get3A_354 = arith.constant 3 : i32
        %get3A_355 = arith.index_cast %get3A_354 : i32 to index
        %get3A_356 = arith.constant 0 : index
        %get3A_357 = tpu.vector_load %arg8[%get3A_355, %get3A_356] {strides = array<i32>} : memref<8x80xf32, #tpu.memory_space<vmem>>, vector<16xf32>,
        %get3A_358 = arith.constant 3 : i32
        %get3A_359 = arith.index_cast %get3A_358 : i32 to index
        %get3A_360 = arith.constant 0 : index
        %get3A_361 = tpu.vector_load %arg9[%get3A_359, %get3A_360] {strides = array<i32>} : memref<8x80xf32, #tpu.memory_space<vmem>>, vector<16xf32>,
        %scatter3A_362 = arith.constant 3 : i32
        %scatter3A_363 = arith.constant 0 : i32
        %scatter3A_364 = arith.constant 0 : i32
        %scatter3A_365 = tpu.memref_slice %arg10[%scatter3A_362, %scatter3A_363, %scatter3A_364] : memref<8x80x8xf32, #tpu.memory_space<vmem>> -> memref<1x80x8xf32, #tpu.memory_space<vmem>>
        %scatter3A_366 = tpu.memref_squeeze %scatter3A_365 : memref<1x80x8xf32, #tpu.memory_space<vmem>> -> memref<80x8xf32, #tpu.memory_space<vmem>>
        tpu.vector_store_idx %scatter3A_366[%add3A_353, %broadcast_in_dim3A_12], %get3A_357 : memref<80x8xf32, #tpu.memory_space<vmem>>[vector<16xi32>, vector<16xi32>], vector<16xf32>,
        %scatter3A_367 = arith.constant 3 : i32
        %scatter3A_368 = arith.constant 0 : i32
        %scatter3A_369 = arith.constant 0 : i32
        %scatter3A_370 = tpu.memref_slice %arg10[%scatter3A_367, %scatter3A_368, %scatter3A_369] : memref<8x80x8xf32, #tpu.memory_space<vmem>> -> memref<1x80x8xf32, #tpu.memory_space<vmem>>
        %scatter3A_371 = tpu.memref_squeeze %scatter3A_370 : memref<1x80x8xf32, #tpu.memory_space<vmem>> -> memref<80x8xf32, #tpu.memory_space<vmem>>
        tpu.vector_store_idx %scatter3A_371[%add3A_353, %add3A_15], %get3A_361 : memref<80x8xf32, #tpu.memory_space<vmem>>[vector<16xi32>, vector<16xi32>], vector<16xf32>,
        %add3A_372 = arith.constant 16 : i32
        %add3A_373 = vector.broadcast %add3A_372 : i32 to vector<16xi32>
        %add3A_374 = arith.addi %iota3A, %add3A_373 : vector<16xi32>
        %get3A_375 = arith.constant 3 : i32
        %get3A_376 = arith.index_cast %get3A_375 : i32 to index
        %get3A_377 = arith.constant 16 : index
        %get3A_378 = tpu.vector_load %arg8[%get3A_376, %get3A_377] {strides = array<i32>} : memref<8x80xf32, #tpu.memory_space<vmem>>, vector<16xf32>,
        %get3A_379 = arith.constant 3 : i32
        %get3A_380 = arith.index_cast %get3A_379 : i32 to index
        %get3A_381 = arith.constant 16 : index
        %get3A_382 = tpu.vector_load %arg9[%get3A_380, %get3A_381] {strides = array<i32>} : memref<8x80xf32, #tpu.memory_space<vmem>>, vector<16xf32>,
        %scatter3A_383 = arith.constant 3 : i32
        %scatter3A_384 = arith.constant 0 : i32
        %scatter3A_385 = arith.constant 0 : i32
        %scatter3A_386 = tpu.memref_slice %arg10[%scatter3A_383, %scatter3A_384, %scatter3A_385] : memref<8x80x8xf32, #tpu.memory_space<vmem>> -> memref<1x80x8xf32, #tpu.memory_space<vmem>>
        %scatter3A_387 = tpu.memref_squeeze %scatter3A_386 : memref<1x80x8xf32, #tpu.memory_space<vmem>> -> memref<80x8xf32, #tpu.memory_space<vmem>>
        tpu.vector_store_idx %scatter3A_387[%add3A_374, %broadcast_in_dim3A_12], %get3A_378 : memref<80x8xf32, #tpu.memory_space<vmem>>[vector<16xi32>, vector<16xi32>], vector<16xf32>,
        %scatter3A_388 = arith.constant 3 : i32
        %scatter3A_389 = arith.constant 0 : i32
        %scatter3A_390 = arith.constant 0 : i32
        %scatter3A_391 = tpu.memref_slice %arg10[%scatter3A_388, %scatter3A_389, %scatter3A_390] : memref<8x80x8xf32, #tpu.memory_space<vmem>> -> memref<1x80x8xf32, #tpu.memory_space<vmem>>
        %scatter3A_392 = tpu.memref_squeeze %scatter3A_391 : memref<1x80x8xf32, #tpu.memory_space<vmem>> -> memref<80x8xf32, #tpu.memory_space<vmem>>
        tpu.vector_store_idx %scatter3A_392[%add3A_374, %add3A_15], %get3A_382 : memref<80x8xf32, #tpu.memory_space<vmem>>[vector<16xi32>, vector<16xi32>], vector<16xf32>,
        %add3A_393 = arith.constant 32 : i32
        %add3A_394 = vector.broadcast %add3A_393 : i32 to vector<16xi32>
        %add3A_395 = arith.addi %iota3A, %add3A_394 : vector<16xi32>
        %get3A_396 = arith.constant 3 : i32
        %get3A_397 = arith.index_cast %get3A_396 : i32 to index
        %get3A_398 = arith.constant 32 : index
        %get3A_399 = tpu.vector_load %arg8[%get3A_397, %get3A_398] {strides = array<i32>} : memref<8x80xf32, #tpu.memory_space<vmem>>, vector<16xf32>,
        %get3A_400 = arith.constant 3 : i32
        %get3A_401 = arith.index_cast %get3A_400 : i32 to index
        %get3A_402 = arith.constant 32 : index
        %get3A_403 = tpu.vector_load %arg9[%get3A_401, %get3A_402] {strides = array<i32>} : memref<8x80xf32, #tpu.memory_space<vmem>>, vector<16xf32>,
        %scatter3A_404 = arith.constant 3 : i32
        %scatter3A_405 = arith.constant 0 : i32
        %scatter3A_406 = arith.constant 0 : i32
        %scatter3A_407 = tpu.memref_slice %arg10[%scatter3A_404, %scatter3A_405, %scatter3A_406] : memref<8x80x8xf32, #tpu.memory_space<vmem>> -> memref<1x80x8xf32, #tpu.memory_space<vmem>>
        %scatter3A_408 = tpu.memref_squeeze %scatter3A_407 : memref<1x80x8xf32, #tpu.memory_space<vmem>> -> memref<80x8xf32, #tpu.memory_space<vmem>>
        tpu.vector_store_idx %scatter3A_408[%add3A_395, %broadcast_in_dim3A_12], %get3A_399 : memref<80x8xf32, #tpu.memory_space<vmem>>[vector<16xi32>, vector<16xi32>], vector<16xf32>,
        %scatter3A_409 = arith.constant 3 : i32
        %scatter3A_410 = arith.constant 0 : i32
        %scatter3A_411 = arith.constant 0 : i32
        %scatter3A_412 = tpu.memref_slice %arg10[%scatter3A_409, %scatter3A_410, %scatter3A_411] : memref<8x80x8xf32, #tpu.memory_space<vmem>> -> memref<1x80x8xf32, #tpu.memory_space<vmem>>
        %scatter3A_413 = tpu.memref_squeeze %scatter3A_412 : memref<1x80x8xf32, #tpu.memory_space<vmem>> -> memref<80x8xf32, #tpu.memory_space<vmem>>
        tpu.vector_store_idx %scatter3A_413[%add3A_395, %add3A_15], %get3A_403 : memref<80x8xf32, #tpu.memory_space<vmem>>[vector<16xi32>, vector<16xi32>], vector<16xf32>,
        %add3A_414 = arith.constant 48 : i32
        %add3A_415 = vector.broadcast %add3A_414 : i32 to vector<16xi32>
        %add3A_416 = arith.addi %iota3A, %add3A_415 : vector<16xi32>
        %get3A_417 = arith.constant 3 : i32
        %get3A_418 = arith.index_cast %get3A_417 : i32 to index
        %get3A_419 = arith.constant 48 : index
        %get3A_420 = tpu.vector_load %arg8[%get3A_418, %get3A_419] {strides = array<i32>} : memref<8x80xf32, #tpu.memory_space<vmem>>, vector<16xf32>,
        %get3A_421 = arith.constant 3 : i32
        %get3A_422 = arith.index_cast %get3A_421 : i32 to index
        %get3A_423 = arith.constant 48 : index
        %get3A_424 = tpu.vector_load %arg9[%get3A_422, %get3A_423] {strides = array<i32>} : memref<8x80xf32, #tpu.memory_space<vmem>>, vector<16xf32>,
        %scatter3A_425 = arith.constant 3 : i32
        %scatter3A_426 = arith.constant 0 : i32
        %scatter3A_427 = arith.constant 0 : i32
        %scatter3A_428 = tpu.memref_slice %arg10[%scatter3A_425, %scatter3A_426, %scatter3A_427] : memref<8x80x8xf32, #tpu.memory_space<vmem>> -> memref<1x80x8xf32, #tpu.memory_space<vmem>>
        %scatter3A_429 = tpu.memref_squeeze %scatter3A_428 : memref<1x80x8xf32, #tpu.memory_space<vmem>> -> memref<80x8xf32, #tpu.memory_space<vmem>>
        tpu.vector_store_idx %scatter3A_429[%add3A_416, %broadcast_in_dim3A_12], %get3A_420 : memref<80x8xf32, #tpu.memory_space<vmem>>[vector<16xi32>, vector<16xi32>], vector<16xf32>,
        %scatter3A_430 = arith.constant 3 : i32
        %scatter3A_431 = arith.constant 0 : i32
        %scatter3A_432 = arith.constant 0 : i32
        %scatter3A_433 = tpu.memref_slice %arg10[%scatter3A_430, %scatter3A_431, %scatter3A_432] : memref<8x80x8xf32, #tpu.memory_space<vmem>> -> memref<1x80x8xf32, #tpu.memory_space<vmem>>
        %scatter3A_434 = tpu.memref_squeeze %scatter3A_433 : memref<1x80x8xf32, #tpu.memory_space<vmem>> -> memref<80x8xf32, #tpu.memory_space<vmem>>
        tpu.vector_store_idx %scatter3A_434[%add3A_416, %add3A_15], %get3A_424 : memref<80x8xf32, #tpu.memory_space<vmem>>[vector<16xi32>, vector<16xi32>], vector<16xf32>,
        %add3A_435 = arith.constant 64 : i32
        %add3A_436 = vector.broadcast %add3A_435 : i32 to vector<16xi32>
        %add3A_437 = arith.addi %iota3A, %add3A_436 : vector<16xi32>
        %get3A_438 = arith.constant 3 : i32
        %get3A_439 = arith.index_cast %get3A_438 : i32 to index
        %get3A_440 = arith.constant 64 : index
        %get3A_441 = tpu.vector_load %arg8[%get3A_439, %get3A_440] {strides = array<i32>} : memref<8x80xf32, #tpu.memory_space<vmem>>, vector<16xf32>,
        %get3A_442 = arith.constant 3 : i32
        %get3A_443 = arith.index_cast %get3A_442 : i32 to index
        %get3A_444 = arith.constant 64 : index
        %get3A_445 = tpu.vector_load %arg9[%get3A_443, %get3A_444] {strides = array<i32>} : memref<8x80xf32, #tpu.memory_space<vmem>>, vector<16xf32>,
        %scatter3A_446 = arith.constant 3 : i32
        %scatter3A_447 = arith.constant 0 : i32
        %scatter3A_448 = arith.constant 0 : i32
        %scatter3A_449 = tpu.memref_slice %arg10[%scatter3A_446, %scatter3A_447, %scatter3A_448] : memref<8x80x8xf32, #tpu.memory_space<vmem>> -> memref<1x80x8xf32, #tpu.memory_space<vmem>>
        %scatter3A_450 = tpu.memref_squeeze %scatter3A_449 : memref<1x80x8xf32, #tpu.memory_space<vmem>> -> memref<80x8xf32, #tpu.memory_space<vmem>>
        tpu.vector_store_idx %scatter3A_450[%add3A_437, %broadcast_in_dim3A_12], %get3A_441 : memref<80x8xf32, #tpu.memory_space<vmem>>[vector<16xi32>, vector<16xi32>], vector<16xf32>,
        %scatter3A_451 = arith.constant 3 : i32
        %scatter3A_452 = arith.constant 0 : i32
        %scatter3A_453 = arith.constant 0 : i32
        %scatter3A_454 = tpu.memref_slice %arg10[%scatter3A_451, %scatter3A_452, %scatter3A_453] : memref<8x80x8xf32, #tpu.memory_space<vmem>> -> memref<1x80x8xf32, #tpu.memory_space<vmem>>
        %scatter3A_455 = tpu.memref_squeeze %scatter3A_454 : memref<1x80x8xf32, #tpu.memory_space<vmem>> -> memref<80x8xf32, #tpu.memory_space<vmem>>
        tpu.vector_store_idx %scatter3A_455[%add3A_437, %add3A_15], %get3A_445 : memref<80x8xf32, #tpu.memory_space<vmem>>[vector<16xi32>, vector<16xi32>], vector<16xf32>,
        %add3A_456 = arith.constant 0 : i32
        %add3A_457 = vector.broadcast %add3A_456 : i32 to vector<16xi32>
        %add3A_458 = arith.addi %iota3A, %add3A_457 : vector<16xi32>
        %get3A_459 = arith.constant 4 : i32
        %get3A_460 = arith.index_cast %get3A_459 : i32 to index
        %get3A_461 = arith.constant 0 : index
        %get3A_462 = tpu.vector_load %arg8[%get3A_460, %get3A_461] {strides = array<i32>} : memref<8x80xf32, #tpu.memory_space<vmem>>, vector<16xf32>,
        %get3A_463 = arith.constant 4 : i32
        %get3A_464 = arith.index_cast %get3A_463 : i32 to index
        %get3A_465 = arith.constant 0 : index
        %get3A_466 = tpu.vector_load %arg9[%get3A_464, %get3A_465] {strides = array<i32>} : memref<8x80xf32, #tpu.memory_space<vmem>>, vector<16xf32>,
        %scatter3A_467 = arith.constant 4 : i32
        %scatter3A_468 = arith.constant 0 : i32
        %scatter3A_469 = arith.constant 0 : i32
        %scatter3A_470 = tpu.memref_slice %arg10[%scatter3A_467, %scatter3A_468, %scatter3A_469] : memref<8x80x8xf32, #tpu.memory_space<vmem>> -> memref<1x80x8xf32, #tpu.memory_space<vmem>>
        %scatter3A_471 = tpu.memref_squeeze %scatter3A_470 : memref<1x80x8xf32, #tpu.memory_space<vmem>> -> memref<80x8xf32, #tpu.memory_space<vmem>>
        tpu.vector_store_idx %scatter3A_471[%add3A_458, %broadcast_in_dim3A_12], %get3A_462 : memref<80x8xf32, #tpu.memory_space<vmem>>[vector<16xi32>, vector<16xi32>], vector<16xf32>,
        %scatter3A_472 = arith.constant 4 : i32
        %scatter3A_473 = arith.constant 0 : i32
        %scatter3A_474 = arith.constant 0 : i32
        %scatter3A_475 = tpu.memref_slice %arg10[%scatter3A_472, %scatter3A_473, %scatter3A_474] : memref<8x80x8xf32, #tpu.memory_space<vmem>> -> memref<1x80x8xf32, #tpu.memory_space<vmem>>
        %scatter3A_476 = tpu.memref_squeeze %scatter3A_475 : memref<1x80x8xf32, #tpu.memory_space<vmem>> -> memref<80x8xf32, #tpu.memory_space<vmem>>
        tpu.vector_store_idx %scatter3A_476[%add3A_458, %add3A_15], %get3A_466 : memref<80x8xf32, #tpu.memory_space<vmem>>[vector<16xi32>, vector<16xi32>], vector<16xf32>,
        %add3A_477 = arith.constant 16 : i32
        %add3A_478 = vector.broadcast %add3A_477 : i32 to vector<16xi32>
        %add3A_479 = arith.addi %iota3A, %add3A_478 : vector<16xi32>
        %get3A_480 = arith.constant 4 : i32
        %get3A_481 = arith.index_cast %get3A_480 : i32 to index
        %get3A_482 = arith.constant 16 : index
        %get3A_483 = tpu.vector_load %arg8[%get3A_481, %get3A_482] {strides = array<i32>} : memref<8x80xf32, #tpu.memory_space<vmem>>, vector<16xf32>,
        %get3A_484 = arith.constant 4 : i32
        %get3A_485 = arith.index_cast %get3A_484 : i32 to index
        %get3A_486 = arith.constant 16 : index
        %get3A_487 = tpu.vector_load %arg9[%get3A_485, %get3A_486] {strides = array<i32>} : memref<8x80xf32, #tpu.memory_space<vmem>>, vector<16xf32>,
        %scatter3A_488 = arith.constant 4 : i32
        %scatter3A_489 = arith.constant 0 : i32
        %scatter3A_490 = arith.constant 0 : i32
        %scatter3A_491 = tpu.memref_slice %arg10[%scatter3A_488, %scatter3A_489, %scatter3A_490] : memref<8x80x8xf32, #tpu.memory_space<vmem>> -> memref<1x80x8xf32, #tpu.memory_space<vmem>>
        %scatter3A_492 = tpu.memref_squeeze %scatter3A_491 : memref<1x80x8xf32, #tpu.memory_space<vmem>> -> memref<80x8xf32, #tpu.memory_space<vmem>>
        tpu.vector_store_idx %scatter3A_492[%add3A_479, %broadcast_in_dim3A_12], %get3A_483 : memref<80x8xf32, #tpu.memory_space<vmem>>[vector<16xi32>, vector<16xi32>], vector<16xf32>,
        %scatter3A_493 = arith.constant 4 : i32
        %scatter3A_494 = arith.constant 0 : i32
        %scatter3A_495 = arith.constant 0 : i32
        %scatter3A_496 = tpu.memref_slice %arg10[%scatter3A_493, %scatter3A_494, %scatter3A_495] : memref<8x80x8xf32, #tpu.memory_space<vmem>> -> memref<1x80x8xf32, #tpu.memory_space<vmem>>
        %scatter3A_497 = tpu.memref_squeeze %scatter3A_496 : memref<1x80x8xf32, #tpu.memory_space<vmem>> -> memref<80x8xf32, #tpu.memory_space<vmem>>
        tpu.vector_store_idx %scatter3A_497[%add3A_479, %add3A_15], %get3A_487 : memref<80x8xf32, #tpu.memory_space<vmem>>[vector<16xi32>, vector<16xi32>], vector<16xf32>,
        %add3A_498 = arith.constant 32 : i32
        %add3A_499 = vector.broadcast %add3A_498 : i32 to vector<16xi32>
        %add3A_500 = arith.addi %iota3A, %add3A_499 : vector<16xi32>
        %get3A_501 = arith.constant 4 : i32
        %get3A_502 = arith.index_cast %get3A_501 : i32 to index
        %get3A_503 = arith.constant 32 : index
        %get3A_504 = tpu.vector_load %arg8[%get3A_502, %get3A_503] {strides = array<i32>} : memref<8x80xf32, #tpu.memory_space<vmem>>, vector<16xf32>,
        %get3A_505 = arith.constant 4 : i32
        %get3A_506 = arith.index_cast %get3A_505 : i32 to index
        %get3A_507 = arith.constant 32 : index
        %get3A_508 = tpu.vector_load %arg9[%get3A_506, %get3A_507] {strides = array<i32>} : memref<8x80xf32, #tpu.memory_space<vmem>>, vector<16xf32>,
        %scatter3A_509 = arith.constant 4 : i32
        %scatter3A_510 = arith.constant 0 : i32
        %scatter3A_511 = arith.constant 0 : i32
        %scatter3A_512 = tpu.memref_slice %arg10[%scatter3A_509, %scatter3A_510, %scatter3A_511] : memref<8x80x8xf32, #tpu.memory_space<vmem>> -> memref<1x80x8xf32, #tpu.memory_space<vmem>>
        %scatter3A_513 = tpu.memref_squeeze %scatter3A_512 : memref<1x80x8xf32, #tpu.memory_space<vmem>> -> memref<80x8xf32, #tpu.memory_space<vmem>>
        tpu.vector_store_idx %scatter3A_513[%add3A_500, %broadcast_in_dim3A_12], %get3A_504 : memref<80x8xf32, #tpu.memory_space<vmem>>[vector<16xi32>, vector<16xi32>], vector<16xf32>,
        %scatter3A_514 = arith.constant 4 : i32
        %scatter3A_515 = arith.constant 0 : i32
        %scatter3A_516 = arith.constant 0 : i32
        %scatter3A_517 = tpu.memref_slice %arg10[%scatter3A_514, %scatter3A_515, %scatter3A_516] : memref<8x80x8xf32, #tpu.memory_space<vmem>> -> memref<1x80x8xf32, #tpu.memory_space<vmem>>
        %scatter3A_518 = tpu.memref_squeeze %scatter3A_517 : memref<1x80x8xf32, #tpu.memory_space<vmem>> -> memref<80x8xf32, #tpu.memory_space<vmem>>
        tpu.vector_store_idx %scatter3A_518[%add3A_500, %add3A_15], %get3A_508 : memref<80x8xf32, #tpu.memory_space<vmem>>[vector<16xi32>, vector<16xi32>], vector<16xf32>,
        %add3A_519 = arith.constant 48 : i32
        %add3A_520 = vector.broadcast %add3A_519 : i32 to vector<16xi32>
        %add3A_521 = arith.addi %iota3A, %add3A_520 : vector<16xi32>
        %get3A_522 = arith.constant 4 : i32
        %get3A_523 = arith.index_cast %get3A_522 : i32 to index
        %get3A_524 = arith.constant 48 : index
        %get3A_525 = tpu.vector_load %arg8[%get3A_523, %get3A_524] {strides = array<i32>} : memref<8x80xf32, #tpu.memory_space<vmem>>, vector<16xf32>,
        %get3A_526 = arith.constant 4 : i32
        %get3A_527 = arith.index_cast %get3A_526 : i32 to index
        %get3A_528 = arith.constant 48 : index
        %get3A_529 = tpu.vector_load %arg9[%get3A_527, %get3A_528] {strides = array<i32>} : memref<8x80xf32, #tpu.memory_space<vmem>>, vector<16xf32>,
        %scatter3A_530 = arith.constant 4 : i32
        %scatter3A_531 = arith.constant 0 : i32
        %scatter3A_532 = arith.constant 0 : i32
        %scatter3A_533 = tpu.memref_slice %arg10[%scatter3A_530, %scatter3A_531, %scatter3A_532] : memref<8x80x8xf32, #tpu.memory_space<vmem>> -> memref<1x80x8xf32, #tpu.memory_space<vmem>>
        %scatter3A_534 = tpu.memref_squeeze %scatter3A_533 : memref<1x80x8xf32, #tpu.memory_space<vmem>> -> memref<80x8xf32, #tpu.memory_space<vmem>>
        tpu.vector_store_idx %scatter3A_534[%add3A_521, %broadcast_in_dim3A_12], %get3A_525 : memref<80x8xf32, #tpu.memory_space<vmem>>[vector<16xi32>, vector<16xi32>], vector<16xf32>,
        %scatter3A_535 = arith.constant 4 : i32
        %scatter3A_536 = arith.constant 0 : i32
        %scatter3A_537 = arith.constant 0 : i32
        %scatter3A_538 = tpu.memref_slice %arg10[%scatter3A_535, %scatter3A_536, %scatter3A_537] : memref<8x80x8xf32, #tpu.memory_space<vmem>> -> memref<1x80x8xf32, #tpu.memory_space<vmem>>
        %scatter3A_539 = tpu.memref_squeeze %scatter3A_538 : memref<1x80x8xf32, #tpu.memory_space<vmem>> -> memref<80x8xf32, #tpu.memory_space<vmem>>
        tpu.vector_store_idx %scatter3A_539[%add3A_521, %add3A_15], %get3A_529 : memref<80x8xf32, #tpu.memory_space<vmem>>[vector<16xi32>, vector<16xi32>], vector<16xf32>,
        %add3A_540 = arith.constant 64 : i32
        %add3A_541 = vector.broadcast %add3A_540 : i32 to vector<16xi32>
        %add3A_542 = arith.addi %iota3A, %add3A_541 : vector<16xi32>
        %get3A_543 = arith.constant 4 : i32
        %get3A_544 = arith.index_cast %get3A_543 : i32 to index
        %get3A_545 = arith.constant 64 : index
        %get3A_546 = tpu.vector_load %arg8[%get3A_544, %get3A_545] {strides = array<i32>} : memref<8x80xf32, #tpu.memory_space<vmem>>, vector<16xf32>,
        %get3A_547 = arith.constant 4 : i32
        %get3A_548 = arith.index_cast %get3A_547 : i32 to index
        %get3A_549 = arith.constant 64 : index
        %get3A_550 = tpu.vector_load %arg9[%get3A_548, %get3A_549] {strides = array<i32>} : memref<8x80xf32, #tpu.memory_space<vmem>>, vector<16xf32>,
        %scatter3A_551 = arith.constant 4 : i32
        %scatter3A_552 = arith.constant 0 : i32
        %scatter3A_553 = arith.constant 0 : i32
        %scatter3A_554 = tpu.memref_slice %arg10[%scatter3A_551, %scatter3A_552, %scatter3A_553] : memref<8x80x8xf32, #tpu.memory_space<vmem>> -> memref<1x80x8xf32, #tpu.memory_space<vmem>>
        %scatter3A_555 = tpu.memref_squeeze %scatter3A_554 : memref<1x80x8xf32, #tpu.memory_space<vmem>> -> memref<80x8xf32, #tpu.memory_space<vmem>>
        tpu.vector_store_idx %scatter3A_555[%add3A_542, %broadcast_in_dim3A_12], %get3A_546 : memref<80x8xf32, #tpu.memory_space<vmem>>[vector<16xi32>, vector<16xi32>], vector<16xf32>,
        %scatter3A_556 = arith.constant 4 : i32
        %scatter3A_557 = arith.constant 0 : i32
        %scatter3A_558 = arith.constant 0 : i32
        %scatter3A_559 = tpu.memref_slice %arg10[%scatter3A_556, %scatter3A_557, %scatter3A_558] : memref<8x80x8xf32, #tpu.memory_space<vmem>> -> memref<1x80x8xf32, #tpu.memory_space<vmem>>
        %scatter3A_560 = tpu.memref_squeeze %scatter3A_559 : memref<1x80x8xf32, #tpu.memory_space<vmem>> -> memref<80x8xf32, #tpu.memory_space<vmem>>
        tpu.vector_store_idx %scatter3A_560[%add3A_542, %add3A_15], %get3A_550 : memref<80x8xf32, #tpu.memory_space<vmem>>[vector<16xi32>, vector<16xi32>], vector<16xf32>,
        %add3A_561 = arith.constant 0 : i32
        %add3A_562 = vector.broadcast %add3A_561 : i32 to vector<16xi32>
        %add3A_563 = arith.addi %iota3A, %add3A_562 : vector<16xi32>
        %get3A_564 = arith.constant 5 : i32
        %get3A_565 = arith.index_cast %get3A_564 : i32 to index
        %get3A_566 = arith.constant 0 : index
        %get3A_567 = tpu.vector_load %arg8[%get3A_565, %get3A_566] {strides = array<i32>} : memref<8x80xf32, #tpu.memory_space<vmem>>, vector<16xf32>,
        %get3A_568 = arith.constant 5 : i32
        %get3A_569 = arith.index_cast %get3A_568 : i32 to index
        %get3A_570 = arith.constant 0 : index
        %get3A_571 = tpu.vector_load %arg9[%get3A_569, %get3A_570] {strides = array<i32>} : memref<8x80xf32, #tpu.memory_space<vmem>>, vector<16xf32>,
        %scatter3A_572 = arith.constant 5 : i32
        %scatter3A_573 = arith.constant 0 : i32
        %scatter3A_574 = arith.constant 0 : i32
        %scatter3A_575 = tpu.memref_slice %arg10[%scatter3A_572, %scatter3A_573, %scatter3A_574] : memref<8x80x8xf32, #tpu.memory_space<vmem>> -> memref<1x80x8xf32, #tpu.memory_space<vmem>>
        %scatter3A_576 = tpu.memref_squeeze %scatter3A_575 : memref<1x80x8xf32, #tpu.memory_space<vmem>> -> memref<80x8xf32, #tpu.memory_space<vmem>>
        tpu.vector_store_idx %scatter3A_576[%add3A_563, %broadcast_in_dim3A_12], %get3A_567 : memref<80x8xf32, #tpu.memory_space<vmem>>[vector<16xi32>, vector<16xi32>], vector<16xf32>,
        %scatter3A_577 = arith.constant 5 : i32
        %scatter3A_578 = arith.constant 0 : i32
        %scatter3A_579 = arith.constant 0 : i32
        %scatter3A_580 = tpu.memref_slice %arg10[%scatter3A_577, %scatter3A_578, %scatter3A_579] : memref<8x80x8xf32, #tpu.memory_space<vmem>> -> memref<1x80x8xf32, #tpu.memory_space<vmem>>
        %scatter3A_581 = tpu.memref_squeeze %scatter3A_580 : memref<1x80x8xf32, #tpu.memory_space<vmem>> -> memref<80x8xf32, #tpu.memory_space<vmem>>
        tpu.vector_store_idx %scatter3A_581[%add3A_563, %add3A_15], %get3A_571 : memref<80x8xf32, #tpu.memory_space<vmem>>[vector<16xi32>, vector<16xi32>], vector<16xf32>,
        %add3A_582 = arith.constant 16 : i32
        %add3A_583 = vector.broadcast %add3A_582 : i32 to vector<16xi32>
        %add3A_584 = arith.addi %iota3A, %add3A_583 : vector<16xi32>
        %get3A_585 = arith.constant 5 : i32
        %get3A_586 = arith.index_cast %get3A_585 : i32 to index
        %get3A_587 = arith.constant 16 : index
        %get3A_588 = tpu.vector_load %arg8[%get3A_586, %get3A_587] {strides = array<i32>} : memref<8x80xf32, #tpu.memory_space<vmem>>, vector<16xf32>,
        %get3A_589 = arith.constant 5 : i32
        %get3A_590 = arith.index_cast %get3A_589 : i32 to index
        %get3A_591 = arith.constant 16 : index
        %get3A_592 = tpu.vector_load %arg9[%get3A_590, %get3A_591] {strides = array<i32>} : memref<8x80xf32, #tpu.memory_space<vmem>>, vector<16xf32>,
        %scatter3A_593 = arith.constant 5 : i32
        %scatter3A_594 = arith.constant 0 : i32
        %scatter3A_595 = arith.constant 0 : i32
        %scatter3A_596 = tpu.memref_slice %arg10[%scatter3A_593, %scatter3A_594, %scatter3A_595] : memref<8x80x8xf32, #tpu.memory_space<vmem>> -> memref<1x80x8xf32, #tpu.memory_space<vmem>>
        %scatter3A_597 = tpu.memref_squeeze %scatter3A_596 : memref<1x80x8xf32, #tpu.memory_space<vmem>> -> memref<80x8xf32, #tpu.memory_space<vmem>>
        tpu.vector_store_idx %scatter3A_597[%add3A_584, %broadcast_in_dim3A_12], %get3A_588 : memref<80x8xf32, #tpu.memory_space<vmem>>[vector<16xi32>, vector<16xi32>], vector<16xf32>,
        %scatter3A_598 = arith.constant 5 : i32
        %scatter3A_599 = arith.constant 0 : i32
        %scatter3A_600 = arith.constant 0 : i32
        %scatter3A_601 = tpu.memref_slice %arg10[%scatter3A_598, %scatter3A_599, %scatter3A_600] : memref<8x80x8xf32, #tpu.memory_space<vmem>> -> memref<1x80x8xf32, #tpu.memory_space<vmem>>
        %scatter3A_602 = tpu.memref_squeeze %scatter3A_601 : memref<1x80x8xf32, #tpu.memory_space<vmem>> -> memref<80x8xf32, #tpu.memory_space<vmem>>
        tpu.vector_store_idx %scatter3A_602[%add3A_584, %add3A_15], %get3A_592 : memref<80x8xf32, #tpu.memory_space<vmem>>[vector<16xi32>, vector<16xi32>], vector<16xf32>,
        %add3A_603 = arith.constant 32 : i32
        %add3A_604 = vector.broadcast %add3A_603 : i32 to vector<16xi32>
        %add3A_605 = arith.addi %iota3A, %add3A_604 : vector<16xi32>
        %get3A_606 = arith.constant 5 : i32
        %get3A_607 = arith.index_cast %get3A_606 : i32 to index
        %get3A_608 = arith.constant 32 : index
        %get3A_609 = tpu.vector_load %arg8[%get3A_607, %get3A_608] {strides = array<i32>} : memref<8x80xf32, #tpu.memory_space<vmem>>, vector<16xf32>,
        %get3A_610 = arith.constant 5 : i32
        %get3A_611 = arith.index_cast %get3A_610 : i32 to index
        %get3A_612 = arith.constant 32 : index
        %get3A_613 = tpu.vector_load %arg9[%get3A_611, %get3A_612] {strides = array<i32>} : memref<8x80xf32, #tpu.memory_space<vmem>>, vector<16xf32>,
        %scatter3A_614 = arith.constant 5 : i32
        %scatter3A_615 = arith.constant 0 : i32
        %scatter3A_616 = arith.constant 0 : i32
        %scatter3A_617 = tpu.memref_slice %arg10[%scatter3A_614, %scatter3A_615, %scatter3A_616] : memref<8x80x8xf32, #tpu.memory_space<vmem>> -> memref<1x80x8xf32, #tpu.memory_space<vmem>>
        %scatter3A_618 = tpu.memref_squeeze %scatter3A_617 : memref<1x80x8xf32, #tpu.memory_space<vmem>> -> memref<80x8xf32, #tpu.memory_space<vmem>>
        tpu.vector_store_idx %scatter3A_618[%add3A_605, %broadcast_in_dim3A_12], %get3A_609 : memref<80x8xf32, #tpu.memory_space<vmem>>[vector<16xi32>, vector<16xi32>], vector<16xf32>,
        %scatter3A_619 = arith.constant 5 : i32
        %scatter3A_620 = arith.constant 0 : i32
        %scatter3A_621 = arith.constant 0 : i32
        %scatter3A_622 = tpu.memref_slice %arg10[%scatter3A_619, %scatter3A_620, %scatter3A_621] : memref<8x80x8xf32, #tpu.memory_space<vmem>> -> memref<1x80x8xf32, #tpu.memory_space<vmem>>
        %scatter3A_623 = tpu.memref_squeeze %scatter3A_622 : memref<1x80x8xf32, #tpu.memory_space<vmem>> -> memref<80x8xf32, #tpu.memory_space<vmem>>
        tpu.vector_store_idx %scatter3A_623[%add3A_605, %add3A_15], %get3A_613 : memref<80x8xf32, #tpu.memory_space<vmem>>[vector<16xi32>, vector<16xi32>], vector<16xf32>,
        %add3A_624 = arith.constant 48 : i32
        %add3A_625 = vector.broadcast %add3A_624 : i32 to vector<16xi32>
        %add3A_626 = arith.addi %iota3A, %add3A_625 : vector<16xi32>
        %get3A_627 = arith.constant 5 : i32
        %get3A_628 = arith.index_cast %get3A_627 : i32 to index
        %get3A_629 = arith.constant 48 : index
        %get3A_630 = tpu.vector_load %arg8[%get3A_628, %get3A_629] {strides = array<i32>} : memref<8x80xf32, #tpu.memory_space<vmem>>, vector<16xf32>,
        %get3A_631 = arith.constant 5 : i32
        %get3A_632 = arith.index_cast %get3A_631 : i32 to index
        %get3A_633 = arith.constant 48 : index
        %get3A_634 = tpu.vector_load %arg9[%get3A_632, %get3A_633] {strides = array<i32>} : memref<8x80xf32, #tpu.memory_space<vmem>>, vector<16xf32>,
        %scatter3A_635 = arith.constant 5 : i32
        %scatter3A_636 = arith.constant 0 : i32
        %scatter3A_637 = arith.constant 0 : i32
        %scatter3A_638 = tpu.memref_slice %arg10[%scatter3A_635, %scatter3A_636, %scatter3A_637] : memref<8x80x8xf32, #tpu.memory_space<vmem>> -> memref<1x80x8xf32, #tpu.memory_space<vmem>>
        %scatter3A_639 = tpu.memref_squeeze %scatter3A_638 : memref<1x80x8xf32, #tpu.memory_space<vmem>> -> memref<80x8xf32, #tpu.memory_space<vmem>>
        tpu.vector_store_idx %scatter3A_639[%add3A_626, %broadcast_in_dim3A_12], %get3A_630 : memref<80x8xf32, #tpu.memory_space<vmem>>[vector<16xi32>, vector<16xi32>], vector<16xf32>,
        %scatter3A_640 = arith.constant 5 : i32
        %scatter3A_641 = arith.constant 0 : i32
        %scatter3A_642 = arith.constant 0 : i32
        %scatter3A_643 = tpu.memref_slice %arg10[%scatter3A_640, %scatter3A_641, %scatter3A_642] : memref<8x80x8xf32, #tpu.memory_space<vmem>> -> memref<1x80x8xf32, #tpu.memory_space<vmem>>
        %scatter3A_644 = tpu.memref_squeeze %scatter3A_643 : memref<1x80x8xf32, #tpu.memory_space<vmem>> -> memref<80x8xf32, #tpu.memory_space<vmem>>
        tpu.vector_store_idx %scatter3A_644[%add3A_626, %add3A_15], %get3A_634 : memref<80x8xf32, #tpu.memory_space<vmem>>[vector<16xi32>, vector<16xi32>], vector<16xf32>,
        %add3A_645 = arith.constant 64 : i32
        %add3A_646 = vector.broadcast %add3A_645 : i32 to vector<16xi32>
        %add3A_647 = arith.addi %iota3A, %add3A_646 : vector<16xi32>
        %get3A_648 = arith.constant 5 : i32
        %get3A_649 = arith.index_cast %get3A_648 : i32 to index
        %get3A_650 = arith.constant 64 : index
        %get3A_651 = tpu.vector_load %arg8[%get3A_649, %get3A_650] {strides = array<i32>} : memref<8x80xf32, #tpu.memory_space<vmem>>, vector<16xf32>,
        %get3A_652 = arith.constant 5 : i32
        %get3A_653 = arith.index_cast %get3A_652 : i32 to index
        %get3A_654 = arith.constant 64 : index
        %get3A_655 = tpu.vector_load %arg9[%get3A_653, %get3A_654] {strides = array<i32>} : memref<8x80xf32, #tpu.memory_space<vmem>>, vector<16xf32>,
        %scatter3A_656 = arith.constant 5 : i32
        %scatter3A_657 = arith.constant 0 : i32
        %scatter3A_658 = arith.constant 0 : i32
        %scatter3A_659 = tpu.memref_slice %arg10[%scatter3A_656, %scatter3A_657, %scatter3A_658] : memref<8x80x8xf32, #tpu.memory_space<vmem>> -> memref<1x80x8xf32, #tpu.memory_space<vmem>>
        %scatter3A_660 = tpu.memref_squeeze %scatter3A_659 : memref<1x80x8xf32, #tpu.memory_space<vmem>> -> memref<80x8xf32, #tpu.memory_space<vmem>>
        tpu.vector_store_idx %scatter3A_660[%add3A_647, %broadcast_in_dim3A_12], %get3A_651 : memref<80x8xf32, #tpu.memory_space<vmem>>[vector<16xi32>, vector<16xi32>], vector<16xf32>,
        %scatter3A_661 = arith.constant 5 : i32
        %scatter3A_662 = arith.constant 0 : i32
        %scatter3A_663 = arith.constant 0 : i32
        %scatter3A_664 = tpu.memref_slice %arg10[%scatter3A_661, %scatter3A_662, %scatter3A_663] : memref<8x80x8xf32, #tpu.memory_space<vmem>> -> memref<1x80x8xf32, #tpu.memory_space<vmem>>
        %scatter3A_665 = tpu.memref_squeeze %scatter3A_664 : memref<1x80x8xf32, #tpu.memory_space<vmem>> -> memref<80x8xf32, #tpu.memory_space<vmem>>
        tpu.vector_store_idx %scatter3A_665[%add3A_647, %add3A_15], %get3A_655 : memref<80x8xf32, #tpu.memory_space<vmem>>[vector<16xi32>, vector<16xi32>], vector<16xf32>,
        %add3A_666 = arith.constant 0 : i32
        %add3A_667 = vector.broadcast %add3A_666 : i32 to vector<16xi32>
        %add3A_668 = arith.addi %iota3A, %add3A_667 : vector<16xi32>
        %get3A_669 = arith.constant 6 : i32
        %get3A_670 = arith.index_cast %get3A_669 : i32 to index
        %get3A_671 = arith.constant 0 : index
        %get3A_672 = tpu.vector_load %arg8[%get3A_670, %get3A_671] {strides = array<i32>} : memref<8x80xf32, #tpu.memory_space<vmem>>, vector<16xf32>,
        %get3A_673 = arith.constant 6 : i32
        %get3A_674 = arith.index_cast %get3A_673 : i32 to index
        %get3A_675 = arith.constant 0 : index
        %get3A_676 = tpu.vector_load %arg9[%get3A_674, %get3A_675] {strides = array<i32>} : memref<8x80xf32, #tpu.memory_space<vmem>>, vector<16xf32>,
        %scatter3A_677 = arith.constant 6 : i32
        %scatter3A_678 = arith.constant 0 : i32
        %scatter3A_679 = arith.constant 0 : i32
        %scatter3A_680 = tpu.memref_slice %arg10[%scatter3A_677, %scatter3A_678, %scatter3A_679] : memref<8x80x8xf32, #tpu.memory_space<vmem>> -> memref<1x80x8xf32, #tpu.memory_space<vmem>>
        %scatter3A_681 = tpu.memref_squeeze %scatter3A_680 : memref<1x80x8xf32, #tpu.memory_space<vmem>> -> memref<80x8xf32, #tpu.memory_space<vmem>>
        tpu.vector_store_idx %scatter3A_681[%add3A_668, %broadcast_in_dim3A_12], %get3A_672 : memref<80x8xf32, #tpu.memory_space<vmem>>[vector<16xi32>, vector<16xi32>], vector<16xf32>,
        %scatter3A_682 = arith.constant 6 : i32
        %scatter3A_683 = arith.constant 0 : i32
        %scatter3A_684 = arith.constant 0 : i32
        %scatter3A_685 = tpu.memref_slice %arg10[%scatter3A_682, %scatter3A_683, %scatter3A_684] : memref<8x80x8xf32, #tpu.memory_space<vmem>> -> memref<1x80x8xf32, #tpu.memory_space<vmem>>
        %scatter3A_686 = tpu.memref_squeeze %scatter3A_685 : memref<1x80x8xf32, #tpu.memory_space<vmem>> -> memref<80x8xf32, #tpu.memory_space<vmem>>
        tpu.vector_store_idx %scatter3A_686[%add3A_668, %add3A_15], %get3A_676 : memref<80x8xf32, #tpu.memory_space<vmem>>[vector<16xi32>, vector<16xi32>], vector<16xf32>,
        %add3A_687 = arith.constant 16 : i32
        %add3A_688 = vector.broadcast %add3A_687 : i32 to vector<16xi32>
        %add3A_689 = arith.addi %iota3A, %add3A_688 : vector<16xi32>
        %get3A_690 = arith.constant 6 : i32
        %get3A_691 = arith.index_cast %get3A_690 : i32 to index
        %get3A_692 = arith.constant 16 : index
        %get3A_693 = tpu.vector_load %arg8[%get3A_691, %get3A_692] {strides = array<i32>} : memref<8x80xf32, #tpu.memory_space<vmem>>, vector<16xf32>,
        %get3A_694 = arith.constant 6 : i32
        %get3A_695 = arith.index_cast %get3A_694 : i32 to index
        %get3A_696 = arith.constant 16 : index
        %get3A_697 = tpu.vector_load %arg9[%get3A_695, %get3A_696] {strides = array<i32>} : memref<8x80xf32, #tpu.memory_space<vmem>>, vector<16xf32>,
        %scatter3A_698 = arith.constant 6 : i32
        %scatter3A_699 = arith.constant 0 : i32
        %scatter3A_700 = arith.constant 0 : i32
        %scatter3A_701 = tpu.memref_slice %arg10[%scatter3A_698, %scatter3A_699, %scatter3A_700] : memref<8x80x8xf32, #tpu.memory_space<vmem>> -> memref<1x80x8xf32, #tpu.memory_space<vmem>>
        %scatter3A_702 = tpu.memref_squeeze %scatter3A_701 : memref<1x80x8xf32, #tpu.memory_space<vmem>> -> memref<80x8xf32, #tpu.memory_space<vmem>>
        tpu.vector_store_idx %scatter3A_702[%add3A_689, %broadcast_in_dim3A_12], %get3A_693 : memref<80x8xf32, #tpu.memory_space<vmem>>[vector<16xi32>, vector<16xi32>], vector<16xf32>,
        %scatter3A_703 = arith.constant 6 : i32
        %scatter3A_704 = arith.constant 0 : i32
        %scatter3A_705 = arith.constant 0 : i32
        %scatter3A_706 = tpu.memref_slice %arg10[%scatter3A_703, %scatter3A_704, %scatter3A_705] : memref<8x80x8xf32, #tpu.memory_space<vmem>> -> memref<1x80x8xf32, #tpu.memory_space<vmem>>
        %scatter3A_707 = tpu.memref_squeeze %scatter3A_706 : memref<1x80x8xf32, #tpu.memory_space<vmem>> -> memref<80x8xf32, #tpu.memory_space<vmem>>
        tpu.vector_store_idx %scatter3A_707[%add3A_689, %add3A_15], %get3A_697 : memref<80x8xf32, #tpu.memory_space<vmem>>[vector<16xi32>, vector<16xi32>], vector<16xf32>,
        %add3A_708 = arith.constant 32 : i32
        %add3A_709 = vector.broadcast %add3A_708 : i32 to vector<16xi32>
        %add3A_710 = arith.addi %iota3A, %add3A_709 : vector<16xi32>
        %get3A_711 = arith.constant 6 : i32
        %get3A_712 = arith.index_cast %get3A_711 : i32 to index
        %get3A_713 = arith.constant 32 : index
        %get3A_714 = tpu.vector_load %arg8[%get3A_712, %get3A_713] {strides = array<i32>} : memref<8x80xf32, #tpu.memory_space<vmem>>, vector<16xf32>,
        %get3A_715 = arith.constant 6 : i32
        %get3A_716 = arith.index_cast %get3A_715 : i32 to index
        %get3A_717 = arith.constant 32 : index
        %get3A_718 = tpu.vector_load %arg9[%get3A_716, %get3A_717] {strides = array<i32>} : memref<8x80xf32, #tpu.memory_space<vmem>>, vector<16xf32>,
        %scatter3A_719 = arith.constant 6 : i32
        %scatter3A_720 = arith.constant 0 : i32
        %scatter3A_721 = arith.constant 0 : i32
        %scatter3A_722 = tpu.memref_slice %arg10[%scatter3A_719, %scatter3A_720, %scatter3A_721] : memref<8x80x8xf32, #tpu.memory_space<vmem>> -> memref<1x80x8xf32, #tpu.memory_space<vmem>>
        %scatter3A_723 = tpu.memref_squeeze %scatter3A_722 : memref<1x80x8xf32, #tpu.memory_space<vmem>> -> memref<80x8xf32, #tpu.memory_space<vmem>>
        tpu.vector_store_idx %scatter3A_723[%add3A_710, %broadcast_in_dim3A_12], %get3A_714 : memref<80x8xf32, #tpu.memory_space<vmem>>[vector<16xi32>, vector<16xi32>], vector<16xf32>,
        %scatter3A_724 = arith.constant 6 : i32
        %scatter3A_725 = arith.constant 0 : i32
        %scatter3A_726 = arith.constant 0 : i32
        %scatter3A_727 = tpu.memref_slice %arg10[%scatter3A_724, %scatter3A_725, %scatter3A_726] : memref<8x80x8xf32, #tpu.memory_space<vmem>> -> memref<1x80x8xf32, #tpu.memory_space<vmem>>
        %scatter3A_728 = tpu.memref_squeeze %scatter3A_727 : memref<1x80x8xf32, #tpu.memory_space<vmem>> -> memref<80x8xf32, #tpu.memory_space<vmem>>
        tpu.vector_store_idx %scatter3A_728[%add3A_710, %add3A_15], %get3A_718 : memref<80x8xf32, #tpu.memory_space<vmem>>[vector<16xi32>, vector<16xi32>], vector<16xf32>,
        %add3A_729 = arith.constant 48 : i32
        %add3A_730 = vector.broadcast %add3A_729 : i32 to vector<16xi32>
        %add3A_731 = arith.addi %iota3A, %add3A_730 : vector<16xi32>
        %get3A_732 = arith.constant 6 : i32
        %get3A_733 = arith.index_cast %get3A_732 : i32 to index
        %get3A_734 = arith.constant 48 : index
        %get3A_735 = tpu.vector_load %arg8[%get3A_733, %get3A_734] {strides = array<i32>} : memref<8x80xf32, #tpu.memory_space<vmem>>, vector<16xf32>,
        %get3A_736 = arith.constant 6 : i32
        %get3A_737 = arith.index_cast %get3A_736 : i32 to index
        %get3A_738 = arith.constant 48 : index
        %get3A_739 = tpu.vector_load %arg9[%get3A_737, %get3A_738] {strides = array<i32>} : memref<8x80xf32, #tpu.memory_space<vmem>>, vector<16xf32>,
        %scatter3A_740 = arith.constant 6 : i32
        %scatter3A_741 = arith.constant 0 : i32
        %scatter3A_742 = arith.constant 0 : i32
        %scatter3A_743 = tpu.memref_slice %arg10[%scatter3A_740, %scatter3A_741, %scatter3A_742] : memref<8x80x8xf32, #tpu.memory_space<vmem>> -> memref<1x80x8xf32, #tpu.memory_space<vmem>>
        %scatter3A_744 = tpu.memref_squeeze %scatter3A_743 : memref<1x80x8xf32, #tpu.memory_space<vmem>> -> memref<80x8xf32, #tpu.memory_space<vmem>>
        tpu.vector_store_idx %scatter3A_744[%add3A_731, %broadcast_in_dim3A_12], %get3A_735 : memref<80x8xf32, #tpu.memory_space<vmem>>[vector<16xi32>, vector<16xi32>], vector<16xf32>,
        %scatter3A_745 = arith.constant 6 : i32
        %scatter3A_746 = arith.constant 0 : i32
        %scatter3A_747 = arith.constant 0 : i32
        %scatter3A_748 = tpu.memref_slice %arg10[%scatter3A_745, %scatter3A_746, %scatter3A_747] : memref<8x80x8xf32, #tpu.memory_space<vmem>> -> memref<1x80x8xf32, #tpu.memory_space<vmem>>
        %scatter3A_749 = tpu.memref_squeeze %scatter3A_748 : memref<1x80x8xf32, #tpu.memory_space<vmem>> -> memref<80x8xf32, #tpu.memory_space<vmem>>
        tpu.vector_store_idx %scatter3A_749[%add3A_731, %add3A_15], %get3A_739 : memref<80x8xf32, #tpu.memory_space<vmem>>[vector<16xi32>, vector<16xi32>], vector<16xf32>,
        %add3A_750 = arith.constant 64 : i32
        %add3A_751 = vector.broadcast %add3A_750 : i32 to vector<16xi32>
        %add3A_752 = arith.addi %iota3A, %add3A_751 : vector<16xi32>
        %get3A_753 = arith.constant 6 : i32
        %get3A_754 = arith.index_cast %get3A_753 : i32 to index
        %get3A_755 = arith.constant 64 : index
        %get3A_756 = tpu.vector_load %arg8[%get3A_754, %get3A_755] {strides = array<i32>} : memref<8x80xf32, #tpu.memory_space<vmem>>, vector<16xf32>,
        %get3A_757 = arith.constant 6 : i32
        %get3A_758 = arith.index_cast %get3A_757 : i32 to index
        %get3A_759 = arith.constant 64 : index
        %get3A_760 = tpu.vector_load %arg9[%get3A_758, %get3A_759] {strides = array<i32>} : memref<8x80xf32, #tpu.memory_space<vmem>>, vector<16xf32>,
        %scatter3A_761 = arith.constant 6 : i32
        %scatter3A_762 = arith.constant 0 : i32
        %scatter3A_763 = arith.constant 0 : i32
        %scatter3A_764 = tpu.memref_slice %arg10[%scatter3A_761, %scatter3A_762, %scatter3A_763] : memref<8x80x8xf32, #tpu.memory_space<vmem>> -> memref<1x80x8xf32, #tpu.memory_space<vmem>>
        %scatter3A_765 = tpu.memref_squeeze %scatter3A_764 : memref<1x80x8xf32, #tpu.memory_space<vmem>> -> memref<80x8xf32, #tpu.memory_space<vmem>>
        tpu.vector_store_idx %scatter3A_765[%add3A_752, %broadcast_in_dim3A_12], %get3A_756 : memref<80x8xf32, #tpu.memory_space<vmem>>[vector<16xi32>, vector<16xi32>], vector<16xf32>,
        %scatter3A_766 = arith.constant 6 : i32
        %scatter3A_767 = arith.constant 0 : i32
        %scatter3A_768 = arith.constant 0 : i32
        %scatter3A_769 = tpu.memref_slice %arg10[%scatter3A_766, %scatter3A_767, %scatter3A_768] : memref<8x80x8xf32, #tpu.memory_space<vmem>> -> memref<1x80x8xf32, #tpu.memory_space<vmem>>
        %scatter3A_770 = tpu.memref_squeeze %scatter3A_769 : memref<1x80x8xf32, #tpu.memory_space<vmem>> -> memref<80x8xf32, #tpu.memory_space<vmem>>
        tpu.vector_store_idx %scatter3A_770[%add3A_752, %add3A_15], %get3A_760 : memref<80x8xf32, #tpu.memory_space<vmem>>[vector<16xi32>, vector<16xi32>], vector<16xf32>,
        %add3A_771 = arith.constant 0 : i32
        %add3A_772 = vector.broadcast %add3A_771 : i32 to vector<16xi32>
        %add3A_773 = arith.addi %iota3A, %add3A_772 : vector<16xi32>
        %get3A_774 = arith.constant 7 : i32
        %get3A_775 = arith.index_cast %get3A_774 : i32 to index
        %get3A_776 = arith.constant 0 : index
        %get3A_777 = tpu.vector_load %arg8[%get3A_775, %get3A_776] {strides = array<i32>} : memref<8x80xf32, #tpu.memory_space<vmem>>, vector<16xf32>,
        %get3A_778 = arith.constant 7 : i32
        %get3A_779 = arith.index_cast %get3A_778 : i32 to index
        %get3A_780 = arith.constant 0 : index
        %get3A_781 = tpu.vector_load %arg9[%get3A_779, %get3A_780] {strides = array<i32>} : memref<8x80xf32, #tpu.memory_space<vmem>>, vector<16xf32>,
        %scatter3A_782 = arith.constant 7 : i32
        %scatter3A_783 = arith.constant 0 : i32
        %scatter3A_784 = arith.constant 0 : i32
        %scatter3A_785 = tpu.memref_slice %arg10[%scatter3A_782, %scatter3A_783, %scatter3A_784] : memref<8x80x8xf32, #tpu.memory_space<vmem>> -> memref<1x80x8xf32, #tpu.memory_space<vmem>>
        %scatter3A_786 = tpu.memref_squeeze %scatter3A_785 : memref<1x80x8xf32, #tpu.memory_space<vmem>> -> memref<80x8xf32, #tpu.memory_space<vmem>>
        tpu.vector_store_idx %scatter3A_786[%add3A_773, %broadcast_in_dim3A_12], %get3A_777 : memref<80x8xf32, #tpu.memory_space<vmem>>[vector<16xi32>, vector<16xi32>], vector<16xf32>,
        %scatter3A_787 = arith.constant 7 : i32
        %scatter3A_788 = arith.constant 0 : i32
        %scatter3A_789 = arith.constant 0 : i32
        %scatter3A_790 = tpu.memref_slice %arg10[%scatter3A_787, %scatter3A_788, %scatter3A_789] : memref<8x80x8xf32, #tpu.memory_space<vmem>> -> memref<1x80x8xf32, #tpu.memory_space<vmem>>
        %scatter3A_791 = tpu.memref_squeeze %scatter3A_790 : memref<1x80x8xf32, #tpu.memory_space<vmem>> -> memref<80x8xf32, #tpu.memory_space<vmem>>
        tpu.vector_store_idx %scatter3A_791[%add3A_773, %add3A_15], %get3A_781 : memref<80x8xf32, #tpu.memory_space<vmem>>[vector<16xi32>, vector<16xi32>], vector<16xf32>,
        %add3A_792 = arith.constant 16 : i32
        %add3A_793 = vector.broadcast %add3A_792 : i32 to vector<16xi32>
        %add3A_794 = arith.addi %iota3A, %add3A_793 : vector<16xi32>
        %get3A_795 = arith.constant 7 : i32
        %get3A_796 = arith.index_cast %get3A_795 : i32 to index
        %get3A_797 = arith.constant 16 : index
        %get3A_798 = tpu.vector_load %arg8[%get3A_796, %get3A_797] {strides = array<i32>} : memref<8x80xf32, #tpu.memory_space<vmem>>, vector<16xf32>,
        %get3A_799 = arith.constant 7 : i32
        %get3A_800 = arith.index_cast %get3A_799 : i32 to index
        %get3A_801 = arith.constant 16 : index
        %get3A_802 = tpu.vector_load %arg9[%get3A_800, %get3A_801] {strides = array<i32>} : memref<8x80xf32, #tpu.memory_space<vmem>>, vector<16xf32>,
        %scatter3A_803 = arith.constant 7 : i32
        %scatter3A_804 = arith.constant 0 : i32
        %scatter3A_805 = arith.constant 0 : i32
        %scatter3A_806 = tpu.memref_slice %arg10[%scatter3A_803, %scatter3A_804, %scatter3A_805] : memref<8x80x8xf32, #tpu.memory_space<vmem>> -> memref<1x80x8xf32, #tpu.memory_space<vmem>>
        %scatter3A_807 = tpu.memref_squeeze %scatter3A_806 : memref<1x80x8xf32, #tpu.memory_space<vmem>> -> memref<80x8xf32, #tpu.memory_space<vmem>>
        tpu.vector_store_idx %scatter3A_807[%add3A_794, %broadcast_in_dim3A_12], %get3A_798 : memref<80x8xf32, #tpu.memory_space<vmem>>[vector<16xi32>, vector<16xi32>], vector<16xf32>,
        %scatter3A_808 = arith.constant 7 : i32
        %scatter3A_809 = arith.constant 0 : i32
        %scatter3A_810 = arith.constant 0 : i32
        %scatter3A_811 = tpu.memref_slice %arg10[%scatter3A_808, %scatter3A_809, %scatter3A_810] : memref<8x80x8xf32, #tpu.memory_space<vmem>> -> memref<1x80x8xf32, #tpu.memory_space<vmem>>
        %scatter3A_812 = tpu.memref_squeeze %scatter3A_811 : memref<1x80x8xf32, #tpu.memory_space<vmem>> -> memref<80x8xf32, #tpu.memory_space<vmem>>
        tpu.vector_store_idx %scatter3A_812[%add3A_794, %add3A_15], %get3A_802 : memref<80x8xf32, #tpu.memory_space<vmem>>[vector<16xi32>, vector<16xi32>], vector<16xf32>,
        %add3A_813 = arith.constant 32 : i32
        %add3A_814 = vector.broadcast %add3A_813 : i32 to vector<16xi32>
        %add3A_815 = arith.addi %iota3A, %add3A_814 : vector<16xi32>
        %get3A_816 = arith.constant 7 : i32
        %get3A_817 = arith.index_cast %get3A_816 : i32 to index
        %get3A_818 = arith.constant 32 : index
        %get3A_819 = tpu.vector_load %arg8[%get3A_817, %get3A_818] {strides = array<i32>} : memref<8x80xf32, #tpu.memory_space<vmem>>, vector<16xf32>,
        %get3A_820 = arith.constant 7 : i32
        %get3A_821 = arith.index_cast %get3A_820 : i32 to index
        %get3A_822 = arith.constant 32 : index
        %get3A_823 = tpu.vector_load %arg9[%get3A_821, %get3A_822] {strides = array<i32>} : memref<8x80xf32, #tpu.memory_space<vmem>>, vector<16xf32>,
        %scatter3A_824 = arith.constant 7 : i32
        %scatter3A_825 = arith.constant 0 : i32
        %scatter3A_826 = arith.constant 0 : i32
        %scatter3A_827 = tpu.memref_slice %arg10[%scatter3A_824, %scatter3A_825, %scatter3A_826] : memref<8x80x8xf32, #tpu.memory_space<vmem>> -> memref<1x80x8xf32, #tpu.memory_space<vmem>>
        %scatter3A_828 = tpu.memref_squeeze %scatter3A_827 : memref<1x80x8xf32, #tpu.memory_space<vmem>> -> memref<80x8xf32, #tpu.memory_space<vmem>>
        tpu.vector_store_idx %scatter3A_828[%add3A_815, %broadcast_in_dim3A_12], %get3A_819 : memref<80x8xf32, #tpu.memory_space<vmem>>[vector<16xi32>, vector<16xi32>], vector<16xf32>,
        %scatter3A_829 = arith.constant 7 : i32
        %scatter3A_830 = arith.constant 0 : i32
        %scatter3A_831 = arith.constant 0 : i32
        %scatter3A_832 = tpu.memref_slice %arg10[%scatter3A_829, %scatter3A_830, %scatter3A_831] : memref<8x80x8xf32, #tpu.memory_space<vmem>> -> memref<1x80x8xf32, #tpu.memory_space<vmem>>
        %scatter3A_833 = tpu.memref_squeeze %scatter3A_832 : memref<1x80x8xf32, #tpu.memory_space<vmem>> -> memref<80x8xf32, #tpu.memory_space<vmem>>
        tpu.vector_store_idx %scatter3A_833[%add3A_815, %add3A_15], %get3A_823 : memref<80x8xf32, #tpu.memory_space<vmem>>[vector<16xi32>, vector<16xi32>], vector<16xf32>,
        %add3A_834 = arith.constant 48 : i32
        %add3A_835 = vector.broadcast %add3A_834 : i32 to vector<16xi32>
        %add3A_836 = arith.addi %iota3A, %add3A_835 : vector<16xi32>
        %get3A_837 = arith.constant 7 : i32
        %get3A_838 = arith.index_cast %get3A_837 : i32 to index
        %get3A_839 = arith.constant 48 : index
        %get3A_840 = tpu.vector_load %arg8[%get3A_838, %get3A_839] {strides = array<i32>} : memref<8x80xf32, #tpu.memory_space<vmem>>, vector<16xf32>,
        %get3A_841 = arith.constant 7 : i32
        %get3A_842 = arith.index_cast %get3A_841 : i32 to index
        %get3A_843 = arith.constant 48 : index
        %get3A_844 = tpu.vector_load %arg9[%get3A_842, %get3A_843] {strides = array<i32>} : memref<8x80xf32, #tpu.memory_space<vmem>>, vector<16xf32>,
        %scatter3A_845 = arith.constant 7 : i32
        %scatter3A_846 = arith.constant 0 : i32
        %scatter3A_847 = arith.constant 0 : i32
        %scatter3A_848 = tpu.memref_slice %arg10[%scatter3A_845, %scatter3A_846, %scatter3A_847] : memref<8x80x8xf32, #tpu.memory_space<vmem>> -> memref<1x80x8xf32, #tpu.memory_space<vmem>>
        %scatter3A_849 = tpu.memref_squeeze %scatter3A_848 : memref<1x80x8xf32, #tpu.memory_space<vmem>> -> memref<80x8xf32, #tpu.memory_space<vmem>>
        tpu.vector_store_idx %scatter3A_849[%add3A_836, %broadcast_in_dim3A_12], %get3A_840 : memref<80x8xf32, #tpu.memory_space<vmem>>[vector<16xi32>, vector<16xi32>], vector<16xf32>,
        %scatter3A_850 = arith.constant 7 : i32
        %scatter3A_851 = arith.constant 0 : i32
        %scatter3A_852 = arith.constant 0 : i32
        %scatter3A_853 = tpu.memref_slice %arg10[%scatter3A_850, %scatter3A_851, %scatter3A_852] : memref<8x80x8xf32, #tpu.memory_space<vmem>> -> memref<1x80x8xf32, #tpu.memory_space<vmem>>
        %scatter3A_854 = tpu.memref_squeeze %scatter3A_853 : memref<1x80x8xf32, #tpu.memory_space<vmem>> -> memref<80x8xf32, #tpu.memory_space<vmem>>
        tpu.vector_store_idx %scatter3A_854[%add3A_836, %add3A_15], %get3A_844 : memref<80x8xf32, #tpu.memory_space<vmem>>[vector<16xi32>, vector<16xi32>], vector<16xf32>,
        %add3A_855 = arith.constant 64 : i32
        %add3A_856 = vector.broadcast %add3A_855 : i32 to vector<16xi32>
        %add3A_857 = arith.addi %iota3A, %add3A_856 : vector<16xi32>
        %get3A_858 = arith.constant 7 : i32
        %get3A_859 = arith.index_cast %get3A_858 : i32 to index
        %get3A_860 = arith.constant 64 : index
        %get3A_861 = tpu.vector_load %arg8[%get3A_859, %get3A_860] {strides = array<i32>} : memref<8x80xf32, #tpu.memory_space<vmem>>, vector<16xf32>,
        %get3A_862 = arith.constant 7 : i32
        %get3A_863 = arith.index_cast %get3A_862 : i32 to index
        %get3A_864 = arith.constant 64 : index
        %get3A_865 = tpu.vector_load %arg9[%get3A_863, %get3A_864] {strides = array<i32>} : memref<8x80xf32, #tpu.memory_space<vmem>>, vector<16xf32>,
        %scatter3A_866 = arith.constant 7 : i32
        %scatter3A_867 = arith.constant 0 : i32
        %scatter3A_868 = arith.constant 0 : i32
        %scatter3A_869 = tpu.memref_slice %arg10[%scatter3A_866, %scatter3A_867, %scatter3A_868] : memref<8x80x8xf32, #tpu.memory_space<vmem>> -> memref<1x80x8xf32, #tpu.memory_space<vmem>>
        %scatter3A_870 = tpu.memref_squeeze %scatter3A_869 : memref<1x80x8xf32, #tpu.memory_space<vmem>> -> memref<80x8xf32, #tpu.memory_space<vmem>>
        tpu.vector_store_idx %scatter3A_870[%add3A_857, %broadcast_in_dim3A_12], %get3A_861 : memref<80x8xf32, #tpu.memory_space<vmem>>[vector<16xi32>, vector<16xi32>], vector<16xf32>,
        %scatter3A_871 = arith.constant 7 : i32
        %scatter3A_872 = arith.constant 0 : i32
        %scatter3A_873 = arith.constant 0 : i32
        %scatter3A_874 = tpu.memref_slice %arg10[%scatter3A_871, %scatter3A_872, %scatter3A_873] : memref<8x80x8xf32, #tpu.memory_space<vmem>> -> memref<1x80x8xf32, #tpu.memory_space<vmem>>
        %scatter3A_875 = tpu.memref_squeeze %scatter3A_874 : memref<1x80x8xf32, #tpu.memory_space<vmem>> -> memref<80x8xf32, #tpu.memory_space<vmem>>
        tpu.vector_store_idx %scatter3A_875[%add3A_857, %add3A_15], %get3A_865 : memref<80x8xf32, #tpu.memory_space<vmem>>[vector<16xi32>, vector<16xi32>], vector<16xf32>,
        %dma_start3A = arith.constant 0 : i32
        %dma_start3A_876 = arith.constant 0 : i32
        %dma_start3A_877 = arith.constant 0 : i32
        %dma_start3A_878 = arith.constant 0 : i32
        %dma_start3A_879 = tpu.memref_slice %arg10[%dma_start3A, %dma_start3A_877, %dma_start3A_878] : memref<8x80x8xf32, #tpu.memory_space<vmem>> -> memref<1x80x8xf32, #tpu.memory_space<vmem>>
        %dma_start3A_880 = tpu.memref_squeeze %dma_start3A_879 : memref<1x80x8xf32, #tpu.memory_space<vmem>> -> memref<80x8xf32, #tpu.memory_space<vmem>>
        %dma_start3A_881 = arith.constant 0 : i32
        %dma_start3A_882 = tpu.memref_slice %arg7[%dma_start3A_876, %dma_start3A_881] : memref<8x80xi32, #tpu.memory_space<vmem>> -> memref<1x80xi32, #tpu.memory_space<vmem>>
        %dma_start3A_883 = tpu.memref_squeeze %dma_start3A_882 : memref<1x80xi32, #tpu.memory_space<vmem>> -> memref<80xi32, #tpu.memory_space<vmem>>
        %dma_start3A_884 = arith.constant 0 : i32
        %dma_start3A_885 = arith.constant 0 : i32
        %dma_start3A_886 = tpu.memref_slice %arg12[%dma_start3A_884, %dma_start3A_885] : memref<50176x8xf32, #tpu.memory_space<vmem_shared>> -> memref<50176x8xf32, #tpu.memory_space<vmem_shared>>
        tpu.enqueue_indirect_dma source(%dma_start3A_880 : memref<80x8xf32, #tpu.memory_space<vmem>>) target(%dma_start3A_886 : memref<50176x8xf32, #tpu.memory_space<vmem_shared>>) offsets(%dma_start3A_883 : memref<80xi32, #tpu.memory_space<vmem>>) semaphore(%arg13 : memref<!tpu.dma_semaphore, #tpu.memory_space<semaphore_mem>>) {add = true}
        %dma_start3A_887 = arith.constant 1 : i32
        %dma_start3A_888 = arith.constant 1 : i32
        %dma_start3A_889 = arith.constant 0 : i32
        %dma_start3A_890 = arith.constant 0 : i32
        %dma_start3A_891 = tpu.memref_slice %arg10[%dma_start3A_887, %dma_start3A_889, %dma_start3A_890] : memref<8x80x8xf32, #tpu.memory_space<vmem>> -> memref<1x80x8xf32, #tpu.memory_space<vmem>>
        %dma_start3A_892 = tpu.memref_squeeze %dma_start3A_891 : memref<1x80x8xf32, #tpu.memory_space<vmem>> -> memref<80x8xf32, #tpu.memory_space<vmem>>
        %dma_start3A_893 = arith.constant 0 : i32
        %dma_start3A_894 = tpu.memref_slice %arg7[%dma_start3A_888, %dma_start3A_893] : memref<8x80xi32, #tpu.memory_space<vmem>> -> memref<1x80xi32, #tpu.memory_space<vmem>>
        %dma_start3A_895 = tpu.memref_squeeze %dma_start3A_894 : memref<1x80xi32, #tpu.memory_space<vmem>> -> memref<80xi32, #tpu.memory_space<vmem>>
        %dma_start3A_896 = arith.constant 0 : i32
        %dma_start3A_897 = arith.constant 0 : i32
        %dma_start3A_898 = tpu.memref_slice %arg12[%dma_start3A_896, %dma_start3A_897] : memref<50176x8xf32, #tpu.memory_space<vmem_shared>> -> memref<50176x8xf32, #tpu.memory_space<vmem_shared>>
        tpu.enqueue_indirect_dma source(%dma_start3A_892 : memref<80x8xf32, #tpu.memory_space<vmem>>) target(%dma_start3A_898 : memref<50176x8xf32, #tpu.memory_space<vmem_shared>>) offsets(%dma_start3A_895 : memref<80xi32, #tpu.memory_space<vmem>>) semaphore(%arg13 : memref<!tpu.dma_semaphore, #tpu.memory_space<semaphore_mem>>) {add = true}
        %dma_start3A_899 = arith.constant 2 : i32
        %dma_start3A_900 = arith.constant 2 : i32
        %dma_start3A_901 = arith.constant 0 : i32
        %dma_start3A_902 = arith.constant 0 : i32
        %dma_start3A_903 = tpu.memref_slice %arg10[%dma_start3A_899, %dma_start3A_901, %dma_start3A_902] : memref<8x80x8xf32, #tpu.memory_space<vmem>> -> memref<1x80x8xf32, #tpu.memory_space<vmem>>
        %dma_start3A_904 = tpu.memref_squeeze %dma_start3A_903 : memref<1x80x8xf32, #tpu.memory_space<vmem>> -> memref<80x8xf32, #tpu.memory_space<vmem>>
        %dma_start3A_905 = arith.constant 0 : i32
        %dma_start3A_906 = tpu.memref_slice %arg7[%dma_start3A_900, %dma_start3A_905] : memref<8x80xi32, #tpu.memory_space<vmem>> -> memref<1x80xi32, #tpu.memory_space<vmem>>
        %dma_start3A_907 = tpu.memref_squeeze %dma_start3A_906 : memref<1x80xi32, #tpu.memory_space<vmem>> -> memref<80xi32, #tpu.memory_space<vmem>>
        %dma_start3A_908 = arith.constant 0 : i32
        %dma_start3A_909 = arith.constant 0 : i32
        %dma_start3A_910 = tpu.memref_slice %arg12[%dma_start3A_908, %dma_start3A_909] : memref<50176x8xf32, #tpu.memory_space<vmem_shared>> -> memref<50176x8xf32, #tpu.memory_space<vmem_shared>>
        tpu.enqueue_indirect_dma source(%dma_start3A_904 : memref<80x8xf32, #tpu.memory_space<vmem>>) target(%dma_start3A_910 : memref<50176x8xf32, #tpu.memory_space<vmem_shared>>) offsets(%dma_start3A_907 : memref<80xi32, #tpu.memory_space<vmem>>) semaphore(%arg13 : memref<!tpu.dma_semaphore, #tpu.memory_space<semaphore_mem>>) {add = true}
        %dma_start3A_911 = arith.constant 3 : i32
        %dma_start3A_912 = arith.constant 3 : i32
        %dma_start3A_913 = arith.constant 0 : i32
        %dma_start3A_914 = arith.constant 0 : i32
        %dma_start3A_915 = tpu.memref_slice %arg10[%dma_start3A_911, %dma_start3A_913, %dma_start3A_914] : memref<8x80x8xf32, #tpu.memory_space<vmem>> -> memref<1x80x8xf32, #tpu.memory_space<vmem>>
        %dma_start3A_916 = tpu.memref_squeeze %dma_start3A_915 : memref<1x80x8xf32, #tpu.memory_space<vmem>> -> memref<80x8xf32, #tpu.memory_space<vmem>>
        %dma_start3A_917 = arith.constant 0 : i32
        %dma_start3A_918 = tpu.memref_slice %arg7[%dma_start3A_912, %dma_start3A_917] : memref<8x80xi32, #tpu.memory_space<vmem>> -> memref<1x80xi32, #tpu.memory_space<vmem>>
        %dma_start3A_919 = tpu.memref_squeeze %dma_start3A_918 : memref<1x80xi32, #tpu.memory_space<vmem>> -> memref<80xi32, #tpu.memory_space<vmem>>
        %dma_start3A_920 = arith.constant 0 : i32
        %dma_start3A_921 = arith.constant 0 : i32
        %dma_start3A_922 = tpu.memref_slice %arg12[%dma_start3A_920, %dma_start3A_921] : memref<50176x8xf32, #tpu.memory_space<vmem_shared>> -> memref<50176x8xf32, #tpu.memory_space<vmem_shared>>
        tpu.enqueue_indirect_dma source(%dma_start3A_916 : memref<80x8xf32, #tpu.memory_space<vmem>>) target(%dma_start3A_922 : memref<50176x8xf32, #tpu.memory_space<vmem_shared>>) offsets(%dma_start3A_919 : memref<80xi32, #tpu.memory_space<vmem>>) semaphore(%arg13 : memref<!tpu.dma_semaphore, #tpu.memory_space<semaphore_mem>>) {add = true}
        %dma_start3A_923 = arith.constant 4 : i32
        %dma_start3A_924 = arith.constant 4 : i32
        %dma_start3A_925 = arith.constant 0 : i32
        %dma_start3A_926 = arith.constant 0 : i32
        %dma_start3A_927 = tpu.memref_slice %arg10[%dma_start3A_923, %dma_start3A_925, %dma_start3A_926] : memref<8x80x8xf32, #tpu.memory_space<vmem>> -> memref<1x80x8xf32, #tpu.memory_space<vmem>>
        %dma_start3A_928 = tpu.memref_squeeze %dma_start3A_927 : memref<1x80x8xf32, #tpu.memory_space<vmem>> -> memref<80x8xf32, #tpu.memory_space<vmem>>
        %dma_start3A_929 = arith.constant 0 : i32
        %dma_start3A_930 = tpu.memref_slice %arg7[%dma_start3A_924, %dma_start3A_929] : memref<8x80xi32, #tpu.memory_space<vmem>> -> memref<1x80xi32, #tpu.memory_space<vmem>>
        %dma_start3A_931 = tpu.memref_squeeze %dma_start3A_930 : memref<1x80xi32, #tpu.memory_space<vmem>> -> memref<80xi32, #tpu.memory_space<vmem>>
        %dma_start3A_932 = arith.constant 0 : i32
        %dma_start3A_933 = arith.constant 0 : i32
        %dma_start3A_934 = tpu.memref_slice %arg12[%dma_start3A_932, %dma_start3A_933] : memref<50176x8xf32, #tpu.memory_space<vmem_shared>> -> memref<50176x8xf32, #tpu.memory_space<vmem_shared>>
        tpu.enqueue_indirect_dma source(%dma_start3A_928 : memref<80x8xf32, #tpu.memory_space<vmem>>) target(%dma_start3A_934 : memref<50176x8xf32, #tpu.memory_space<vmem_shared>>) offsets(%dma_start3A_931 : memref<80xi32, #tpu.memory_space<vmem>>) semaphore(%arg13 : memref<!tpu.dma_semaphore, #tpu.memory_space<semaphore_mem>>) {add = true}
        %dma_start3A_935 = arith.constant 5 : i32
        %dma_start3A_936 = arith.constant 5 : i32
        %dma_start3A_937 = arith.constant 0 : i32
        %dma_start3A_938 = arith.constant 0 : i32
        %dma_start3A_939 = tpu.memref_slice %arg10[%dma_start3A_935, %dma_start3A_937, %dma_start3A_938] : memref<8x80x8xf32, #tpu.memory_space<vmem>> -> memref<1x80x8xf32, #tpu.memory_space<vmem>>
        %dma_start3A_940 = tpu.memref_squeeze %dma_start3A_939 : memref<1x80x8xf32, #tpu.memory_space<vmem>> -> memref<80x8xf32, #tpu.memory_space<vmem>>
        %dma_start3A_941 = arith.constant 0 : i32
        %dma_start3A_942 = tpu.memref_slice %arg7[%dma_start3A_936, %dma_start3A_941] : memref<8x80xi32, #tpu.memory_space<vmem>> -> memref<1x80xi32, #tpu.memory_space<vmem>>
        %dma_start3A_943 = tpu.memref_squeeze %dma_start3A_942 : memref<1x80xi32, #tpu.memory_space<vmem>> -> memref<80xi32, #tpu.memory_space<vmem>>
        %dma_start3A_944 = arith.constant 0 : i32
        %dma_start3A_945 = arith.constant 0 : i32
        %dma_start3A_946 = tpu.memref_slice %arg12[%dma_start3A_944, %dma_start3A_945] : memref<50176x8xf32, #tpu.memory_space<vmem_shared>> -> memref<50176x8xf32, #tpu.memory_space<vmem_shared>>
        tpu.enqueue_indirect_dma source(%dma_start3A_940 : memref<80x8xf32, #tpu.memory_space<vmem>>) target(%dma_start3A_946 : memref<50176x8xf32, #tpu.memory_space<vmem_shared>>) offsets(%dma_start3A_943 : memref<80xi32, #tpu.memory_space<vmem>>) semaphore(%arg13 : memref<!tpu.dma_semaphore, #tpu.memory_space<semaphore_mem>>) {add = true}
        %dma_start3A_947 = arith.constant 6 : i32
        %dma_start3A_948 = arith.constant 6 : i32
        %dma_start3A_949 = arith.constant 0 : i32
        %dma_start3A_950 = arith.constant 0 : i32
        %dma_start3A_951 = tpu.memref_slice %arg10[%dma_start3A_947, %dma_start3A_949, %dma_start3A_950] : memref<8x80x8xf32, #tpu.memory_space<vmem>> -> memref<1x80x8xf32, #tpu.memory_space<vmem>>
        %dma_start3A_952 = tpu.memref_squeeze %dma_start3A_951 : memref<1x80x8xf32, #tpu.memory_space<vmem>> -> memref<80x8xf32, #tpu.memory_space<vmem>>
        %dma_start3A_953 = arith.constant 0 : i32
        %dma_start3A_954 = tpu.memref_slice %arg7[%dma_start3A_948, %dma_start3A_953] : memref<8x80xi32, #tpu.memory_space<vmem>> -> memref<1x80xi32, #tpu.memory_space<vmem>>
        %dma_start3A_955 = tpu.memref_squeeze %dma_start3A_954 : memref<1x80xi32, #tpu.memory_space<vmem>> -> memref<80xi32, #tpu.memory_space<vmem>>
        %dma_start3A_956 = arith.constant 0 : i32
        %dma_start3A_957 = arith.constant 0 : i32
        %dma_start3A_958 = tpu.memref_slice %arg12[%dma_start3A_956, %dma_start3A_957] : memref<50176x8xf32, #tpu.memory_space<vmem_shared>> -> memref<50176x8xf32, #tpu.memory_space<vmem_shared>>
        tpu.enqueue_indirect_dma source(%dma_start3A_952 : memref<80x8xf32, #tpu.memory_space<vmem>>) target(%dma_start3A_958 : memref<50176x8xf32, #tpu.memory_space<vmem_shared>>) offsets(%dma_start3A_955 : memref<80xi32, #tpu.memory_space<vmem>>) semaphore(%arg13 : memref<!tpu.dma_semaphore, #tpu.memory_space<semaphore_mem>>) {add = true}
        %dma_start3A_959 = arith.constant 7 : i32
        %dma_start3A_960 = arith.constant 7 : i32
        %dma_start3A_961 = arith.constant 0 : i32
        %dma_start3A_962 = arith.constant 0 : i32
        %dma_start3A_963 = tpu.memref_slice %arg10[%dma_start3A_959, %dma_start3A_961, %dma_start3A_962] : memref<8x80x8xf32, #tpu.memory_space<vmem>> -> memref<1x80x8xf32, #tpu.memory_space<vmem>>
        %dma_start3A_964 = tpu.memref_squeeze %dma_start3A_963 : memref<1x80x8xf32, #tpu.memory_space<vmem>> -> memref<80x8xf32, #tpu.memory_space<vmem>>
        %dma_start3A_965 = arith.constant 0 : i32
        %dma_start3A_966 = tpu.memref_slice %arg7[%dma_start3A_960, %dma_start3A_965] : memref<8x80xi32, #tpu.memory_space<vmem>> -> memref<1x80xi32, #tpu.memory_space<vmem>>
        %dma_start3A_967 = tpu.memref_squeeze %dma_start3A_966 : memref<1x80xi32, #tpu.memory_space<vmem>> -> memref<80xi32, #tpu.memory_space<vmem>>
        %dma_start3A_968 = arith.constant 0 : i32
        %dma_start3A_969 = arith.constant 0 : i32
        %dma_start3A_970 = tpu.memref_slice %arg12[%dma_start3A_968, %dma_start3A_969] : memref<50176x8xf32, #tpu.memory_space<vmem_shared>> -> memref<50176x8xf32, #tpu.memory_space<vmem_shared>>
        tpu.enqueue_indirect_dma source(%dma_start3A_964 : memref<80x8xf32, #tpu.memory_space<vmem>>) target(%dma_start3A_970 : memref<50176x8xf32, #tpu.memory_space<vmem_shared>>) offsets(%dma_start3A_967 : memref<80xi32, #tpu.memory_space<vmem>>) semaphore(%arg13 : memref<!tpu.dma_semaphore, #tpu.memory_space<semaphore_mem>>) {add = true}
        %dma_wait3A = arith.constant 0 : i32
        %dma_wait3A_971 = arith.constant 0 : i32
        %dma_wait3A_972 = arith.constant 0 : i32
        %dma_wait3A_973 = arith.constant 0 : i32
        %dma_wait3A_974 = tpu.memref_slice %arg10[%dma_wait3A, %dma_wait3A_972, %dma_wait3A_973] : memref<8x80x8xf32, #tpu.memory_space<vmem>> -> memref<1x80x8xf32, #tpu.memory_space<vmem>>
        %dma_wait3A_975 = tpu.memref_squeeze %dma_wait3A_974 : memref<1x80x8xf32, #tpu.memory_space<vmem>> -> memref<80x8xf32, #tpu.memory_space<vmem>>
        %dma_wait3A_976 = arith.constant 0 : i32
        %dma_wait3A_977 = tpu.memref_slice %arg7[%dma_wait3A_971, %dma_wait3A_976] : memref<8x80xi32, #tpu.memory_space<vmem>> -> memref<1x80xi32, #tpu.memory_space<vmem>>
        %dma_wait3A_978 = tpu.memref_squeeze %dma_wait3A_977 : memref<1x80xi32, #tpu.memory_space<vmem>> -> memref<80xi32, #tpu.memory_space<vmem>>
        %dma_wait3A_979 = arith.constant 0 : i32
        %dma_wait3A_980 = arith.constant 0 : i32
        %dma_wait3A_981 = tpu.memref_slice %arg12[%dma_wait3A_979, %dma_wait3A_980] : memref<50176x8xf32, #tpu.memory_space<vmem_shared>> -> memref<50176x8xf32, #tpu.memory_space<vmem_shared>>
        tpu.wait_indirect_dma semaphore(%arg13 : memref<!tpu.dma_semaphore, #tpu.memory_space<semaphore_mem>>) src(%dma_wait3A_975 : memref<80x8xf32, #tpu.memory_space<vmem>>) dst(%dma_wait3A_981 : memref<50176x8xf32, #tpu.memory_space<vmem_shared>>)
        %dma_wait3A_982 = arith.constant 1 : i32
        %dma_wait3A_983 = arith.constant 1 : i32
        %dma_wait3A_984 = arith.constant 0 : i32
        %dma_wait3A_985 = arith.constant 0 : i32
        %dma_wait3A_986 = tpu.memref_slice %arg10[%dma_wait3A_982, %dma_wait3A_984, %dma_wait3A_985] : memref<8x80x8xf32, #tpu.memory_space<vmem>> -> memref<1x80x8xf32, #tpu.memory_space<vmem>>
        %dma_wait3A_987 = tpu.memref_squeeze %dma_wait3A_986 : memref<1x80x8xf32, #tpu.memory_space<vmem>> -> memref<80x8xf32, #tpu.memory_space<vmem>>
        %dma_wait3A_988 = arith.constant 0 : i32
        %dma_wait3A_989 = tpu.memref_slice %arg7[%dma_wait3A_983, %dma_wait3A_988] : memref<8x80xi32, #tpu.memory_space<vmem>> -> memref<1x80xi32, #tpu.memory_space<vmem>>
        %dma_wait3A_990 = tpu.memref_squeeze %dma_wait3A_989 : memref<1x80xi32, #tpu.memory_space<vmem>> -> memref<80xi32, #tpu.memory_space<vmem>>
        %dma_wait3A_991 = arith.constant 0 : i32
        %dma_wait3A_992 = arith.constant 0 : i32
        %dma_wait3A_993 = tpu.memref_slice %arg12[%dma_wait3A_991, %dma_wait3A_992] : memref<50176x8xf32, #tpu.memory_space<vmem_shared>> -> memref<50176x8xf32, #tpu.memory_space<vmem_shared>>
        tpu.wait_indirect_dma semaphore(%arg13 : memref<!tpu.dma_semaphore, #tpu.memory_space<semaphore_mem>>) src(%dma_wait3A_987 : memref<80x8xf32, #tpu.memory_space<vmem>>) dst(%dma_wait3A_993 : memref<50176x8xf32, #tpu.memory_space<vmem_shared>>)
        %dma_wait3A_994 = arith.constant 2 : i32
        %dma_wait3A_995 = arith.constant 2 : i32
        %dma_wait3A_996 = arith.constant 0 : i32
        %dma_wait3A_997 = arith.constant 0 : i32
        %dma_wait3A_998 = tpu.memref_slice %arg10[%dma_wait3A_994, %dma_wait3A_996, %dma_wait3A_997] : memref<8x80x8xf32, #tpu.memory_space<vmem>> -> memref<1x80x8xf32, #tpu.memory_space<vmem>>
        %dma_wait3A_999 = tpu.memref_squeeze %dma_wait3A_998 : memref<1x80x8xf32, #tpu.memory_space<vmem>> -> memref<80x8xf32, #tpu.memory_space<vmem>>
        %dma_wait3A_1000 = arith.constant 0 : i32
        %dma_wait3A_1001 = tpu.memref_slice %arg7[%dma_wait3A_995, %dma_wait3A_1000] : memref<8x80xi32, #tpu.memory_space<vmem>> -> memref<1x80xi32, #tpu.memory_space<vmem>>
        %dma_wait3A_1002 = tpu.memref_squeeze %dma_wait3A_1001 : memref<1x80xi32, #tpu.memory_space<vmem>> -> memref<80xi32, #tpu.memory_space<vmem>>
        %dma_wait3A_1003 = arith.constant 0 : i32
        %dma_wait3A_1004 = arith.constant 0 : i32
        %dma_wait3A_1005 = tpu.memref_slice %arg12[%dma_wait3A_1003, %dma_wait3A_1004] : memref<50176x8xf32, #tpu.memory_space<vmem_shared>> -> memref<50176x8xf32, #tpu.memory_space<vmem_shared>>
        tpu.wait_indirect_dma semaphore(%arg13 : memref<!tpu.dma_semaphore, #tpu.memory_space<semaphore_mem>>) src(%dma_wait3A_999 : memref<80x8xf32, #tpu.memory_space<vmem>>) dst(%dma_wait3A_1005 : memref<50176x8xf32, #tpu.memory_space<vmem_shared>>)
        %dma_wait3A_1006 = arith.constant 3 : i32
        %dma_wait3A_1007 = arith.constant 3 : i32
        %dma_wait3A_1008 = arith.constant 0 : i32
        %dma_wait3A_1009 = arith.constant 0 : i32
        %dma_wait3A_1010 = tpu.memref_slice %arg10[%dma_wait3A_1006, %dma_wait3A_1008, %dma_wait3A_1009] : memref<8x80x8xf32, #tpu.memory_space<vmem>> -> memref<1x80x8xf32, #tpu.memory_space<vmem>>
        %dma_wait3A_1011 = tpu.memref_squeeze %dma_wait3A_1010 : memref<1x80x8xf32, #tpu.memory_space<vmem>> -> memref<80x8xf32, #tpu.memory_space<vmem>>
        %dma_wait3A_1012 = arith.constant 0 : i32
        %dma_wait3A_1013 = tpu.memref_slice %arg7[%dma_wait3A_1007, %dma_wait3A_1012] : memref<8x80xi32, #tpu.memory_space<vmem>> -> memref<1x80xi32, #tpu.memory_space<vmem>>
        %dma_wait3A_1014 = tpu.memref_squeeze %dma_wait3A_1013 : memref<1x80xi32, #tpu.memory_space<vmem>> -> memref<80xi32, #tpu.memory_space<vmem>>
        %dma_wait3A_1015 = arith.constant 0 : i32
        %dma_wait3A_1016 = arith.constant 0 : i32
        %dma_wait3A_1017 = tpu.memref_slice %arg12[%dma_wait3A_1015, %dma_wait3A_1016] : memref<50176x8xf32, #tpu.memory_space<vmem_shared>> -> memref<50176x8xf32, #tpu.memory_space<vmem_shared>>
        tpu.wait_indirect_dma semaphore(%arg13 : memref<!tpu.dma_semaphore, #tpu.memory_space<semaphore_mem>>) src(%dma_wait3A_1011 : memref<80x8xf32, #tpu.memory_space<vmem>>) dst(%dma_wait3A_1017 : memref<50176x8xf32, #tpu.memory_space<vmem_shared>>)
        %dma_wait3A_1018 = arith.constant 4 : i32
        %dma_wait3A_1019 = arith.constant 4 : i32
        %dma_wait3A_1020 = arith.constant 0 : i32
        %dma_wait3A_1021 = arith.constant 0 : i32
        %dma_wait3A_1022 = tpu.memref_slice %arg10[%dma_wait3A_1018, %dma_wait3A_1020, %dma_wait3A_1021] : memref<8x80x8xf32, #tpu.memory_space<vmem>> -> memref<1x80x8xf32, #tpu.memory_space<vmem>>
        %dma_wait3A_1023 = tpu.memref_squeeze %dma_wait3A_1022 : memref<1x80x8xf32, #tpu.memory_space<vmem>> -> memref<80x8xf32, #tpu.memory_space<vmem>>
        %dma_wait3A_1024 = arith.constant 0 : i32
        %dma_wait3A_1025 = tpu.memref_slice %arg7[%dma_wait3A_1019, %dma_wait3A_1024] : memref<8x80xi32, #tpu.memory_space<vmem>> -> memref<1x80xi32, #tpu.memory_space<vmem>>
        %dma_wait3A_1026 = tpu.memref_squeeze %dma_wait3A_1025 : memref<1x80xi32, #tpu.memory_space<vmem>> -> memref<80xi32, #tpu.memory_space<vmem>>
        %dma_wait3A_1027 = arith.constant 0 : i32
        %dma_wait3A_1028 = arith.constant 0 : i32
        %dma_wait3A_1029 = tpu.memref_slice %arg12[%dma_wait3A_1027, %dma_wait3A_1028] : memref<50176x8xf32, #tpu.memory_space<vmem_shared>> -> memref<50176x8xf32, #tpu.memory_space<vmem_shared>>
        tpu.wait_indirect_dma semaphore(%arg13 : memref<!tpu.dma_semaphore, #tpu.memory_space<semaphore_mem>>) src(%dma_wait3A_1023 : memref<80x8xf32, #tpu.memory_space<vmem>>) dst(%dma_wait3A_1029 : memref<50176x8xf32, #tpu.memory_space<vmem_shared>>)
        %dma_wait3A_1030 = arith.constant 5 : i32
        %dma_wait3A_1031 = arith.constant 5 : i32
        %dma_wait3A_1032 = arith.constant 0 : i32
        %dma_wait3A_1033 = arith.constant 0 : i32
        %dma_wait3A_1034 = tpu.memref_slice %arg10[%dma_wait3A_1030, %dma_wait3A_1032, %dma_wait3A_1033] : memref<8x80x8xf32, #tpu.memory_space<vmem>> -> memref<1x80x8xf32, #tpu.memory_space<vmem>>
        %dma_wait3A_1035 = tpu.memref_squeeze %dma_wait3A_1034 : memref<1x80x8xf32, #tpu.memory_space<vmem>> -> memref<80x8xf32, #tpu.memory_space<vmem>>
        %dma_wait3A_1036 = arith.constant 0 : i32
        %dma_wait3A_1037 = tpu.memref_slice %arg7[%dma_wait3A_1031, %dma_wait3A_1036] : memref<8x80xi32, #tpu.memory_space<vmem>> -> memref<1x80xi32, #tpu.memory_space<vmem>>
        %dma_wait3A_1038 = tpu.memref_squeeze %dma_wait3A_1037 : memref<1x80xi32, #tpu.memory_space<vmem>> -> memref<80xi32, #tpu.memory_space<vmem>>
        %dma_wait3A_1039 = arith.constant 0 : i32
        %dma_wait3A_1040 = arith.constant 0 : i32
        %dma_wait3A_1041 = tpu.memref_slice %arg12[%dma_wait3A_1039, %dma_wait3A_1040] : memref<50176x8xf32, #tpu.memory_space<vmem_shared>> -> memref<50176x8xf32, #tpu.memory_space<vmem_shared>>
        tpu.wait_indirect_dma semaphore(%arg13 : memref<!tpu.dma_semaphore, #tpu.memory_space<semaphore_mem>>) src(%dma_wait3A_1035 : memref<80x8xf32, #tpu.memory_space<vmem>>) dst(%dma_wait3A_1041 : memref<50176x8xf32, #tpu.memory_space<vmem_shared>>)
        %dma_wait3A_1042 = arith.constant 6 : i32
        %dma_wait3A_1043 = arith.constant 6 : i32
        %dma_wait3A_1044 = arith.constant 0 : i32
        %dma_wait3A_1045 = arith.constant 0 : i32
        %dma_wait3A_1046 = tpu.memref_slice %arg10[%dma_wait3A_1042, %dma_wait3A_1044, %dma_wait3A_1045] : memref<8x80x8xf32, #tpu.memory_space<vmem>> -> memref<1x80x8xf32, #tpu.memory_space<vmem>>
        %dma_wait3A_1047 = tpu.memref_squeeze %dma_wait3A_1046 : memref<1x80x8xf32, #tpu.memory_space<vmem>> -> memref<80x8xf32, #tpu.memory_space<vmem>>
        %dma_wait3A_1048 = arith.constant 0 : i32
        %dma_wait3A_1049 = tpu.memref_slice %arg7[%dma_wait3A_1043, %dma_wait3A_1048] : memref<8x80xi32, #tpu.memory_space<vmem>> -> memref<1x80xi32, #tpu.memory_space<vmem>>
        %dma_wait3A_1050 = tpu.memref_squeeze %dma_wait3A_1049 : memref<1x80xi32, #tpu.memory_space<vmem>> -> memref<80xi32, #tpu.memory_space<vmem>>
        %dma_wait3A_1051 = arith.constant 0 : i32
        %dma_wait3A_1052 = arith.constant 0 : i32
        %dma_wait3A_1053 = tpu.memref_slice %arg12[%dma_wait3A_1051, %dma_wait3A_1052] : memref<50176x8xf32, #tpu.memory_space<vmem_shared>> -> memref<50176x8xf32, #tpu.memory_space<vmem_shared>>
        tpu.wait_indirect_dma semaphore(%arg13 : memref<!tpu.dma_semaphore, #tpu.memory_space<semaphore_mem>>) src(%dma_wait3A_1047 : memref<80x8xf32, #tpu.memory_space<vmem>>) dst(%dma_wait3A_1053 : memref<50176x8xf32, #tpu.memory_space<vmem_shared>>)
        %dma_wait3A_1054 = arith.constant 7 : i32
        %dma_wait3A_1055 = arith.constant 7 : i32
        %dma_wait3A_1056 = arith.constant 0 : i32
        %dma_wait3A_1057 = arith.constant 0 : i32
        %dma_wait3A_1058 = tpu.memref_slice %arg10[%dma_wait3A_1054, %dma_wait3A_1056, %dma_wait3A_1057] : memref<8x80x8xf32, #tpu.memory_space<vmem>> -> memref<1x80x8xf32, #tpu.memory_space<vmem>>
        %dma_wait3A_1059 = tpu.memref_squeeze %dma_wait3A_1058 : memref<1x80x8xf32, #tpu.memory_space<vmem>> -> memref<80x8xf32, #tpu.memory_space<vmem>>
        %dma_wait3A_1060 = arith.constant 0 : i32
        %dma_wait3A_1061 = tpu.memref_slice %arg7[%dma_wait3A_1055, %dma_wait3A_1060] : memref<8x80xi32, #tpu.memory_space<vmem>> -> memref<1x80xi32, #tpu.memory_space<vmem>>
        %dma_wait3A_1062 = tpu.memref_squeeze %dma_wait3A_1061 : memref<1x80xi32, #tpu.memory_space<vmem>> -> memref<80xi32, #tpu.memory_space<vmem>>
        %dma_wait3A_1063 = arith.constant 0 : i32
        %dma_wait3A_1064 = arith.constant 0 : i32
        %dma_wait3A_1065 = tpu.memref_slice %arg12[%dma_wait3A_1063, %dma_wait3A_1064] : memref<50176x8xf32, #tpu.memory_space<vmem_shared>> -> memref<50176x8xf32, #tpu.memory_space<vmem_shared>>
        tpu.wait_indirect_dma semaphore(%arg13 : memref<!tpu.dma_semaphore, #tpu.memory_space<semaphore_mem>>) src(%dma_wait3A_1059 : memref<80x8xf32, #tpu.memory_space<vmem>>) dst(%dma_wait3A_1065 : memref<50176x8xf32, #tpu.memory_space<vmem_shared>>)
      } else {
      }
    }
    %scan3A_20 = arith.constant 41 : i32
    %barrier3A_21 = arith.constant 0 : index
    tpu.barrier barrier_id(%barrier3A_21)
    %mul3A_22 = arith.constant 3136 : i32
    %mul3A_23 = arith.muli %arg1, %mul3A_22 : i32
    "tpu.region"() ({
      %run_scoped3A_26 = tpu.sem_alloc : memref<!tpu.dma_semaphore, #tpu.memory_space<semaphore_mem>>
      %dma_start3A = arith.constant 0 : i32
      %dma_start3A_27 = tpu.memref_slice %arg12[%mul3A_23, %dma_start3A] : memref<50176x8xf32, #tpu.memory_space<vmem_shared>> -> memref<3136x8xf32, #tpu.memory_space<vmem_shared>>
      %dma_start3A_28 = arith.constant 0 : i32
      %dma_start3A_29 = tpu.memref_slice %arg12[%mul3A_23, %dma_start3A_28] : memref<50176x8xf32, #tpu.memory_space<vmem_shared>> -> memref<3136x8xf32, #tpu.memory_space<vmem_shared>>
      tpu.enqueue_dma source(%dma_start3A_29 : memref<3136x8xf32, #tpu.memory_space<vmem_shared>>) target(%arg11 : memref<3136x8xf32, #tpu.memory_space<vmem>>) target_semaphore(%run_scoped3A_26 : memref<!tpu.dma_semaphore, #tpu.memory_space<semaphore_mem>>)
      %dma_wait3A = arith.constant 0 : i32
      %dma_wait3A_30 = tpu.memref_slice %arg12[%mul3A_23, %dma_wait3A] : memref<50176x8xf32, #tpu.memory_space<vmem_shared>> -> memref<3136x8xf32, #tpu.memory_space<vmem_shared>>
      %dma_wait3A_31 = arith.constant 0 : i32
      %dma_wait3A_32 = tpu.memref_slice %arg12[%mul3A_23, %dma_wait3A_31] : memref<50176x8xf32, #tpu.memory_space<vmem_shared>> -> memref<3136x8xf32, #tpu.memory_space<vmem_shared>>
      tpu.wait_dma2 semaphore(%run_scoped3A_26 : memref<!tpu.dma_semaphore, #tpu.memory_space<semaphore_mem>>) src(%dma_wait3A_32 : memref<3136x8xf32, #tpu.memory_space<vmem_shared>>) dst(%arg11 : memref<3136x8xf32, #tpu.memory_space<vmem>>)
      tpu.yield
    }) : () -> ()
    %mul3A_24 = arith.constant 3136 : i32
    %mul3A_25 = arith.muli %arg1, %mul3A_24 : i32
    "tpu.region"() ({
      %run_scoped3A_26 = tpu.sem_alloc : memref<!tpu.dma_semaphore, #tpu.memory_space<semaphore_mem>>
      %dma_start3A = arith.constant 0 : i32
      %dma_start3A_27 = arith.constant 0 : i32
      %dma_start3A_28 = tpu.memref_slice %arg6[%arg0, %dma_start3A, %dma_start3A_27] : memref<2x50176x8xf32, #tpu.memory_space<hbm>> -> memref<1x50176x8xf32, #tpu.memory_space<hbm>>
      %dma_start3A_29 = tpu.memref_squeeze %dma_start3A_28 : memref<1x50176x8xf32, #tpu.memory_space<hbm>> -> memref<50176x8xf32, #tpu.memory_space<hbm>>
      %dma_start3A_30 = arith.constant 0 : i32
      %dma_start3A_31 = tpu.memref_slice %dma_start3A_29[%mul3A_25, %dma_start3A_30] : memref<50176x8xf32, #tpu.memory_space<hbm>> -> memref<3136x8xf32, #tpu.memory_space<hbm>>
      %dma_start3A_32 = arith.constant 0 : i32
      %dma_start3A_33 = arith.constant 0 : i32
      %dma_start3A_34 = tpu.memref_slice %arg6[%arg0, %dma_start3A_32, %dma_start3A_33] : memref<2x50176x8xf32, #tpu.memory_space<hbm>> -> memref<1x50176x8xf32, #tpu.memory_space<hbm>>
      %dma_start3A_35 = tpu.memref_squeeze %dma_start3A_34 : memref<1x50176x8xf32, #tpu.memory_space<hbm>> -> memref<50176x8xf32, #tpu.memory_space<hbm>>
      %dma_start3A_36 = arith.constant 0 : i32
      %dma_start3A_37 = tpu.memref_slice %dma_start3A_35[%mul3A_25, %dma_start3A_36] : memref<50176x8xf32, #tpu.memory_space<hbm>> -> memref<3136x8xf32, #tpu.memory_space<hbm>>
      tpu.enqueue_dma source(%arg11 : memref<3136x8xf32, #tpu.memory_space<vmem>>) target(%dma_start3A_37 : memref<3136x8xf32, #tpu.memory_space<hbm>>) target_semaphore(%run_scoped3A_26 : memref<!tpu.dma_semaphore, #tpu.memory_space<semaphore_mem>>)
      %dma_wait3A = arith.constant 0 : i32
      %dma_wait3A_38 = arith.constant 0 : i32
      %dma_wait3A_39 = tpu.memref_slice %arg6[%arg0, %dma_wait3A, %dma_wait3A_38] : memref<2x50176x8xf32, #tpu.memory_space<hbm>> -> memref<1x50176x8xf32, #tpu.memory_space<hbm>>
      %dma_wait3A_40 = tpu.memref_squeeze %dma_wait3A_39 : memref<1x50176x8xf32, #tpu.memory_space<hbm>> -> memref<50176x8xf32, #tpu.memory_space<hbm>>
      %dma_wait3A_41 = arith.constant 0 : i32
      %dma_wait3A_42 = tpu.memref_slice %dma_wait3A_40[%mul3A_25, %dma_wait3A_41] : memref<50176x8xf32, #tpu.memory_space<hbm>> -> memref<3136x8xf32, #tpu.memory_space<hbm>>
      %dma_wait3A_43 = arith.constant 0 : i32
      %dma_wait3A_44 = arith.constant 0 : i32
      %dma_wait3A_45 = tpu.memref_slice %arg6[%arg0, %dma_wait3A_43, %dma_wait3A_44] : memref<2x50176x8xf32, #tpu.memory_space<hbm>> -> memref<1x50176x8xf32, #tpu.memory_space<hbm>>
      %dma_wait3A_46 = tpu.memref_squeeze %dma_wait3A_45 : memref<1x50176x8xf32, #tpu.memory_space<hbm>> -> memref<50176x8xf32, #tpu.memory_space<hbm>>
      %dma_wait3A_47 = arith.constant 0 : i32
      %dma_wait3A_48 = tpu.memref_slice %dma_wait3A_46[%mul3A_25, %dma_wait3A_47] : memref<50176x8xf32, #tpu.memory_space<hbm>> -> memref<3136x8xf32, #tpu.memory_space<hbm>>
      tpu.wait_dma2 semaphore(%run_scoped3A_26 : memref<!tpu.dma_semaphore, #tpu.memory_space<semaphore_mem>>) src(%arg11 : memref<3136x8xf32, #tpu.memory_space<vmem>>) dst(%dma_wait3A_48 : memref<3136x8xf32, #tpu.memory_space<hbm>>)
      tpu.yield
    }) : () -> ()
    return
  }
}

#map = affine_map<(d0, d1) -> (0)>
module attributes {stable_mosaic.version = 14 : i64} {
  func.func @_gather_body(%arg0: i32, %arg1: i32, %arg2: memref<100000xf32, #tpu.memory_space<hbm>>, %arg3: memref<768000xi32, #tpu.memory_space<hbm>>, %arg4: memref<768000xi32, #tpu.memory_space<hbm>>, %arg5: memref<768000xf32, #tpu.memory_space<hbm>>, %arg6: memref<768000xf32, #tpu.memory_space<hbm>>, %arg7: memref<100000xf32, #tpu.memory_space<vmem>>, %arg8: memref<2000xi32, #tpu.memory_space<vmem>>, %arg9: memref<2000xi32, #tpu.memory_space<vmem>>, %arg10: memref<2000xf32, #tpu.memory_space<vmem>>, %arg11: memref<2000xf32, #tpu.memory_space<vmem>>) attributes {dimension_semantics = [#tpu.dimension_semantics<core_parallel>, #tpu.dimension_semantics<subcore_parallel>], iteration_bounds = array<i64: 2, 16>, scalar_prefetch = 0 : i64, scratch_operands = 5 : i64, tpu.core_type = #tpu.core_type<sc_vector_subcore>, window_params = [{transform_indices = #map}, {transform_indices = #map}, {transform_indices = #map}, {transform_indices = #map}, {transform_indices = #map}]} {
    %mul3A = arith.constant 2 : i32
    %mul3A_0 = arith.muli %arg1, %mul3A : i32
    %add3A = arith.addi %mul3A_0, %arg0 : i32
    "tpu.region"() ({
      %run_scoped3A = tpu.sem_alloc : memref<!tpu.dma_semaphore, #tpu.memory_space<semaphore_mem>>
      tpu.enqueue_dma source(%arg2 : memref<100000xf32, #tpu.memory_space<hbm>>) target(%arg7 : memref<100000xf32, #tpu.memory_space<vmem>>) target_semaphore(%run_scoped3A : memref<!tpu.dma_semaphore, #tpu.memory_space<semaphore_mem>>)
      tpu.wait_dma2 semaphore(%run_scoped3A : memref<!tpu.dma_semaphore, #tpu.memory_space<semaphore_mem>>) src(%arg2 : memref<100000xf32, #tpu.memory_space<hbm>>) dst(%arg7 : memref<100000xf32, #tpu.memory_space<vmem>>)
      tpu.yield
    }) : () -> ()
    %mul3A_1 = arith.constant 24000 : i32
    %mul3A_2 = arith.muli %add3A, %mul3A_1 : i32
    %scan3A = arith.constant 0 : i32
    %scan3A_3 = arith.constant 0 : i32
    %scan3A_4 = arith.constant 12 : i32
    %scan3A_5 = arith.addi %scan3A_3, %scan3A_4 : i32
    %scan3A_6 = arith.constant 1 : i32
    scf.for %scan3A_8 = %scan3A_3 to %scan3A_5 step %scan3A_6  : i32 {
      %mul3A_9 = arith.constant 2000 : i32
      %mul3A_10 = arith.muli %scan3A_8, %mul3A_9 : i32
      %add3A_11 = arith.addi %mul3A_2, %mul3A_10 : i32
      "tpu.region"() ({
        %run_scoped3A = tpu.sem_alloc : memref<!tpu.dma_semaphore, #tpu.memory_space<semaphore_mem>>
        %dma_start3A = tpu.memref_slice %arg3[%add3A_11] : memref<768000xi32, #tpu.memory_space<hbm>> -> memref<2000xi32, #tpu.memory_space<hbm>>
        %dma_start3A_18 = tpu.memref_slice %arg3[%add3A_11] : memref<768000xi32, #tpu.memory_space<hbm>> -> memref<2000xi32, #tpu.memory_space<hbm>>
        tpu.enqueue_dma source(%dma_start3A_18 : memref<2000xi32, #tpu.memory_space<hbm>>) target(%arg8 : memref<2000xi32, #tpu.memory_space<vmem>>) target_semaphore(%run_scoped3A : memref<!tpu.dma_semaphore, #tpu.memory_space<semaphore_mem>>)
        %dma_wait3A = tpu.memref_slice %arg3[%add3A_11] : memref<768000xi32, #tpu.memory_space<hbm>> -> memref<2000xi32, #tpu.memory_space<hbm>>
        %dma_wait3A_19 = tpu.memref_slice %arg3[%add3A_11] : memref<768000xi32, #tpu.memory_space<hbm>> -> memref<2000xi32, #tpu.memory_space<hbm>>
        tpu.wait_dma2 semaphore(%run_scoped3A : memref<!tpu.dma_semaphore, #tpu.memory_space<semaphore_mem>>) src(%dma_wait3A_19 : memref<2000xi32, #tpu.memory_space<hbm>>) dst(%arg8 : memref<2000xi32, #tpu.memory_space<vmem>>)
        tpu.yield
      }) : () -> ()
      "tpu.region"() ({
        %run_scoped3A = tpu.sem_alloc : memref<!tpu.dma_semaphore, #tpu.memory_space<semaphore_mem>>
        %dma_start3A = tpu.memref_slice %arg4[%add3A_11] : memref<768000xi32, #tpu.memory_space<hbm>> -> memref<2000xi32, #tpu.memory_space<hbm>>
        %dma_start3A_18 = tpu.memref_slice %arg4[%add3A_11] : memref<768000xi32, #tpu.memory_space<hbm>> -> memref<2000xi32, #tpu.memory_space<hbm>>
        tpu.enqueue_dma source(%dma_start3A_18 : memref<2000xi32, #tpu.memory_space<hbm>>) target(%arg9 : memref<2000xi32, #tpu.memory_space<vmem>>) target_semaphore(%run_scoped3A : memref<!tpu.dma_semaphore, #tpu.memory_space<semaphore_mem>>)
        %dma_wait3A = tpu.memref_slice %arg4[%add3A_11] : memref<768000xi32, #tpu.memory_space<hbm>> -> memref<2000xi32, #tpu.memory_space<hbm>>
        %dma_wait3A_19 = tpu.memref_slice %arg4[%add3A_11] : memref<768000xi32, #tpu.memory_space<hbm>> -> memref<2000xi32, #tpu.memory_space<hbm>>
        tpu.wait_dma2 semaphore(%run_scoped3A : memref<!tpu.dma_semaphore, #tpu.memory_space<semaphore_mem>>) src(%dma_wait3A_19 : memref<2000xi32, #tpu.memory_space<hbm>>) dst(%arg9 : memref<2000xi32, #tpu.memory_space<vmem>>)
        tpu.yield
      }) : () -> ()
      %scan3A_12 = arith.constant 0 : i32
      %scan3A_13 = arith.constant 0 : i32
      %scan3A_14 = arith.constant 125 : i32
      %scan3A_15 = arith.addi %scan3A_13, %scan3A_14 : i32
      %scan3A_16 = arith.constant 1 : i32
      scf.for %scan3A_18 = %scan3A_13 to %scan3A_15 step %scan3A_16  : i32 {
        %mul3A_19 = arith.constant 16 : i32
        %mul3A_20 = arith.muli %scan3A_18, %mul3A_19 : i32
        %get3A = arith.index_cast %mul3A_20 : i32 to index
        %get3A_21 = tpu.vector_load %arg8[%get3A] {strides = array<i32>} : memref<2000xi32, #tpu.memory_space<vmem>>, vector<16xi32>,
        %mul3A_22 = arith.constant 2 : i32
        %mul3A_23 = vector.broadcast %mul3A_22 : i32 to vector<16xi32>
        %mul3A_24 = arith.muli %get3A_21, %mul3A_23 : vector<16xi32>
        %mul3A_25 = arith.constant 16 : i32
        %mul3A_26 = arith.muli %scan3A_18, %mul3A_25 : i32
        %get3A_27 = arith.index_cast %mul3A_26 : i32 to index
        %get3A_28 = tpu.vector_load %arg9[%get3A_27] {strides = array<i32>} : memref<2000xi32, #tpu.memory_space<vmem>>, vector<16xi32>,
        %mul3A_29 = arith.constant 2 : i32
        %mul3A_30 = vector.broadcast %mul3A_29 : i32 to vector<16xi32>
        %mul3A_31 = arith.muli %get3A_28, %mul3A_30 : vector<16xi32>
        %gather3A = tpu.vector_load_idx %arg7[%mul3A_31] : memref<100000xf32, #tpu.memory_space<vmem>>[vector<16xi32>], vector<16xf32>,
        %gather3A_32 = tpu.vector_load_idx %arg7[%mul3A_24] : memref<100000xf32, #tpu.memory_space<vmem>>[vector<16xi32>], vector<16xf32>,
        %sub3A = arith.subf %gather3A, %gather3A_32 : vector<16xf32>
        %mul3A_33 = arith.constant 16 : i32
        %mul3A_34 = arith.muli %scan3A_18, %mul3A_33 : i32
        %swap3A = arith.index_cast %mul3A_34 : i32 to index
        %swap3A_35 = tpu.vector_load %arg10[%swap3A] {strides = array<i32>} : memref<2000xf32, #tpu.memory_space<vmem>>, vector<16xf32>,
        tpu.vector_store %arg10[%swap3A], %sub3A {strides = array<i32>} : memref<2000xf32, #tpu.memory_space<vmem>>, vector<16xf32>,
        %add3A_36 = arith.constant 1 : i32
        %add3A_37 = vector.broadcast %add3A_36 : i32 to vector<16xi32>
        %add3A_38 = arith.addi %mul3A_31, %add3A_37 : vector<16xi32>
        %gather3A_39 = tpu.vector_load_idx %arg7[%add3A_38] : memref<100000xf32, #tpu.memory_space<vmem>>[vector<16xi32>], vector<16xf32>,
        %add3A_40 = arith.constant 1 : i32
        %add3A_41 = vector.broadcast %add3A_40 : i32 to vector<16xi32>
        %add3A_42 = arith.addi %mul3A_24, %add3A_41 : vector<16xi32>
        %gather3A_43 = tpu.vector_load_idx %arg7[%add3A_42] : memref<100000xf32, #tpu.memory_space<vmem>>[vector<16xi32>], vector<16xf32>,
        %sub3A_44 = arith.subf %gather3A_39, %gather3A_43 : vector<16xf32>
        %mul3A_45 = arith.constant 16 : i32
        %mul3A_46 = arith.muli %scan3A_18, %mul3A_45 : i32
        %swap3A_47 = arith.index_cast %mul3A_46 : i32 to index
        %swap3A_48 = tpu.vector_load %arg11[%swap3A_47] {strides = array<i32>} : memref<2000xf32, #tpu.memory_space<vmem>>, vector<16xf32>,
        tpu.vector_store %arg11[%swap3A_47], %sub3A_44 {strides = array<i32>} : memref<2000xf32, #tpu.memory_space<vmem>>, vector<16xf32>,
      }
      %scan3A_17 = arith.constant 125 : i32
      "tpu.region"() ({
        %run_scoped3A = tpu.sem_alloc : memref<!tpu.dma_semaphore, #tpu.memory_space<semaphore_mem>>
        %dma_start3A = tpu.memref_slice %arg5[%add3A_11] : memref<768000xf32, #tpu.memory_space<hbm>> -> memref<2000xf32, #tpu.memory_space<hbm>>
        %dma_start3A_18 = tpu.memref_slice %arg5[%add3A_11] : memref<768000xf32, #tpu.memory_space<hbm>> -> memref<2000xf32, #tpu.memory_space<hbm>>
        tpu.enqueue_dma source(%arg10 : memref<2000xf32, #tpu.memory_space<vmem>>) target(%dma_start3A_18 : memref<2000xf32, #tpu.memory_space<hbm>>) target_semaphore(%run_scoped3A : memref<!tpu.dma_semaphore, #tpu.memory_space<semaphore_mem>>)
        %dma_wait3A = tpu.memref_slice %arg5[%add3A_11] : memref<768000xf32, #tpu.memory_space<hbm>> -> memref<2000xf32, #tpu.memory_space<hbm>>
        %dma_wait3A_19 = tpu.memref_slice %arg5[%add3A_11] : memref<768000xf32, #tpu.memory_space<hbm>> -> memref<2000xf32, #tpu.memory_space<hbm>>
        tpu.wait_dma2 semaphore(%run_scoped3A : memref<!tpu.dma_semaphore, #tpu.memory_space<semaphore_mem>>) src(%arg10 : memref<2000xf32, #tpu.memory_space<vmem>>) dst(%dma_wait3A_19 : memref<2000xf32, #tpu.memory_space<hbm>>)
        tpu.yield
      }) : () -> ()
      "tpu.region"() ({
        %run_scoped3A = tpu.sem_alloc : memref<!tpu.dma_semaphore, #tpu.memory_space<semaphore_mem>>
        %dma_start3A = tpu.memref_slice %arg6[%add3A_11] : memref<768000xf32, #tpu.memory_space<hbm>> -> memref<2000xf32, #tpu.memory_space<hbm>>
        %dma_start3A_18 = tpu.memref_slice %arg6[%add3A_11] : memref<768000xf32, #tpu.memory_space<hbm>> -> memref<2000xf32, #tpu.memory_space<hbm>>
        tpu.enqueue_dma source(%arg11 : memref<2000xf32, #tpu.memory_space<vmem>>) target(%dma_start3A_18 : memref<2000xf32, #tpu.memory_space<hbm>>) target_semaphore(%run_scoped3A : memref<!tpu.dma_semaphore, #tpu.memory_space<semaphore_mem>>)
        %dma_wait3A = tpu.memref_slice %arg6[%add3A_11] : memref<768000xf32, #tpu.memory_space<hbm>> -> memref<2000xf32, #tpu.memory_space<hbm>>
        %dma_wait3A_19 = tpu.memref_slice %arg6[%add3A_11] : memref<768000xf32, #tpu.memory_space<hbm>> -> memref<2000xf32, #tpu.memory_space<hbm>>
        tpu.wait_dma2 semaphore(%run_scoped3A : memref<!tpu.dma_semaphore, #tpu.memory_space<semaphore_mem>>) src(%arg11 : memref<2000xf32, #tpu.memory_space<vmem>>) dst(%dma_wait3A_19 : memref<2000xf32, #tpu.memory_space<hbm>>)
        tpu.yield
      }) : () -> ()
    }
    %scan3A_7 = arith.constant 12 : i32
    return
  }
}

#map = affine_map<(d0, d1) -> (0, 0)>
#map1 = affine_map<(d0, d1) -> (0, 0, 0)>
module attributes {stable_mosaic.version = 14 : i64} {
  func.func @_scatter_body(%arg0: i32, %arg1: i32, %arg2: memref<9600x80xf32, #tpu.memory_space<hbm>>, %arg3: memref<9600x80xf32, #tpu.memory_space<hbm>>, %arg4: memref<9600x80xi32, #tpu.memory_space<hbm>>, %arg5: memref<50176x8xf32, #tpu.memory_space<hbm>>, %arg6: memref<2x50176x8xf32, #tpu.memory_space<hbm>>, %arg7: memref<8x80xi32, #tpu.memory_space<vmem>>, %arg8: memref<8x80xf32, #tpu.memory_space<vmem>>, %arg9: memref<8x80xf32, #tpu.memory_space<vmem>>, %arg10: memref<8x80x8xf32, #tpu.memory_space<vmem>>, %arg11: memref<3136x8xf32, #tpu.memory_space<vmem>>, %arg12: memref<50176x8xf32, #tpu.memory_space<vmem_shared>>, %arg13: memref<!tpu.dma_semaphore, #tpu.memory_space<semaphore_mem>>) attributes {dimension_semantics = [#tpu.dimension_semantics<core_parallel>, #tpu.dimension_semantics<subcore_parallel>], iteration_bounds = array<i64: 2, 16>, scalar_prefetch = 0 : i64, scratch_operands = 7 : i64, tpu.core_type = #tpu.core_type<sc_vector_subcore>, window_params = [{transform_indices = #map}, {transform_indices = #map}, {transform_indices = #map}, {transform_indices = #map}, {transform_indices = #map1}]} {
    %mul3A = arith.constant 2 : i32
    %mul3A_0 = arith.muli %arg1, %mul3A : i32
    %add3A = arith.addi %mul3A_0, %arg0 : i32
    %mul3A_1 = arith.constant 3136 : i32
    %mul3A_2 = arith.muli %arg1, %mul3A_1 : i32
    "tpu.region"() ({
      %run_scoped3A_26 = tpu.sem_alloc : memref<!tpu.dma_semaphore, #tpu.memory_space<semaphore_mem>>
      %dma_start3A = arith.constant 0 : i32
      %dma_start3A_27 = tpu.memref_slice %arg5[%mul3A_2, %dma_start3A] : memref<50176x8xf32, #tpu.memory_space<hbm>> -> memref<3136x8xf32, #tpu.memory_space<hbm>>
      %dma_start3A_28 = arith.constant 0 : i32
      %dma_start3A_29 = tpu.memref_slice %arg5[%mul3A_2, %dma_start3A_28] : memref<50176x8xf32, #tpu.memory_space<hbm>> -> memref<3136x8xf32, #tpu.memory_space<hbm>>
      tpu.enqueue_dma source(%dma_start3A_29 : memref<3136x8xf32, #tpu.memory_space<hbm>>) target(%arg11 : memref<3136x8xf32, #tpu.memory_space<vmem>>) target_semaphore(%run_scoped3A_26 : memref<!tpu.dma_semaphore, #tpu.memory_space<semaphore_mem>>)
      %dma_wait3A = arith.constant 0 : i32
      %dma_wait3A_30 = tpu.memref_slice %arg5[%mul3A_2, %dma_wait3A] : memref<50176x8xf32, #tpu.memory_space<hbm>> -> memref<3136x8xf32, #tpu.memory_space<hbm>>
      %dma_wait3A_31 = arith.constant 0 : i32
      %dma_wait3A_32 = tpu.memref_slice %arg5[%mul3A_2, %dma_wait3A_31] : memref<50176x8xf32, #tpu.memory_space<hbm>> -> memref<3136x8xf32, #tpu.memory_space<hbm>>
      tpu.wait_dma2 semaphore(%run_scoped3A_26 : memref<!tpu.dma_semaphore, #tpu.memory_space<semaphore_mem>>) src(%dma_wait3A_32 : memref<3136x8xf32, #tpu.memory_space<hbm>>) dst(%arg11 : memref<3136x8xf32, #tpu.memory_space<vmem>>)
      tpu.yield
    }) : () -> ()
    %mul3A_3 = arith.constant 3136 : i32
    %mul3A_4 = arith.muli %arg1, %mul3A_3 : i32
    "tpu.region"() ({
      %run_scoped3A_26 = tpu.sem_alloc : memref<!tpu.dma_semaphore, #tpu.memory_space<semaphore_mem>>
      %dma_start3A = arith.constant 0 : i32
      %dma_start3A_27 = tpu.memref_slice %arg12[%mul3A_4, %dma_start3A] : memref<50176x8xf32, #tpu.memory_space<vmem_shared>> -> memref<3136x8xf32, #tpu.memory_space<vmem_shared>>
      %dma_start3A_28 = arith.constant 0 : i32
      %dma_start3A_29 = tpu.memref_slice %arg12[%mul3A_4, %dma_start3A_28] : memref<50176x8xf32, #tpu.memory_space<vmem_shared>> -> memref<3136x8xf32, #tpu.memory_space<vmem_shared>>
      tpu.enqueue_dma source(%arg11 : memref<3136x8xf32, #tpu.memory_space<vmem>>) target(%dma_start3A_29 : memref<3136x8xf32, #tpu.memory_space<vmem_shared>>) target_semaphore(%run_scoped3A_26 : memref<!tpu.dma_semaphore, #tpu.memory_space<semaphore_mem>>)
      %dma_wait3A = arith.constant 0 : i32
      %dma_wait3A_30 = tpu.memref_slice %arg12[%mul3A_4, %dma_wait3A] : memref<50176x8xf32, #tpu.memory_space<vmem_shared>> -> memref<3136x8xf32, #tpu.memory_space<vmem_shared>>
      %dma_wait3A_31 = arith.constant 0 : i32
      %dma_wait3A_32 = tpu.memref_slice %arg12[%mul3A_4, %dma_wait3A_31] : memref<50176x8xf32, #tpu.memory_space<vmem_shared>> -> memref<3136x8xf32, #tpu.memory_space<vmem_shared>>
      tpu.wait_dma2 semaphore(%run_scoped3A_26 : memref<!tpu.dma_semaphore, #tpu.memory_space<semaphore_mem>>) src(%arg11 : memref<3136x8xf32, #tpu.memory_space<vmem>>) dst(%dma_wait3A_32 : memref<3136x8xf32, #tpu.memory_space<vmem_shared>>)
      tpu.yield
    }) : () -> ()
    %run_scoped3A = arith.constant 0 : i32
    "tpu.region"() ({
      %run_scoped3A_26 = tpu.sem_alloc : memref<!tpu.dma_semaphore, #tpu.memory_space<semaphore_mem>>
      %dma_start3A = arith.constant 0 : i32
      %dma_start3A_27 = arith.constant 0 : i32
      %dma_start3A_28 = tpu.memref_slice %arg10[%run_scoped3A, %dma_start3A, %dma_start3A_27] : memref<8x80x8xf32, #tpu.memory_space<vmem>> -> memref<1x80x8xf32, #tpu.memory_space<vmem>>
      %dma_start3A_29 = tpu.memref_squeeze %dma_start3A_28 : memref<1x80x8xf32, #tpu.memory_space<vmem>> -> memref<80x8xf32, #tpu.memory_space<vmem>>
      %dma_start3A_30 = arith.constant 0 : i32
      %dma_start3A_31 = arith.constant 0 : i32
      %dma_start3A_32 = tpu.memref_slice %arg5[%dma_start3A_30, %dma_start3A_31] : memref<50176x8xf32, #tpu.memory_space<hbm>> -> memref<80x8xf32, #tpu.memory_space<hbm>>
      %dma_start3A_33 = arith.constant 0 : i32
      %dma_start3A_34 = arith.constant 0 : i32
      %dma_start3A_35 = tpu.memref_slice %arg10[%run_scoped3A, %dma_start3A_33, %dma_start3A_34] : memref<8x80x8xf32, #tpu.memory_space<vmem>> -> memref<1x80x8xf32, #tpu.memory_space<vmem>>
      %dma_start3A_36 = tpu.memref_squeeze %dma_start3A_35 : memref<1x80x8xf32, #tpu.memory_space<vmem>> -> memref<80x8xf32, #tpu.memory_space<vmem>>
      %dma_start3A_37 = arith.constant 0 : i32
      %dma_start3A_38 = arith.constant 0 : i32
      %dma_start3A_39 = tpu.memref_slice %arg5[%dma_start3A_37, %dma_start3A_38] : memref<50176x8xf32, #tpu.memory_space<hbm>> -> memref<80x8xf32, #tpu.memory_space<hbm>>
      tpu.enqueue_dma source(%dma_start3A_39 : memref<80x8xf32, #tpu.memory_space<hbm>>) target(%dma_start3A_36 : memref<80x8xf32, #tpu.memory_space<vmem>>) target_semaphore(%run_scoped3A_26 : memref<!tpu.dma_semaphore, #tpu.memory_space<semaphore_mem>>)
      %dma_wait3A = arith.constant 0 : i32
      %dma_wait3A_40 = arith.constant 0 : i32
      %dma_wait3A_41 = tpu.memref_slice %arg10[%run_scoped3A, %dma_wait3A, %dma_wait3A_40] : memref<8x80x8xf32, #tpu.memory_space<vmem>> -> memref<1x80x8xf32, #tpu.memory_space<vmem>>
      %dma_wait3A_42 = tpu.memref_squeeze %dma_wait3A_41 : memref<1x80x8xf32, #tpu.memory_space<vmem>> -> memref<80x8xf32, #tpu.memory_space<vmem>>
      %dma_wait3A_43 = arith.constant 0 : i32
      %dma_wait3A_44 = arith.constant 0 : i32
      %dma_wait3A_45 = tpu.memref_slice %arg5[%dma_wait3A_43, %dma_wait3A_44] : memref<50176x8xf32, #tpu.memory_space<hbm>> -> memref<80x8xf32, #tpu.memory_space<hbm>>
      %dma_wait3A_46 = arith.constant 0 : i32
      %dma_wait3A_47 = arith.constant 0 : i32
      %dma_wait3A_48 = tpu.memref_slice %arg10[%run_scoped3A, %dma_wait3A_46, %dma_wait3A_47] : memref<8x80x8xf32, #tpu.memory_space<vmem>> -> memref<1x80x8xf32, #tpu.memory_space<vmem>>
      %dma_wait3A_49 = tpu.memref_squeeze %dma_wait3A_48 : memref<1x80x8xf32, #tpu.memory_space<vmem>> -> memref<80x8xf32, #tpu.memory_space<vmem>>
      %dma_wait3A_50 = arith.constant 0 : i32
      %dma_wait3A_51 = arith.constant 0 : i32
      %dma_wait3A_52 = tpu.memref_slice %arg5[%dma_wait3A_50, %dma_wait3A_51] : memref<50176x8xf32, #tpu.memory_space<hbm>> -> memref<80x8xf32, #tpu.memory_space<hbm>>
      tpu.wait_dma2 semaphore(%run_scoped3A_26 : memref<!tpu.dma_semaphore, #tpu.memory_space<semaphore_mem>>) src(%dma_wait3A_52 : memref<80x8xf32, #tpu.memory_space<hbm>>) dst(%dma_wait3A_49 : memref<80x8xf32, #tpu.memory_space<vmem>>)
      tpu.yield
    }) : () -> ()
    %run_scoped3A_5 = arith.constant 1 : i32
    "tpu.region"() ({
      %run_scoped3A_26 = tpu.sem_alloc : memref<!tpu.dma_semaphore, #tpu.memory_space<semaphore_mem>>
      %dma_start3A = arith.constant 0 : i32
      %dma_start3A_27 = arith.constant 0 : i32
      %dma_start3A_28 = tpu.memref_slice %arg10[%run_scoped3A_5, %dma_start3A, %dma_start3A_27] : memref<8x80x8xf32, #tpu.memory_space<vmem>> -> memref<1x80x8xf32, #tpu.memory_space<vmem>>
      %dma_start3A_29 = tpu.memref_squeeze %dma_start3A_28 : memref<1x80x8xf32, #tpu.memory_space<vmem>> -> memref<80x8xf32, #tpu.memory_space<vmem>>
      %dma_start3A_30 = arith.constant 0 : i32
      %dma_start3A_31 = arith.constant 0 : i32
      %dma_start3A_32 = tpu.memref_slice %arg5[%dma_start3A_30, %dma_start3A_31] : memref<50176x8xf32, #tpu.memory_space<hbm>> -> memref<80x8xf32, #tpu.memory_space<hbm>>
      %dma_start3A_33 = arith.constant 0 : i32
      %dma_start3A_34 = arith.constant 0 : i32
      %dma_start3A_35 = tpu.memref_slice %arg10[%run_scoped3A_5, %dma_start3A_33, %dma_start3A_34] : memref<8x80x8xf32, #tpu.memory_space<vmem>> -> memref<1x80x8xf32, #tpu.memory_space<vmem>>
      %dma_start3A_36 = tpu.memref_squeeze %dma_start3A_35 : memref<1x80x8xf32, #tpu.memory_space<vmem>> -> memref<80x8xf32, #tpu.memory_space<vmem>>
      %dma_start3A_37 = arith.constant 0 : i32
      %dma_start3A_38 = arith.constant 0 : i32
      %dma_start3A_39 = tpu.memref_slice %arg5[%dma_start3A_37, %dma_start3A_38] : memref<50176x8xf32, #tpu.memory_space<hbm>> -> memref<80x8xf32, #tpu.memory_space<hbm>>
      tpu.enqueue_dma source(%dma_start3A_39 : memref<80x8xf32, #tpu.memory_space<hbm>>) target(%dma_start3A_36 : memref<80x8xf32, #tpu.memory_space<vmem>>) target_semaphore(%run_scoped3A_26 : memref<!tpu.dma_semaphore, #tpu.memory_space<semaphore_mem>>)
      %dma_wait3A = arith.constant 0 : i32
      %dma_wait3A_40 = arith.constant 0 : i32
      %dma_wait3A_41 = tpu.memref_slice %arg10[%run_scoped3A_5, %dma_wait3A, %dma_wait3A_40] : memref<8x80x8xf32, #tpu.memory_space<vmem>> -> memref<1x80x8xf32, #tpu.memory_space<vmem>>
      %dma_wait3A_42 = tpu.memref_squeeze %dma_wait3A_41 : memref<1x80x8xf32, #tpu.memory_space<vmem>> -> memref<80x8xf32, #tpu.memory_space<vmem>>
      %dma_wait3A_43 = arith.constant 0 : i32
      %dma_wait3A_44 = arith.constant 0 : i32
      %dma_wait3A_45 = tpu.memref_slice %arg5[%dma_wait3A_43, %dma_wait3A_44] : memref<50176x8xf32, #tpu.memory_space<hbm>> -> memref<80x8xf32, #tpu.memory_space<hbm>>
      %dma_wait3A_46 = arith.constant 0 : i32
      %dma_wait3A_47 = arith.constant 0 : i32
      %dma_wait3A_48 = tpu.memref_slice %arg10[%run_scoped3A_5, %dma_wait3A_46, %dma_wait3A_47] : memref<8x80x8xf32, #tpu.memory_space<vmem>> -> memref<1x80x8xf32, #tpu.memory_space<vmem>>
      %dma_wait3A_49 = tpu.memref_squeeze %dma_wait3A_48 : memref<1x80x8xf32, #tpu.memory_space<vmem>> -> memref<80x8xf32, #tpu.memory_space<vmem>>
      %dma_wait3A_50 = arith.constant 0 : i32
      %dma_wait3A_51 = arith.constant 0 : i32
      %dma_wait3A_52 = tpu.memref_slice %arg5[%dma_wait3A_50, %dma_wait3A_51] : memref<50176x8xf32, #tpu.memory_space<hbm>> -> memref<80x8xf32, #tpu.memory_space<hbm>>
      tpu.wait_dma2 semaphore(%run_scoped3A_26 : memref<!tpu.dma_semaphore, #tpu.memory_space<semaphore_mem>>) src(%dma_wait3A_52 : memref<80x8xf32, #tpu.memory_space<hbm>>) dst(%dma_wait3A_49 : memref<80x8xf32, #tpu.memory_space<vmem>>)
      tpu.yield
    }) : () -> ()
    %run_scoped3A_6 = arith.constant 2 : i32
    "tpu.region"() ({
      %run_scoped3A_26 = tpu.sem_alloc : memref<!tpu.dma_semaphore, #tpu.memory_space<semaphore_mem>>
      %dma_start3A = arith.constant 0 : i32
      %dma_start3A_27 = arith.constant 0 : i32
      %dma_start3A_28 = tpu.memref_slice %arg10[%run_scoped3A_6, %dma_start3A, %dma_start3A_27] : memref<8x80x8xf32, #tpu.memory_space<vmem>> -> memref<1x80x8xf32, #tpu.memory_space<vmem>>
      %dma_start3A_29 = tpu.memref_squeeze %dma_start3A_28 : memref<1x80x8xf32, #tpu.memory_space<vmem>> -> memref<80x8xf32, #tpu.memory_space<vmem>>
      %dma_start3A_30 = arith.constant 0 : i32
      %dma_start3A_31 = arith.constant 0 : i32
      %dma_start3A_32 = tpu.memref_slice %arg5[%dma_start3A_30, %dma_start3A_31] : memref<50176x8xf32, #tpu.memory_space<hbm>> -> memref<80x8xf32, #tpu.memory_space<hbm>>
      %dma_start3A_33 = arith.constant 0 : i32
      %dma_start3A_34 = arith.constant 0 : i32
      %dma_start3A_35 = tpu.memref_slice %arg10[%run_scoped3A_6, %dma_start3A_33, %dma_start3A_34] : memref<8x80x8xf32, #tpu.memory_space<vmem>> -> memref<1x80x8xf32, #tpu.memory_space<vmem>>
      %dma_start3A_36 = tpu.memref_squeeze %dma_start3A_35 : memref<1x80x8xf32, #tpu.memory_space<vmem>> -> memref<80x8xf32, #tpu.memory_space<vmem>>
      %dma_start3A_37 = arith.constant 0 : i32
      %dma_start3A_38 = arith.constant 0 : i32
      %dma_start3A_39 = tpu.memref_slice %arg5[%dma_start3A_37, %dma_start3A_38] : memref<50176x8xf32, #tpu.memory_space<hbm>> -> memref<80x8xf32, #tpu.memory_space<hbm>>
      tpu.enqueue_dma source(%dma_start3A_39 : memref<80x8xf32, #tpu.memory_space<hbm>>) target(%dma_start3A_36 : memref<80x8xf32, #tpu.memory_space<vmem>>) target_semaphore(%run_scoped3A_26 : memref<!tpu.dma_semaphore, #tpu.memory_space<semaphore_mem>>)
      %dma_wait3A = arith.constant 0 : i32
      %dma_wait3A_40 = arith.constant 0 : i32
      %dma_wait3A_41 = tpu.memref_slice %arg10[%run_scoped3A_6, %dma_wait3A, %dma_wait3A_40] : memref<8x80x8xf32, #tpu.memory_space<vmem>> -> memref<1x80x8xf32, #tpu.memory_space<vmem>>
      %dma_wait3A_42 = tpu.memref_squeeze %dma_wait3A_41 : memref<1x80x8xf32, #tpu.memory_space<vmem>> -> memref<80x8xf32, #tpu.memory_space<vmem>>
      %dma_wait3A_43 = arith.constant 0 : i32
      %dma_wait3A_44 = arith.constant 0 : i32
      %dma_wait3A_45 = tpu.memref_slice %arg5[%dma_wait3A_43, %dma_wait3A_44] : memref<50176x8xf32, #tpu.memory_space<hbm>> -> memref<80x8xf32, #tpu.memory_space<hbm>>
      %dma_wait3A_46 = arith.constant 0 : i32
      %dma_wait3A_47 = arith.constant 0 : i32
      %dma_wait3A_48 = tpu.memref_slice %arg10[%run_scoped3A_6, %dma_wait3A_46, %dma_wait3A_47] : memref<8x80x8xf32, #tpu.memory_space<vmem>> -> memref<1x80x8xf32, #tpu.memory_space<vmem>>
      %dma_wait3A_49 = tpu.memref_squeeze %dma_wait3A_48 : memref<1x80x8xf32, #tpu.memory_space<vmem>> -> memref<80x8xf32, #tpu.memory_space<vmem>>
      %dma_wait3A_50 = arith.constant 0 : i32
      %dma_wait3A_51 = arith.constant 0 : i32
      %dma_wait3A_52 = tpu.memref_slice %arg5[%dma_wait3A_50, %dma_wait3A_51] : memref<50176x8xf32, #tpu.memory_space<hbm>> -> memref<80x8xf32, #tpu.memory_space<hbm>>
      tpu.wait_dma2 semaphore(%run_scoped3A_26 : memref<!tpu.dma_semaphore, #tpu.memory_space<semaphore_mem>>) src(%dma_wait3A_52 : memref<80x8xf32, #tpu.memory_space<hbm>>) dst(%dma_wait3A_49 : memref<80x8xf32, #tpu.memory_space<vmem>>)
      tpu.yield
    }) : () -> ()
    %run_scoped3A_7 = arith.constant 3 : i32
    "tpu.region"() ({
      %run_scoped3A_26 = tpu.sem_alloc : memref<!tpu.dma_semaphore, #tpu.memory_space<semaphore_mem>>
      %dma_start3A = arith.constant 0 : i32
      %dma_start3A_27 = arith.constant 0 : i32
      %dma_start3A_28 = tpu.memref_slice %arg10[%run_scoped3A_7, %dma_start3A, %dma_start3A_27] : memref<8x80x8xf32, #tpu.memory_space<vmem>> -> memref<1x80x8xf32, #tpu.memory_space<vmem>>
      %dma_start3A_29 = tpu.memref_squeeze %dma_start3A_28 : memref<1x80x8xf32, #tpu.memory_space<vmem>> -> memref<80x8xf32, #tpu.memory_space<vmem>>
      %dma_start3A_30 = arith.constant 0 : i32
      %dma_start3A_31 = arith.constant 0 : i32
      %dma_start3A_32 = tpu.memref_slice %arg5[%dma_start3A_30, %dma_start3A_31] : memref<50176x8xf32, #tpu.memory_space<hbm>> -> memref<80x8xf32, #tpu.memory_space<hbm>>
      %dma_start3A_33 = arith.constant 0 : i32
      %dma_start3A_34 = arith.constant 0 : i32
      %dma_start3A_35 = tpu.memref_slice %arg10[%run_scoped3A_7, %dma_start3A_33, %dma_start3A_34] : memref<8x80x8xf32, #tpu.memory_space<vmem>> -> memref<1x80x8xf32, #tpu.memory_space<vmem>>
      %dma_start3A_36 = tpu.memref_squeeze %dma_start3A_35 : memref<1x80x8xf32, #tpu.memory_space<vmem>> -> memref<80x8xf32, #tpu.memory_space<vmem>>
      %dma_start3A_37 = arith.constant 0 : i32
      %dma_start3A_38 = arith.constant 0 : i32
      %dma_start3A_39 = tpu.memref_slice %arg5[%dma_start3A_37, %dma_start3A_38] : memref<50176x8xf32, #tpu.memory_space<hbm>> -> memref<80x8xf32, #tpu.memory_space<hbm>>
      tpu.enqueue_dma source(%dma_start3A_39 : memref<80x8xf32, #tpu.memory_space<hbm>>) target(%dma_start3A_36 : memref<80x8xf32, #tpu.memory_space<vmem>>) target_semaphore(%run_scoped3A_26 : memref<!tpu.dma_semaphore, #tpu.memory_space<semaphore_mem>>)
      %dma_wait3A = arith.constant 0 : i32
      %dma_wait3A_40 = arith.constant 0 : i32
      %dma_wait3A_41 = tpu.memref_slice %arg10[%run_scoped3A_7, %dma_wait3A, %dma_wait3A_40] : memref<8x80x8xf32, #tpu.memory_space<vmem>> -> memref<1x80x8xf32, #tpu.memory_space<vmem>>
      %dma_wait3A_42 = tpu.memref_squeeze %dma_wait3A_41 : memref<1x80x8xf32, #tpu.memory_space<vmem>> -> memref<80x8xf32, #tpu.memory_space<vmem>>
      %dma_wait3A_43 = arith.constant 0 : i32
      %dma_wait3A_44 = arith.constant 0 : i32
      %dma_wait3A_45 = tpu.memref_slice %arg5[%dma_wait3A_43, %dma_wait3A_44] : memref<50176x8xf32, #tpu.memory_space<hbm>> -> memref<80x8xf32, #tpu.memory_space<hbm>>
      %dma_wait3A_46 = arith.constant 0 : i32
      %dma_wait3A_47 = arith.constant 0 : i32
      %dma_wait3A_48 = tpu.memref_slice %arg10[%run_scoped3A_7, %dma_wait3A_46, %dma_wait3A_47] : memref<8x80x8xf32, #tpu.memory_space<vmem>> -> memref<1x80x8xf32, #tpu.memory_space<vmem>>
      %dma_wait3A_49 = tpu.memref_squeeze %dma_wait3A_48 : memref<1x80x8xf32, #tpu.memory_space<vmem>> -> memref<80x8xf32, #tpu.memory_space<vmem>>
      %dma_wait3A_50 = arith.constant 0 : i32
      %dma_wait3A_51 = arith.constant 0 : i32
      %dma_wait3A_52 = tpu.memref_slice %arg5[%dma_wait3A_50, %dma_wait3A_51] : memref<50176x8xf32, #tpu.memory_space<hbm>> -> memref<80x8xf32, #tpu.memory_space<hbm>>
      tpu.wait_dma2 semaphore(%run_scoped3A_26 : memref<!tpu.dma_semaphore, #tpu.memory_space<semaphore_mem>>) src(%dma_wait3A_52 : memref<80x8xf32, #tpu.memory_space<hbm>>) dst(%dma_wait3A_49 : memref<80x8xf32, #tpu.memory_space<vmem>>)
      tpu.yield
    }) : () -> ()
    %run_scoped3A_8 = arith.constant 4 : i32
    "tpu.region"() ({
      %run_scoped3A_26 = tpu.sem_alloc : memref<!tpu.dma_semaphore, #tpu.memory_space<semaphore_mem>>
      %dma_start3A = arith.constant 0 : i32
      %dma_start3A_27 = arith.constant 0 : i32
      %dma_start3A_28 = tpu.memref_slice %arg10[%run_scoped3A_8, %dma_start3A, %dma_start3A_27] : memref<8x80x8xf32, #tpu.memory_space<vmem>> -> memref<1x80x8xf32, #tpu.memory_space<vmem>>
      %dma_start3A_29 = tpu.memref_squeeze %dma_start3A_28 : memref<1x80x8xf32, #tpu.memory_space<vmem>> -> memref<80x8xf32, #tpu.memory_space<vmem>>
      %dma_start3A_30 = arith.constant 0 : i32
      %dma_start3A_31 = arith.constant 0 : i32
      %dma_start3A_32 = tpu.memref_slice %arg5[%dma_start3A_30, %dma_start3A_31] : memref<50176x8xf32, #tpu.memory_space<hbm>> -> memref<80x8xf32, #tpu.memory_space<hbm>>
      %dma_start3A_33 = arith.constant 0 : i32
      %dma_start3A_34 = arith.constant 0 : i32
      %dma_start3A_35 = tpu.memref_slice %arg10[%run_scoped3A_8, %dma_start3A_33, %dma_start3A_34] : memref<8x80x8xf32, #tpu.memory_space<vmem>> -> memref<1x80x8xf32, #tpu.memory_space<vmem>>
      %dma_start3A_36 = tpu.memref_squeeze %dma_start3A_35 : memref<1x80x8xf32, #tpu.memory_space<vmem>> -> memref<80x8xf32, #tpu.memory_space<vmem>>
      %dma_start3A_37 = arith.constant 0 : i32
      %dma_start3A_38 = arith.constant 0 : i32
      %dma_start3A_39 = tpu.memref_slice %arg5[%dma_start3A_37, %dma_start3A_38] : memref<50176x8xf32, #tpu.memory_space<hbm>> -> memref<80x8xf32, #tpu.memory_space<hbm>>
      tpu.enqueue_dma source(%dma_start3A_39 : memref<80x8xf32, #tpu.memory_space<hbm>>) target(%dma_start3A_36 : memref<80x8xf32, #tpu.memory_space<vmem>>) target_semaphore(%run_scoped3A_26 : memref<!tpu.dma_semaphore, #tpu.memory_space<semaphore_mem>>)
      %dma_wait3A = arith.constant 0 : i32
      %dma_wait3A_40 = arith.constant 0 : i32
      %dma_wait3A_41 = tpu.memref_slice %arg10[%run_scoped3A_8, %dma_wait3A, %dma_wait3A_40] : memref<8x80x8xf32, #tpu.memory_space<vmem>> -> memref<1x80x8xf32, #tpu.memory_space<vmem>>
      %dma_wait3A_42 = tpu.memref_squeeze %dma_wait3A_41 : memref<1x80x8xf32, #tpu.memory_space<vmem>> -> memref<80x8xf32, #tpu.memory_space<vmem>>
      %dma_wait3A_43 = arith.constant 0 : i32
      %dma_wait3A_44 = arith.constant 0 : i32
      %dma_wait3A_45 = tpu.memref_slice %arg5[%dma_wait3A_43, %dma_wait3A_44] : memref<50176x8xf32, #tpu.memory_space<hbm>> -> memref<80x8xf32, #tpu.memory_space<hbm>>
      %dma_wait3A_46 = arith.constant 0 : i32
      %dma_wait3A_47 = arith.constant 0 : i32
      %dma_wait3A_48 = tpu.memref_slice %arg10[%run_scoped3A_8, %dma_wait3A_46, %dma_wait3A_47] : memref<8x80x8xf32, #tpu.memory_space<vmem>> -> memref<1x80x8xf32, #tpu.memory_space<vmem>>
      %dma_wait3A_49 = tpu.memref_squeeze %dma_wait3A_48 : memref<1x80x8xf32, #tpu.memory_space<vmem>> -> memref<80x8xf32, #tpu.memory_space<vmem>>
      %dma_wait3A_50 = arith.constant 0 : i32
      %dma_wait3A_51 = arith.constant 0 : i32
      %dma_wait3A_52 = tpu.memref_slice %arg5[%dma_wait3A_50, %dma_wait3A_51] : memref<50176x8xf32, #tpu.memory_space<hbm>> -> memref<80x8xf32, #tpu.memory_space<hbm>>
      tpu.wait_dma2 semaphore(%run_scoped3A_26 : memref<!tpu.dma_semaphore, #tpu.memory_space<semaphore_mem>>) src(%dma_wait3A_52 : memref<80x8xf32, #tpu.memory_space<hbm>>) dst(%dma_wait3A_49 : memref<80x8xf32, #tpu.memory_space<vmem>>)
      tpu.yield
    }) : () -> ()
    %run_scoped3A_9 = arith.constant 5 : i32
    "tpu.region"() ({
      %run_scoped3A_26 = tpu.sem_alloc : memref<!tpu.dma_semaphore, #tpu.memory_space<semaphore_mem>>
      %dma_start3A = arith.constant 0 : i32
      %dma_start3A_27 = arith.constant 0 : i32
      %dma_start3A_28 = tpu.memref_slice %arg10[%run_scoped3A_9, %dma_start3A, %dma_start3A_27] : memref<8x80x8xf32, #tpu.memory_space<vmem>> -> memref<1x80x8xf32, #tpu.memory_space<vmem>>
      %dma_start3A_29 = tpu.memref_squeeze %dma_start3A_28 : memref<1x80x8xf32, #tpu.memory_space<vmem>> -> memref<80x8xf32, #tpu.memory_space<vmem>>
      %dma_start3A_30 = arith.constant 0 : i32
      %dma_start3A_31 = arith.constant 0 : i32
      %dma_start3A_32 = tpu.memref_slice %arg5[%dma_start3A_30, %dma_start3A_31] : memref<50176x8xf32, #tpu.memory_space<hbm>> -> memref<80x8xf32, #tpu.memory_space<hbm>>
      %dma_start3A_33 = arith.constant 0 : i32
      %dma_start3A_34 = arith.constant 0 : i32
      %dma_start3A_35 = tpu.memref_slice %arg10[%run_scoped3A_9, %dma_start3A_33, %dma_start3A_34] : memref<8x80x8xf32, #tpu.memory_space<vmem>> -> memref<1x80x8xf32, #tpu.memory_space<vmem>>
      %dma_start3A_36 = tpu.memref_squeeze %dma_start3A_35 : memref<1x80x8xf32, #tpu.memory_space<vmem>> -> memref<80x8xf32, #tpu.memory_space<vmem>>
      %dma_start3A_37 = arith.constant 0 : i32
      %dma_start3A_38 = arith.constant 0 : i32
      %dma_start3A_39 = tpu.memref_slice %arg5[%dma_start3A_37, %dma_start3A_38] : memref<50176x8xf32, #tpu.memory_space<hbm>> -> memref<80x8xf32, #tpu.memory_space<hbm>>
      tpu.enqueue_dma source(%dma_start3A_39 : memref<80x8xf32, #tpu.memory_space<hbm>>) target(%dma_start3A_36 : memref<80x8xf32, #tpu.memory_space<vmem>>) target_semaphore(%run_scoped3A_26 : memref<!tpu.dma_semaphore, #tpu.memory_space<semaphore_mem>>)
      %dma_wait3A = arith.constant 0 : i32
      %dma_wait3A_40 = arith.constant 0 : i32
      %dma_wait3A_41 = tpu.memref_slice %arg10[%run_scoped3A_9, %dma_wait3A, %dma_wait3A_40] : memref<8x80x8xf32, #tpu.memory_space<vmem>> -> memref<1x80x8xf32, #tpu.memory_space<vmem>>
      %dma_wait3A_42 = tpu.memref_squeeze %dma_wait3A_41 : memref<1x80x8xf32, #tpu.memory_space<vmem>> -> memref<80x8xf32, #tpu.memory_space<vmem>>
      %dma_wait3A_43 = arith.constant 0 : i32
      %dma_wait3A_44 = arith.constant 0 : i32
      %dma_wait3A_45 = tpu.memref_slice %arg5[%dma_wait3A_43, %dma_wait3A_44] : memref<50176x8xf32, #tpu.memory_space<hbm>> -> memref<80x8xf32, #tpu.memory_space<hbm>>
      %dma_wait3A_46 = arith.constant 0 : i32
      %dma_wait3A_47 = arith.constant 0 : i32
      %dma_wait3A_48 = tpu.memref_slice %arg10[%run_scoped3A_9, %dma_wait3A_46, %dma_wait3A_47] : memref<8x80x8xf32, #tpu.memory_space<vmem>> -> memref<1x80x8xf32, #tpu.memory_space<vmem>>
      %dma_wait3A_49 = tpu.memref_squeeze %dma_wait3A_48 : memref<1x80x8xf32, #tpu.memory_space<vmem>> -> memref<80x8xf32, #tpu.memory_space<vmem>>
      %dma_wait3A_50 = arith.constant 0 : i32
      %dma_wait3A_51 = arith.constant 0 : i32
      %dma_wait3A_52 = tpu.memref_slice %arg5[%dma_wait3A_50, %dma_wait3A_51] : memref<50176x8xf32, #tpu.memory_space<hbm>> -> memref<80x8xf32, #tpu.memory_space<hbm>>
      tpu.wait_dma2 semaphore(%run_scoped3A_26 : memref<!tpu.dma_semaphore, #tpu.memory_space<semaphore_mem>>) src(%dma_wait3A_52 : memref<80x8xf32, #tpu.memory_space<hbm>>) dst(%dma_wait3A_49 : memref<80x8xf32, #tpu.memory_space<vmem>>)
      tpu.yield
    }) : () -> ()
    %run_scoped3A_10 = arith.constant 6 : i32
    "tpu.region"() ({
      %run_scoped3A_26 = tpu.sem_alloc : memref<!tpu.dma_semaphore, #tpu.memory_space<semaphore_mem>>
      %dma_start3A = arith.constant 0 : i32
      %dma_start3A_27 = arith.constant 0 : i32
      %dma_start3A_28 = tpu.memref_slice %arg10[%run_scoped3A_10, %dma_start3A, %dma_start3A_27] : memref<8x80x8xf32, #tpu.memory_space<vmem>> -> memref<1x80x8xf32, #tpu.memory_space<vmem>>
      %dma_start3A_29 = tpu.memref_squeeze %dma_start3A_28 : memref<1x80x8xf32, #tpu.memory_space<vmem>> -> memref<80x8xf32, #tpu.memory_space<vmem>>
      %dma_start3A_30 = arith.constant 0 : i32
      %dma_start3A_31 = arith.constant 0 : i32
      %dma_start3A_32 = tpu.memref_slice %arg5[%dma_start3A_30, %dma_start3A_31] : memref<50176x8xf32, #tpu.memory_space<hbm>> -> memref<80x8xf32, #tpu.memory_space<hbm>>
      %dma_start3A_33 = arith.constant 0 : i32
      %dma_start3A_34 = arith.constant 0 : i32
      %dma_start3A_35 = tpu.memref_slice %arg10[%run_scoped3A_10, %dma_start3A_33, %dma_start3A_34] : memref<8x80x8xf32, #tpu.memory_space<vmem>> -> memref<1x80x8xf32, #tpu.memory_space<vmem>>
      %dma_start3A_36 = tpu.memref_squeeze %dma_start3A_35 : memref<1x80x8xf32, #tpu.memory_space<vmem>> -> memref<80x8xf32, #tpu.memory_space<vmem>>
      %dma_start3A_37 = arith.constant 0 : i32
      %dma_start3A_38 = arith.constant 0 : i32
      %dma_start3A_39 = tpu.memref_slice %arg5[%dma_start3A_37, %dma_start3A_38] : memref<50176x8xf32, #tpu.memory_space<hbm>> -> memref<80x8xf32, #tpu.memory_space<hbm>>
      tpu.enqueue_dma source(%dma_start3A_39 : memref<80x8xf32, #tpu.memory_space<hbm>>) target(%dma_start3A_36 : memref<80x8xf32, #tpu.memory_space<vmem>>) target_semaphore(%run_scoped3A_26 : memref<!tpu.dma_semaphore, #tpu.memory_space<semaphore_mem>>)
      %dma_wait3A = arith.constant 0 : i32
      %dma_wait3A_40 = arith.constant 0 : i32
      %dma_wait3A_41 = tpu.memref_slice %arg10[%run_scoped3A_10, %dma_wait3A, %dma_wait3A_40] : memref<8x80x8xf32, #tpu.memory_space<vmem>> -> memref<1x80x8xf32, #tpu.memory_space<vmem>>
      %dma_wait3A_42 = tpu.memref_squeeze %dma_wait3A_41 : memref<1x80x8xf32, #tpu.memory_space<vmem>> -> memref<80x8xf32, #tpu.memory_space<vmem>>
      %dma_wait3A_43 = arith.constant 0 : i32
      %dma_wait3A_44 = arith.constant 0 : i32
      %dma_wait3A_45 = tpu.memref_slice %arg5[%dma_wait3A_43, %dma_wait3A_44] : memref<50176x8xf32, #tpu.memory_space<hbm>> -> memref<80x8xf32, #tpu.memory_space<hbm>>
      %dma_wait3A_46 = arith.constant 0 : i32
      %dma_wait3A_47 = arith.constant 0 : i32
      %dma_wait3A_48 = tpu.memref_slice %arg10[%run_scoped3A_10, %dma_wait3A_46, %dma_wait3A_47] : memref<8x80x8xf32, #tpu.memory_space<vmem>> -> memref<1x80x8xf32, #tpu.memory_space<vmem>>
      %dma_wait3A_49 = tpu.memref_squeeze %dma_wait3A_48 : memref<1x80x8xf32, #tpu.memory_space<vmem>> -> memref<80x8xf32, #tpu.memory_space<vmem>>
      %dma_wait3A_50 = arith.constant 0 : i32
      %dma_wait3A_51 = arith.constant 0 : i32
      %dma_wait3A_52 = tpu.memref_slice %arg5[%dma_wait3A_50, %dma_wait3A_51] : memref<50176x8xf32, #tpu.memory_space<hbm>> -> memref<80x8xf32, #tpu.memory_space<hbm>>
      tpu.wait_dma2 semaphore(%run_scoped3A_26 : memref<!tpu.dma_semaphore, #tpu.memory_space<semaphore_mem>>) src(%dma_wait3A_52 : memref<80x8xf32, #tpu.memory_space<hbm>>) dst(%dma_wait3A_49 : memref<80x8xf32, #tpu.memory_space<vmem>>)
      tpu.yield
    }) : () -> ()
    %run_scoped3A_11 = arith.constant 7 : i32
    "tpu.region"() ({
      %run_scoped3A_26 = tpu.sem_alloc : memref<!tpu.dma_semaphore, #tpu.memory_space<semaphore_mem>>
      %dma_start3A = arith.constant 0 : i32
      %dma_start3A_27 = arith.constant 0 : i32
      %dma_start3A_28 = tpu.memref_slice %arg10[%run_scoped3A_11, %dma_start3A, %dma_start3A_27] : memref<8x80x8xf32, #tpu.memory_space<vmem>> -> memref<1x80x8xf32, #tpu.memory_space<vmem>>
      %dma_start3A_29 = tpu.memref_squeeze %dma_start3A_28 : memref<1x80x8xf32, #tpu.memory_space<vmem>> -> memref<80x8xf32, #tpu.memory_space<vmem>>
      %dma_start3A_30 = arith.constant 0 : i32
      %dma_start3A_31 = arith.constant 0 : i32
      %dma_start3A_32 = tpu.memref_slice %arg5[%dma_start3A_30, %dma_start3A_31] : memref<50176x8xf32, #tpu.memory_space<hbm>> -> memref<80x8xf32, #tpu.memory_space<hbm>>
      %dma_start3A_33 = arith.constant 0 : i32
      %dma_start3A_34 = arith.constant 0 : i32
      %dma_start3A_35 = tpu.memref_slice %arg10[%run_scoped3A_11, %dma_start3A_33, %dma_start3A_34] : memref<8x80x8xf32, #tpu.memory_space<vmem>> -> memref<1x80x8xf32, #tpu.memory_space<vmem>>
      %dma_start3A_36 = tpu.memref_squeeze %dma_start3A_35 : memref<1x80x8xf32, #tpu.memory_space<vmem>> -> memref<80x8xf32, #tpu.memory_space<vmem>>
      %dma_start3A_37 = arith.constant 0 : i32
      %dma_start3A_38 = arith.constant 0 : i32
      %dma_start3A_39 = tpu.memref_slice %arg5[%dma_start3A_37, %dma_start3A_38] : memref<50176x8xf32, #tpu.memory_space<hbm>> -> memref<80x8xf32, #tpu.memory_space<hbm>>
      tpu.enqueue_dma source(%dma_start3A_39 : memref<80x8xf32, #tpu.memory_space<hbm>>) target(%dma_start3A_36 : memref<80x8xf32, #tpu.memory_space<vmem>>) target_semaphore(%run_scoped3A_26 : memref<!tpu.dma_semaphore, #tpu.memory_space<semaphore_mem>>)
      %dma_wait3A = arith.constant 0 : i32
      %dma_wait3A_40 = arith.constant 0 : i32
      %dma_wait3A_41 = tpu.memref_slice %arg10[%run_scoped3A_11, %dma_wait3A, %dma_wait3A_40] : memref<8x80x8xf32, #tpu.memory_space<vmem>> -> memref<1x80x8xf32, #tpu.memory_space<vmem>>
      %dma_wait3A_42 = tpu.memref_squeeze %dma_wait3A_41 : memref<1x80x8xf32, #tpu.memory_space<vmem>> -> memref<80x8xf32, #tpu.memory_space<vmem>>
      %dma_wait3A_43 = arith.constant 0 : i32
      %dma_wait3A_44 = arith.constant 0 : i32
      %dma_wait3A_45 = tpu.memref_slice %arg5[%dma_wait3A_43, %dma_wait3A_44] : memref<50176x8xf32, #tpu.memory_space<hbm>> -> memref<80x8xf32, #tpu.memory_space<hbm>>
      %dma_wait3A_46 = arith.constant 0 : i32
      %dma_wait3A_47 = arith.constant 0 : i32
      %dma_wait3A_48 = tpu.memref_slice %arg10[%run_scoped3A_11, %dma_wait3A_46, %dma_wait3A_47] : memref<8x80x8xf32, #tpu.memory_space<vmem>> -> memref<1x80x8xf32, #tpu.memory_space<vmem>>
      %dma_wait3A_49 = tpu.memref_squeeze %dma_wait3A_48 : memref<1x80x8xf32, #tpu.memory_space<vmem>> -> memref<80x8xf32, #tpu.memory_space<vmem>>
      %dma_wait3A_50 = arith.constant 0 : i32
      %dma_wait3A_51 = arith.constant 0 : i32
      %dma_wait3A_52 = tpu.memref_slice %arg5[%dma_wait3A_50, %dma_wait3A_51] : memref<50176x8xf32, #tpu.memory_space<hbm>> -> memref<80x8xf32, #tpu.memory_space<hbm>>
      tpu.wait_dma2 semaphore(%run_scoped3A_26 : memref<!tpu.dma_semaphore, #tpu.memory_space<semaphore_mem>>) src(%dma_wait3A_52 : memref<80x8xf32, #tpu.memory_space<hbm>>) dst(%dma_wait3A_49 : memref<80x8xf32, #tpu.memory_space<vmem>>)
      tpu.yield
    }) : () -> ()
    %barrier3A = arith.constant 0 : index
    tpu.barrier barrier_id(%barrier3A)
    %iota3A = tpu.iota {dimensions = array<i32: 0>} : vector<16xi32>
    %broadcast_in_dim3A = arith.constant 0 : i32
    %broadcast_in_dim3A_12 = vector.broadcast %broadcast_in_dim3A : i32 to vector<16xi32>
    %add3A_13 = arith.constant 1 : i32
    %add3A_14 = vector.broadcast %add3A_13 : i32 to vector<16xi32>
    %add3A_15 = arith.addi %broadcast_in_dim3A_12, %add3A_14 : vector<16xi32>
    %scan3A = arith.constant 0 : i32
    %scan3A_16 = arith.constant 0 : i32
    %scan3A_17 = arith.constant 38 : i32
    %scan3A_18 = arith.addi %scan3A_16, %scan3A_17 : i32
    %scan3A_19 = arith.constant 1 : i32
    scf.for %scan3A_26 = %scan3A_16 to %scan3A_18 step %scan3A_19  : i32 {
      %mul3A_27 = arith.constant 32 : i32
      %mul3A_28 = arith.muli %scan3A_26, %mul3A_27 : i32
      %add3A_29 = arith.addi %mul3A_28, %add3A : i32
      %lt3A = arith.constant 1200 : i32
      %lt3A_30 = arith.cmpi slt, %add3A_29, %lt3A : i32
      %convert_element_type3A = arith.extui %lt3A_30 : i1 to i32
      %cond3A = arith.constant 0 : i32
      %cond3A_31 = arith.cmpi ne, %convert_element_type3A, %cond3A : i32
      scf.if %cond3A_31 {
        %mul3A_32 = arith.constant 8 : i32
        %mul3A_33 = arith.muli %add3A_29, %mul3A_32 : i32
        "tpu.region"() ({
          %run_scoped3A_1066 = tpu.sem_alloc : memref<!tpu.dma_semaphore, #tpu.memory_space<semaphore_mem>>
          %dma_start3A_1067 = arith.constant 0 : i32
          %dma_start3A_1068 = tpu.memref_slice %arg4[%mul3A_33, %dma_start3A_1067] : memref<9600x80xi32, #tpu.memory_space<hbm>> -> memref<8x80xi32, #tpu.memory_space<hbm>>
          %dma_start3A_1069 = arith.constant 0 : i32
          %dma_start3A_1070 = tpu.memref_slice %arg4[%mul3A_33, %dma_start3A_1069] : memref<9600x80xi32, #tpu.memory_space<hbm>> -> memref<8x80xi32, #tpu.memory_space<hbm>>
          tpu.enqueue_dma source(%dma_start3A_1070 : memref<8x80xi32, #tpu.memory_space<hbm>>) target(%arg7 : memref<8x80xi32, #tpu.memory_space<vmem>>) target_semaphore(%run_scoped3A_1066 : memref<!tpu.dma_semaphore, #tpu.memory_space<semaphore_mem>>)
          %dma_wait3A_1071 = arith.constant 0 : i32
          %dma_wait3A_1072 = tpu.memref_slice %arg4[%mul3A_33, %dma_wait3A_1071] : memref<9600x80xi32, #tpu.memory_space<hbm>> -> memref<8x80xi32, #tpu.memory_space<hbm>>
          %dma_wait3A_1073 = arith.constant 0 : i32
          %dma_wait3A_1074 = tpu.memref_slice %arg4[%mul3A_33, %dma_wait3A_1073] : memref<9600x80xi32, #tpu.memory_space<hbm>> -> memref<8x80xi32, #tpu.memory_space<hbm>>
          tpu.wait_dma2 semaphore(%run_scoped3A_1066 : memref<!tpu.dma_semaphore, #tpu.memory_space<semaphore_mem>>) src(%dma_wait3A_1074 : memref<8x80xi32, #tpu.memory_space<hbm>>) dst(%arg7 : memref<8x80xi32, #tpu.memory_space<vmem>>)
          tpu.yield
        }) : () -> ()
        %mul3A_34 = arith.constant 8 : i32
        %mul3A_35 = arith.muli %add3A_29, %mul3A_34 : i32
        "tpu.region"() ({
          %run_scoped3A_1066 = tpu.sem_alloc : memref<!tpu.dma_semaphore, #tpu.memory_space<semaphore_mem>>
          %dma_start3A_1067 = arith.constant 0 : i32
          %dma_start3A_1068 = tpu.memref_slice %arg2[%mul3A_35, %dma_start3A_1067] : memref<9600x80xf32, #tpu.memory_space<hbm>> -> memref<8x80xf32, #tpu.memory_space<hbm>>
          %dma_start3A_1069 = arith.constant 0 : i32
          %dma_start3A_1070 = tpu.memref_slice %arg2[%mul3A_35, %dma_start3A_1069] : memref<9600x80xf32, #tpu.memory_space<hbm>> -> memref<8x80xf32, #tpu.memory_space<hbm>>
          tpu.enqueue_dma source(%dma_start3A_1070 : memref<8x80xf32, #tpu.memory_space<hbm>>) target(%arg8 : memref<8x80xf32, #tpu.memory_space<vmem>>) target_semaphore(%run_scoped3A_1066 : memref<!tpu.dma_semaphore, #tpu.memory_space<semaphore_mem>>)
          %dma_wait3A_1071 = arith.constant 0 : i32
          %dma_wait3A_1072 = tpu.memref_slice %arg2[%mul3A_35, %dma_wait3A_1071] : memref<9600x80xf32, #tpu.memory_space<hbm>> -> memref<8x80xf32, #tpu.memory_space<hbm>>
          %dma_wait3A_1073 = arith.constant 0 : i32
          %dma_wait3A_1074 = tpu.memref_slice %arg2[%mul3A_35, %dma_wait3A_1073] : memref<9600x80xf32, #tpu.memory_space<hbm>> -> memref<8x80xf32, #tpu.memory_space<hbm>>
          tpu.wait_dma2 semaphore(%run_scoped3A_1066 : memref<!tpu.dma_semaphore, #tpu.memory_space<semaphore_mem>>) src(%dma_wait3A_1074 : memref<8x80xf32, #tpu.memory_space<hbm>>) dst(%arg8 : memref<8x80xf32, #tpu.memory_space<vmem>>)
          tpu.yield
        }) : () -> ()
        %mul3A_36 = arith.constant 8 : i32
        %mul3A_37 = arith.muli %add3A_29, %mul3A_36 : i32
        "tpu.region"() ({
          %run_scoped3A_1066 = tpu.sem_alloc : memref<!tpu.dma_semaphore, #tpu.memory_space<semaphore_mem>>
          %dma_start3A_1067 = arith.constant 0 : i32
          %dma_start3A_1068 = tpu.memref_slice %arg3[%mul3A_37, %dma_start3A_1067] : memref<9600x80xf32, #tpu.memory_space<hbm>> -> memref<8x80xf32, #tpu.memory_space<hbm>>
          %dma_start3A_1069 = arith.constant 0 : i32
          %dma_start3A_1070 = tpu.memref_slice %arg3[%mul3A_37, %dma_start3A_1069] : memref<9600x80xf32, #tpu.memory_space<hbm>> -> memref<8x80xf32, #tpu.memory_space<hbm>>
          tpu.enqueue_dma source(%dma_start3A_1070 : memref<8x80xf32, #tpu.memory_space<hbm>>) target(%arg9 : memref<8x80xf32, #tpu.memory_space<vmem>>) target_semaphore(%run_scoped3A_1066 : memref<!tpu.dma_semaphore, #tpu.memory_space<semaphore_mem>>)
          %dma_wait3A_1071 = arith.constant 0 : i32
          %dma_wait3A_1072 = tpu.memref_slice %arg3[%mul3A_37, %dma_wait3A_1071] : memref<9600x80xf32, #tpu.memory_space<hbm>> -> memref<8x80xf32, #tpu.memory_space<hbm>>
          %dma_wait3A_1073 = arith.constant 0 : i32
          %dma_wait3A_1074 = tpu.memref_slice %arg3[%mul3A_37, %dma_wait3A_1073] : memref<9600x80xf32, #tpu.memory_space<hbm>> -> memref<8x80xf32, #tpu.memory_space<hbm>>
          tpu.wait_dma2 semaphore(%run_scoped3A_1066 : memref<!tpu.dma_semaphore, #tpu.memory_space<semaphore_mem>>) src(%dma_wait3A_1074 : memref<8x80xf32, #tpu.memory_space<hbm>>) dst(%arg9 : memref<8x80xf32, #tpu.memory_space<vmem>>)
          tpu.yield
        }) : () -> ()
        %add3A_38 = arith.constant 0 : i32
        %add3A_39 = vector.broadcast %add3A_38 : i32 to vector<16xi32>
        %add3A_40 = arith.addi %iota3A, %add3A_39 : vector<16xi32>
        %get3A = arith.constant 0 : i32
        %get3A_41 = arith.index_cast %get3A : i32 to index
        %get3A_42 = arith.constant 0 : index
        %get3A_43 = tpu.vector_load %arg8[%get3A_41, %get3A_42] {strides = array<i32>} : memref<8x80xf32, #tpu.memory_space<vmem>>, vector<16xf32>,
        %get3A_44 = arith.constant 0 : i32
        %get3A_45 = arith.index_cast %get3A_44 : i32 to index
        %get3A_46 = arith.constant 0 : index
        %get3A_47 = tpu.vector_load %arg9[%get3A_45, %get3A_46] {strides = array<i32>} : memref<8x80xf32, #tpu.memory_space<vmem>>, vector<16xf32>,
        %scatter3A = arith.constant 0 : i32
        %scatter3A_48 = arith.constant 0 : i32
        %scatter3A_49 = arith.constant 0 : i32
        %scatter3A_50 = tpu.memref_slice %arg10[%scatter3A, %scatter3A_48, %scatter3A_49] : memref<8x80x8xf32, #tpu.memory_space<vmem>> -> memref<1x80x8xf32, #tpu.memory_space<vmem>>
        %scatter3A_51 = tpu.memref_squeeze %scatter3A_50 : memref<1x80x8xf32, #tpu.memory_space<vmem>> -> memref<80x8xf32, #tpu.memory_space<vmem>>
        tpu.vector_store_idx %scatter3A_51[%add3A_40, %broadcast_in_dim3A_12], %get3A_43 : memref<80x8xf32, #tpu.memory_space<vmem>>[vector<16xi32>, vector<16xi32>], vector<16xf32>,
        %scatter3A_52 = arith.constant 0 : i32
        %scatter3A_53 = arith.constant 0 : i32
        %scatter3A_54 = arith.constant 0 : i32
        %scatter3A_55 = tpu.memref_slice %arg10[%scatter3A_52, %scatter3A_53, %scatter3A_54] : memref<8x80x8xf32, #tpu.memory_space<vmem>> -> memref<1x80x8xf32, #tpu.memory_space<vmem>>
        %scatter3A_56 = tpu.memref_squeeze %scatter3A_55 : memref<1x80x8xf32, #tpu.memory_space<vmem>> -> memref<80x8xf32, #tpu.memory_space<vmem>>
        tpu.vector_store_idx %scatter3A_56[%add3A_40, %add3A_15], %get3A_47 : memref<80x8xf32, #tpu.memory_space<vmem>>[vector<16xi32>, vector<16xi32>], vector<16xf32>,
        %add3A_57 = arith.constant 16 : i32
        %add3A_58 = vector.broadcast %add3A_57 : i32 to vector<16xi32>
        %add3A_59 = arith.addi %iota3A, %add3A_58 : vector<16xi32>
        %get3A_60 = arith.constant 0 : i32
        %get3A_61 = arith.index_cast %get3A_60 : i32 to index
        %get3A_62 = arith.constant 16 : index
        %get3A_63 = tpu.vector_load %arg8[%get3A_61, %get3A_62] {strides = array<i32>} : memref<8x80xf32, #tpu.memory_space<vmem>>, vector<16xf32>,
        %get3A_64 = arith.constant 0 : i32
        %get3A_65 = arith.index_cast %get3A_64 : i32 to index
        %get3A_66 = arith.constant 16 : index
        %get3A_67 = tpu.vector_load %arg9[%get3A_65, %get3A_66] {strides = array<i32>} : memref<8x80xf32, #tpu.memory_space<vmem>>, vector<16xf32>,
        %scatter3A_68 = arith.constant 0 : i32
        %scatter3A_69 = arith.constant 0 : i32
        %scatter3A_70 = arith.constant 0 : i32
        %scatter3A_71 = tpu.memref_slice %arg10[%scatter3A_68, %scatter3A_69, %scatter3A_70] : memref<8x80x8xf32, #tpu.memory_space<vmem>> -> memref<1x80x8xf32, #tpu.memory_space<vmem>>
        %scatter3A_72 = tpu.memref_squeeze %scatter3A_71 : memref<1x80x8xf32, #tpu.memory_space<vmem>> -> memref<80x8xf32, #tpu.memory_space<vmem>>
        tpu.vector_store_idx %scatter3A_72[%add3A_59, %broadcast_in_dim3A_12], %get3A_63 : memref<80x8xf32, #tpu.memory_space<vmem>>[vector<16xi32>, vector<16xi32>], vector<16xf32>,
        %scatter3A_73 = arith.constant 0 : i32
        %scatter3A_74 = arith.constant 0 : i32
        %scatter3A_75 = arith.constant 0 : i32
        %scatter3A_76 = tpu.memref_slice %arg10[%scatter3A_73, %scatter3A_74, %scatter3A_75] : memref<8x80x8xf32, #tpu.memory_space<vmem>> -> memref<1x80x8xf32, #tpu.memory_space<vmem>>
        %scatter3A_77 = tpu.memref_squeeze %scatter3A_76 : memref<1x80x8xf32, #tpu.memory_space<vmem>> -> memref<80x8xf32, #tpu.memory_space<vmem>>
        tpu.vector_store_idx %scatter3A_77[%add3A_59, %add3A_15], %get3A_67 : memref<80x8xf32, #tpu.memory_space<vmem>>[vector<16xi32>, vector<16xi32>], vector<16xf32>,
        %add3A_78 = arith.constant 32 : i32
        %add3A_79 = vector.broadcast %add3A_78 : i32 to vector<16xi32>
        %add3A_80 = arith.addi %iota3A, %add3A_79 : vector<16xi32>
        %get3A_81 = arith.constant 0 : i32
        %get3A_82 = arith.index_cast %get3A_81 : i32 to index
        %get3A_83 = arith.constant 32 : index
        %get3A_84 = tpu.vector_load %arg8[%get3A_82, %get3A_83] {strides = array<i32>} : memref<8x80xf32, #tpu.memory_space<vmem>>, vector<16xf32>,
        %get3A_85 = arith.constant 0 : i32
        %get3A_86 = arith.index_cast %get3A_85 : i32 to index
        %get3A_87 = arith.constant 32 : index
        %get3A_88 = tpu.vector_load %arg9[%get3A_86, %get3A_87] {strides = array<i32>} : memref<8x80xf32, #tpu.memory_space<vmem>>, vector<16xf32>,
        %scatter3A_89 = arith.constant 0 : i32
        %scatter3A_90 = arith.constant 0 : i32
        %scatter3A_91 = arith.constant 0 : i32
        %scatter3A_92 = tpu.memref_slice %arg10[%scatter3A_89, %scatter3A_90, %scatter3A_91] : memref<8x80x8xf32, #tpu.memory_space<vmem>> -> memref<1x80x8xf32, #tpu.memory_space<vmem>>
        %scatter3A_93 = tpu.memref_squeeze %scatter3A_92 : memref<1x80x8xf32, #tpu.memory_space<vmem>> -> memref<80x8xf32, #tpu.memory_space<vmem>>
        tpu.vector_store_idx %scatter3A_93[%add3A_80, %broadcast_in_dim3A_12], %get3A_84 : memref<80x8xf32, #tpu.memory_space<vmem>>[vector<16xi32>, vector<16xi32>], vector<16xf32>,
        %scatter3A_94 = arith.constant 0 : i32
        %scatter3A_95 = arith.constant 0 : i32
        %scatter3A_96 = arith.constant 0 : i32
        %scatter3A_97 = tpu.memref_slice %arg10[%scatter3A_94, %scatter3A_95, %scatter3A_96] : memref<8x80x8xf32, #tpu.memory_space<vmem>> -> memref<1x80x8xf32, #tpu.memory_space<vmem>>
        %scatter3A_98 = tpu.memref_squeeze %scatter3A_97 : memref<1x80x8xf32, #tpu.memory_space<vmem>> -> memref<80x8xf32, #tpu.memory_space<vmem>>
        tpu.vector_store_idx %scatter3A_98[%add3A_80, %add3A_15], %get3A_88 : memref<80x8xf32, #tpu.memory_space<vmem>>[vector<16xi32>, vector<16xi32>], vector<16xf32>,
        %add3A_99 = arith.constant 48 : i32
        %add3A_100 = vector.broadcast %add3A_99 : i32 to vector<16xi32>
        %add3A_101 = arith.addi %iota3A, %add3A_100 : vector<16xi32>
        %get3A_102 = arith.constant 0 : i32
        %get3A_103 = arith.index_cast %get3A_102 : i32 to index
        %get3A_104 = arith.constant 48 : index
        %get3A_105 = tpu.vector_load %arg8[%get3A_103, %get3A_104] {strides = array<i32>} : memref<8x80xf32, #tpu.memory_space<vmem>>, vector<16xf32>,
        %get3A_106 = arith.constant 0 : i32
        %get3A_107 = arith.index_cast %get3A_106 : i32 to index
        %get3A_108 = arith.constant 48 : index
        %get3A_109 = tpu.vector_load %arg9[%get3A_107, %get3A_108] {strides = array<i32>} : memref<8x80xf32, #tpu.memory_space<vmem>>, vector<16xf32>,
        %scatter3A_110 = arith.constant 0 : i32
        %scatter3A_111 = arith.constant 0 : i32
        %scatter3A_112 = arith.constant 0 : i32
        %scatter3A_113 = tpu.memref_slice %arg10[%scatter3A_110, %scatter3A_111, %scatter3A_112] : memref<8x80x8xf32, #tpu.memory_space<vmem>> -> memref<1x80x8xf32, #tpu.memory_space<vmem>>
        %scatter3A_114 = tpu.memref_squeeze %scatter3A_113 : memref<1x80x8xf32, #tpu.memory_space<vmem>> -> memref<80x8xf32, #tpu.memory_space<vmem>>
        tpu.vector_store_idx %scatter3A_114[%add3A_101, %broadcast_in_dim3A_12], %get3A_105 : memref<80x8xf32, #tpu.memory_space<vmem>>[vector<16xi32>, vector<16xi32>], vector<16xf32>,
        %scatter3A_115 = arith.constant 0 : i32
        %scatter3A_116 = arith.constant 0 : i32
        %scatter3A_117 = arith.constant 0 : i32
        %scatter3A_118 = tpu.memref_slice %arg10[%scatter3A_115, %scatter3A_116, %scatter3A_117] : memref<8x80x8xf32, #tpu.memory_space<vmem>> -> memref<1x80x8xf32, #tpu.memory_space<vmem>>
        %scatter3A_119 = tpu.memref_squeeze %scatter3A_118 : memref<1x80x8xf32, #tpu.memory_space<vmem>> -> memref<80x8xf32, #tpu.memory_space<vmem>>
        tpu.vector_store_idx %scatter3A_119[%add3A_101, %add3A_15], %get3A_109 : memref<80x8xf32, #tpu.memory_space<vmem>>[vector<16xi32>, vector<16xi32>], vector<16xf32>,
        %add3A_120 = arith.constant 64 : i32
        %add3A_121 = vector.broadcast %add3A_120 : i32 to vector<16xi32>
        %add3A_122 = arith.addi %iota3A, %add3A_121 : vector<16xi32>
        %get3A_123 = arith.constant 0 : i32
        %get3A_124 = arith.index_cast %get3A_123 : i32 to index
        %get3A_125 = arith.constant 64 : index
        %get3A_126 = tpu.vector_load %arg8[%get3A_124, %get3A_125] {strides = array<i32>} : memref<8x80xf32, #tpu.memory_space<vmem>>, vector<16xf32>,
        %get3A_127 = arith.constant 0 : i32
        %get3A_128 = arith.index_cast %get3A_127 : i32 to index
        %get3A_129 = arith.constant 64 : index
        %get3A_130 = tpu.vector_load %arg9[%get3A_128, %get3A_129] {strides = array<i32>} : memref<8x80xf32, #tpu.memory_space<vmem>>, vector<16xf32>,
        %scatter3A_131 = arith.constant 0 : i32
        %scatter3A_132 = arith.constant 0 : i32
        %scatter3A_133 = arith.constant 0 : i32
        %scatter3A_134 = tpu.memref_slice %arg10[%scatter3A_131, %scatter3A_132, %scatter3A_133] : memref<8x80x8xf32, #tpu.memory_space<vmem>> -> memref<1x80x8xf32, #tpu.memory_space<vmem>>
        %scatter3A_135 = tpu.memref_squeeze %scatter3A_134 : memref<1x80x8xf32, #tpu.memory_space<vmem>> -> memref<80x8xf32, #tpu.memory_space<vmem>>
        tpu.vector_store_idx %scatter3A_135[%add3A_122, %broadcast_in_dim3A_12], %get3A_126 : memref<80x8xf32, #tpu.memory_space<vmem>>[vector<16xi32>, vector<16xi32>], vector<16xf32>,
        %scatter3A_136 = arith.constant 0 : i32
        %scatter3A_137 = arith.constant 0 : i32
        %scatter3A_138 = arith.constant 0 : i32
        %scatter3A_139 = tpu.memref_slice %arg10[%scatter3A_136, %scatter3A_137, %scatter3A_138] : memref<8x80x8xf32, #tpu.memory_space<vmem>> -> memref<1x80x8xf32, #tpu.memory_space<vmem>>
        %scatter3A_140 = tpu.memref_squeeze %scatter3A_139 : memref<1x80x8xf32, #tpu.memory_space<vmem>> -> memref<80x8xf32, #tpu.memory_space<vmem>>
        tpu.vector_store_idx %scatter3A_140[%add3A_122, %add3A_15], %get3A_130 : memref<80x8xf32, #tpu.memory_space<vmem>>[vector<16xi32>, vector<16xi32>], vector<16xf32>,
        %add3A_141 = arith.constant 0 : i32
        %add3A_142 = vector.broadcast %add3A_141 : i32 to vector<16xi32>
        %add3A_143 = arith.addi %iota3A, %add3A_142 : vector<16xi32>
        %get3A_144 = arith.constant 1 : i32
        %get3A_145 = arith.index_cast %get3A_144 : i32 to index
        %get3A_146 = arith.constant 0 : index
        %get3A_147 = tpu.vector_load %arg8[%get3A_145, %get3A_146] {strides = array<i32>} : memref<8x80xf32, #tpu.memory_space<vmem>>, vector<16xf32>,
        %get3A_148 = arith.constant 1 : i32
        %get3A_149 = arith.index_cast %get3A_148 : i32 to index
        %get3A_150 = arith.constant 0 : index
        %get3A_151 = tpu.vector_load %arg9[%get3A_149, %get3A_150] {strides = array<i32>} : memref<8x80xf32, #tpu.memory_space<vmem>>, vector<16xf32>,
        %scatter3A_152 = arith.constant 1 : i32
        %scatter3A_153 = arith.constant 0 : i32
        %scatter3A_154 = arith.constant 0 : i32
        %scatter3A_155 = tpu.memref_slice %arg10[%scatter3A_152, %scatter3A_153, %scatter3A_154] : memref<8x80x8xf32, #tpu.memory_space<vmem>> -> memref<1x80x8xf32, #tpu.memory_space<vmem>>
        %scatter3A_156 = tpu.memref_squeeze %scatter3A_155 : memref<1x80x8xf32, #tpu.memory_space<vmem>> -> memref<80x8xf32, #tpu.memory_space<vmem>>
        tpu.vector_store_idx %scatter3A_156[%add3A_143, %broadcast_in_dim3A_12], %get3A_147 : memref<80x8xf32, #tpu.memory_space<vmem>>[vector<16xi32>, vector<16xi32>], vector<16xf32>,
        %scatter3A_157 = arith.constant 1 : i32
        %scatter3A_158 = arith.constant 0 : i32
        %scatter3A_159 = arith.constant 0 : i32
        %scatter3A_160 = tpu.memref_slice %arg10[%scatter3A_157, %scatter3A_158, %scatter3A_159] : memref<8x80x8xf32, #tpu.memory_space<vmem>> -> memref<1x80x8xf32, #tpu.memory_space<vmem>>
        %scatter3A_161 = tpu.memref_squeeze %scatter3A_160 : memref<1x80x8xf32, #tpu.memory_space<vmem>> -> memref<80x8xf32, #tpu.memory_space<vmem>>
        tpu.vector_store_idx %scatter3A_161[%add3A_143, %add3A_15], %get3A_151 : memref<80x8xf32, #tpu.memory_space<vmem>>[vector<16xi32>, vector<16xi32>], vector<16xf32>,
        %add3A_162 = arith.constant 16 : i32
        %add3A_163 = vector.broadcast %add3A_162 : i32 to vector<16xi32>
        %add3A_164 = arith.addi %iota3A, %add3A_163 : vector<16xi32>
        %get3A_165 = arith.constant 1 : i32
        %get3A_166 = arith.index_cast %get3A_165 : i32 to index
        %get3A_167 = arith.constant 16 : index
        %get3A_168 = tpu.vector_load %arg8[%get3A_166, %get3A_167] {strides = array<i32>} : memref<8x80xf32, #tpu.memory_space<vmem>>, vector<16xf32>,
        %get3A_169 = arith.constant 1 : i32
        %get3A_170 = arith.index_cast %get3A_169 : i32 to index
        %get3A_171 = arith.constant 16 : index
        %get3A_172 = tpu.vector_load %arg9[%get3A_170, %get3A_171] {strides = array<i32>} : memref<8x80xf32, #tpu.memory_space<vmem>>, vector<16xf32>,
        %scatter3A_173 = arith.constant 1 : i32
        %scatter3A_174 = arith.constant 0 : i32
        %scatter3A_175 = arith.constant 0 : i32
        %scatter3A_176 = tpu.memref_slice %arg10[%scatter3A_173, %scatter3A_174, %scatter3A_175] : memref<8x80x8xf32, #tpu.memory_space<vmem>> -> memref<1x80x8xf32, #tpu.memory_space<vmem>>
        %scatter3A_177 = tpu.memref_squeeze %scatter3A_176 : memref<1x80x8xf32, #tpu.memory_space<vmem>> -> memref<80x8xf32, #tpu.memory_space<vmem>>
        tpu.vector_store_idx %scatter3A_177[%add3A_164, %broadcast_in_dim3A_12], %get3A_168 : memref<80x8xf32, #tpu.memory_space<vmem>>[vector<16xi32>, vector<16xi32>], vector<16xf32>,
        %scatter3A_178 = arith.constant 1 : i32
        %scatter3A_179 = arith.constant 0 : i32
        %scatter3A_180 = arith.constant 0 : i32
        %scatter3A_181 = tpu.memref_slice %arg10[%scatter3A_178, %scatter3A_179, %scatter3A_180] : memref<8x80x8xf32, #tpu.memory_space<vmem>> -> memref<1x80x8xf32, #tpu.memory_space<vmem>>
        %scatter3A_182 = tpu.memref_squeeze %scatter3A_181 : memref<1x80x8xf32, #tpu.memory_space<vmem>> -> memref<80x8xf32, #tpu.memory_space<vmem>>
        tpu.vector_store_idx %scatter3A_182[%add3A_164, %add3A_15], %get3A_172 : memref<80x8xf32, #tpu.memory_space<vmem>>[vector<16xi32>, vector<16xi32>], vector<16xf32>,
        %add3A_183 = arith.constant 32 : i32
        %add3A_184 = vector.broadcast %add3A_183 : i32 to vector<16xi32>
        %add3A_185 = arith.addi %iota3A, %add3A_184 : vector<16xi32>
        %get3A_186 = arith.constant 1 : i32
        %get3A_187 = arith.index_cast %get3A_186 : i32 to index
        %get3A_188 = arith.constant 32 : index
        %get3A_189 = tpu.vector_load %arg8[%get3A_187, %get3A_188] {strides = array<i32>} : memref<8x80xf32, #tpu.memory_space<vmem>>, vector<16xf32>,
        %get3A_190 = arith.constant 1 : i32
        %get3A_191 = arith.index_cast %get3A_190 : i32 to index
        %get3A_192 = arith.constant 32 : index
        %get3A_193 = tpu.vector_load %arg9[%get3A_191, %get3A_192] {strides = array<i32>} : memref<8x80xf32, #tpu.memory_space<vmem>>, vector<16xf32>,
        %scatter3A_194 = arith.constant 1 : i32
        %scatter3A_195 = arith.constant 0 : i32
        %scatter3A_196 = arith.constant 0 : i32
        %scatter3A_197 = tpu.memref_slice %arg10[%scatter3A_194, %scatter3A_195, %scatter3A_196] : memref<8x80x8xf32, #tpu.memory_space<vmem>> -> memref<1x80x8xf32, #tpu.memory_space<vmem>>
        %scatter3A_198 = tpu.memref_squeeze %scatter3A_197 : memref<1x80x8xf32, #tpu.memory_space<vmem>> -> memref<80x8xf32, #tpu.memory_space<vmem>>
        tpu.vector_store_idx %scatter3A_198[%add3A_185, %broadcast_in_dim3A_12], %get3A_189 : memref<80x8xf32, #tpu.memory_space<vmem>>[vector<16xi32>, vector<16xi32>], vector<16xf32>,
        %scatter3A_199 = arith.constant 1 : i32
        %scatter3A_200 = arith.constant 0 : i32
        %scatter3A_201 = arith.constant 0 : i32
        %scatter3A_202 = tpu.memref_slice %arg10[%scatter3A_199, %scatter3A_200, %scatter3A_201] : memref<8x80x8xf32, #tpu.memory_space<vmem>> -> memref<1x80x8xf32, #tpu.memory_space<vmem>>
        %scatter3A_203 = tpu.memref_squeeze %scatter3A_202 : memref<1x80x8xf32, #tpu.memory_space<vmem>> -> memref<80x8xf32, #tpu.memory_space<vmem>>
        tpu.vector_store_idx %scatter3A_203[%add3A_185, %add3A_15], %get3A_193 : memref<80x8xf32, #tpu.memory_space<vmem>>[vector<16xi32>, vector<16xi32>], vector<16xf32>,
        %add3A_204 = arith.constant 48 : i32
        %add3A_205 = vector.broadcast %add3A_204 : i32 to vector<16xi32>
        %add3A_206 = arith.addi %iota3A, %add3A_205 : vector<16xi32>
        %get3A_207 = arith.constant 1 : i32
        %get3A_208 = arith.index_cast %get3A_207 : i32 to index
        %get3A_209 = arith.constant 48 : index
        %get3A_210 = tpu.vector_load %arg8[%get3A_208, %get3A_209] {strides = array<i32>} : memref<8x80xf32, #tpu.memory_space<vmem>>, vector<16xf32>,
        %get3A_211 = arith.constant 1 : i32
        %get3A_212 = arith.index_cast %get3A_211 : i32 to index
        %get3A_213 = arith.constant 48 : index
        %get3A_214 = tpu.vector_load %arg9[%get3A_212, %get3A_213] {strides = array<i32>} : memref<8x80xf32, #tpu.memory_space<vmem>>, vector<16xf32>,
        %scatter3A_215 = arith.constant 1 : i32
        %scatter3A_216 = arith.constant 0 : i32
        %scatter3A_217 = arith.constant 0 : i32
        %scatter3A_218 = tpu.memref_slice %arg10[%scatter3A_215, %scatter3A_216, %scatter3A_217] : memref<8x80x8xf32, #tpu.memory_space<vmem>> -> memref<1x80x8xf32, #tpu.memory_space<vmem>>
        %scatter3A_219 = tpu.memref_squeeze %scatter3A_218 : memref<1x80x8xf32, #tpu.memory_space<vmem>> -> memref<80x8xf32, #tpu.memory_space<vmem>>
        tpu.vector_store_idx %scatter3A_219[%add3A_206, %broadcast_in_dim3A_12], %get3A_210 : memref<80x8xf32, #tpu.memory_space<vmem>>[vector<16xi32>, vector<16xi32>], vector<16xf32>,
        %scatter3A_220 = arith.constant 1 : i32
        %scatter3A_221 = arith.constant 0 : i32
        %scatter3A_222 = arith.constant 0 : i32
        %scatter3A_223 = tpu.memref_slice %arg10[%scatter3A_220, %scatter3A_221, %scatter3A_222] : memref<8x80x8xf32, #tpu.memory_space<vmem>> -> memref<1x80x8xf32, #tpu.memory_space<vmem>>
        %scatter3A_224 = tpu.memref_squeeze %scatter3A_223 : memref<1x80x8xf32, #tpu.memory_space<vmem>> -> memref<80x8xf32, #tpu.memory_space<vmem>>
        tpu.vector_store_idx %scatter3A_224[%add3A_206, %add3A_15], %get3A_214 : memref<80x8xf32, #tpu.memory_space<vmem>>[vector<16xi32>, vector<16xi32>], vector<16xf32>,
        %add3A_225 = arith.constant 64 : i32
        %add3A_226 = vector.broadcast %add3A_225 : i32 to vector<16xi32>
        %add3A_227 = arith.addi %iota3A, %add3A_226 : vector<16xi32>
        %get3A_228 = arith.constant 1 : i32
        %get3A_229 = arith.index_cast %get3A_228 : i32 to index
        %get3A_230 = arith.constant 64 : index
        %get3A_231 = tpu.vector_load %arg8[%get3A_229, %get3A_230] {strides = array<i32>} : memref<8x80xf32, #tpu.memory_space<vmem>>, vector<16xf32>,
        %get3A_232 = arith.constant 1 : i32
        %get3A_233 = arith.index_cast %get3A_232 : i32 to index
        %get3A_234 = arith.constant 64 : index
        %get3A_235 = tpu.vector_load %arg9[%get3A_233, %get3A_234] {strides = array<i32>} : memref<8x80xf32, #tpu.memory_space<vmem>>, vector<16xf32>,
        %scatter3A_236 = arith.constant 1 : i32
        %scatter3A_237 = arith.constant 0 : i32
        %scatter3A_238 = arith.constant 0 : i32
        %scatter3A_239 = tpu.memref_slice %arg10[%scatter3A_236, %scatter3A_237, %scatter3A_238] : memref<8x80x8xf32, #tpu.memory_space<vmem>> -> memref<1x80x8xf32, #tpu.memory_space<vmem>>
        %scatter3A_240 = tpu.memref_squeeze %scatter3A_239 : memref<1x80x8xf32, #tpu.memory_space<vmem>> -> memref<80x8xf32, #tpu.memory_space<vmem>>
        tpu.vector_store_idx %scatter3A_240[%add3A_227, %broadcast_in_dim3A_12], %get3A_231 : memref<80x8xf32, #tpu.memory_space<vmem>>[vector<16xi32>, vector<16xi32>], vector<16xf32>,
        %scatter3A_241 = arith.constant 1 : i32
        %scatter3A_242 = arith.constant 0 : i32
        %scatter3A_243 = arith.constant 0 : i32
        %scatter3A_244 = tpu.memref_slice %arg10[%scatter3A_241, %scatter3A_242, %scatter3A_243] : memref<8x80x8xf32, #tpu.memory_space<vmem>> -> memref<1x80x8xf32, #tpu.memory_space<vmem>>
        %scatter3A_245 = tpu.memref_squeeze %scatter3A_244 : memref<1x80x8xf32, #tpu.memory_space<vmem>> -> memref<80x8xf32, #tpu.memory_space<vmem>>
        tpu.vector_store_idx %scatter3A_245[%add3A_227, %add3A_15], %get3A_235 : memref<80x8xf32, #tpu.memory_space<vmem>>[vector<16xi32>, vector<16xi32>], vector<16xf32>,
        %add3A_246 = arith.constant 0 : i32
        %add3A_247 = vector.broadcast %add3A_246 : i32 to vector<16xi32>
        %add3A_248 = arith.addi %iota3A, %add3A_247 : vector<16xi32>
        %get3A_249 = arith.constant 2 : i32
        %get3A_250 = arith.index_cast %get3A_249 : i32 to index
        %get3A_251 = arith.constant 0 : index
        %get3A_252 = tpu.vector_load %arg8[%get3A_250, %get3A_251] {strides = array<i32>} : memref<8x80xf32, #tpu.memory_space<vmem>>, vector<16xf32>,
        %get3A_253 = arith.constant 2 : i32
        %get3A_254 = arith.index_cast %get3A_253 : i32 to index
        %get3A_255 = arith.constant 0 : index
        %get3A_256 = tpu.vector_load %arg9[%get3A_254, %get3A_255] {strides = array<i32>} : memref<8x80xf32, #tpu.memory_space<vmem>>, vector<16xf32>,
        %scatter3A_257 = arith.constant 2 : i32
        %scatter3A_258 = arith.constant 0 : i32
        %scatter3A_259 = arith.constant 0 : i32
        %scatter3A_260 = tpu.memref_slice %arg10[%scatter3A_257, %scatter3A_258, %scatter3A_259] : memref<8x80x8xf32, #tpu.memory_space<vmem>> -> memref<1x80x8xf32, #tpu.memory_space<vmem>>
        %scatter3A_261 = tpu.memref_squeeze %scatter3A_260 : memref<1x80x8xf32, #tpu.memory_space<vmem>> -> memref<80x8xf32, #tpu.memory_space<vmem>>
        tpu.vector_store_idx %scatter3A_261[%add3A_248, %broadcast_in_dim3A_12], %get3A_252 : memref<80x8xf32, #tpu.memory_space<vmem>>[vector<16xi32>, vector<16xi32>], vector<16xf32>,
        %scatter3A_262 = arith.constant 2 : i32
        %scatter3A_263 = arith.constant 0 : i32
        %scatter3A_264 = arith.constant 0 : i32
        %scatter3A_265 = tpu.memref_slice %arg10[%scatter3A_262, %scatter3A_263, %scatter3A_264] : memref<8x80x8xf32, #tpu.memory_space<vmem>> -> memref<1x80x8xf32, #tpu.memory_space<vmem>>
        %scatter3A_266 = tpu.memref_squeeze %scatter3A_265 : memref<1x80x8xf32, #tpu.memory_space<vmem>> -> memref<80x8xf32, #tpu.memory_space<vmem>>
        tpu.vector_store_idx %scatter3A_266[%add3A_248, %add3A_15], %get3A_256 : memref<80x8xf32, #tpu.memory_space<vmem>>[vector<16xi32>, vector<16xi32>], vector<16xf32>,
        %add3A_267 = arith.constant 16 : i32
        %add3A_268 = vector.broadcast %add3A_267 : i32 to vector<16xi32>
        %add3A_269 = arith.addi %iota3A, %add3A_268 : vector<16xi32>
        %get3A_270 = arith.constant 2 : i32
        %get3A_271 = arith.index_cast %get3A_270 : i32 to index
        %get3A_272 = arith.constant 16 : index
        %get3A_273 = tpu.vector_load %arg8[%get3A_271, %get3A_272] {strides = array<i32>} : memref<8x80xf32, #tpu.memory_space<vmem>>, vector<16xf32>,
        %get3A_274 = arith.constant 2 : i32
        %get3A_275 = arith.index_cast %get3A_274 : i32 to index
        %get3A_276 = arith.constant 16 : index
        %get3A_277 = tpu.vector_load %arg9[%get3A_275, %get3A_276] {strides = array<i32>} : memref<8x80xf32, #tpu.memory_space<vmem>>, vector<16xf32>,
        %scatter3A_278 = arith.constant 2 : i32
        %scatter3A_279 = arith.constant 0 : i32
        %scatter3A_280 = arith.constant 0 : i32
        %scatter3A_281 = tpu.memref_slice %arg10[%scatter3A_278, %scatter3A_279, %scatter3A_280] : memref<8x80x8xf32, #tpu.memory_space<vmem>> -> memref<1x80x8xf32, #tpu.memory_space<vmem>>
        %scatter3A_282 = tpu.memref_squeeze %scatter3A_281 : memref<1x80x8xf32, #tpu.memory_space<vmem>> -> memref<80x8xf32, #tpu.memory_space<vmem>>
        tpu.vector_store_idx %scatter3A_282[%add3A_269, %broadcast_in_dim3A_12], %get3A_273 : memref<80x8xf32, #tpu.memory_space<vmem>>[vector<16xi32>, vector<16xi32>], vector<16xf32>,
        %scatter3A_283 = arith.constant 2 : i32
        %scatter3A_284 = arith.constant 0 : i32
        %scatter3A_285 = arith.constant 0 : i32
        %scatter3A_286 = tpu.memref_slice %arg10[%scatter3A_283, %scatter3A_284, %scatter3A_285] : memref<8x80x8xf32, #tpu.memory_space<vmem>> -> memref<1x80x8xf32, #tpu.memory_space<vmem>>
        %scatter3A_287 = tpu.memref_squeeze %scatter3A_286 : memref<1x80x8xf32, #tpu.memory_space<vmem>> -> memref<80x8xf32, #tpu.memory_space<vmem>>
        tpu.vector_store_idx %scatter3A_287[%add3A_269, %add3A_15], %get3A_277 : memref<80x8xf32, #tpu.memory_space<vmem>>[vector<16xi32>, vector<16xi32>], vector<16xf32>,
        %add3A_288 = arith.constant 32 : i32
        %add3A_289 = vector.broadcast %add3A_288 : i32 to vector<16xi32>
        %add3A_290 = arith.addi %iota3A, %add3A_289 : vector<16xi32>
        %get3A_291 = arith.constant 2 : i32
        %get3A_292 = arith.index_cast %get3A_291 : i32 to index
        %get3A_293 = arith.constant 32 : index
        %get3A_294 = tpu.vector_load %arg8[%get3A_292, %get3A_293] {strides = array<i32>} : memref<8x80xf32, #tpu.memory_space<vmem>>, vector<16xf32>,
        %get3A_295 = arith.constant 2 : i32
        %get3A_296 = arith.index_cast %get3A_295 : i32 to index
        %get3A_297 = arith.constant 32 : index
        %get3A_298 = tpu.vector_load %arg9[%get3A_296, %get3A_297] {strides = array<i32>} : memref<8x80xf32, #tpu.memory_space<vmem>>, vector<16xf32>,
        %scatter3A_299 = arith.constant 2 : i32
        %scatter3A_300 = arith.constant 0 : i32
        %scatter3A_301 = arith.constant 0 : i32
        %scatter3A_302 = tpu.memref_slice %arg10[%scatter3A_299, %scatter3A_300, %scatter3A_301] : memref<8x80x8xf32, #tpu.memory_space<vmem>> -> memref<1x80x8xf32, #tpu.memory_space<vmem>>
        %scatter3A_303 = tpu.memref_squeeze %scatter3A_302 : memref<1x80x8xf32, #tpu.memory_space<vmem>> -> memref<80x8xf32, #tpu.memory_space<vmem>>
        tpu.vector_store_idx %scatter3A_303[%add3A_290, %broadcast_in_dim3A_12], %get3A_294 : memref<80x8xf32, #tpu.memory_space<vmem>>[vector<16xi32>, vector<16xi32>], vector<16xf32>,
        %scatter3A_304 = arith.constant 2 : i32
        %scatter3A_305 = arith.constant 0 : i32
        %scatter3A_306 = arith.constant 0 : i32
        %scatter3A_307 = tpu.memref_slice %arg10[%scatter3A_304, %scatter3A_305, %scatter3A_306] : memref<8x80x8xf32, #tpu.memory_space<vmem>> -> memref<1x80x8xf32, #tpu.memory_space<vmem>>
        %scatter3A_308 = tpu.memref_squeeze %scatter3A_307 : memref<1x80x8xf32, #tpu.memory_space<vmem>> -> memref<80x8xf32, #tpu.memory_space<vmem>>
        tpu.vector_store_idx %scatter3A_308[%add3A_290, %add3A_15], %get3A_298 : memref<80x8xf32, #tpu.memory_space<vmem>>[vector<16xi32>, vector<16xi32>], vector<16xf32>,
        %add3A_309 = arith.constant 48 : i32
        %add3A_310 = vector.broadcast %add3A_309 : i32 to vector<16xi32>
        %add3A_311 = arith.addi %iota3A, %add3A_310 : vector<16xi32>
        %get3A_312 = arith.constant 2 : i32
        %get3A_313 = arith.index_cast %get3A_312 : i32 to index
        %get3A_314 = arith.constant 48 : index
        %get3A_315 = tpu.vector_load %arg8[%get3A_313, %get3A_314] {strides = array<i32>} : memref<8x80xf32, #tpu.memory_space<vmem>>, vector<16xf32>,
        %get3A_316 = arith.constant 2 : i32
        %get3A_317 = arith.index_cast %get3A_316 : i32 to index
        %get3A_318 = arith.constant 48 : index
        %get3A_319 = tpu.vector_load %arg9[%get3A_317, %get3A_318] {strides = array<i32>} : memref<8x80xf32, #tpu.memory_space<vmem>>, vector<16xf32>,
        %scatter3A_320 = arith.constant 2 : i32
        %scatter3A_321 = arith.constant 0 : i32
        %scatter3A_322 = arith.constant 0 : i32
        %scatter3A_323 = tpu.memref_slice %arg10[%scatter3A_320, %scatter3A_321, %scatter3A_322] : memref<8x80x8xf32, #tpu.memory_space<vmem>> -> memref<1x80x8xf32, #tpu.memory_space<vmem>>
        %scatter3A_324 = tpu.memref_squeeze %scatter3A_323 : memref<1x80x8xf32, #tpu.memory_space<vmem>> -> memref<80x8xf32, #tpu.memory_space<vmem>>
        tpu.vector_store_idx %scatter3A_324[%add3A_311, %broadcast_in_dim3A_12], %get3A_315 : memref<80x8xf32, #tpu.memory_space<vmem>>[vector<16xi32>, vector<16xi32>], vector<16xf32>,
        %scatter3A_325 = arith.constant 2 : i32
        %scatter3A_326 = arith.constant 0 : i32
        %scatter3A_327 = arith.constant 0 : i32
        %scatter3A_328 = tpu.memref_slice %arg10[%scatter3A_325, %scatter3A_326, %scatter3A_327] : memref<8x80x8xf32, #tpu.memory_space<vmem>> -> memref<1x80x8xf32, #tpu.memory_space<vmem>>
        %scatter3A_329 = tpu.memref_squeeze %scatter3A_328 : memref<1x80x8xf32, #tpu.memory_space<vmem>> -> memref<80x8xf32, #tpu.memory_space<vmem>>
        tpu.vector_store_idx %scatter3A_329[%add3A_311, %add3A_15], %get3A_319 : memref<80x8xf32, #tpu.memory_space<vmem>>[vector<16xi32>, vector<16xi32>], vector<16xf32>,
        %add3A_330 = arith.constant 64 : i32
        %add3A_331 = vector.broadcast %add3A_330 : i32 to vector<16xi32>
        %add3A_332 = arith.addi %iota3A, %add3A_331 : vector<16xi32>
        %get3A_333 = arith.constant 2 : i32
        %get3A_334 = arith.index_cast %get3A_333 : i32 to index
        %get3A_335 = arith.constant 64 : index
        %get3A_336 = tpu.vector_load %arg8[%get3A_334, %get3A_335] {strides = array<i32>} : memref<8x80xf32, #tpu.memory_space<vmem>>, vector<16xf32>,
        %get3A_337 = arith.constant 2 : i32
        %get3A_338 = arith.index_cast %get3A_337 : i32 to index
        %get3A_339 = arith.constant 64 : index
        %get3A_340 = tpu.vector_load %arg9[%get3A_338, %get3A_339] {strides = array<i32>} : memref<8x80xf32, #tpu.memory_space<vmem>>, vector<16xf32>,
        %scatter3A_341 = arith.constant 2 : i32
        %scatter3A_342 = arith.constant 0 : i32
        %scatter3A_343 = arith.constant 0 : i32
        %scatter3A_344 = tpu.memref_slice %arg10[%scatter3A_341, %scatter3A_342, %scatter3A_343] : memref<8x80x8xf32, #tpu.memory_space<vmem>> -> memref<1x80x8xf32, #tpu.memory_space<vmem>>
        %scatter3A_345 = tpu.memref_squeeze %scatter3A_344 : memref<1x80x8xf32, #tpu.memory_space<vmem>> -> memref<80x8xf32, #tpu.memory_space<vmem>>
        tpu.vector_store_idx %scatter3A_345[%add3A_332, %broadcast_in_dim3A_12], %get3A_336 : memref<80x8xf32, #tpu.memory_space<vmem>>[vector<16xi32>, vector<16xi32>], vector<16xf32>,
        %scatter3A_346 = arith.constant 2 : i32
        %scatter3A_347 = arith.constant 0 : i32
        %scatter3A_348 = arith.constant 0 : i32
        %scatter3A_349 = tpu.memref_slice %arg10[%scatter3A_346, %scatter3A_347, %scatter3A_348] : memref<8x80x8xf32, #tpu.memory_space<vmem>> -> memref<1x80x8xf32, #tpu.memory_space<vmem>>
        %scatter3A_350 = tpu.memref_squeeze %scatter3A_349 : memref<1x80x8xf32, #tpu.memory_space<vmem>> -> memref<80x8xf32, #tpu.memory_space<vmem>>
        tpu.vector_store_idx %scatter3A_350[%add3A_332, %add3A_15], %get3A_340 : memref<80x8xf32, #tpu.memory_space<vmem>>[vector<16xi32>, vector<16xi32>], vector<16xf32>,
        %add3A_351 = arith.constant 0 : i32
        %add3A_352 = vector.broadcast %add3A_351 : i32 to vector<16xi32>
        %add3A_353 = arith.addi %iota3A, %add3A_352 : vector<16xi32>
        %get3A_354 = arith.constant 3 : i32
        %get3A_355 = arith.index_cast %get3A_354 : i32 to index
        %get3A_356 = arith.constant 0 : index
        %get3A_357 = tpu.vector_load %arg8[%get3A_355, %get3A_356] {strides = array<i32>} : memref<8x80xf32, #tpu.memory_space<vmem>>, vector<16xf32>,
        %get3A_358 = arith.constant 3 : i32
        %get3A_359 = arith.index_cast %get3A_358 : i32 to index
        %get3A_360 = arith.constant 0 : index
        %get3A_361 = tpu.vector_load %arg9[%get3A_359, %get3A_360] {strides = array<i32>} : memref<8x80xf32, #tpu.memory_space<vmem>>, vector<16xf32>,
        %scatter3A_362 = arith.constant 3 : i32
        %scatter3A_363 = arith.constant 0 : i32
        %scatter3A_364 = arith.constant 0 : i32
        %scatter3A_365 = tpu.memref_slice %arg10[%scatter3A_362, %scatter3A_363, %scatter3A_364] : memref<8x80x8xf32, #tpu.memory_space<vmem>> -> memref<1x80x8xf32, #tpu.memory_space<vmem>>
        %scatter3A_366 = tpu.memref_squeeze %scatter3A_365 : memref<1x80x8xf32, #tpu.memory_space<vmem>> -> memref<80x8xf32, #tpu.memory_space<vmem>>
        tpu.vector_store_idx %scatter3A_366[%add3A_353, %broadcast_in_dim3A_12], %get3A_357 : memref<80x8xf32, #tpu.memory_space<vmem>>[vector<16xi32>, vector<16xi32>], vector<16xf32>,
        %scatter3A_367 = arith.constant 3 : i32
        %scatter3A_368 = arith.constant 0 : i32
        %scatter3A_369 = arith.constant 0 : i32
        %scatter3A_370 = tpu.memref_slice %arg10[%scatter3A_367, %scatter3A_368, %scatter3A_369] : memref<8x80x8xf32, #tpu.memory_space<vmem>> -> memref<1x80x8xf32, #tpu.memory_space<vmem>>
        %scatter3A_371 = tpu.memref_squeeze %scatter3A_370 : memref<1x80x8xf32, #tpu.memory_space<vmem>> -> memref<80x8xf32, #tpu.memory_space<vmem>>
        tpu.vector_store_idx %scatter3A_371[%add3A_353, %add3A_15], %get3A_361 : memref<80x8xf32, #tpu.memory_space<vmem>>[vector<16xi32>, vector<16xi32>], vector<16xf32>,
        %add3A_372 = arith.constant 16 : i32
        %add3A_373 = vector.broadcast %add3A_372 : i32 to vector<16xi32>
        %add3A_374 = arith.addi %iota3A, %add3A_373 : vector<16xi32>
        %get3A_375 = arith.constant 3 : i32
        %get3A_376 = arith.index_cast %get3A_375 : i32 to index
        %get3A_377 = arith.constant 16 : index
        %get3A_378 = tpu.vector_load %arg8[%get3A_376, %get3A_377] {strides = array<i32>} : memref<8x80xf32, #tpu.memory_space<vmem>>, vector<16xf32>,
        %get3A_379 = arith.constant 3 : i32
        %get3A_380 = arith.index_cast %get3A_379 : i32 to index
        %get3A_381 = arith.constant 16 : index
        %get3A_382 = tpu.vector_load %arg9[%get3A_380, %get3A_381] {strides = array<i32>} : memref<8x80xf32, #tpu.memory_space<vmem>>, vector<16xf32>,
        %scatter3A_383 = arith.constant 3 : i32
        %scatter3A_384 = arith.constant 0 : i32
        %scatter3A_385 = arith.constant 0 : i32
        %scatter3A_386 = tpu.memref_slice %arg10[%scatter3A_383, %scatter3A_384, %scatter3A_385] : memref<8x80x8xf32, #tpu.memory_space<vmem>> -> memref<1x80x8xf32, #tpu.memory_space<vmem>>
        %scatter3A_387 = tpu.memref_squeeze %scatter3A_386 : memref<1x80x8xf32, #tpu.memory_space<vmem>> -> memref<80x8xf32, #tpu.memory_space<vmem>>
        tpu.vector_store_idx %scatter3A_387[%add3A_374, %broadcast_in_dim3A_12], %get3A_378 : memref<80x8xf32, #tpu.memory_space<vmem>>[vector<16xi32>, vector<16xi32>], vector<16xf32>,
        %scatter3A_388 = arith.constant 3 : i32
        %scatter3A_389 = arith.constant 0 : i32
        %scatter3A_390 = arith.constant 0 : i32
        %scatter3A_391 = tpu.memref_slice %arg10[%scatter3A_388, %scatter3A_389, %scatter3A_390] : memref<8x80x8xf32, #tpu.memory_space<vmem>> -> memref<1x80x8xf32, #tpu.memory_space<vmem>>
        %scatter3A_392 = tpu.memref_squeeze %scatter3A_391 : memref<1x80x8xf32, #tpu.memory_space<vmem>> -> memref<80x8xf32, #tpu.memory_space<vmem>>
        tpu.vector_store_idx %scatter3A_392[%add3A_374, %add3A_15], %get3A_382 : memref<80x8xf32, #tpu.memory_space<vmem>>[vector<16xi32>, vector<16xi32>], vector<16xf32>,
        %add3A_393 = arith.constant 32 : i32
        %add3A_394 = vector.broadcast %add3A_393 : i32 to vector<16xi32>
        %add3A_395 = arith.addi %iota3A, %add3A_394 : vector<16xi32>
        %get3A_396 = arith.constant 3 : i32
        %get3A_397 = arith.index_cast %get3A_396 : i32 to index
        %get3A_398 = arith.constant 32 : index
        %get3A_399 = tpu.vector_load %arg8[%get3A_397, %get3A_398] {strides = array<i32>} : memref<8x80xf32, #tpu.memory_space<vmem>>, vector<16xf32>,
        %get3A_400 = arith.constant 3 : i32
        %get3A_401 = arith.index_cast %get3A_400 : i32 to index
        %get3A_402 = arith.constant 32 : index
        %get3A_403 = tpu.vector_load %arg9[%get3A_401, %get3A_402] {strides = array<i32>} : memref<8x80xf32, #tpu.memory_space<vmem>>, vector<16xf32>,
        %scatter3A_404 = arith.constant 3 : i32
        %scatter3A_405 = arith.constant 0 : i32
        %scatter3A_406 = arith.constant 0 : i32
        %scatter3A_407 = tpu.memref_slice %arg10[%scatter3A_404, %scatter3A_405, %scatter3A_406] : memref<8x80x8xf32, #tpu.memory_space<vmem>> -> memref<1x80x8xf32, #tpu.memory_space<vmem>>
        %scatter3A_408 = tpu.memref_squeeze %scatter3A_407 : memref<1x80x8xf32, #tpu.memory_space<vmem>> -> memref<80x8xf32, #tpu.memory_space<vmem>>
        tpu.vector_store_idx %scatter3A_408[%add3A_395, %broadcast_in_dim3A_12], %get3A_399 : memref<80x8xf32, #tpu.memory_space<vmem>>[vector<16xi32>, vector<16xi32>], vector<16xf32>,
        %scatter3A_409 = arith.constant 3 : i32
        %scatter3A_410 = arith.constant 0 : i32
        %scatter3A_411 = arith.constant 0 : i32
        %scatter3A_412 = tpu.memref_slice %arg10[%scatter3A_409, %scatter3A_410, %scatter3A_411] : memref<8x80x8xf32, #tpu.memory_space<vmem>> -> memref<1x80x8xf32, #tpu.memory_space<vmem>>
        %scatter3A_413 = tpu.memref_squeeze %scatter3A_412 : memref<1x80x8xf32, #tpu.memory_space<vmem>> -> memref<80x8xf32, #tpu.memory_space<vmem>>
        tpu.vector_store_idx %scatter3A_413[%add3A_395, %add3A_15], %get3A_403 : memref<80x8xf32, #tpu.memory_space<vmem>>[vector<16xi32>, vector<16xi32>], vector<16xf32>,
        %add3A_414 = arith.constant 48 : i32
        %add3A_415 = vector.broadcast %add3A_414 : i32 to vector<16xi32>
        %add3A_416 = arith.addi %iota3A, %add3A_415 : vector<16xi32>
        %get3A_417 = arith.constant 3 : i32
        %get3A_418 = arith.index_cast %get3A_417 : i32 to index
        %get3A_419 = arith.constant 48 : index
        %get3A_420 = tpu.vector_load %arg8[%get3A_418, %get3A_419] {strides = array<i32>} : memref<8x80xf32, #tpu.memory_space<vmem>>, vector<16xf32>,
        %get3A_421 = arith.constant 3 : i32
        %get3A_422 = arith.index_cast %get3A_421 : i32 to index
        %get3A_423 = arith.constant 48 : index
        %get3A_424 = tpu.vector_load %arg9[%get3A_422, %get3A_423] {strides = array<i32>} : memref<8x80xf32, #tpu.memory_space<vmem>>, vector<16xf32>,
        %scatter3A_425 = arith.constant 3 : i32
        %scatter3A_426 = arith.constant 0 : i32
        %scatter3A_427 = arith.constant 0 : i32
        %scatter3A_428 = tpu.memref_slice %arg10[%scatter3A_425, %scatter3A_426, %scatter3A_427] : memref<8x80x8xf32, #tpu.memory_space<vmem>> -> memref<1x80x8xf32, #tpu.memory_space<vmem>>
        %scatter3A_429 = tpu.memref_squeeze %scatter3A_428 : memref<1x80x8xf32, #tpu.memory_space<vmem>> -> memref<80x8xf32, #tpu.memory_space<vmem>>
        tpu.vector_store_idx %scatter3A_429[%add3A_416, %broadcast_in_dim3A_12], %get3A_420 : memref<80x8xf32, #tpu.memory_space<vmem>>[vector<16xi32>, vector<16xi32>], vector<16xf32>,
        %scatter3A_430 = arith.constant 3 : i32
        %scatter3A_431 = arith.constant 0 : i32
        %scatter3A_432 = arith.constant 0 : i32
        %scatter3A_433 = tpu.memref_slice %arg10[%scatter3A_430, %scatter3A_431, %scatter3A_432] : memref<8x80x8xf32, #tpu.memory_space<vmem>> -> memref<1x80x8xf32, #tpu.memory_space<vmem>>
        %scatter3A_434 = tpu.memref_squeeze %scatter3A_433 : memref<1x80x8xf32, #tpu.memory_space<vmem>> -> memref<80x8xf32, #tpu.memory_space<vmem>>
        tpu.vector_store_idx %scatter3A_434[%add3A_416, %add3A_15], %get3A_424 : memref<80x8xf32, #tpu.memory_space<vmem>>[vector<16xi32>, vector<16xi32>], vector<16xf32>,
        %add3A_435 = arith.constant 64 : i32
        %add3A_436 = vector.broadcast %add3A_435 : i32 to vector<16xi32>
        %add3A_437 = arith.addi %iota3A, %add3A_436 : vector<16xi32>
        %get3A_438 = arith.constant 3 : i32
        %get3A_439 = arith.index_cast %get3A_438 : i32 to index
        %get3A_440 = arith.constant 64 : index
        %get3A_441 = tpu.vector_load %arg8[%get3A_439, %get3A_440] {strides = array<i32>} : memref<8x80xf32, #tpu.memory_space<vmem>>, vector<16xf32>,
        %get3A_442 = arith.constant 3 : i32
        %get3A_443 = arith.index_cast %get3A_442 : i32 to index
        %get3A_444 = arith.constant 64 : index
        %get3A_445 = tpu.vector_load %arg9[%get3A_443, %get3A_444] {strides = array<i32>} : memref<8x80xf32, #tpu.memory_space<vmem>>, vector<16xf32>,
        %scatter3A_446 = arith.constant 3 : i32
        %scatter3A_447 = arith.constant 0 : i32
        %scatter3A_448 = arith.constant 0 : i32
        %scatter3A_449 = tpu.memref_slice %arg10[%scatter3A_446, %scatter3A_447, %scatter3A_448] : memref<8x80x8xf32, #tpu.memory_space<vmem>> -> memref<1x80x8xf32, #tpu.memory_space<vmem>>
        %scatter3A_450 = tpu.memref_squeeze %scatter3A_449 : memref<1x80x8xf32, #tpu.memory_space<vmem>> -> memref<80x8xf32, #tpu.memory_space<vmem>>
        tpu.vector_store_idx %scatter3A_450[%add3A_437, %broadcast_in_dim3A_12], %get3A_441 : memref<80x8xf32, #tpu.memory_space<vmem>>[vector<16xi32>, vector<16xi32>], vector<16xf32>,
        %scatter3A_451 = arith.constant 3 : i32
        %scatter3A_452 = arith.constant 0 : i32
        %scatter3A_453 = arith.constant 0 : i32
        %scatter3A_454 = tpu.memref_slice %arg10[%scatter3A_451, %scatter3A_452, %scatter3A_453] : memref<8x80x8xf32, #tpu.memory_space<vmem>> -> memref<1x80x8xf32, #tpu.memory_space<vmem>>
        %scatter3A_455 = tpu.memref_squeeze %scatter3A_454 : memref<1x80x8xf32, #tpu.memory_space<vmem>> -> memref<80x8xf32, #tpu.memory_space<vmem>>
        tpu.vector_store_idx %scatter3A_455[%add3A_437, %add3A_15], %get3A_445 : memref<80x8xf32, #tpu.memory_space<vmem>>[vector<16xi32>, vector<16xi32>], vector<16xf32>,
        %add3A_456 = arith.constant 0 : i32
        %add3A_457 = vector.broadcast %add3A_456 : i32 to vector<16xi32>
        %add3A_458 = arith.addi %iota3A, %add3A_457 : vector<16xi32>
        %get3A_459 = arith.constant 4 : i32
        %get3A_460 = arith.index_cast %get3A_459 : i32 to index
        %get3A_461 = arith.constant 0 : index
        %get3A_462 = tpu.vector_load %arg8[%get3A_460, %get3A_461] {strides = array<i32>} : memref<8x80xf32, #tpu.memory_space<vmem>>, vector<16xf32>,
        %get3A_463 = arith.constant 4 : i32
        %get3A_464 = arith.index_cast %get3A_463 : i32 to index
        %get3A_465 = arith.constant 0 : index
        %get3A_466 = tpu.vector_load %arg9[%get3A_464, %get3A_465] {strides = array<i32>} : memref<8x80xf32, #tpu.memory_space<vmem>>, vector<16xf32>,
        %scatter3A_467 = arith.constant 4 : i32
        %scatter3A_468 = arith.constant 0 : i32
        %scatter3A_469 = arith.constant 0 : i32
        %scatter3A_470 = tpu.memref_slice %arg10[%scatter3A_467, %scatter3A_468, %scatter3A_469] : memref<8x80x8xf32, #tpu.memory_space<vmem>> -> memref<1x80x8xf32, #tpu.memory_space<vmem>>
        %scatter3A_471 = tpu.memref_squeeze %scatter3A_470 : memref<1x80x8xf32, #tpu.memory_space<vmem>> -> memref<80x8xf32, #tpu.memory_space<vmem>>
        tpu.vector_store_idx %scatter3A_471[%add3A_458, %broadcast_in_dim3A_12], %get3A_462 : memref<80x8xf32, #tpu.memory_space<vmem>>[vector<16xi32>, vector<16xi32>], vector<16xf32>,
        %scatter3A_472 = arith.constant 4 : i32
        %scatter3A_473 = arith.constant 0 : i32
        %scatter3A_474 = arith.constant 0 : i32
        %scatter3A_475 = tpu.memref_slice %arg10[%scatter3A_472, %scatter3A_473, %scatter3A_474] : memref<8x80x8xf32, #tpu.memory_space<vmem>> -> memref<1x80x8xf32, #tpu.memory_space<vmem>>
        %scatter3A_476 = tpu.memref_squeeze %scatter3A_475 : memref<1x80x8xf32, #tpu.memory_space<vmem>> -> memref<80x8xf32, #tpu.memory_space<vmem>>
        tpu.vector_store_idx %scatter3A_476[%add3A_458, %add3A_15], %get3A_466 : memref<80x8xf32, #tpu.memory_space<vmem>>[vector<16xi32>, vector<16xi32>], vector<16xf32>,
        %add3A_477 = arith.constant 16 : i32
        %add3A_478 = vector.broadcast %add3A_477 : i32 to vector<16xi32>
        %add3A_479 = arith.addi %iota3A, %add3A_478 : vector<16xi32>
        %get3A_480 = arith.constant 4 : i32
        %get3A_481 = arith.index_cast %get3A_480 : i32 to index
        %get3A_482 = arith.constant 16 : index
        %get3A_483 = tpu.vector_load %arg8[%get3A_481, %get3A_482] {strides = array<i32>} : memref<8x80xf32, #tpu.memory_space<vmem>>, vector<16xf32>,
        %get3A_484 = arith.constant 4 : i32
        %get3A_485 = arith.index_cast %get3A_484 : i32 to index
        %get3A_486 = arith.constant 16 : index
        %get3A_487 = tpu.vector_load %arg9[%get3A_485, %get3A_486] {strides = array<i32>} : memref<8x80xf32, #tpu.memory_space<vmem>>, vector<16xf32>,
        %scatter3A_488 = arith.constant 4 : i32
        %scatter3A_489 = arith.constant 0 : i32
        %scatter3A_490 = arith.constant 0 : i32
        %scatter3A_491 = tpu.memref_slice %arg10[%scatter3A_488, %scatter3A_489, %scatter3A_490] : memref<8x80x8xf32, #tpu.memory_space<vmem>> -> memref<1x80x8xf32, #tpu.memory_space<vmem>>
        %scatter3A_492 = tpu.memref_squeeze %scatter3A_491 : memref<1x80x8xf32, #tpu.memory_space<vmem>> -> memref<80x8xf32, #tpu.memory_space<vmem>>
        tpu.vector_store_idx %scatter3A_492[%add3A_479, %broadcast_in_dim3A_12], %get3A_483 : memref<80x8xf32, #tpu.memory_space<vmem>>[vector<16xi32>, vector<16xi32>], vector<16xf32>,
        %scatter3A_493 = arith.constant 4 : i32
        %scatter3A_494 = arith.constant 0 : i32
        %scatter3A_495 = arith.constant 0 : i32
        %scatter3A_496 = tpu.memref_slice %arg10[%scatter3A_493, %scatter3A_494, %scatter3A_495] : memref<8x80x8xf32, #tpu.memory_space<vmem>> -> memref<1x80x8xf32, #tpu.memory_space<vmem>>
        %scatter3A_497 = tpu.memref_squeeze %scatter3A_496 : memref<1x80x8xf32, #tpu.memory_space<vmem>> -> memref<80x8xf32, #tpu.memory_space<vmem>>
        tpu.vector_store_idx %scatter3A_497[%add3A_479, %add3A_15], %get3A_487 : memref<80x8xf32, #tpu.memory_space<vmem>>[vector<16xi32>, vector<16xi32>], vector<16xf32>,
        %add3A_498 = arith.constant 32 : i32
        %add3A_499 = vector.broadcast %add3A_498 : i32 to vector<16xi32>
        %add3A_500 = arith.addi %iota3A, %add3A_499 : vector<16xi32>
        %get3A_501 = arith.constant 4 : i32
        %get3A_502 = arith.index_cast %get3A_501 : i32 to index
        %get3A_503 = arith.constant 32 : index
        %get3A_504 = tpu.vector_load %arg8[%get3A_502, %get3A_503] {strides = array<i32>} : memref<8x80xf32, #tpu.memory_space<vmem>>, vector<16xf32>,
        %get3A_505 = arith.constant 4 : i32
        %get3A_506 = arith.index_cast %get3A_505 : i32 to index
        %get3A_507 = arith.constant 32 : index
        %get3A_508 = tpu.vector_load %arg9[%get3A_506, %get3A_507] {strides = array<i32>} : memref<8x80xf32, #tpu.memory_space<vmem>>, vector<16xf32>,
        %scatter3A_509 = arith.constant 4 : i32
        %scatter3A_510 = arith.constant 0 : i32
        %scatter3A_511 = arith.constant 0 : i32
        %scatter3A_512 = tpu.memref_slice %arg10[%scatter3A_509, %scatter3A_510, %scatter3A_511] : memref<8x80x8xf32, #tpu.memory_space<vmem>> -> memref<1x80x8xf32, #tpu.memory_space<vmem>>
        %scatter3A_513 = tpu.memref_squeeze %scatter3A_512 : memref<1x80x8xf32, #tpu.memory_space<vmem>> -> memref<80x8xf32, #tpu.memory_space<vmem>>
        tpu.vector_store_idx %scatter3A_513[%add3A_500, %broadcast_in_dim3A_12], %get3A_504 : memref<80x8xf32, #tpu.memory_space<vmem>>[vector<16xi32>, vector<16xi32>], vector<16xf32>,
        %scatter3A_514 = arith.constant 4 : i32
        %scatter3A_515 = arith.constant 0 : i32
        %scatter3A_516 = arith.constant 0 : i32
        %scatter3A_517 = tpu.memref_slice %arg10[%scatter3A_514, %scatter3A_515, %scatter3A_516] : memref<8x80x8xf32, #tpu.memory_space<vmem>> -> memref<1x80x8xf32, #tpu.memory_space<vmem>>
        %scatter3A_518 = tpu.memref_squeeze %scatter3A_517 : memref<1x80x8xf32, #tpu.memory_space<vmem>> -> memref<80x8xf32, #tpu.memory_space<vmem>>
        tpu.vector_store_idx %scatter3A_518[%add3A_500, %add3A_15], %get3A_508 : memref<80x8xf32, #tpu.memory_space<vmem>>[vector<16xi32>, vector<16xi32>], vector<16xf32>,
        %add3A_519 = arith.constant 48 : i32
        %add3A_520 = vector.broadcast %add3A_519 : i32 to vector<16xi32>
        %add3A_521 = arith.addi %iota3A, %add3A_520 : vector<16xi32>
        %get3A_522 = arith.constant 4 : i32
        %get3A_523 = arith.index_cast %get3A_522 : i32 to index
        %get3A_524 = arith.constant 48 : index
        %get3A_525 = tpu.vector_load %arg8[%get3A_523, %get3A_524] {strides = array<i32>} : memref<8x80xf32, #tpu.memory_space<vmem>>, vector<16xf32>,
        %get3A_526 = arith.constant 4 : i32
        %get3A_527 = arith.index_cast %get3A_526 : i32 to index
        %get3A_528 = arith.constant 48 : index
        %get3A_529 = tpu.vector_load %arg9[%get3A_527, %get3A_528] {strides = array<i32>} : memref<8x80xf32, #tpu.memory_space<vmem>>, vector<16xf32>,
        %scatter3A_530 = arith.constant 4 : i32
        %scatter3A_531 = arith.constant 0 : i32
        %scatter3A_532 = arith.constant 0 : i32
        %scatter3A_533 = tpu.memref_slice %arg10[%scatter3A_530, %scatter3A_531, %scatter3A_532] : memref<8x80x8xf32, #tpu.memory_space<vmem>> -> memref<1x80x8xf32, #tpu.memory_space<vmem>>
        %scatter3A_534 = tpu.memref_squeeze %scatter3A_533 : memref<1x80x8xf32, #tpu.memory_space<vmem>> -> memref<80x8xf32, #tpu.memory_space<vmem>>
        tpu.vector_store_idx %scatter3A_534[%add3A_521, %broadcast_in_dim3A_12], %get3A_525 : memref<80x8xf32, #tpu.memory_space<vmem>>[vector<16xi32>, vector<16xi32>], vector<16xf32>,
        %scatter3A_535 = arith.constant 4 : i32
        %scatter3A_536 = arith.constant 0 : i32
        %scatter3A_537 = arith.constant 0 : i32
        %scatter3A_538 = tpu.memref_slice %arg10[%scatter3A_535, %scatter3A_536, %scatter3A_537] : memref<8x80x8xf32, #tpu.memory_space<vmem>> -> memref<1x80x8xf32, #tpu.memory_space<vmem>>
        %scatter3A_539 = tpu.memref_squeeze %scatter3A_538 : memref<1x80x8xf32, #tpu.memory_space<vmem>> -> memref<80x8xf32, #tpu.memory_space<vmem>>
        tpu.vector_store_idx %scatter3A_539[%add3A_521, %add3A_15], %get3A_529 : memref<80x8xf32, #tpu.memory_space<vmem>>[vector<16xi32>, vector<16xi32>], vector<16xf32>,
        %add3A_540 = arith.constant 64 : i32
        %add3A_541 = vector.broadcast %add3A_540 : i32 to vector<16xi32>
        %add3A_542 = arith.addi %iota3A, %add3A_541 : vector<16xi32>
        %get3A_543 = arith.constant 4 : i32
        %get3A_544 = arith.index_cast %get3A_543 : i32 to index
        %get3A_545 = arith.constant 64 : index
        %get3A_546 = tpu.vector_load %arg8[%get3A_544, %get3A_545] {strides = array<i32>} : memref<8x80xf32, #tpu.memory_space<vmem>>, vector<16xf32>,
        %get3A_547 = arith.constant 4 : i32
        %get3A_548 = arith.index_cast %get3A_547 : i32 to index
        %get3A_549 = arith.constant 64 : index
        %get3A_550 = tpu.vector_load %arg9[%get3A_548, %get3A_549] {strides = array<i32>} : memref<8x80xf32, #tpu.memory_space<vmem>>, vector<16xf32>,
        %scatter3A_551 = arith.constant 4 : i32
        %scatter3A_552 = arith.constant 0 : i32
        %scatter3A_553 = arith.constant 0 : i32
        %scatter3A_554 = tpu.memref_slice %arg10[%scatter3A_551, %scatter3A_552, %scatter3A_553] : memref<8x80x8xf32, #tpu.memory_space<vmem>> -> memref<1x80x8xf32, #tpu.memory_space<vmem>>
        %scatter3A_555 = tpu.memref_squeeze %scatter3A_554 : memref<1x80x8xf32, #tpu.memory_space<vmem>> -> memref<80x8xf32, #tpu.memory_space<vmem>>
        tpu.vector_store_idx %scatter3A_555[%add3A_542, %broadcast_in_dim3A_12], %get3A_546 : memref<80x8xf32, #tpu.memory_space<vmem>>[vector<16xi32>, vector<16xi32>], vector<16xf32>,
        %scatter3A_556 = arith.constant 4 : i32
        %scatter3A_557 = arith.constant 0 : i32
        %scatter3A_558 = arith.constant 0 : i32
        %scatter3A_559 = tpu.memref_slice %arg10[%scatter3A_556, %scatter3A_557, %scatter3A_558] : memref<8x80x8xf32, #tpu.memory_space<vmem>> -> memref<1x80x8xf32, #tpu.memory_space<vmem>>
        %scatter3A_560 = tpu.memref_squeeze %scatter3A_559 : memref<1x80x8xf32, #tpu.memory_space<vmem>> -> memref<80x8xf32, #tpu.memory_space<vmem>>
        tpu.vector_store_idx %scatter3A_560[%add3A_542, %add3A_15], %get3A_550 : memref<80x8xf32, #tpu.memory_space<vmem>>[vector<16xi32>, vector<16xi32>], vector<16xf32>,
        %add3A_561 = arith.constant 0 : i32
        %add3A_562 = vector.broadcast %add3A_561 : i32 to vector<16xi32>
        %add3A_563 = arith.addi %iota3A, %add3A_562 : vector<16xi32>
        %get3A_564 = arith.constant 5 : i32
        %get3A_565 = arith.index_cast %get3A_564 : i32 to index
        %get3A_566 = arith.constant 0 : index
        %get3A_567 = tpu.vector_load %arg8[%get3A_565, %get3A_566] {strides = array<i32>} : memref<8x80xf32, #tpu.memory_space<vmem>>, vector<16xf32>,
        %get3A_568 = arith.constant 5 : i32
        %get3A_569 = arith.index_cast %get3A_568 : i32 to index
        %get3A_570 = arith.constant 0 : index
        %get3A_571 = tpu.vector_load %arg9[%get3A_569, %get3A_570] {strides = array<i32>} : memref<8x80xf32, #tpu.memory_space<vmem>>, vector<16xf32>,
        %scatter3A_572 = arith.constant 5 : i32
        %scatter3A_573 = arith.constant 0 : i32
        %scatter3A_574 = arith.constant 0 : i32
        %scatter3A_575 = tpu.memref_slice %arg10[%scatter3A_572, %scatter3A_573, %scatter3A_574] : memref<8x80x8xf32, #tpu.memory_space<vmem>> -> memref<1x80x8xf32, #tpu.memory_space<vmem>>
        %scatter3A_576 = tpu.memref_squeeze %scatter3A_575 : memref<1x80x8xf32, #tpu.memory_space<vmem>> -> memref<80x8xf32, #tpu.memory_space<vmem>>
        tpu.vector_store_idx %scatter3A_576[%add3A_563, %broadcast_in_dim3A_12], %get3A_567 : memref<80x8xf32, #tpu.memory_space<vmem>>[vector<16xi32>, vector<16xi32>], vector<16xf32>,
        %scatter3A_577 = arith.constant 5 : i32
        %scatter3A_578 = arith.constant 0 : i32
        %scatter3A_579 = arith.constant 0 : i32
        %scatter3A_580 = tpu.memref_slice %arg10[%scatter3A_577, %scatter3A_578, %scatter3A_579] : memref<8x80x8xf32, #tpu.memory_space<vmem>> -> memref<1x80x8xf32, #tpu.memory_space<vmem>>
        %scatter3A_581 = tpu.memref_squeeze %scatter3A_580 : memref<1x80x8xf32, #tpu.memory_space<vmem>> -> memref<80x8xf32, #tpu.memory_space<vmem>>
        tpu.vector_store_idx %scatter3A_581[%add3A_563, %add3A_15], %get3A_571 : memref<80x8xf32, #tpu.memory_space<vmem>>[vector<16xi32>, vector<16xi32>], vector<16xf32>,
        %add3A_582 = arith.constant 16 : i32
        %add3A_583 = vector.broadcast %add3A_582 : i32 to vector<16xi32>
        %add3A_584 = arith.addi %iota3A, %add3A_583 : vector<16xi32>
        %get3A_585 = arith.constant 5 : i32
        %get3A_586 = arith.index_cast %get3A_585 : i32 to index
        %get3A_587 = arith.constant 16 : index
        %get3A_588 = tpu.vector_load %arg8[%get3A_586, %get3A_587] {strides = array<i32>} : memref<8x80xf32, #tpu.memory_space<vmem>>, vector<16xf32>,
        %get3A_589 = arith.constant 5 : i32
        %get3A_590 = arith.index_cast %get3A_589 : i32 to index
        %get3A_591 = arith.constant 16 : index
        %get3A_592 = tpu.vector_load %arg9[%get3A_590, %get3A_591] {strides = array<i32>} : memref<8x80xf32, #tpu.memory_space<vmem>>, vector<16xf32>,
        %scatter3A_593 = arith.constant 5 : i32
        %scatter3A_594 = arith.constant 0 : i32
        %scatter3A_595 = arith.constant 0 : i32
        %scatter3A_596 = tpu.memref_slice %arg10[%scatter3A_593, %scatter3A_594, %scatter3A_595] : memref<8x80x8xf32, #tpu.memory_space<vmem>> -> memref<1x80x8xf32, #tpu.memory_space<vmem>>
        %scatter3A_597 = tpu.memref_squeeze %scatter3A_596 : memref<1x80x8xf32, #tpu.memory_space<vmem>> -> memref<80x8xf32, #tpu.memory_space<vmem>>
        tpu.vector_store_idx %scatter3A_597[%add3A_584, %broadcast_in_dim3A_12], %get3A_588 : memref<80x8xf32, #tpu.memory_space<vmem>>[vector<16xi32>, vector<16xi32>], vector<16xf32>,
        %scatter3A_598 = arith.constant 5 : i32
        %scatter3A_599 = arith.constant 0 : i32
        %scatter3A_600 = arith.constant 0 : i32
        %scatter3A_601 = tpu.memref_slice %arg10[%scatter3A_598, %scatter3A_599, %scatter3A_600] : memref<8x80x8xf32, #tpu.memory_space<vmem>> -> memref<1x80x8xf32, #tpu.memory_space<vmem>>
        %scatter3A_602 = tpu.memref_squeeze %scatter3A_601 : memref<1x80x8xf32, #tpu.memory_space<vmem>> -> memref<80x8xf32, #tpu.memory_space<vmem>>
        tpu.vector_store_idx %scatter3A_602[%add3A_584, %add3A_15], %get3A_592 : memref<80x8xf32, #tpu.memory_space<vmem>>[vector<16xi32>, vector<16xi32>], vector<16xf32>,
        %add3A_603 = arith.constant 32 : i32
        %add3A_604 = vector.broadcast %add3A_603 : i32 to vector<16xi32>
        %add3A_605 = arith.addi %iota3A, %add3A_604 : vector<16xi32>
        %get3A_606 = arith.constant 5 : i32
        %get3A_607 = arith.index_cast %get3A_606 : i32 to index
        %get3A_608 = arith.constant 32 : index
        %get3A_609 = tpu.vector_load %arg8[%get3A_607, %get3A_608] {strides = array<i32>} : memref<8x80xf32, #tpu.memory_space<vmem>>, vector<16xf32>,
        %get3A_610 = arith.constant 5 : i32
        %get3A_611 = arith.index_cast %get3A_610 : i32 to index
        %get3A_612 = arith.constant 32 : index
        %get3A_613 = tpu.vector_load %arg9[%get3A_611, %get3A_612] {strides = array<i32>} : memref<8x80xf32, #tpu.memory_space<vmem>>, vector<16xf32>,
        %scatter3A_614 = arith.constant 5 : i32
        %scatter3A_615 = arith.constant 0 : i32
        %scatter3A_616 = arith.constant 0 : i32
        %scatter3A_617 = tpu.memref_slice %arg10[%scatter3A_614, %scatter3A_615, %scatter3A_616] : memref<8x80x8xf32, #tpu.memory_space<vmem>> -> memref<1x80x8xf32, #tpu.memory_space<vmem>>
        %scatter3A_618 = tpu.memref_squeeze %scatter3A_617 : memref<1x80x8xf32, #tpu.memory_space<vmem>> -> memref<80x8xf32, #tpu.memory_space<vmem>>
        tpu.vector_store_idx %scatter3A_618[%add3A_605, %broadcast_in_dim3A_12], %get3A_609 : memref<80x8xf32, #tpu.memory_space<vmem>>[vector<16xi32>, vector<16xi32>], vector<16xf32>,
        %scatter3A_619 = arith.constant 5 : i32
        %scatter3A_620 = arith.constant 0 : i32
        %scatter3A_621 = arith.constant 0 : i32
        %scatter3A_622 = tpu.memref_slice %arg10[%scatter3A_619, %scatter3A_620, %scatter3A_621] : memref<8x80x8xf32, #tpu.memory_space<vmem>> -> memref<1x80x8xf32, #tpu.memory_space<vmem>>
        %scatter3A_623 = tpu.memref_squeeze %scatter3A_622 : memref<1x80x8xf32, #tpu.memory_space<vmem>> -> memref<80x8xf32, #tpu.memory_space<vmem>>
        tpu.vector_store_idx %scatter3A_623[%add3A_605, %add3A_15], %get3A_613 : memref<80x8xf32, #tpu.memory_space<vmem>>[vector<16xi32>, vector<16xi32>], vector<16xf32>,
        %add3A_624 = arith.constant 48 : i32
        %add3A_625 = vector.broadcast %add3A_624 : i32 to vector<16xi32>
        %add3A_626 = arith.addi %iota3A, %add3A_625 : vector<16xi32>
        %get3A_627 = arith.constant 5 : i32
        %get3A_628 = arith.index_cast %get3A_627 : i32 to index
        %get3A_629 = arith.constant 48 : index
        %get3A_630 = tpu.vector_load %arg8[%get3A_628, %get3A_629] {strides = array<i32>} : memref<8x80xf32, #tpu.memory_space<vmem>>, vector<16xf32>,
        %get3A_631 = arith.constant 5 : i32
        %get3A_632 = arith.index_cast %get3A_631 : i32 to index
        %get3A_633 = arith.constant 48 : index
        %get3A_634 = tpu.vector_load %arg9[%get3A_632, %get3A_633] {strides = array<i32>} : memref<8x80xf32, #tpu.memory_space<vmem>>, vector<16xf32>,
        %scatter3A_635 = arith.constant 5 : i32
        %scatter3A_636 = arith.constant 0 : i32
        %scatter3A_637 = arith.constant 0 : i32
        %scatter3A_638 = tpu.memref_slice %arg10[%scatter3A_635, %scatter3A_636, %scatter3A_637] : memref<8x80x8xf32, #tpu.memory_space<vmem>> -> memref<1x80x8xf32, #tpu.memory_space<vmem>>
        %scatter3A_639 = tpu.memref_squeeze %scatter3A_638 : memref<1x80x8xf32, #tpu.memory_space<vmem>> -> memref<80x8xf32, #tpu.memory_space<vmem>>
        tpu.vector_store_idx %scatter3A_639[%add3A_626, %broadcast_in_dim3A_12], %get3A_630 : memref<80x8xf32, #tpu.memory_space<vmem>>[vector<16xi32>, vector<16xi32>], vector<16xf32>,
        %scatter3A_640 = arith.constant 5 : i32
        %scatter3A_641 = arith.constant 0 : i32
        %scatter3A_642 = arith.constant 0 : i32
        %scatter3A_643 = tpu.memref_slice %arg10[%scatter3A_640, %scatter3A_641, %scatter3A_642] : memref<8x80x8xf32, #tpu.memory_space<vmem>> -> memref<1x80x8xf32, #tpu.memory_space<vmem>>
        %scatter3A_644 = tpu.memref_squeeze %scatter3A_643 : memref<1x80x8xf32, #tpu.memory_space<vmem>> -> memref<80x8xf32, #tpu.memory_space<vmem>>
        tpu.vector_store_idx %scatter3A_644[%add3A_626, %add3A_15], %get3A_634 : memref<80x8xf32, #tpu.memory_space<vmem>>[vector<16xi32>, vector<16xi32>], vector<16xf32>,
        %add3A_645 = arith.constant 64 : i32
        %add3A_646 = vector.broadcast %add3A_645 : i32 to vector<16xi32>
        %add3A_647 = arith.addi %iota3A, %add3A_646 : vector<16xi32>
        %get3A_648 = arith.constant 5 : i32
        %get3A_649 = arith.index_cast %get3A_648 : i32 to index
        %get3A_650 = arith.constant 64 : index
        %get3A_651 = tpu.vector_load %arg8[%get3A_649, %get3A_650] {strides = array<i32>} : memref<8x80xf32, #tpu.memory_space<vmem>>, vector<16xf32>,
        %get3A_652 = arith.constant 5 : i32
        %get3A_653 = arith.index_cast %get3A_652 : i32 to index
        %get3A_654 = arith.constant 64 : index
        %get3A_655 = tpu.vector_load %arg9[%get3A_653, %get3A_654] {strides = array<i32>} : memref<8x80xf32, #tpu.memory_space<vmem>>, vector<16xf32>,
        %scatter3A_656 = arith.constant 5 : i32
        %scatter3A_657 = arith.constant 0 : i32
        %scatter3A_658 = arith.constant 0 : i32
        %scatter3A_659 = tpu.memref_slice %arg10[%scatter3A_656, %scatter3A_657, %scatter3A_658] : memref<8x80x8xf32, #tpu.memory_space<vmem>> -> memref<1x80x8xf32, #tpu.memory_space<vmem>>
        %scatter3A_660 = tpu.memref_squeeze %scatter3A_659 : memref<1x80x8xf32, #tpu.memory_space<vmem>> -> memref<80x8xf32, #tpu.memory_space<vmem>>
        tpu.vector_store_idx %scatter3A_660[%add3A_647, %broadcast_in_dim3A_12], %get3A_651 : memref<80x8xf32, #tpu.memory_space<vmem>>[vector<16xi32>, vector<16xi32>], vector<16xf32>,
        %scatter3A_661 = arith.constant 5 : i32
        %scatter3A_662 = arith.constant 0 : i32
        %scatter3A_663 = arith.constant 0 : i32
        %scatter3A_664 = tpu.memref_slice %arg10[%scatter3A_661, %scatter3A_662, %scatter3A_663] : memref<8x80x8xf32, #tpu.memory_space<vmem>> -> memref<1x80x8xf32, #tpu.memory_space<vmem>>
        %scatter3A_665 = tpu.memref_squeeze %scatter3A_664 : memref<1x80x8xf32, #tpu.memory_space<vmem>> -> memref<80x8xf32, #tpu.memory_space<vmem>>
        tpu.vector_store_idx %scatter3A_665[%add3A_647, %add3A_15], %get3A_655 : memref<80x8xf32, #tpu.memory_space<vmem>>[vector<16xi32>, vector<16xi32>], vector<16xf32>,
        %add3A_666 = arith.constant 0 : i32
        %add3A_667 = vector.broadcast %add3A_666 : i32 to vector<16xi32>
        %add3A_668 = arith.addi %iota3A, %add3A_667 : vector<16xi32>
        %get3A_669 = arith.constant 6 : i32
        %get3A_670 = arith.index_cast %get3A_669 : i32 to index
        %get3A_671 = arith.constant 0 : index
        %get3A_672 = tpu.vector_load %arg8[%get3A_670, %get3A_671] {strides = array<i32>} : memref<8x80xf32, #tpu.memory_space<vmem>>, vector<16xf32>,
        %get3A_673 = arith.constant 6 : i32
        %get3A_674 = arith.index_cast %get3A_673 : i32 to index
        %get3A_675 = arith.constant 0 : index
        %get3A_676 = tpu.vector_load %arg9[%get3A_674, %get3A_675] {strides = array<i32>} : memref<8x80xf32, #tpu.memory_space<vmem>>, vector<16xf32>,
        %scatter3A_677 = arith.constant 6 : i32
        %scatter3A_678 = arith.constant 0 : i32
        %scatter3A_679 = arith.constant 0 : i32
        %scatter3A_680 = tpu.memref_slice %arg10[%scatter3A_677, %scatter3A_678, %scatter3A_679] : memref<8x80x8xf32, #tpu.memory_space<vmem>> -> memref<1x80x8xf32, #tpu.memory_space<vmem>>
        %scatter3A_681 = tpu.memref_squeeze %scatter3A_680 : memref<1x80x8xf32, #tpu.memory_space<vmem>> -> memref<80x8xf32, #tpu.memory_space<vmem>>
        tpu.vector_store_idx %scatter3A_681[%add3A_668, %broadcast_in_dim3A_12], %get3A_672 : memref<80x8xf32, #tpu.memory_space<vmem>>[vector<16xi32>, vector<16xi32>], vector<16xf32>,
        %scatter3A_682 = arith.constant 6 : i32
        %scatter3A_683 = arith.constant 0 : i32
        %scatter3A_684 = arith.constant 0 : i32
        %scatter3A_685 = tpu.memref_slice %arg10[%scatter3A_682, %scatter3A_683, %scatter3A_684] : memref<8x80x8xf32, #tpu.memory_space<vmem>> -> memref<1x80x8xf32, #tpu.memory_space<vmem>>
        %scatter3A_686 = tpu.memref_squeeze %scatter3A_685 : memref<1x80x8xf32, #tpu.memory_space<vmem>> -> memref<80x8xf32, #tpu.memory_space<vmem>>
        tpu.vector_store_idx %scatter3A_686[%add3A_668, %add3A_15], %get3A_676 : memref<80x8xf32, #tpu.memory_space<vmem>>[vector<16xi32>, vector<16xi32>], vector<16xf32>,
        %add3A_687 = arith.constant 16 : i32
        %add3A_688 = vector.broadcast %add3A_687 : i32 to vector<16xi32>
        %add3A_689 = arith.addi %iota3A, %add3A_688 : vector<16xi32>
        %get3A_690 = arith.constant 6 : i32
        %get3A_691 = arith.index_cast %get3A_690 : i32 to index
        %get3A_692 = arith.constant 16 : index
        %get3A_693 = tpu.vector_load %arg8[%get3A_691, %get3A_692] {strides = array<i32>} : memref<8x80xf32, #tpu.memory_space<vmem>>, vector<16xf32>,
        %get3A_694 = arith.constant 6 : i32
        %get3A_695 = arith.index_cast %get3A_694 : i32 to index
        %get3A_696 = arith.constant 16 : index
        %get3A_697 = tpu.vector_load %arg9[%get3A_695, %get3A_696] {strides = array<i32>} : memref<8x80xf32, #tpu.memory_space<vmem>>, vector<16xf32>,
        %scatter3A_698 = arith.constant 6 : i32
        %scatter3A_699 = arith.constant 0 : i32
        %scatter3A_700 = arith.constant 0 : i32
        %scatter3A_701 = tpu.memref_slice %arg10[%scatter3A_698, %scatter3A_699, %scatter3A_700] : memref<8x80x8xf32, #tpu.memory_space<vmem>> -> memref<1x80x8xf32, #tpu.memory_space<vmem>>
        %scatter3A_702 = tpu.memref_squeeze %scatter3A_701 : memref<1x80x8xf32, #tpu.memory_space<vmem>> -> memref<80x8xf32, #tpu.memory_space<vmem>>
        tpu.vector_store_idx %scatter3A_702[%add3A_689, %broadcast_in_dim3A_12], %get3A_693 : memref<80x8xf32, #tpu.memory_space<vmem>>[vector<16xi32>, vector<16xi32>], vector<16xf32>,
        %scatter3A_703 = arith.constant 6 : i32
        %scatter3A_704 = arith.constant 0 : i32
        %scatter3A_705 = arith.constant 0 : i32
        %scatter3A_706 = tpu.memref_slice %arg10[%scatter3A_703, %scatter3A_704, %scatter3A_705] : memref<8x80x8xf32, #tpu.memory_space<vmem>> -> memref<1x80x8xf32, #tpu.memory_space<vmem>>
        %scatter3A_707 = tpu.memref_squeeze %scatter3A_706 : memref<1x80x8xf32, #tpu.memory_space<vmem>> -> memref<80x8xf32, #tpu.memory_space<vmem>>
        tpu.vector_store_idx %scatter3A_707[%add3A_689, %add3A_15], %get3A_697 : memref<80x8xf32, #tpu.memory_space<vmem>>[vector<16xi32>, vector<16xi32>], vector<16xf32>,
        %add3A_708 = arith.constant 32 : i32
        %add3A_709 = vector.broadcast %add3A_708 : i32 to vector<16xi32>
        %add3A_710 = arith.addi %iota3A, %add3A_709 : vector<16xi32>
        %get3A_711 = arith.constant 6 : i32
        %get3A_712 = arith.index_cast %get3A_711 : i32 to index
        %get3A_713 = arith.constant 32 : index
        %get3A_714 = tpu.vector_load %arg8[%get3A_712, %get3A_713] {strides = array<i32>} : memref<8x80xf32, #tpu.memory_space<vmem>>, vector<16xf32>,
        %get3A_715 = arith.constant 6 : i32
        %get3A_716 = arith.index_cast %get3A_715 : i32 to index
        %get3A_717 = arith.constant 32 : index
        %get3A_718 = tpu.vector_load %arg9[%get3A_716, %get3A_717] {strides = array<i32>} : memref<8x80xf32, #tpu.memory_space<vmem>>, vector<16xf32>,
        %scatter3A_719 = arith.constant 6 : i32
        %scatter3A_720 = arith.constant 0 : i32
        %scatter3A_721 = arith.constant 0 : i32
        %scatter3A_722 = tpu.memref_slice %arg10[%scatter3A_719, %scatter3A_720, %scatter3A_721] : memref<8x80x8xf32, #tpu.memory_space<vmem>> -> memref<1x80x8xf32, #tpu.memory_space<vmem>>
        %scatter3A_723 = tpu.memref_squeeze %scatter3A_722 : memref<1x80x8xf32, #tpu.memory_space<vmem>> -> memref<80x8xf32, #tpu.memory_space<vmem>>
        tpu.vector_store_idx %scatter3A_723[%add3A_710, %broadcast_in_dim3A_12], %get3A_714 : memref<80x8xf32, #tpu.memory_space<vmem>>[vector<16xi32>, vector<16xi32>], vector<16xf32>,
        %scatter3A_724 = arith.constant 6 : i32
        %scatter3A_725 = arith.constant 0 : i32
        %scatter3A_726 = arith.constant 0 : i32
        %scatter3A_727 = tpu.memref_slice %arg10[%scatter3A_724, %scatter3A_725, %scatter3A_726] : memref<8x80x8xf32, #tpu.memory_space<vmem>> -> memref<1x80x8xf32, #tpu.memory_space<vmem>>
        %scatter3A_728 = tpu.memref_squeeze %scatter3A_727 : memref<1x80x8xf32, #tpu.memory_space<vmem>> -> memref<80x8xf32, #tpu.memory_space<vmem>>
        tpu.vector_store_idx %scatter3A_728[%add3A_710, %add3A_15], %get3A_718 : memref<80x8xf32, #tpu.memory_space<vmem>>[vector<16xi32>, vector<16xi32>], vector<16xf32>,
        %add3A_729 = arith.constant 48 : i32
        %add3A_730 = vector.broadcast %add3A_729 : i32 to vector<16xi32>
        %add3A_731 = arith.addi %iota3A, %add3A_730 : vector<16xi32>
        %get3A_732 = arith.constant 6 : i32
        %get3A_733 = arith.index_cast %get3A_732 : i32 to index
        %get3A_734 = arith.constant 48 : index
        %get3A_735 = tpu.vector_load %arg8[%get3A_733, %get3A_734] {strides = array<i32>} : memref<8x80xf32, #tpu.memory_space<vmem>>, vector<16xf32>,
        %get3A_736 = arith.constant 6 : i32
        %get3A_737 = arith.index_cast %get3A_736 : i32 to index
        %get3A_738 = arith.constant 48 : index
        %get3A_739 = tpu.vector_load %arg9[%get3A_737, %get3A_738] {strides = array<i32>} : memref<8x80xf32, #tpu.memory_space<vmem>>, vector<16xf32>,
        %scatter3A_740 = arith.constant 6 : i32
        %scatter3A_741 = arith.constant 0 : i32
        %scatter3A_742 = arith.constant 0 : i32
        %scatter3A_743 = tpu.memref_slice %arg10[%scatter3A_740, %scatter3A_741, %scatter3A_742] : memref<8x80x8xf32, #tpu.memory_space<vmem>> -> memref<1x80x8xf32, #tpu.memory_space<vmem>>
        %scatter3A_744 = tpu.memref_squeeze %scatter3A_743 : memref<1x80x8xf32, #tpu.memory_space<vmem>> -> memref<80x8xf32, #tpu.memory_space<vmem>>
        tpu.vector_store_idx %scatter3A_744[%add3A_731, %broadcast_in_dim3A_12], %get3A_735 : memref<80x8xf32, #tpu.memory_space<vmem>>[vector<16xi32>, vector<16xi32>], vector<16xf32>,
        %scatter3A_745 = arith.constant 6 : i32
        %scatter3A_746 = arith.constant 0 : i32
        %scatter3A_747 = arith.constant 0 : i32
        %scatter3A_748 = tpu.memref_slice %arg10[%scatter3A_745, %scatter3A_746, %scatter3A_747] : memref<8x80x8xf32, #tpu.memory_space<vmem>> -> memref<1x80x8xf32, #tpu.memory_space<vmem>>
        %scatter3A_749 = tpu.memref_squeeze %scatter3A_748 : memref<1x80x8xf32, #tpu.memory_space<vmem>> -> memref<80x8xf32, #tpu.memory_space<vmem>>
        tpu.vector_store_idx %scatter3A_749[%add3A_731, %add3A_15], %get3A_739 : memref<80x8xf32, #tpu.memory_space<vmem>>[vector<16xi32>, vector<16xi32>], vector<16xf32>,
        %add3A_750 = arith.constant 64 : i32
        %add3A_751 = vector.broadcast %add3A_750 : i32 to vector<16xi32>
        %add3A_752 = arith.addi %iota3A, %add3A_751 : vector<16xi32>
        %get3A_753 = arith.constant 6 : i32
        %get3A_754 = arith.index_cast %get3A_753 : i32 to index
        %get3A_755 = arith.constant 64 : index
        %get3A_756 = tpu.vector_load %arg8[%get3A_754, %get3A_755] {strides = array<i32>} : memref<8x80xf32, #tpu.memory_space<vmem>>, vector<16xf32>,
        %get3A_757 = arith.constant 6 : i32
        %get3A_758 = arith.index_cast %get3A_757 : i32 to index
        %get3A_759 = arith.constant 64 : index
        %get3A_760 = tpu.vector_load %arg9[%get3A_758, %get3A_759] {strides = array<i32>} : memref<8x80xf32, #tpu.memory_space<vmem>>, vector<16xf32>,
        %scatter3A_761 = arith.constant 6 : i32
        %scatter3A_762 = arith.constant 0 : i32
        %scatter3A_763 = arith.constant 0 : i32
        %scatter3A_764 = tpu.memref_slice %arg10[%scatter3A_761, %scatter3A_762, %scatter3A_763] : memref<8x80x8xf32, #tpu.memory_space<vmem>> -> memref<1x80x8xf32, #tpu.memory_space<vmem>>
        %scatter3A_765 = tpu.memref_squeeze %scatter3A_764 : memref<1x80x8xf32, #tpu.memory_space<vmem>> -> memref<80x8xf32, #tpu.memory_space<vmem>>
        tpu.vector_store_idx %scatter3A_765[%add3A_752, %broadcast_in_dim3A_12], %get3A_756 : memref<80x8xf32, #tpu.memory_space<vmem>>[vector<16xi32>, vector<16xi32>], vector<16xf32>,
        %scatter3A_766 = arith.constant 6 : i32
        %scatter3A_767 = arith.constant 0 : i32
        %scatter3A_768 = arith.constant 0 : i32
        %scatter3A_769 = tpu.memref_slice %arg10[%scatter3A_766, %scatter3A_767, %scatter3A_768] : memref<8x80x8xf32, #tpu.memory_space<vmem>> -> memref<1x80x8xf32, #tpu.memory_space<vmem>>
        %scatter3A_770 = tpu.memref_squeeze %scatter3A_769 : memref<1x80x8xf32, #tpu.memory_space<vmem>> -> memref<80x8xf32, #tpu.memory_space<vmem>>
        tpu.vector_store_idx %scatter3A_770[%add3A_752, %add3A_15], %get3A_760 : memref<80x8xf32, #tpu.memory_space<vmem>>[vector<16xi32>, vector<16xi32>], vector<16xf32>,
        %add3A_771 = arith.constant 0 : i32
        %add3A_772 = vector.broadcast %add3A_771 : i32 to vector<16xi32>
        %add3A_773 = arith.addi %iota3A, %add3A_772 : vector<16xi32>
        %get3A_774 = arith.constant 7 : i32
        %get3A_775 = arith.index_cast %get3A_774 : i32 to index
        %get3A_776 = arith.constant 0 : index
        %get3A_777 = tpu.vector_load %arg8[%get3A_775, %get3A_776] {strides = array<i32>} : memref<8x80xf32, #tpu.memory_space<vmem>>, vector<16xf32>,
        %get3A_778 = arith.constant 7 : i32
        %get3A_779 = arith.index_cast %get3A_778 : i32 to index
        %get3A_780 = arith.constant 0 : index
        %get3A_781 = tpu.vector_load %arg9[%get3A_779, %get3A_780] {strides = array<i32>} : memref<8x80xf32, #tpu.memory_space<vmem>>, vector<16xf32>,
        %scatter3A_782 = arith.constant 7 : i32
        %scatter3A_783 = arith.constant 0 : i32
        %scatter3A_784 = arith.constant 0 : i32
        %scatter3A_785 = tpu.memref_slice %arg10[%scatter3A_782, %scatter3A_783, %scatter3A_784] : memref<8x80x8xf32, #tpu.memory_space<vmem>> -> memref<1x80x8xf32, #tpu.memory_space<vmem>>
        %scatter3A_786 = tpu.memref_squeeze %scatter3A_785 : memref<1x80x8xf32, #tpu.memory_space<vmem>> -> memref<80x8xf32, #tpu.memory_space<vmem>>
        tpu.vector_store_idx %scatter3A_786[%add3A_773, %broadcast_in_dim3A_12], %get3A_777 : memref<80x8xf32, #tpu.memory_space<vmem>>[vector<16xi32>, vector<16xi32>], vector<16xf32>,
        %scatter3A_787 = arith.constant 7 : i32
        %scatter3A_788 = arith.constant 0 : i32
        %scatter3A_789 = arith.constant 0 : i32
        %scatter3A_790 = tpu.memref_slice %arg10[%scatter3A_787, %scatter3A_788, %scatter3A_789] : memref<8x80x8xf32, #tpu.memory_space<vmem>> -> memref<1x80x8xf32, #tpu.memory_space<vmem>>
        %scatter3A_791 = tpu.memref_squeeze %scatter3A_790 : memref<1x80x8xf32, #tpu.memory_space<vmem>> -> memref<80x8xf32, #tpu.memory_space<vmem>>
        tpu.vector_store_idx %scatter3A_791[%add3A_773, %add3A_15], %get3A_781 : memref<80x8xf32, #tpu.memory_space<vmem>>[vector<16xi32>, vector<16xi32>], vector<16xf32>,
        %add3A_792 = arith.constant 16 : i32
        %add3A_793 = vector.broadcast %add3A_792 : i32 to vector<16xi32>
        %add3A_794 = arith.addi %iota3A, %add3A_793 : vector<16xi32>
        %get3A_795 = arith.constant 7 : i32
        %get3A_796 = arith.index_cast %get3A_795 : i32 to index
        %get3A_797 = arith.constant 16 : index
        %get3A_798 = tpu.vector_load %arg8[%get3A_796, %get3A_797] {strides = array<i32>} : memref<8x80xf32, #tpu.memory_space<vmem>>, vector<16xf32>,
        %get3A_799 = arith.constant 7 : i32
        %get3A_800 = arith.index_cast %get3A_799 : i32 to index
        %get3A_801 = arith.constant 16 : index
        %get3A_802 = tpu.vector_load %arg9[%get3A_800, %get3A_801] {strides = array<i32>} : memref<8x80xf32, #tpu.memory_space<vmem>>, vector<16xf32>,
        %scatter3A_803 = arith.constant 7 : i32
        %scatter3A_804 = arith.constant 0 : i32
        %scatter3A_805 = arith.constant 0 : i32
        %scatter3A_806 = tpu.memref_slice %arg10[%scatter3A_803, %scatter3A_804, %scatter3A_805] : memref<8x80x8xf32, #tpu.memory_space<vmem>> -> memref<1x80x8xf32, #tpu.memory_space<vmem>>
        %scatter3A_807 = tpu.memref_squeeze %scatter3A_806 : memref<1x80x8xf32, #tpu.memory_space<vmem>> -> memref<80x8xf32, #tpu.memory_space<vmem>>
        tpu.vector_store_idx %scatter3A_807[%add3A_794, %broadcast_in_dim3A_12], %get3A_798 : memref<80x8xf32, #tpu.memory_space<vmem>>[vector<16xi32>, vector<16xi32>], vector<16xf32>,
        %scatter3A_808 = arith.constant 7 : i32
        %scatter3A_809 = arith.constant 0 : i32
        %scatter3A_810 = arith.constant 0 : i32
        %scatter3A_811 = tpu.memref_slice %arg10[%scatter3A_808, %scatter3A_809, %scatter3A_810] : memref<8x80x8xf32, #tpu.memory_space<vmem>> -> memref<1x80x8xf32, #tpu.memory_space<vmem>>
        %scatter3A_812 = tpu.memref_squeeze %scatter3A_811 : memref<1x80x8xf32, #tpu.memory_space<vmem>> -> memref<80x8xf32, #tpu.memory_space<vmem>>
        tpu.vector_store_idx %scatter3A_812[%add3A_794, %add3A_15], %get3A_802 : memref<80x8xf32, #tpu.memory_space<vmem>>[vector<16xi32>, vector<16xi32>], vector<16xf32>,
        %add3A_813 = arith.constant 32 : i32
        %add3A_814 = vector.broadcast %add3A_813 : i32 to vector<16xi32>
        %add3A_815 = arith.addi %iota3A, %add3A_814 : vector<16xi32>
        %get3A_816 = arith.constant 7 : i32
        %get3A_817 = arith.index_cast %get3A_816 : i32 to index
        %get3A_818 = arith.constant 32 : index
        %get3A_819 = tpu.vector_load %arg8[%get3A_817, %get3A_818] {strides = array<i32>} : memref<8x80xf32, #tpu.memory_space<vmem>>, vector<16xf32>,
        %get3A_820 = arith.constant 7 : i32
        %get3A_821 = arith.index_cast %get3A_820 : i32 to index
        %get3A_822 = arith.constant 32 : index
        %get3A_823 = tpu.vector_load %arg9[%get3A_821, %get3A_822] {strides = array<i32>} : memref<8x80xf32, #tpu.memory_space<vmem>>, vector<16xf32>,
        %scatter3A_824 = arith.constant 7 : i32
        %scatter3A_825 = arith.constant 0 : i32
        %scatter3A_826 = arith.constant 0 : i32
        %scatter3A_827 = tpu.memref_slice %arg10[%scatter3A_824, %scatter3A_825, %scatter3A_826] : memref<8x80x8xf32, #tpu.memory_space<vmem>> -> memref<1x80x8xf32, #tpu.memory_space<vmem>>
        %scatter3A_828 = tpu.memref_squeeze %scatter3A_827 : memref<1x80x8xf32, #tpu.memory_space<vmem>> -> memref<80x8xf32, #tpu.memory_space<vmem>>
        tpu.vector_store_idx %scatter3A_828[%add3A_815, %broadcast_in_dim3A_12], %get3A_819 : memref<80x8xf32, #tpu.memory_space<vmem>>[vector<16xi32>, vector<16xi32>], vector<16xf32>,
        %scatter3A_829 = arith.constant 7 : i32
        %scatter3A_830 = arith.constant 0 : i32
        %scatter3A_831 = arith.constant 0 : i32
        %scatter3A_832 = tpu.memref_slice %arg10[%scatter3A_829, %scatter3A_830, %scatter3A_831] : memref<8x80x8xf32, #tpu.memory_space<vmem>> -> memref<1x80x8xf32, #tpu.memory_space<vmem>>
        %scatter3A_833 = tpu.memref_squeeze %scatter3A_832 : memref<1x80x8xf32, #tpu.memory_space<vmem>> -> memref<80x8xf32, #tpu.memory_space<vmem>>
        tpu.vector_store_idx %scatter3A_833[%add3A_815, %add3A_15], %get3A_823 : memref<80x8xf32, #tpu.memory_space<vmem>>[vector<16xi32>, vector<16xi32>], vector<16xf32>,
        %add3A_834 = arith.constant 48 : i32
        %add3A_835 = vector.broadcast %add3A_834 : i32 to vector<16xi32>
        %add3A_836 = arith.addi %iota3A, %add3A_835 : vector<16xi32>
        %get3A_837 = arith.constant 7 : i32
        %get3A_838 = arith.index_cast %get3A_837 : i32 to index
        %get3A_839 = arith.constant 48 : index
        %get3A_840 = tpu.vector_load %arg8[%get3A_838, %get3A_839] {strides = array<i32>} : memref<8x80xf32, #tpu.memory_space<vmem>>, vector<16xf32>,
        %get3A_841 = arith.constant 7 : i32
        %get3A_842 = arith.index_cast %get3A_841 : i32 to index
        %get3A_843 = arith.constant 48 : index
        %get3A_844 = tpu.vector_load %arg9[%get3A_842, %get3A_843] {strides = array<i32>} : memref<8x80xf32, #tpu.memory_space<vmem>>, vector<16xf32>,
        %scatter3A_845 = arith.constant 7 : i32
        %scatter3A_846 = arith.constant 0 : i32
        %scatter3A_847 = arith.constant 0 : i32
        %scatter3A_848 = tpu.memref_slice %arg10[%scatter3A_845, %scatter3A_846, %scatter3A_847] : memref<8x80x8xf32, #tpu.memory_space<vmem>> -> memref<1x80x8xf32, #tpu.memory_space<vmem>>
        %scatter3A_849 = tpu.memref_squeeze %scatter3A_848 : memref<1x80x8xf32, #tpu.memory_space<vmem>> -> memref<80x8xf32, #tpu.memory_space<vmem>>
        tpu.vector_store_idx %scatter3A_849[%add3A_836, %broadcast_in_dim3A_12], %get3A_840 : memref<80x8xf32, #tpu.memory_space<vmem>>[vector<16xi32>, vector<16xi32>], vector<16xf32>,
        %scatter3A_850 = arith.constant 7 : i32
        %scatter3A_851 = arith.constant 0 : i32
        %scatter3A_852 = arith.constant 0 : i32
        %scatter3A_853 = tpu.memref_slice %arg10[%scatter3A_850, %scatter3A_851, %scatter3A_852] : memref<8x80x8xf32, #tpu.memory_space<vmem>> -> memref<1x80x8xf32, #tpu.memory_space<vmem>>
        %scatter3A_854 = tpu.memref_squeeze %scatter3A_853 : memref<1x80x8xf32, #tpu.memory_space<vmem>> -> memref<80x8xf32, #tpu.memory_space<vmem>>
        tpu.vector_store_idx %scatter3A_854[%add3A_836, %add3A_15], %get3A_844 : memref<80x8xf32, #tpu.memory_space<vmem>>[vector<16xi32>, vector<16xi32>], vector<16xf32>,
        %add3A_855 = arith.constant 64 : i32
        %add3A_856 = vector.broadcast %add3A_855 : i32 to vector<16xi32>
        %add3A_857 = arith.addi %iota3A, %add3A_856 : vector<16xi32>
        %get3A_858 = arith.constant 7 : i32
        %get3A_859 = arith.index_cast %get3A_858 : i32 to index
        %get3A_860 = arith.constant 64 : index
        %get3A_861 = tpu.vector_load %arg8[%get3A_859, %get3A_860] {strides = array<i32>} : memref<8x80xf32, #tpu.memory_space<vmem>>, vector<16xf32>,
        %get3A_862 = arith.constant 7 : i32
        %get3A_863 = arith.index_cast %get3A_862 : i32 to index
        %get3A_864 = arith.constant 64 : index
        %get3A_865 = tpu.vector_load %arg9[%get3A_863, %get3A_864] {strides = array<i32>} : memref<8x80xf32, #tpu.memory_space<vmem>>, vector<16xf32>,
        %scatter3A_866 = arith.constant 7 : i32
        %scatter3A_867 = arith.constant 0 : i32
        %scatter3A_868 = arith.constant 0 : i32
        %scatter3A_869 = tpu.memref_slice %arg10[%scatter3A_866, %scatter3A_867, %scatter3A_868] : memref<8x80x8xf32, #tpu.memory_space<vmem>> -> memref<1x80x8xf32, #tpu.memory_space<vmem>>
        %scatter3A_870 = tpu.memref_squeeze %scatter3A_869 : memref<1x80x8xf32, #tpu.memory_space<vmem>> -> memref<80x8xf32, #tpu.memory_space<vmem>>
        tpu.vector_store_idx %scatter3A_870[%add3A_857, %broadcast_in_dim3A_12], %get3A_861 : memref<80x8xf32, #tpu.memory_space<vmem>>[vector<16xi32>, vector<16xi32>], vector<16xf32>,
        %scatter3A_871 = arith.constant 7 : i32
        %scatter3A_872 = arith.constant 0 : i32
        %scatter3A_873 = arith.constant 0 : i32
        %scatter3A_874 = tpu.memref_slice %arg10[%scatter3A_871, %scatter3A_872, %scatter3A_873] : memref<8x80x8xf32, #tpu.memory_space<vmem>> -> memref<1x80x8xf32, #tpu.memory_space<vmem>>
        %scatter3A_875 = tpu.memref_squeeze %scatter3A_874 : memref<1x80x8xf32, #tpu.memory_space<vmem>> -> memref<80x8xf32, #tpu.memory_space<vmem>>
        tpu.vector_store_idx %scatter3A_875[%add3A_857, %add3A_15], %get3A_865 : memref<80x8xf32, #tpu.memory_space<vmem>>[vector<16xi32>, vector<16xi32>], vector<16xf32>,
        %dma_start3A = arith.constant 0 : i32
        %dma_start3A_876 = arith.constant 0 : i32
        %dma_start3A_877 = arith.constant 0 : i32
        %dma_start3A_878 = arith.constant 0 : i32
        %dma_start3A_879 = tpu.memref_slice %arg10[%dma_start3A, %dma_start3A_877, %dma_start3A_878] : memref<8x80x8xf32, #tpu.memory_space<vmem>> -> memref<1x80x8xf32, #tpu.memory_space<vmem>>
        %dma_start3A_880 = tpu.memref_squeeze %dma_start3A_879 : memref<1x80x8xf32, #tpu.memory_space<vmem>> -> memref<80x8xf32, #tpu.memory_space<vmem>>
        %dma_start3A_881 = arith.constant 0 : i32
        %dma_start3A_882 = tpu.memref_slice %arg7[%dma_start3A_876, %dma_start3A_881] : memref<8x80xi32, #tpu.memory_space<vmem>> -> memref<1x80xi32, #tpu.memory_space<vmem>>
        %dma_start3A_883 = tpu.memref_squeeze %dma_start3A_882 : memref<1x80xi32, #tpu.memory_space<vmem>> -> memref<80xi32, #tpu.memory_space<vmem>>
        %dma_start3A_884 = arith.constant 0 : i32
        %dma_start3A_885 = arith.constant 0 : i32
        %dma_start3A_886 = tpu.memref_slice %arg12[%dma_start3A_884, %dma_start3A_885] : memref<50176x8xf32, #tpu.memory_space<vmem_shared>> -> memref<50176x8xf32, #tpu.memory_space<vmem_shared>>
        tpu.enqueue_indirect_dma source(%dma_start3A_880 : memref<80x8xf32, #tpu.memory_space<vmem>>) target(%dma_start3A_886 : memref<50176x8xf32, #tpu.memory_space<vmem_shared>>) offsets(%dma_start3A_883 : memref<80xi32, #tpu.memory_space<vmem>>) semaphore(%arg13 : memref<!tpu.dma_semaphore, #tpu.memory_space<semaphore_mem>>) {add = true}
        %dma_start3A_887 = arith.constant 1 : i32
        %dma_start3A_888 = arith.constant 1 : i32
        %dma_start3A_889 = arith.constant 0 : i32
        %dma_start3A_890 = arith.constant 0 : i32
        %dma_start3A_891 = tpu.memref_slice %arg10[%dma_start3A_887, %dma_start3A_889, %dma_start3A_890] : memref<8x80x8xf32, #tpu.memory_space<vmem>> -> memref<1x80x8xf32, #tpu.memory_space<vmem>>
        %dma_start3A_892 = tpu.memref_squeeze %dma_start3A_891 : memref<1x80x8xf32, #tpu.memory_space<vmem>> -> memref<80x8xf32, #tpu.memory_space<vmem>>
        %dma_start3A_893 = arith.constant 0 : i32
        %dma_start3A_894 = tpu.memref_slice %arg7[%dma_start3A_888, %dma_start3A_893] : memref<8x80xi32, #tpu.memory_space<vmem>> -> memref<1x80xi32, #tpu.memory_space<vmem>>
        %dma_start3A_895 = tpu.memref_squeeze %dma_start3A_894 : memref<1x80xi32, #tpu.memory_space<vmem>> -> memref<80xi32, #tpu.memory_space<vmem>>
        %dma_start3A_896 = arith.constant 0 : i32
        %dma_start3A_897 = arith.constant 0 : i32
        %dma_start3A_898 = tpu.memref_slice %arg12[%dma_start3A_896, %dma_start3A_897] : memref<50176x8xf32, #tpu.memory_space<vmem_shared>> -> memref<50176x8xf32, #tpu.memory_space<vmem_shared>>
        tpu.enqueue_indirect_dma source(%dma_start3A_892 : memref<80x8xf32, #tpu.memory_space<vmem>>) target(%dma_start3A_898 : memref<50176x8xf32, #tpu.memory_space<vmem_shared>>) offsets(%dma_start3A_895 : memref<80xi32, #tpu.memory_space<vmem>>) semaphore(%arg13 : memref<!tpu.dma_semaphore, #tpu.memory_space<semaphore_mem>>) {add = true}
        %dma_start3A_899 = arith.constant 2 : i32
        %dma_start3A_900 = arith.constant 2 : i32
        %dma_start3A_901 = arith.constant 0 : i32
        %dma_start3A_902 = arith.constant 0 : i32
        %dma_start3A_903 = tpu.memref_slice %arg10[%dma_start3A_899, %dma_start3A_901, %dma_start3A_902] : memref<8x80x8xf32, #tpu.memory_space<vmem>> -> memref<1x80x8xf32, #tpu.memory_space<vmem>>
        %dma_start3A_904 = tpu.memref_squeeze %dma_start3A_903 : memref<1x80x8xf32, #tpu.memory_space<vmem>> -> memref<80x8xf32, #tpu.memory_space<vmem>>
        %dma_start3A_905 = arith.constant 0 : i32
        %dma_start3A_906 = tpu.memref_slice %arg7[%dma_start3A_900, %dma_start3A_905] : memref<8x80xi32, #tpu.memory_space<vmem>> -> memref<1x80xi32, #tpu.memory_space<vmem>>
        %dma_start3A_907 = tpu.memref_squeeze %dma_start3A_906 : memref<1x80xi32, #tpu.memory_space<vmem>> -> memref<80xi32, #tpu.memory_space<vmem>>
        %dma_start3A_908 = arith.constant 0 : i32
        %dma_start3A_909 = arith.constant 0 : i32
        %dma_start3A_910 = tpu.memref_slice %arg12[%dma_start3A_908, %dma_start3A_909] : memref<50176x8xf32, #tpu.memory_space<vmem_shared>> -> memref<50176x8xf32, #tpu.memory_space<vmem_shared>>
        tpu.enqueue_indirect_dma source(%dma_start3A_904 : memref<80x8xf32, #tpu.memory_space<vmem>>) target(%dma_start3A_910 : memref<50176x8xf32, #tpu.memory_space<vmem_shared>>) offsets(%dma_start3A_907 : memref<80xi32, #tpu.memory_space<vmem>>) semaphore(%arg13 : memref<!tpu.dma_semaphore, #tpu.memory_space<semaphore_mem>>) {add = true}
        %dma_start3A_911 = arith.constant 3 : i32
        %dma_start3A_912 = arith.constant 3 : i32
        %dma_start3A_913 = arith.constant 0 : i32
        %dma_start3A_914 = arith.constant 0 : i32
        %dma_start3A_915 = tpu.memref_slice %arg10[%dma_start3A_911, %dma_start3A_913, %dma_start3A_914] : memref<8x80x8xf32, #tpu.memory_space<vmem>> -> memref<1x80x8xf32, #tpu.memory_space<vmem>>
        %dma_start3A_916 = tpu.memref_squeeze %dma_start3A_915 : memref<1x80x8xf32, #tpu.memory_space<vmem>> -> memref<80x8xf32, #tpu.memory_space<vmem>>
        %dma_start3A_917 = arith.constant 0 : i32
        %dma_start3A_918 = tpu.memref_slice %arg7[%dma_start3A_912, %dma_start3A_917] : memref<8x80xi32, #tpu.memory_space<vmem>> -> memref<1x80xi32, #tpu.memory_space<vmem>>
        %dma_start3A_919 = tpu.memref_squeeze %dma_start3A_918 : memref<1x80xi32, #tpu.memory_space<vmem>> -> memref<80xi32, #tpu.memory_space<vmem>>
        %dma_start3A_920 = arith.constant 0 : i32
        %dma_start3A_921 = arith.constant 0 : i32
        %dma_start3A_922 = tpu.memref_slice %arg12[%dma_start3A_920, %dma_start3A_921] : memref<50176x8xf32, #tpu.memory_space<vmem_shared>> -> memref<50176x8xf32, #tpu.memory_space<vmem_shared>>
        tpu.enqueue_indirect_dma source(%dma_start3A_916 : memref<80x8xf32, #tpu.memory_space<vmem>>) target(%dma_start3A_922 : memref<50176x8xf32, #tpu.memory_space<vmem_shared>>) offsets(%dma_start3A_919 : memref<80xi32, #tpu.memory_space<vmem>>) semaphore(%arg13 : memref<!tpu.dma_semaphore, #tpu.memory_space<semaphore_mem>>) {add = true}
        %dma_start3A_923 = arith.constant 4 : i32
        %dma_start3A_924 = arith.constant 4 : i32
        %dma_start3A_925 = arith.constant 0 : i32
        %dma_start3A_926 = arith.constant 0 : i32
        %dma_start3A_927 = tpu.memref_slice %arg10[%dma_start3A_923, %dma_start3A_925, %dma_start3A_926] : memref<8x80x8xf32, #tpu.memory_space<vmem>> -> memref<1x80x8xf32, #tpu.memory_space<vmem>>
        %dma_start3A_928 = tpu.memref_squeeze %dma_start3A_927 : memref<1x80x8xf32, #tpu.memory_space<vmem>> -> memref<80x8xf32, #tpu.memory_space<vmem>>
        %dma_start3A_929 = arith.constant 0 : i32
        %dma_start3A_930 = tpu.memref_slice %arg7[%dma_start3A_924, %dma_start3A_929] : memref<8x80xi32, #tpu.memory_space<vmem>> -> memref<1x80xi32, #tpu.memory_space<vmem>>
        %dma_start3A_931 = tpu.memref_squeeze %dma_start3A_930 : memref<1x80xi32, #tpu.memory_space<vmem>> -> memref<80xi32, #tpu.memory_space<vmem>>
        %dma_start3A_932 = arith.constant 0 : i32
        %dma_start3A_933 = arith.constant 0 : i32
        %dma_start3A_934 = tpu.memref_slice %arg12[%dma_start3A_932, %dma_start3A_933] : memref<50176x8xf32, #tpu.memory_space<vmem_shared>> -> memref<50176x8xf32, #tpu.memory_space<vmem_shared>>
        tpu.enqueue_indirect_dma source(%dma_start3A_928 : memref<80x8xf32, #tpu.memory_space<vmem>>) target(%dma_start3A_934 : memref<50176x8xf32, #tpu.memory_space<vmem_shared>>) offsets(%dma_start3A_931 : memref<80xi32, #tpu.memory_space<vmem>>) semaphore(%arg13 : memref<!tpu.dma_semaphore, #tpu.memory_space<semaphore_mem>>) {add = true}
        %dma_start3A_935 = arith.constant 5 : i32
        %dma_start3A_936 = arith.constant 5 : i32
        %dma_start3A_937 = arith.constant 0 : i32
        %dma_start3A_938 = arith.constant 0 : i32
        %dma_start3A_939 = tpu.memref_slice %arg10[%dma_start3A_935, %dma_start3A_937, %dma_start3A_938] : memref<8x80x8xf32, #tpu.memory_space<vmem>> -> memref<1x80x8xf32, #tpu.memory_space<vmem>>
        %dma_start3A_940 = tpu.memref_squeeze %dma_start3A_939 : memref<1x80x8xf32, #tpu.memory_space<vmem>> -> memref<80x8xf32, #tpu.memory_space<vmem>>
        %dma_start3A_941 = arith.constant 0 : i32
        %dma_start3A_942 = tpu.memref_slice %arg7[%dma_start3A_936, %dma_start3A_941] : memref<8x80xi32, #tpu.memory_space<vmem>> -> memref<1x80xi32, #tpu.memory_space<vmem>>
        %dma_start3A_943 = tpu.memref_squeeze %dma_start3A_942 : memref<1x80xi32, #tpu.memory_space<vmem>> -> memref<80xi32, #tpu.memory_space<vmem>>
        %dma_start3A_944 = arith.constant 0 : i32
        %dma_start3A_945 = arith.constant 0 : i32
        %dma_start3A_946 = tpu.memref_slice %arg12[%dma_start3A_944, %dma_start3A_945] : memref<50176x8xf32, #tpu.memory_space<vmem_shared>> -> memref<50176x8xf32, #tpu.memory_space<vmem_shared>>
        tpu.enqueue_indirect_dma source(%dma_start3A_940 : memref<80x8xf32, #tpu.memory_space<vmem>>) target(%dma_start3A_946 : memref<50176x8xf32, #tpu.memory_space<vmem_shared>>) offsets(%dma_start3A_943 : memref<80xi32, #tpu.memory_space<vmem>>) semaphore(%arg13 : memref<!tpu.dma_semaphore, #tpu.memory_space<semaphore_mem>>) {add = true}
        %dma_start3A_947 = arith.constant 6 : i32
        %dma_start3A_948 = arith.constant 6 : i32
        %dma_start3A_949 = arith.constant 0 : i32
        %dma_start3A_950 = arith.constant 0 : i32
        %dma_start3A_951 = tpu.memref_slice %arg10[%dma_start3A_947, %dma_start3A_949, %dma_start3A_950] : memref<8x80x8xf32, #tpu.memory_space<vmem>> -> memref<1x80x8xf32, #tpu.memory_space<vmem>>
        %dma_start3A_952 = tpu.memref_squeeze %dma_start3A_951 : memref<1x80x8xf32, #tpu.memory_space<vmem>> -> memref<80x8xf32, #tpu.memory_space<vmem>>
        %dma_start3A_953 = arith.constant 0 : i32
        %dma_start3A_954 = tpu.memref_slice %arg7[%dma_start3A_948, %dma_start3A_953] : memref<8x80xi32, #tpu.memory_space<vmem>> -> memref<1x80xi32, #tpu.memory_space<vmem>>
        %dma_start3A_955 = tpu.memref_squeeze %dma_start3A_954 : memref<1x80xi32, #tpu.memory_space<vmem>> -> memref<80xi32, #tpu.memory_space<vmem>>
        %dma_start3A_956 = arith.constant 0 : i32
        %dma_start3A_957 = arith.constant 0 : i32
        %dma_start3A_958 = tpu.memref_slice %arg12[%dma_start3A_956, %dma_start3A_957] : memref<50176x8xf32, #tpu.memory_space<vmem_shared>> -> memref<50176x8xf32, #tpu.memory_space<vmem_shared>>
        tpu.enqueue_indirect_dma source(%dma_start3A_952 : memref<80x8xf32, #tpu.memory_space<vmem>>) target(%dma_start3A_958 : memref<50176x8xf32, #tpu.memory_space<vmem_shared>>) offsets(%dma_start3A_955 : memref<80xi32, #tpu.memory_space<vmem>>) semaphore(%arg13 : memref<!tpu.dma_semaphore, #tpu.memory_space<semaphore_mem>>) {add = true}
        %dma_start3A_959 = arith.constant 7 : i32
        %dma_start3A_960 = arith.constant 7 : i32
        %dma_start3A_961 = arith.constant 0 : i32
        %dma_start3A_962 = arith.constant 0 : i32
        %dma_start3A_963 = tpu.memref_slice %arg10[%dma_start3A_959, %dma_start3A_961, %dma_start3A_962] : memref<8x80x8xf32, #tpu.memory_space<vmem>> -> memref<1x80x8xf32, #tpu.memory_space<vmem>>
        %dma_start3A_964 = tpu.memref_squeeze %dma_start3A_963 : memref<1x80x8xf32, #tpu.memory_space<vmem>> -> memref<80x8xf32, #tpu.memory_space<vmem>>
        %dma_start3A_965 = arith.constant 0 : i32
        %dma_start3A_966 = tpu.memref_slice %arg7[%dma_start3A_960, %dma_start3A_965] : memref<8x80xi32, #tpu.memory_space<vmem>> -> memref<1x80xi32, #tpu.memory_space<vmem>>
        %dma_start3A_967 = tpu.memref_squeeze %dma_start3A_966 : memref<1x80xi32, #tpu.memory_space<vmem>> -> memref<80xi32, #tpu.memory_space<vmem>>
        %dma_start3A_968 = arith.constant 0 : i32
        %dma_start3A_969 = arith.constant 0 : i32
        %dma_start3A_970 = tpu.memref_slice %arg12[%dma_start3A_968, %dma_start3A_969] : memref<50176x8xf32, #tpu.memory_space<vmem_shared>> -> memref<50176x8xf32, #tpu.memory_space<vmem_shared>>
        tpu.enqueue_indirect_dma source(%dma_start3A_964 : memref<80x8xf32, #tpu.memory_space<vmem>>) target(%dma_start3A_970 : memref<50176x8xf32, #tpu.memory_space<vmem_shared>>) offsets(%dma_start3A_967 : memref<80xi32, #tpu.memory_space<vmem>>) semaphore(%arg13 : memref<!tpu.dma_semaphore, #tpu.memory_space<semaphore_mem>>) {add = true}
        %dma_wait3A = arith.constant 0 : i32
        %dma_wait3A_971 = arith.constant 0 : i32
        %dma_wait3A_972 = arith.constant 0 : i32
        %dma_wait3A_973 = arith.constant 0 : i32
        %dma_wait3A_974 = tpu.memref_slice %arg10[%dma_wait3A, %dma_wait3A_972, %dma_wait3A_973] : memref<8x80x8xf32, #tpu.memory_space<vmem>> -> memref<1x80x8xf32, #tpu.memory_space<vmem>>
        %dma_wait3A_975 = tpu.memref_squeeze %dma_wait3A_974 : memref<1x80x8xf32, #tpu.memory_space<vmem>> -> memref<80x8xf32, #tpu.memory_space<vmem>>
        %dma_wait3A_976 = arith.constant 0 : i32
        %dma_wait3A_977 = tpu.memref_slice %arg7[%dma_wait3A_971, %dma_wait3A_976] : memref<8x80xi32, #tpu.memory_space<vmem>> -> memref<1x80xi32, #tpu.memory_space<vmem>>
        %dma_wait3A_978 = tpu.memref_squeeze %dma_wait3A_977 : memref<1x80xi32, #tpu.memory_space<vmem>> -> memref<80xi32, #tpu.memory_space<vmem>>
        %dma_wait3A_979 = arith.constant 0 : i32
        %dma_wait3A_980 = arith.constant 0 : i32
        %dma_wait3A_981 = tpu.memref_slice %arg12[%dma_wait3A_979, %dma_wait3A_980] : memref<50176x8xf32, #tpu.memory_space<vmem_shared>> -> memref<50176x8xf32, #tpu.memory_space<vmem_shared>>
        tpu.wait_indirect_dma semaphore(%arg13 : memref<!tpu.dma_semaphore, #tpu.memory_space<semaphore_mem>>) src(%dma_wait3A_975 : memref<80x8xf32, #tpu.memory_space<vmem>>) dst(%dma_wait3A_981 : memref<50176x8xf32, #tpu.memory_space<vmem_shared>>)
        %dma_wait3A_982 = arith.constant 1 : i32
        %dma_wait3A_983 = arith.constant 1 : i32
        %dma_wait3A_984 = arith.constant 0 : i32
        %dma_wait3A_985 = arith.constant 0 : i32
        %dma_wait3A_986 = tpu.memref_slice %arg10[%dma_wait3A_982, %dma_wait3A_984, %dma_wait3A_985] : memref<8x80x8xf32, #tpu.memory_space<vmem>> -> memref<1x80x8xf32, #tpu.memory_space<vmem>>
        %dma_wait3A_987 = tpu.memref_squeeze %dma_wait3A_986 : memref<1x80x8xf32, #tpu.memory_space<vmem>> -> memref<80x8xf32, #tpu.memory_space<vmem>>
        %dma_wait3A_988 = arith.constant 0 : i32
        %dma_wait3A_989 = tpu.memref_slice %arg7[%dma_wait3A_983, %dma_wait3A_988] : memref<8x80xi32, #tpu.memory_space<vmem>> -> memref<1x80xi32, #tpu.memory_space<vmem>>
        %dma_wait3A_990 = tpu.memref_squeeze %dma_wait3A_989 : memref<1x80xi32, #tpu.memory_space<vmem>> -> memref<80xi32, #tpu.memory_space<vmem>>
        %dma_wait3A_991 = arith.constant 0 : i32
        %dma_wait3A_992 = arith.constant 0 : i32
        %dma_wait3A_993 = tpu.memref_slice %arg12[%dma_wait3A_991, %dma_wait3A_992] : memref<50176x8xf32, #tpu.memory_space<vmem_shared>> -> memref<50176x8xf32, #tpu.memory_space<vmem_shared>>
        tpu.wait_indirect_dma semaphore(%arg13 : memref<!tpu.dma_semaphore, #tpu.memory_space<semaphore_mem>>) src(%dma_wait3A_987 : memref<80x8xf32, #tpu.memory_space<vmem>>) dst(%dma_wait3A_993 : memref<50176x8xf32, #tpu.memory_space<vmem_shared>>)
        %dma_wait3A_994 = arith.constant 2 : i32
        %dma_wait3A_995 = arith.constant 2 : i32
        %dma_wait3A_996 = arith.constant 0 : i32
        %dma_wait3A_997 = arith.constant 0 : i32
        %dma_wait3A_998 = tpu.memref_slice %arg10[%dma_wait3A_994, %dma_wait3A_996, %dma_wait3A_997] : memref<8x80x8xf32, #tpu.memory_space<vmem>> -> memref<1x80x8xf32, #tpu.memory_space<vmem>>
        %dma_wait3A_999 = tpu.memref_squeeze %dma_wait3A_998 : memref<1x80x8xf32, #tpu.memory_space<vmem>> -> memref<80x8xf32, #tpu.memory_space<vmem>>
        %dma_wait3A_1000 = arith.constant 0 : i32
        %dma_wait3A_1001 = tpu.memref_slice %arg7[%dma_wait3A_995, %dma_wait3A_1000] : memref<8x80xi32, #tpu.memory_space<vmem>> -> memref<1x80xi32, #tpu.memory_space<vmem>>
        %dma_wait3A_1002 = tpu.memref_squeeze %dma_wait3A_1001 : memref<1x80xi32, #tpu.memory_space<vmem>> -> memref<80xi32, #tpu.memory_space<vmem>>
        %dma_wait3A_1003 = arith.constant 0 : i32
        %dma_wait3A_1004 = arith.constant 0 : i32
        %dma_wait3A_1005 = tpu.memref_slice %arg12[%dma_wait3A_1003, %dma_wait3A_1004] : memref<50176x8xf32, #tpu.memory_space<vmem_shared>> -> memref<50176x8xf32, #tpu.memory_space<vmem_shared>>
        tpu.wait_indirect_dma semaphore(%arg13 : memref<!tpu.dma_semaphore, #tpu.memory_space<semaphore_mem>>) src(%dma_wait3A_999 : memref<80x8xf32, #tpu.memory_space<vmem>>) dst(%dma_wait3A_1005 : memref<50176x8xf32, #tpu.memory_space<vmem_shared>>)
        %dma_wait3A_1006 = arith.constant 3 : i32
        %dma_wait3A_1007 = arith.constant 3 : i32
        %dma_wait3A_1008 = arith.constant 0 : i32
        %dma_wait3A_1009 = arith.constant 0 : i32
        %dma_wait3A_1010 = tpu.memref_slice %arg10[%dma_wait3A_1006, %dma_wait3A_1008, %dma_wait3A_1009] : memref<8x80x8xf32, #tpu.memory_space<vmem>> -> memref<1x80x8xf32, #tpu.memory_space<vmem>>
        %dma_wait3A_1011 = tpu.memref_squeeze %dma_wait3A_1010 : memref<1x80x8xf32, #tpu.memory_space<vmem>> -> memref<80x8xf32, #tpu.memory_space<vmem>>
        %dma_wait3A_1012 = arith.constant 0 : i32
        %dma_wait3A_1013 = tpu.memref_slice %arg7[%dma_wait3A_1007, %dma_wait3A_1012] : memref<8x80xi32, #tpu.memory_space<vmem>> -> memref<1x80xi32, #tpu.memory_space<vmem>>
        %dma_wait3A_1014 = tpu.memref_squeeze %dma_wait3A_1013 : memref<1x80xi32, #tpu.memory_space<vmem>> -> memref<80xi32, #tpu.memory_space<vmem>>
        %dma_wait3A_1015 = arith.constant 0 : i32
        %dma_wait3A_1016 = arith.constant 0 : i32
        %dma_wait3A_1017 = tpu.memref_slice %arg12[%dma_wait3A_1015, %dma_wait3A_1016] : memref<50176x8xf32, #tpu.memory_space<vmem_shared>> -> memref<50176x8xf32, #tpu.memory_space<vmem_shared>>
        tpu.wait_indirect_dma semaphore(%arg13 : memref<!tpu.dma_semaphore, #tpu.memory_space<semaphore_mem>>) src(%dma_wait3A_1011 : memref<80x8xf32, #tpu.memory_space<vmem>>) dst(%dma_wait3A_1017 : memref<50176x8xf32, #tpu.memory_space<vmem_shared>>)
        %dma_wait3A_1018 = arith.constant 4 : i32
        %dma_wait3A_1019 = arith.constant 4 : i32
        %dma_wait3A_1020 = arith.constant 0 : i32
        %dma_wait3A_1021 = arith.constant 0 : i32
        %dma_wait3A_1022 = tpu.memref_slice %arg10[%dma_wait3A_1018, %dma_wait3A_1020, %dma_wait3A_1021] : memref<8x80x8xf32, #tpu.memory_space<vmem>> -> memref<1x80x8xf32, #tpu.memory_space<vmem>>
        %dma_wait3A_1023 = tpu.memref_squeeze %dma_wait3A_1022 : memref<1x80x8xf32, #tpu.memory_space<vmem>> -> memref<80x8xf32, #tpu.memory_space<vmem>>
        %dma_wait3A_1024 = arith.constant 0 : i32
        %dma_wait3A_1025 = tpu.memref_slice %arg7[%dma_wait3A_1019, %dma_wait3A_1024] : memref<8x80xi32, #tpu.memory_space<vmem>> -> memref<1x80xi32, #tpu.memory_space<vmem>>
        %dma_wait3A_1026 = tpu.memref_squeeze %dma_wait3A_1025 : memref<1x80xi32, #tpu.memory_space<vmem>> -> memref<80xi32, #tpu.memory_space<vmem>>
        %dma_wait3A_1027 = arith.constant 0 : i32
        %dma_wait3A_1028 = arith.constant 0 : i32
        %dma_wait3A_1029 = tpu.memref_slice %arg12[%dma_wait3A_1027, %dma_wait3A_1028] : memref<50176x8xf32, #tpu.memory_space<vmem_shared>> -> memref<50176x8xf32, #tpu.memory_space<vmem_shared>>
        tpu.wait_indirect_dma semaphore(%arg13 : memref<!tpu.dma_semaphore, #tpu.memory_space<semaphore_mem>>) src(%dma_wait3A_1023 : memref<80x8xf32, #tpu.memory_space<vmem>>) dst(%dma_wait3A_1029 : memref<50176x8xf32, #tpu.memory_space<vmem_shared>>)
        %dma_wait3A_1030 = arith.constant 5 : i32
        %dma_wait3A_1031 = arith.constant 5 : i32
        %dma_wait3A_1032 = arith.constant 0 : i32
        %dma_wait3A_1033 = arith.constant 0 : i32
        %dma_wait3A_1034 = tpu.memref_slice %arg10[%dma_wait3A_1030, %dma_wait3A_1032, %dma_wait3A_1033] : memref<8x80x8xf32, #tpu.memory_space<vmem>> -> memref<1x80x8xf32, #tpu.memory_space<vmem>>
        %dma_wait3A_1035 = tpu.memref_squeeze %dma_wait3A_1034 : memref<1x80x8xf32, #tpu.memory_space<vmem>> -> memref<80x8xf32, #tpu.memory_space<vmem>>
        %dma_wait3A_1036 = arith.constant 0 : i32
        %dma_wait3A_1037 = tpu.memref_slice %arg7[%dma_wait3A_1031, %dma_wait3A_1036] : memref<8x80xi32, #tpu.memory_space<vmem>> -> memref<1x80xi32, #tpu.memory_space<vmem>>
        %dma_wait3A_1038 = tpu.memref_squeeze %dma_wait3A_1037 : memref<1x80xi32, #tpu.memory_space<vmem>> -> memref<80xi32, #tpu.memory_space<vmem>>
        %dma_wait3A_1039 = arith.constant 0 : i32
        %dma_wait3A_1040 = arith.constant 0 : i32
        %dma_wait3A_1041 = tpu.memref_slice %arg12[%dma_wait3A_1039, %dma_wait3A_1040] : memref<50176x8xf32, #tpu.memory_space<vmem_shared>> -> memref<50176x8xf32, #tpu.memory_space<vmem_shared>>
        tpu.wait_indirect_dma semaphore(%arg13 : memref<!tpu.dma_semaphore, #tpu.memory_space<semaphore_mem>>) src(%dma_wait3A_1035 : memref<80x8xf32, #tpu.memory_space<vmem>>) dst(%dma_wait3A_1041 : memref<50176x8xf32, #tpu.memory_space<vmem_shared>>)
        %dma_wait3A_1042 = arith.constant 6 : i32
        %dma_wait3A_1043 = arith.constant 6 : i32
        %dma_wait3A_1044 = arith.constant 0 : i32
        %dma_wait3A_1045 = arith.constant 0 : i32
        %dma_wait3A_1046 = tpu.memref_slice %arg10[%dma_wait3A_1042, %dma_wait3A_1044, %dma_wait3A_1045] : memref<8x80x8xf32, #tpu.memory_space<vmem>> -> memref<1x80x8xf32, #tpu.memory_space<vmem>>
        %dma_wait3A_1047 = tpu.memref_squeeze %dma_wait3A_1046 : memref<1x80x8xf32, #tpu.memory_space<vmem>> -> memref<80x8xf32, #tpu.memory_space<vmem>>
        %dma_wait3A_1048 = arith.constant 0 : i32
        %dma_wait3A_1049 = tpu.memref_slice %arg7[%dma_wait3A_1043, %dma_wait3A_1048] : memref<8x80xi32, #tpu.memory_space<vmem>> -> memref<1x80xi32, #tpu.memory_space<vmem>>
        %dma_wait3A_1050 = tpu.memref_squeeze %dma_wait3A_1049 : memref<1x80xi32, #tpu.memory_space<vmem>> -> memref<80xi32, #tpu.memory_space<vmem>>
        %dma_wait3A_1051 = arith.constant 0 : i32
        %dma_wait3A_1052 = arith.constant 0 : i32
        %dma_wait3A_1053 = tpu.memref_slice %arg12[%dma_wait3A_1051, %dma_wait3A_1052] : memref<50176x8xf32, #tpu.memory_space<vmem_shared>> -> memref<50176x8xf32, #tpu.memory_space<vmem_shared>>
        tpu.wait_indirect_dma semaphore(%arg13 : memref<!tpu.dma_semaphore, #tpu.memory_space<semaphore_mem>>) src(%dma_wait3A_1047 : memref<80x8xf32, #tpu.memory_space<vmem>>) dst(%dma_wait3A_1053 : memref<50176x8xf32, #tpu.memory_space<vmem_shared>>)
        %dma_wait3A_1054 = arith.constant 7 : i32
        %dma_wait3A_1055 = arith.constant 7 : i32
        %dma_wait3A_1056 = arith.constant 0 : i32
        %dma_wait3A_1057 = arith.constant 0 : i32
        %dma_wait3A_1058 = tpu.memref_slice %arg10[%dma_wait3A_1054, %dma_wait3A_1056, %dma_wait3A_1057] : memref<8x80x8xf32, #tpu.memory_space<vmem>> -> memref<1x80x8xf32, #tpu.memory_space<vmem>>
        %dma_wait3A_1059 = tpu.memref_squeeze %dma_wait3A_1058 : memref<1x80x8xf32, #tpu.memory_space<vmem>> -> memref<80x8xf32, #tpu.memory_space<vmem>>
        %dma_wait3A_1060 = arith.constant 0 : i32
        %dma_wait3A_1061 = tpu.memref_slice %arg7[%dma_wait3A_1055, %dma_wait3A_1060] : memref<8x80xi32, #tpu.memory_space<vmem>> -> memref<1x80xi32, #tpu.memory_space<vmem>>
        %dma_wait3A_1062 = tpu.memref_squeeze %dma_wait3A_1061 : memref<1x80xi32, #tpu.memory_space<vmem>> -> memref<80xi32, #tpu.memory_space<vmem>>
        %dma_wait3A_1063 = arith.constant 0 : i32
        %dma_wait3A_1064 = arith.constant 0 : i32
        %dma_wait3A_1065 = tpu.memref_slice %arg12[%dma_wait3A_1063, %dma_wait3A_1064] : memref<50176x8xf32, #tpu.memory_space<vmem_shared>> -> memref<50176x8xf32, #tpu.memory_space<vmem_shared>>
        tpu.wait_indirect_dma semaphore(%arg13 : memref<!tpu.dma_semaphore, #tpu.memory_space<semaphore_mem>>) src(%dma_wait3A_1059 : memref<80x8xf32, #tpu.memory_space<vmem>>) dst(%dma_wait3A_1065 : memref<50176x8xf32, #tpu.memory_space<vmem_shared>>)
      } else {
      }
    }
    %scan3A_20 = arith.constant 38 : i32
    %barrier3A_21 = arith.constant 0 : index
    tpu.barrier barrier_id(%barrier3A_21)
    %mul3A_22 = arith.constant 3136 : i32
    %mul3A_23 = arith.muli %arg1, %mul3A_22 : i32
    "tpu.region"() ({
      %run_scoped3A_26 = tpu.sem_alloc : memref<!tpu.dma_semaphore, #tpu.memory_space<semaphore_mem>>
      %dma_start3A = arith.constant 0 : i32
      %dma_start3A_27 = tpu.memref_slice %arg12[%mul3A_23, %dma_start3A] : memref<50176x8xf32, #tpu.memory_space<vmem_shared>> -> memref<3136x8xf32, #tpu.memory_space<vmem_shared>>
      %dma_start3A_28 = arith.constant 0 : i32
      %dma_start3A_29 = tpu.memref_slice %arg12[%mul3A_23, %dma_start3A_28] : memref<50176x8xf32, #tpu.memory_space<vmem_shared>> -> memref<3136x8xf32, #tpu.memory_space<vmem_shared>>
      tpu.enqueue_dma source(%dma_start3A_29 : memref<3136x8xf32, #tpu.memory_space<vmem_shared>>) target(%arg11 : memref<3136x8xf32, #tpu.memory_space<vmem>>) target_semaphore(%run_scoped3A_26 : memref<!tpu.dma_semaphore, #tpu.memory_space<semaphore_mem>>)
      %dma_wait3A = arith.constant 0 : i32
      %dma_wait3A_30 = tpu.memref_slice %arg12[%mul3A_23, %dma_wait3A] : memref<50176x8xf32, #tpu.memory_space<vmem_shared>> -> memref<3136x8xf32, #tpu.memory_space<vmem_shared>>
      %dma_wait3A_31 = arith.constant 0 : i32
      %dma_wait3A_32 = tpu.memref_slice %arg12[%mul3A_23, %dma_wait3A_31] : memref<50176x8xf32, #tpu.memory_space<vmem_shared>> -> memref<3136x8xf32, #tpu.memory_space<vmem_shared>>
      tpu.wait_dma2 semaphore(%run_scoped3A_26 : memref<!tpu.dma_semaphore, #tpu.memory_space<semaphore_mem>>) src(%dma_wait3A_32 : memref<3136x8xf32, #tpu.memory_space<vmem_shared>>) dst(%arg11 : memref<3136x8xf32, #tpu.memory_space<vmem>>)
      tpu.yield
    }) : () -> ()
    %mul3A_24 = arith.constant 3136 : i32
    %mul3A_25 = arith.muli %arg1, %mul3A_24 : i32
    "tpu.region"() ({
      %run_scoped3A_26 = tpu.sem_alloc : memref<!tpu.dma_semaphore, #tpu.memory_space<semaphore_mem>>
      %dma_start3A = arith.constant 0 : i32
      %dma_start3A_27 = arith.constant 0 : i32
      %dma_start3A_28 = tpu.memref_slice %arg6[%arg0, %dma_start3A, %dma_start3A_27] : memref<2x50176x8xf32, #tpu.memory_space<hbm>> -> memref<1x50176x8xf32, #tpu.memory_space<hbm>>
      %dma_start3A_29 = tpu.memref_squeeze %dma_start3A_28 : memref<1x50176x8xf32, #tpu.memory_space<hbm>> -> memref<50176x8xf32, #tpu.memory_space<hbm>>
      %dma_start3A_30 = arith.constant 0 : i32
      %dma_start3A_31 = tpu.memref_slice %dma_start3A_29[%mul3A_25, %dma_start3A_30] : memref<50176x8xf32, #tpu.memory_space<hbm>> -> memref<3136x8xf32, #tpu.memory_space<hbm>>
      %dma_start3A_32 = arith.constant 0 : i32
      %dma_start3A_33 = arith.constant 0 : i32
      %dma_start3A_34 = tpu.memref_slice %arg6[%arg0, %dma_start3A_32, %dma_start3A_33] : memref<2x50176x8xf32, #tpu.memory_space<hbm>> -> memref<1x50176x8xf32, #tpu.memory_space<hbm>>
      %dma_start3A_35 = tpu.memref_squeeze %dma_start3A_34 : memref<1x50176x8xf32, #tpu.memory_space<hbm>> -> memref<50176x8xf32, #tpu.memory_space<hbm>>
      %dma_start3A_36 = arith.constant 0 : i32
      %dma_start3A_37 = tpu.memref_slice %dma_start3A_35[%mul3A_25, %dma_start3A_36] : memref<50176x8xf32, #tpu.memory_space<hbm>> -> memref<3136x8xf32, #tpu.memory_space<hbm>>
      tpu.enqueue_dma source(%arg11 : memref<3136x8xf32, #tpu.memory_space<vmem>>) target(%dma_start3A_37 : memref<3136x8xf32, #tpu.memory_space<hbm>>) target_semaphore(%run_scoped3A_26 : memref<!tpu.dma_semaphore, #tpu.memory_space<semaphore_mem>>)
      %dma_wait3A = arith.constant 0 : i32
      %dma_wait3A_38 = arith.constant 0 : i32
      %dma_wait3A_39 = tpu.memref_slice %arg6[%arg0, %dma_wait3A, %dma_wait3A_38] : memref<2x50176x8xf32, #tpu.memory_space<hbm>> -> memref<1x50176x8xf32, #tpu.memory_space<hbm>>
      %dma_wait3A_40 = tpu.memref_squeeze %dma_wait3A_39 : memref<1x50176x8xf32, #tpu.memory_space<hbm>> -> memref<50176x8xf32, #tpu.memory_space<hbm>>
      %dma_wait3A_41 = arith.constant 0 : i32
      %dma_wait3A_42 = tpu.memref_slice %dma_wait3A_40[%mul3A_25, %dma_wait3A_41] : memref<50176x8xf32, #tpu.memory_space<hbm>> -> memref<3136x8xf32, #tpu.memory_space<hbm>>
      %dma_wait3A_43 = arith.constant 0 : i32
      %dma_wait3A_44 = arith.constant 0 : i32
      %dma_wait3A_45 = tpu.memref_slice %arg6[%arg0, %dma_wait3A_43, %dma_wait3A_44] : memref<2x50176x8xf32, #tpu.memory_space<hbm>> -> memref<1x50176x8xf32, #tpu.memory_space<hbm>>
      %dma_wait3A_46 = tpu.memref_squeeze %dma_wait3A_45 : memref<1x50176x8xf32, #tpu.memory_space<hbm>> -> memref<50176x8xf32, #tpu.memory_space<hbm>>
      %dma_wait3A_47 = arith.constant 0 : i32
      %dma_wait3A_48 = tpu.memref_slice %dma_wait3A_46[%mul3A_25, %dma_wait3A_47] : memref<50176x8xf32, #tpu.memory_space<hbm>> -> memref<3136x8xf32, #tpu.memory_space<hbm>>
      tpu.wait_dma2 semaphore(%run_scoped3A_26 : memref<!tpu.dma_semaphore, #tpu.memory_space<semaphore_mem>>) src(%arg11 : memref<3136x8xf32, #tpu.memory_space<vmem>>) dst(%dma_wait3A_48 : memref<3136x8xf32, #tpu.memory_space<hbm>>)
      tpu.yield
    }) : () -> ()
    return
  }
}

module attributes {stable_mosaic.version = 14 : i64} {
  func.func @_mlp_body(%arg0: i32, %arg1: memref<1x16000xf32, #tpu.memory_space<vmem>>, %arg2: memref<1x16000xf32, #tpu.memory_space<vmem>>, %arg3: memref<128x1xf32, #tpu.memory_space<vmem>>, %arg4: memref<128x1xf32, #tpu.memory_space<vmem>>, %arg5: memref<128x128xbf16, #tpu.memory_space<vmem>>, %arg6: memref<128x1xf32, #tpu.memory_space<vmem>>, %arg7: memref<128x128xbf16, #tpu.memory_space<vmem>>, %arg8: memref<128x1xf32, #tpu.memory_space<vmem>>, %arg9: memref<1x128xf32, #tpu.memory_space<vmem>>, %arg10: memref<1x1xf32, #tpu.memory_space<vmem>>, %arg11: memref<1x16000xf32, #tpu.memory_space<vmem>>, %arg12: memref<1x16000xf32, #tpu.memory_space<vmem>>) attributes {dimension_semantics = [#tpu.dimension_semantics<arbitrary>], iteration_bounds = array<i64: 52>, scalar_prefetch = 0 : i64, scratch_operands = 0 : i64, tpu.core_type = #tpu.core_type<tc>, window_params = [{transform_indices = @transform_0, window_bounds = array<i64: 1, 16000>}, {transform_indices = @transform_1, window_bounds = array<i64: 1, 16000>}, {pipeline_mode = #tpu.pipeline_mode<synchronous>, transform_indices = @transform_2, window_bounds = array<i64: 128, 1>}, {pipeline_mode = #tpu.pipeline_mode<synchronous>, transform_indices = @transform_3, window_bounds = array<i64: 128, 1>}, {pipeline_mode = #tpu.pipeline_mode<synchronous>, transform_indices = @transform_4, window_bounds = array<i64: 128, 128>}, {pipeline_mode = #tpu.pipeline_mode<synchronous>, transform_indices = @transform_5, window_bounds = array<i64: 128, 1>}, {pipeline_mode = #tpu.pipeline_mode<synchronous>, transform_indices = @transform_6, window_bounds = array<i64: 128, 128>}, {pipeline_mode = #tpu.pipeline_mode<synchronous>, transform_indices = @transform_7, window_bounds = array<i64: 128, 1>}, {pipeline_mode = #tpu.pipeline_mode<synchronous>, transform_indices = @transform_8, window_bounds = array<i64: 1, 128>}, {pipeline_mode = #tpu.pipeline_mode<synchronous>, transform_indices = @transform_9, window_bounds = array<i64: 1, 1>}, {transform_indices = @transform_10, window_bounds = array<i64: 1, 16000>}, {transform_indices = @transform_11, window_bounds = array<i64: 1, 16000>}]} {
    %get3A = arith.constant 0 : index
    %get3A_0 = arith.constant 0 : index
    %get3A_1 = vector.load %arg1[%get3A, %get3A_0] : memref<1x16000xf32, #tpu.memory_space<vmem>>, vector<1x16000xf32>
    %get3A_2 = arith.constant 0 : index
    %get3A_3 = arith.constant 0 : index
    %get3A_4 = vector.load %arg2[%get3A_2, %get3A_3] : memref<1x16000xf32, #tpu.memory_space<vmem>>, vector<1x16000xf32>
    %mul3A = arith.mulf %get3A_1, %get3A_1 : vector<1x16000xf32>
    %mul3A_5 = arith.mulf %get3A_4, %get3A_4 : vector<1x16000xf32>
    %add3A = arith.addf %mul3A, %mul3A_5 : vector<1x16000xf32>
    %sqrt3A = math.sqrt %add3A : vector<1x16000xf32>
    %max3A = arith.constant 9.99999996E-13 : f32
    %max3A_6 = vector.broadcast %max3A : f32 to vector<1x16000xf32>
    %max3A_7 = arith.maximumf %sqrt3A, %max3A_6 : vector<1x16000xf32>
    %div3A = arith.constant 1.000000e+00 : f32
    %div3A_8 = vector.broadcast %div3A : f32 to vector<1x16000xf32>
    %div3A_9 = arith.divf %div3A_8, %max3A_7 : vector<1x16000xf32>
    %get3A_10 = arith.constant 0 : index
    %get3A_11 = arith.constant 0 : index
    %get3A_12 = vector.load %arg3[%get3A_10, %get3A_11] : memref<128x1xf32, #tpu.memory_space<vmem>>, vector<128x1xf32>
    %mul3A_13 = vector.broadcast %get3A_12 : vector<128x1xf32> to vector<128x16000xf32>
    %mul3A_14 = vector.broadcast %sqrt3A : vector<1x16000xf32> to vector<128x16000xf32>
    %mul3A_15 = arith.mulf %mul3A_13, %mul3A_14 : vector<128x16000xf32>
    %get3A_16 = arith.constant 0 : index
    %get3A_17 = arith.constant 0 : index
    %get3A_18 = vector.load %arg4[%get3A_16, %get3A_17] : memref<128x1xf32, #tpu.memory_space<vmem>>, vector<128x1xf32>
    %add3A_19 = vector.broadcast %get3A_18 : vector<128x1xf32> to vector<128x16000xf32>
    %add3A_20 = arith.addf %mul3A_15, %add3A_19 : vector<128x16000xf32>
    %max3A_21 = arith.constant 0.000000e+00 : f32
    %max3A_22 = vector.broadcast %max3A_21 : f32 to vector<128x16000xf32>
    %max3A_23 = arith.maximumf %add3A_20, %max3A_22 : vector<128x16000xf32>
    %get3A_24 = arith.constant 0 : index
    %get3A_25 = arith.constant 0 : index
    %get3A_26 = vector.load %arg5[%get3A_24, %get3A_25] : memref<128x128xbf16, #tpu.memory_space<vmem>>, vector<128x128xbf16>
    %convert_element_type3A = arith.truncf %max3A_23 : vector<128x16000xf32> to vector<128x16000xbf16>
    %dot_general3A = arith.constant dense<0.000000e+00> : vector<128x16000xf32>
    %dot_general3A_27 = tpu.matmul %get3A_26, %convert_element_type3A, %dot_general3A {dimension_numbers = #tpu.dot_dimension_numbers<[1], [0], [0], [1], [0, 0, 1, 1], [], []>, transpose_lhs_hint = false} : vector<128x128xbf16>, vector<128x16000xbf16>, vector<128x16000xf32> -> vector<128x16000xf32>
    %get3A_28 = arith.constant 0 : index
    %get3A_29 = arith.constant 0 : index
    %get3A_30 = vector.load %arg6[%get3A_28, %get3A_29] : memref<128x1xf32, #tpu.memory_space<vmem>>, vector<128x1xf32>
    %add3A_31 = vector.broadcast %get3A_30 : vector<128x1xf32> to vector<128x16000xf32>
    %add3A_32 = arith.addf %dot_general3A_27, %add3A_31 : vector<128x16000xf32>
    %max3A_33 = arith.constant 0.000000e+00 : f32
    %max3A_34 = vector.broadcast %max3A_33 : f32 to vector<128x16000xf32>
    %max3A_35 = arith.maximumf %add3A_32, %max3A_34 : vector<128x16000xf32>
    %get3A_36 = arith.constant 0 : index
    %get3A_37 = arith.constant 0 : index
    %get3A_38 = vector.load %arg7[%get3A_36, %get3A_37] : memref<128x128xbf16, #tpu.memory_space<vmem>>, vector<128x128xbf16>
    %convert_element_type3A_39 = arith.truncf %max3A_35 : vector<128x16000xf32> to vector<128x16000xbf16>
    %dot_general3A_40 = arith.constant dense<0.000000e+00> : vector<128x16000xf32>
    %dot_general3A_41 = tpu.matmul %get3A_38, %convert_element_type3A_39, %dot_general3A_40 {dimension_numbers = #tpu.dot_dimension_numbers<[1], [0], [0], [1], [0, 0, 1, 1], [], []>, transpose_lhs_hint = false} : vector<128x128xbf16>, vector<128x16000xbf16>, vector<128x16000xf32> -> vector<128x16000xf32>
    %get3A_42 = arith.constant 0 : index
    %get3A_43 = arith.constant 0 : index
    %get3A_44 = vector.load %arg8[%get3A_42, %get3A_43] : memref<128x1xf32, #tpu.memory_space<vmem>>, vector<128x1xf32>
    %add3A_45 = vector.broadcast %get3A_44 : vector<128x1xf32> to vector<128x16000xf32>
    %add3A_46 = arith.addf %dot_general3A_41, %add3A_45 : vector<128x16000xf32>
    %max3A_47 = arith.constant 0.000000e+00 : f32
    %max3A_48 = vector.broadcast %max3A_47 : f32 to vector<128x16000xf32>
    %max3A_49 = arith.maximumf %add3A_46, %max3A_48 : vector<128x16000xf32>
    %get3A_50 = arith.constant 0 : index
    %get3A_51 = arith.constant 0 : index
    %get3A_52 = vector.load %arg9[%get3A_50, %get3A_51] : memref<1x128xf32, #tpu.memory_space<vmem>>, vector<1x128xf32>
    %dot_general3A_53 = arith.constant dense<0.000000e+00> : vector<1x16000xf32>
    %dot_general3A_54 = tpu.matmul %get3A_52, %max3A_49, %dot_general3A_53 {dimension_numbers = #tpu.dot_dimension_numbers<[1], [0], [0], [1], [0, 0, 1, 1], [], []>, transpose_lhs_hint = false} : vector<1x128xf32>, vector<128x16000xf32>, vector<1x16000xf32> -> vector<1x16000xf32>
    %get3A_55 = arith.constant 0 : index
    %get3A_56 = arith.constant 0 : index
    %get3A_57 = vector.load %arg10[%get3A_55, %get3A_56] : memref<1x1xf32, #tpu.memory_space<vmem>>, vector<1x1xf32>
    %add3A_58 = vector.broadcast %get3A_57 : vector<1x1xf32> to vector<1x16000xf32>
    %add3A_59 = arith.addf %dot_general3A_54, %add3A_58 : vector<1x16000xf32>
    %mul3A_60 = arith.mulf %add3A_59, %get3A_1 : vector<1x16000xf32>
    %mul3A_61 = arith.mulf %mul3A_60, %div3A_9 : vector<1x16000xf32>
    %swap3A = arith.constant 0 : index
    %swap3A_62 = arith.constant 0 : index
    %swap3A_63 = vector.load %arg11[%swap3A, %swap3A_62] : memref<1x16000xf32, #tpu.memory_space<vmem>>, vector<1x16000xf32>
    tpu.vector_store %arg11[%swap3A, %swap3A_62], %mul3A_61 {strides = array<i32>} : memref<1x16000xf32, #tpu.memory_space<vmem>>, vector<1x16000xf32>,
    %mul3A_64 = arith.mulf %add3A_59, %get3A_4 : vector<1x16000xf32>
    %mul3A_65 = arith.mulf %mul3A_64, %div3A_9 : vector<1x16000xf32>
    %swap3A_66 = arith.constant 0 : index
    %swap3A_67 = arith.constant 0 : index
    %swap3A_68 = vector.load %arg12[%swap3A_66, %swap3A_67] : memref<1x16000xf32, #tpu.memory_space<vmem>>, vector<1x16000xf32>
    tpu.vector_store %arg12[%swap3A_66, %swap3A_67], %mul3A_65 {strides = array<i32>} : memref<1x16000xf32, #tpu.memory_space<vmem>>, vector<1x16000xf32>,
    return
  }
  func.func @transform_0(%arg0: i32) -> (i32, i32) {
    %c0_i32 = arith.constant 0 : i32
    %c0_i32_0 = arith.constant 0 : i32
    return %c0_i32, %arg0 : i32, i32
  }
  func.func @transform_1(%arg0: i32) -> (i32, i32) {
    %c0_i32 = arith.constant 0 : i32
    %c0_i32_0 = arith.constant 0 : i32
    return %c0_i32, %arg0 : i32, i32
  }
  func.func @transform_2(%arg0: i32) -> (i32, i32) {
    %c0_i32 = arith.constant 0 : i32
    %c0_i32_0 = arith.constant 0 : i32
    %c0_i32_1 = arith.constant 0 : i32
    return %c0_i32, %c0_i32_0 : i32, i32
  }
  func.func @transform_3(%arg0: i32) -> (i32, i32) {
    %c0_i32 = arith.constant 0 : i32
    %c0_i32_0 = arith.constant 0 : i32
    %c0_i32_1 = arith.constant 0 : i32
    return %c0_i32, %c0_i32_0 : i32, i32
  }
  func.func @transform_4(%arg0: i32) -> (i32, i32) {
    %c0_i32 = arith.constant 0 : i32
    %c0_i32_0 = arith.constant 0 : i32
    %c0_i32_1 = arith.constant 0 : i32
    return %c0_i32, %c0_i32_0 : i32, i32
  }
  func.func @transform_5(%arg0: i32) -> (i32, i32) {
    %c0_i32 = arith.constant 0 : i32
    %c0_i32_0 = arith.constant 0 : i32
    %c0_i32_1 = arith.constant 0 : i32
    return %c0_i32, %c0_i32_0 : i32, i32
  }
  func.func @transform_6(%arg0: i32) -> (i32, i32) {
    %c0_i32 = arith.constant 0 : i32
    %c0_i32_0 = arith.constant 0 : i32
    %c0_i32_1 = arith.constant 0 : i32
    return %c0_i32, %c0_i32_0 : i32, i32
  }
  func.func @transform_7(%arg0: i32) -> (i32, i32) {
    %c0_i32 = arith.constant 0 : i32
    %c0_i32_0 = arith.constant 0 : i32
    %c0_i32_1 = arith.constant 0 : i32
    return %c0_i32, %c0_i32_0 : i32, i32
  }
  func.func @transform_8(%arg0: i32) -> (i32, i32) {
    %c0_i32 = arith.constant 0 : i32
    %c0_i32_0 = arith.constant 0 : i32
    %c0_i32_1 = arith.constant 0 : i32
    return %c0_i32, %c0_i32_0 : i32, i32
  }
  func.func @transform_9(%arg0: i32) -> (i32, i32) {
    %c0_i32 = arith.constant 0 : i32
    %c0_i32_0 = arith.constant 0 : i32
    %c0_i32_1 = arith.constant 0 : i32
    return %c0_i32, %c0_i32_0 : i32, i32
  }
  func.func @transform_10(%arg0: i32) -> (i32, i32) {
    %c0_i32 = arith.constant 0 : i32
    %c0_i32_0 = arith.constant 0 : i32
    return %c0_i32, %arg0 : i32, i32
  }
  func.func @transform_11(%arg0: i32) -> (i32, i32) {
    %c0_i32 = arith.constant 0 : i32
    %c0_i32_0 = arith.constant 0 : i32
    return %c0_i32, %arg0 : i32, i32
  }
}

module attributes {stable_mosaic.version = 14 : i64} {
  func.func @_mlp_body(%arg0: i32, %arg1: memref<1x16000xf32, #tpu.memory_space<vmem>>, %arg2: memref<1x16000xf32, #tpu.memory_space<vmem>>, %arg3: memref<128x1xf32, #tpu.memory_space<vmem>>, %arg4: memref<128x1xf32, #tpu.memory_space<vmem>>, %arg5: memref<128x128xbf16, #tpu.memory_space<vmem>>, %arg6: memref<128x1xf32, #tpu.memory_space<vmem>>, %arg7: memref<128x128xbf16, #tpu.memory_space<vmem>>, %arg8: memref<128x1xf32, #tpu.memory_space<vmem>>, %arg9: memref<1x128xf32, #tpu.memory_space<vmem>>, %arg10: memref<1x1xf32, #tpu.memory_space<vmem>>, %arg11: memref<1x16000xf32, #tpu.memory_space<vmem>>, %arg12: memref<1x16000xf32, #tpu.memory_space<vmem>>) attributes {dimension_semantics = [#tpu.dimension_semantics<arbitrary>], iteration_bounds = array<i64: 48>, scalar_prefetch = 0 : i64, scratch_operands = 0 : i64, tpu.core_type = #tpu.core_type<tc>, window_params = [{transform_indices = @transform_0, window_bounds = array<i64: 1, 16000>}, {transform_indices = @transform_1, window_bounds = array<i64: 1, 16000>}, {pipeline_mode = #tpu.pipeline_mode<synchronous>, transform_indices = @transform_2, window_bounds = array<i64: 128, 1>}, {pipeline_mode = #tpu.pipeline_mode<synchronous>, transform_indices = @transform_3, window_bounds = array<i64: 128, 1>}, {pipeline_mode = #tpu.pipeline_mode<synchronous>, transform_indices = @transform_4, window_bounds = array<i64: 128, 128>}, {pipeline_mode = #tpu.pipeline_mode<synchronous>, transform_indices = @transform_5, window_bounds = array<i64: 128, 1>}, {pipeline_mode = #tpu.pipeline_mode<synchronous>, transform_indices = @transform_6, window_bounds = array<i64: 128, 128>}, {pipeline_mode = #tpu.pipeline_mode<synchronous>, transform_indices = @transform_7, window_bounds = array<i64: 128, 1>}, {pipeline_mode = #tpu.pipeline_mode<synchronous>, transform_indices = @transform_8, window_bounds = array<i64: 1, 128>}, {pipeline_mode = #tpu.pipeline_mode<synchronous>, transform_indices = @transform_9, window_bounds = array<i64: 1, 1>}, {transform_indices = @transform_10, window_bounds = array<i64: 1, 16000>}, {transform_indices = @transform_11, window_bounds = array<i64: 1, 16000>}]} {
    %get3A = arith.constant 0 : index
    %get3A_0 = arith.constant 0 : index
    %get3A_1 = vector.load %arg1[%get3A, %get3A_0] : memref<1x16000xf32, #tpu.memory_space<vmem>>, vector<1x16000xf32>
    %get3A_2 = arith.constant 0 : index
    %get3A_3 = arith.constant 0 : index
    %get3A_4 = vector.load %arg2[%get3A_2, %get3A_3] : memref<1x16000xf32, #tpu.memory_space<vmem>>, vector<1x16000xf32>
    %mul3A = arith.mulf %get3A_1, %get3A_1 : vector<1x16000xf32>
    %mul3A_5 = arith.mulf %get3A_4, %get3A_4 : vector<1x16000xf32>
    %add3A = arith.addf %mul3A, %mul3A_5 : vector<1x16000xf32>
    %sqrt3A = math.sqrt %add3A : vector<1x16000xf32>
    %max3A = arith.constant 9.99999996E-13 : f32
    %max3A_6 = vector.broadcast %max3A : f32 to vector<1x16000xf32>
    %max3A_7 = arith.maximumf %sqrt3A, %max3A_6 : vector<1x16000xf32>
    %div3A = arith.constant 1.000000e+00 : f32
    %div3A_8 = vector.broadcast %div3A : f32 to vector<1x16000xf32>
    %div3A_9 = arith.divf %div3A_8, %max3A_7 : vector<1x16000xf32>
    %get3A_10 = arith.constant 0 : index
    %get3A_11 = arith.constant 0 : index
    %get3A_12 = vector.load %arg3[%get3A_10, %get3A_11] : memref<128x1xf32, #tpu.memory_space<vmem>>, vector<128x1xf32>
    %mul3A_13 = vector.broadcast %get3A_12 : vector<128x1xf32> to vector<128x16000xf32>
    %mul3A_14 = vector.broadcast %sqrt3A : vector<1x16000xf32> to vector<128x16000xf32>
    %mul3A_15 = arith.mulf %mul3A_13, %mul3A_14 : vector<128x16000xf32>
    %get3A_16 = arith.constant 0 : index
    %get3A_17 = arith.constant 0 : index
    %get3A_18 = vector.load %arg4[%get3A_16, %get3A_17] : memref<128x1xf32, #tpu.memory_space<vmem>>, vector<128x1xf32>
    %add3A_19 = vector.broadcast %get3A_18 : vector<128x1xf32> to vector<128x16000xf32>
    %add3A_20 = arith.addf %mul3A_15, %add3A_19 : vector<128x16000xf32>
    %max3A_21 = arith.constant 0.000000e+00 : f32
    %max3A_22 = vector.broadcast %max3A_21 : f32 to vector<128x16000xf32>
    %max3A_23 = arith.maximumf %add3A_20, %max3A_22 : vector<128x16000xf32>
    %get3A_24 = arith.constant 0 : index
    %get3A_25 = arith.constant 0 : index
    %get3A_26 = vector.load %arg5[%get3A_24, %get3A_25] : memref<128x128xbf16, #tpu.memory_space<vmem>>, vector<128x128xbf16>
    %convert_element_type3A = arith.truncf %max3A_23 : vector<128x16000xf32> to vector<128x16000xbf16>
    %dot_general3A = arith.constant dense<0.000000e+00> : vector<128x16000xf32>
    %dot_general3A_27 = tpu.matmul %get3A_26, %convert_element_type3A, %dot_general3A {dimension_numbers = #tpu.dot_dimension_numbers<[1], [0], [0], [1], [0, 0, 1, 1], [], []>, transpose_lhs_hint = false} : vector<128x128xbf16>, vector<128x16000xbf16>, vector<128x16000xf32> -> vector<128x16000xf32>
    %get3A_28 = arith.constant 0 : index
    %get3A_29 = arith.constant 0 : index
    %get3A_30 = vector.load %arg6[%get3A_28, %get3A_29] : memref<128x1xf32, #tpu.memory_space<vmem>>, vector<128x1xf32>
    %add3A_31 = vector.broadcast %get3A_30 : vector<128x1xf32> to vector<128x16000xf32>
    %add3A_32 = arith.addf %dot_general3A_27, %add3A_31 : vector<128x16000xf32>
    %max3A_33 = arith.constant 0.000000e+00 : f32
    %max3A_34 = vector.broadcast %max3A_33 : f32 to vector<128x16000xf32>
    %max3A_35 = arith.maximumf %add3A_32, %max3A_34 : vector<128x16000xf32>
    %get3A_36 = arith.constant 0 : index
    %get3A_37 = arith.constant 0 : index
    %get3A_38 = vector.load %arg7[%get3A_36, %get3A_37] : memref<128x128xbf16, #tpu.memory_space<vmem>>, vector<128x128xbf16>
    %convert_element_type3A_39 = arith.truncf %max3A_35 : vector<128x16000xf32> to vector<128x16000xbf16>
    %dot_general3A_40 = arith.constant dense<0.000000e+00> : vector<128x16000xf32>
    %dot_general3A_41 = tpu.matmul %get3A_38, %convert_element_type3A_39, %dot_general3A_40 {dimension_numbers = #tpu.dot_dimension_numbers<[1], [0], [0], [1], [0, 0, 1, 1], [], []>, transpose_lhs_hint = false} : vector<128x128xbf16>, vector<128x16000xbf16>, vector<128x16000xf32> -> vector<128x16000xf32>
    %get3A_42 = arith.constant 0 : index
    %get3A_43 = arith.constant 0 : index
    %get3A_44 = vector.load %arg8[%get3A_42, %get3A_43] : memref<128x1xf32, #tpu.memory_space<vmem>>, vector<128x1xf32>
    %add3A_45 = vector.broadcast %get3A_44 : vector<128x1xf32> to vector<128x16000xf32>
    %add3A_46 = arith.addf %dot_general3A_41, %add3A_45 : vector<128x16000xf32>
    %max3A_47 = arith.constant 0.000000e+00 : f32
    %max3A_48 = vector.broadcast %max3A_47 : f32 to vector<128x16000xf32>
    %max3A_49 = arith.maximumf %add3A_46, %max3A_48 : vector<128x16000xf32>
    %get3A_50 = arith.constant 0 : index
    %get3A_51 = arith.constant 0 : index
    %get3A_52 = vector.load %arg9[%get3A_50, %get3A_51] : memref<1x128xf32, #tpu.memory_space<vmem>>, vector<1x128xf32>
    %dot_general3A_53 = arith.constant dense<0.000000e+00> : vector<1x16000xf32>
    %dot_general3A_54 = tpu.matmul %get3A_52, %max3A_49, %dot_general3A_53 {dimension_numbers = #tpu.dot_dimension_numbers<[1], [0], [0], [1], [0, 0, 1, 1], [], []>, transpose_lhs_hint = false} : vector<1x128xf32>, vector<128x16000xf32>, vector<1x16000xf32> -> vector<1x16000xf32>
    %get3A_55 = arith.constant 0 : index
    %get3A_56 = arith.constant 0 : index
    %get3A_57 = vector.load %arg10[%get3A_55, %get3A_56] : memref<1x1xf32, #tpu.memory_space<vmem>>, vector<1x1xf32>
    %add3A_58 = vector.broadcast %get3A_57 : vector<1x1xf32> to vector<1x16000xf32>
    %add3A_59 = arith.addf %dot_general3A_54, %add3A_58 : vector<1x16000xf32>
    %mul3A_60 = arith.mulf %add3A_59, %get3A_1 : vector<1x16000xf32>
    %mul3A_61 = arith.mulf %mul3A_60, %div3A_9 : vector<1x16000xf32>
    %swap3A = arith.constant 0 : index
    %swap3A_62 = arith.constant 0 : index
    %swap3A_63 = vector.load %arg11[%swap3A, %swap3A_62] : memref<1x16000xf32, #tpu.memory_space<vmem>>, vector<1x16000xf32>
    tpu.vector_store %arg11[%swap3A, %swap3A_62], %mul3A_61 {strides = array<i32>} : memref<1x16000xf32, #tpu.memory_space<vmem>>, vector<1x16000xf32>,
    %mul3A_64 = arith.mulf %add3A_59, %get3A_4 : vector<1x16000xf32>
    %mul3A_65 = arith.mulf %mul3A_64, %div3A_9 : vector<1x16000xf32>
    %swap3A_66 = arith.constant 0 : index
    %swap3A_67 = arith.constant 0 : index
    %swap3A_68 = vector.load %arg12[%swap3A_66, %swap3A_67] : memref<1x16000xf32, #tpu.memory_space<vmem>>, vector<1x16000xf32>
    tpu.vector_store %arg12[%swap3A_66, %swap3A_67], %mul3A_65 {strides = array<i32>} : memref<1x16000xf32, #tpu.memory_space<vmem>>, vector<1x16000xf32>,
    return
  }
  func.func @transform_0(%arg0: i32) -> (i32, i32) {
    %c0_i32 = arith.constant 0 : i32
    %c0_i32_0 = arith.constant 0 : i32
    return %c0_i32, %arg0 : i32, i32
  }
  func.func @transform_1(%arg0: i32) -> (i32, i32) {
    %c0_i32 = arith.constant 0 : i32
    %c0_i32_0 = arith.constant 0 : i32
    return %c0_i32, %arg0 : i32, i32
  }
  func.func @transform_2(%arg0: i32) -> (i32, i32) {
    %c0_i32 = arith.constant 0 : i32
    %c0_i32_0 = arith.constant 0 : i32
    %c0_i32_1 = arith.constant 0 : i32
    return %c0_i32, %c0_i32_0 : i32, i32
  }
  func.func @transform_3(%arg0: i32) -> (i32, i32) {
    %c0_i32 = arith.constant 0 : i32
    %c0_i32_0 = arith.constant 0 : i32
    %c0_i32_1 = arith.constant 0 : i32
    return %c0_i32, %c0_i32_0 : i32, i32
  }
  func.func @transform_4(%arg0: i32) -> (i32, i32) {
    %c0_i32 = arith.constant 0 : i32
    %c0_i32_0 = arith.constant 0 : i32
    %c0_i32_1 = arith.constant 0 : i32
    return %c0_i32, %c0_i32_0 : i32, i32
  }
  func.func @transform_5(%arg0: i32) -> (i32, i32) {
    %c0_i32 = arith.constant 0 : i32
    %c0_i32_0 = arith.constant 0 : i32
    %c0_i32_1 = arith.constant 0 : i32
    return %c0_i32, %c0_i32_0 : i32, i32
  }
  func.func @transform_6(%arg0: i32) -> (i32, i32) {
    %c0_i32 = arith.constant 0 : i32
    %c0_i32_0 = arith.constant 0 : i32
    %c0_i32_1 = arith.constant 0 : i32
    return %c0_i32, %c0_i32_0 : i32, i32
  }
  func.func @transform_7(%arg0: i32) -> (i32, i32) {
    %c0_i32 = arith.constant 0 : i32
    %c0_i32_0 = arith.constant 0 : i32
    %c0_i32_1 = arith.constant 0 : i32
    return %c0_i32, %c0_i32_0 : i32, i32
  }
  func.func @transform_8(%arg0: i32) -> (i32, i32) {
    %c0_i32 = arith.constant 0 : i32
    %c0_i32_0 = arith.constant 0 : i32
    %c0_i32_1 = arith.constant 0 : i32
    return %c0_i32, %c0_i32_0 : i32, i32
  }
  func.func @transform_9(%arg0: i32) -> (i32, i32) {
    %c0_i32 = arith.constant 0 : i32
    %c0_i32_0 = arith.constant 0 : i32
    %c0_i32_1 = arith.constant 0 : i32
    return %c0_i32, %c0_i32_0 : i32, i32
  }
  func.func @transform_10(%arg0: i32) -> (i32, i32) {
    %c0_i32 = arith.constant 0 : i32
    %c0_i32_0 = arith.constant 0 : i32
    return %c0_i32, %arg0 : i32, i32
  }
  func.func @transform_11(%arg0: i32) -> (i32, i32) {
    %c0_i32 = arith.constant 0 : i32
    %c0_i32_0 = arith.constant 0 : i32
    return %c0_i32, %arg0 : i32, i32
  }
}

module attributes {stable_mosaic.version = 14 : i64} {
  func.func @_combine_body(%arg0: memref<800x125xf32, #tpu.memory_space<vmem>>, %arg1: memref<800x125xf32, #tpu.memory_space<vmem>>, %arg2: memref<800x125xf32, #tpu.memory_space<vmem>>, %arg3: memref<800x125xf32, #tpu.memory_space<vmem>>, %arg4: memref<800x125xf32, #tpu.memory_space<vmem>>, %arg5: memref<800x125xf32, #tpu.memory_space<vmem>>) attributes {dimension_semantics = [], scalar_prefetch = 0 : i64, scratch_operands = 0 : i64, tpu.core_type = #tpu.core_type<tc>} {
    %get3A = arith.constant 0 : index
    %get3A_0 = arith.constant 0 : index
    %get3A_1 = vector.load %arg0[%get3A, %get3A_0] : memref<800x125xf32, #tpu.memory_space<vmem>>, vector<800x125xf32>
    %get3A_2 = arith.constant 0 : index
    %get3A_3 = arith.constant 0 : index
    %get3A_4 = vector.load %arg1[%get3A_2, %get3A_3] : memref<800x125xf32, #tpu.memory_space<vmem>>, vector<800x125xf32>
    %add3A = arith.addf %get3A_1, %get3A_4 : vector<800x125xf32>
    %get3A_5 = arith.constant 0 : index
    %get3A_6 = arith.constant 0 : index
    %get3A_7 = vector.load %arg2[%get3A_5, %get3A_6] : memref<800x125xf32, #tpu.memory_space<vmem>>, vector<800x125xf32>
    %add3A_8 = arith.addf %add3A, %get3A_7 : vector<800x125xf32>
    %get3A_9 = arith.constant 0 : index
    %get3A_10 = arith.constant 0 : index
    %get3A_11 = vector.load %arg3[%get3A_9, %get3A_10] : memref<800x125xf32, #tpu.memory_space<vmem>>, vector<800x125xf32>
    %add3A_12 = arith.addf %add3A_8, %get3A_11 : vector<800x125xf32>
    %get3A_13 = arith.constant 0 : index
    %get3A_14 = arith.constant 0 : index
    %get3A_15 = vector.load %arg4[%get3A_13, %get3A_14] : memref<800x125xf32, #tpu.memory_space<vmem>>, vector<800x125xf32>
    %sub3A = arith.subf %add3A_12, %get3A_15 : vector<800x125xf32>
    %swap3A = arith.constant 0 : index
    %swap3A_16 = arith.constant 0 : index
    %swap3A_17 = vector.load %arg5[%swap3A, %swap3A_16] : memref<800x125xf32, #tpu.memory_space<vmem>>, vector<800x125xf32>
    tpu.vector_store %arg5[%swap3A, %swap3A_16], %sub3A {strides = array<i32>} : memref<800x125xf32, #tpu.memory_space<vmem>>, vector<800x125xf32>,
    return
  }
}

</mosaic_0001>

<sc_bundles>
// kernel: kernel.12.cloned.1.call-start
scs
__scs_entry_jumppad:
0x0: {  	(pc) =	sbr.rel $0x88, $3  }
0x1: {  	(tag) =	ssettag $0x0;
	lr =	simm.s32 $0x1  }
0x2: {  	[smem:$0x3F95] =	sst lr;
	_ =	strace $0xD0000000  }
0x3: {  	_ = 	snop  }
0x4: {  	_ = 	snop  }
0x5: {  	_ = 	snop  }
0x6: {  	_ = 	snop  }
0x7: {  	_ = 	snop  }
__scs_overlays_trampoline_lowered:
0x8: {  	[smem:$0x3FA4] =	sst s0  }
0x9: {  	[smem:$0x3FA5] =	sst s1  }
0xa: {  	[smem:$0x3FA6] =	sst s2  }
0xb: {  	[smem:$0x3FA7] =	sst s3  }
0xc: {  	[smem:$0x3FA8] =	sst s4  }
0xd: {  	[smem:$0x3FA9] =	sst s5  }
0xe: {  	[smem:$0x3FAA] =	sst s6  }
0xf: {  	[smem:$0x3FAB] =	sst s7  }
0x10: {  	[smem:$0x3FAC] =	sst s8  }
0x11: {  	[smem:$0x3FAD] =	sst s9;
	s0 =	simm.s32 @!p0 $0x0  }
0x12: {  	s1 =	sld [smem:$0x3F93];
	s0 =	simm.s32 @p0 $0x1  }
0x13: {  	[smem:$0x3FAE] =	sst s0;
	s0 =	simm.s32 @!p1 $0x0  }
0x14: {  	s2 =	sld [smem:$0x3F92];
	s0 =	simm.s32 @p1 $0x1  }
0x15: {  	[smem:$0x3FAF] =	sst s0;
	s0 =	simm.s32 @!p2 $0x0  }
0x16: {  	s3 =	sld [smem:$0x3FDB];
	s0 =	simm.s32 @p2 $0x1  }
0x17: {  	s4 =	simm.s32 $0x1BF5;
	[smem:$0x3FB1] =	sst s0  }
0x18: {  	s0 =	sld [smem:$0x3F94];
	_ =	swait.ge [sflag:s4], $0x0  }
0x19: {  	s7 =	sld [smem:$0x3F95]  }
0x1a: {  	s8 =	sadd.s32 $0xFFFFE003, lr  }
0x1b: {  	s9 =	sadd.s32 $0xFFFFFEF7, lr;
	s5 =	simm.s32 $0xFFFFFFFF;
	p2 =	slt.u32 s8, $0xFFFFF086  }
0x1c: {  	p1 =	slt.u32 s9, $0xF7A;
	s5 =	simm.s32 @!p2 $0x0  }
0x1d: {  	s5 =	simm.s32 @p1 $0x1;
	p0 =	seq.s32 s7, s2  }
0x1e: {  	s7 =	smul.u32 @!p0 $0xF7A, s2;
	p2 =	seq.s32 @!p0 s5, $0x0  }
0x1f: {  	s9 =	smul.u32 $0xF7A, s1;
	s8 =	simm.s32 @!p0 $0x1BF5;
	p2 =	por !p2, p0  }
0x20: {  	[sflag:s8] =	ssyncset.s32 @!p0 $0xFFFFF086;
	s6 =	sadd.s32 @!p0 s3, s7;
	s7 =	simm.s32 @!p0 $0x108  }
0x21: {  	s3 =	sadd.s32 s3, s9;
	s6 =	sadd.s32 @!p0 $0x88, s6;
	s7 =	simm.s32 @p2 $0x1082  }
0x22: {  	[simem:s7], [sflag:s8] =	dma.local @!p0 [hbm:s6], $0xF7A  }
0x23: {  	s9 =	sor.u32 $0xD0000000, s2;
	s6 =	simm.s32 $0x108;
	_ =	swait.ge @!p0 [sflag:s8], $0x0  }
0x24: {  	s3 =	sadd.s32 $0x88, s3;
	s6 =	simm.s32 @!p1 $0x1082;
	[sflag:s4] =	ssyncset.s32 $0xFFFFF086  }
0x25: {  	[simem:s6], [sflag:s4] =	dma.local [hbm:s3], $0xF7A  }
0x26: {  	[smem:$0x3F95] =	sst s1;
	(tag) =	ssettag s2;
	_ =	strace s9  }
0x27: {  	s1 =	sld [smem:$0x3FA5]  }
0x28: {  	s2 =	sld [smem:$0x3FA6]  }
0x29: {  	s4 =	sld [smem:$0x3FA8]  }
0x2a: {  	p0 =	seq.s32 s5, $0x0;
	s5 =	sld [smem:$0x3FA9]  }
0x2b: {  	s6 =	sld [smem:$0x3FAA]  }
0x2c: {  	s7 =	sld [smem:$0x3FAB]  }
0x2d: {  	s3 =	simm.s32 $0x108;
	s8 =	sld [smem:$0x3FAC]  }
0x2e: {  	s3 =	simm.s32 @!p0 $0x1082;
	s9 =	sld [smem:$0x3FAD]  }
0x2f: {  	lr =	sadd.s32 s0, s3;
	s0 =	sld [smem:$0x3FA4]  }
0x30: {  	s3 =	sld [smem:$0x3FA7]  }
0x31: {  	[smem:$0x3FB0] =	sst s10  }
0x32: {  	s10 =	sld [smem:$0x3FAE];
	_ =	sdelay $0x3  }
0x33: {  	p0 =	seq.s32 s10, $0x1;
	s10 =	sld [smem:$0x3FB0];
	_ =	sdelay $0x3  }
0x34: {  	[smem:$0x3FB0] =	sst s10  }
0x35: {  	s10 =	sld [smem:$0x3FAF];
	_ =	sdelay $0x3  }
0x36: {  	p1 =	seq.s32 s10, $0x1;
	s10 =	sld [smem:$0x3FB0];
	_ =	sdelay $0x3  }
0x37: {  	[smem:$0x3FB0] =	sst s10  }
0x38: {  	s10 =	sld [smem:$0x3FB1]  }
0x39: {  	_ = 	snop;
	(pc) =	sbr.ind lr, $3  }
0x3a: {  	_ = 	snop  }
0x3b: {  	_ = 	snop  }
0x3c: {  	p2 =	seq.s32 s10, $0x1;
	s10 =	sld [smem:$0x3FB0]  }
0x3d: {  	_ =	shalt  }
0x3e: {  	_ =	shalt  }
0x3f: {  	_ =	shalt  }
0x40: {  	_ =	shalt  }
0x41: {  	_ =	shalt  }
0x42: {  	_ =	shalt  }
0x43: {  	_ =	shalt  }
0x44: {  	_ =	shalt  }
0x45: {  	_ =	shalt  }
0x46: {  	_ =	shalt  }
0x47: {  	_ =	shalt  }
0x48: {  	_ =	shalt  }
0x49: {  	_ =	shalt  }
0x4a: {  	_ =	shalt  }
0x4b: {  	_ =	shalt  }
0x4c: {  	_ =	shalt  }
0x4d: {  	_ =	shalt  }
0x4e: {  	_ =	shalt  }
0x4f: {  	_ =	shalt  }
0x50: {  	_ =	shalt  }
0x51: {  	_ =	shalt  }
0x52: {  	_ =	shalt  }
0x53: {  	_ =	shalt  }
0x54: {  	_ =	shalt  }
0x55: {  	_ =	shalt  }
0x56: {  	_ =	shalt  }
0x57: {  	_ =	shalt  }
0x58: {  	_ =	shalt  }
0x59: {  	_ =	shalt  }
0x5a: {  	_ =	shalt  }
0x5b: {  	_ =	shalt  }
0x5c: {  	_ =	shalt  }
0x5d: {  	_ =	shalt  }
0x5e: {  	_ =	shalt  }
0x5f: {  	_ =	shalt  }
0x60: {  	_ =	shalt  }
0x61: {  	_ =	shalt  }
0x62: {  	_ =	shalt  }
0x63: {  	_ =	shalt  }
0x64: {  	_ =	shalt  }
0x65: {  	_ =	shalt  }
0x66: {  	_ =	shalt  }
0x67: {  	_ =	shalt  }
0x68: {  	_ =	shalt  }
0x69: {  	_ =	shalt  }
0x6a: {  	_ =	shalt  }
0x6b: {  	_ =	shalt  }
0x6c: {  	_ =	shalt  }
0x6d: {  	_ =	shalt  }
0x6e: {  	_ =	shalt  }
0x6f: {  	_ =	shalt  }
0x70: {  	_ =	shalt  }
0x71: {  	_ =	shalt  }
0x72: {  	_ =	shalt  }
0x73: {  	_ =	shalt  }
0x74: {  	_ =	shalt  }
0x75: {  	_ =	shalt  }
0x76: {  	_ =	shalt  }
0x77: {  	_ =	shalt  }
0x78: {  	_ =	shalt  }
0x79: {  	_ =	shalt  }
0x7a: {  	_ =	shalt  }
0x7b: {  	_ =	shalt  }
0x7c: {  	_ =	shalt  }
0x7d: {  	_ =	shalt  }
0x7e: {  	_ =	shalt  }
0x7f: {  	_ =	shalt  }
0x80: {  	_ =	shalt  }
0x81: {  	_ =	shalt  }
0x82: {  	_ =	shalt  }
0x83: {  	_ =	shalt  }
0x84: {  	_ =	shalt  }
0x85: {  	_ =	shalt  }
0x86: {  	_ =	shalt  }
0x87: {  	_ =	shalt  }
.Lfunc_end0:
.L_simem_size_0:
called_computation.1_lowered:
.L_overlay_start_0:
0x88: {  	s2 =	sld [smem:$0x3FD9]  }
0x89: {  	s3 =	sld [smem:$0x3FFE];
	_ =	sdelay $0x1  }
0x8a: {  	s1 =	srdreg.scid  }
0x8b: {  	s0 =	sand.u32 $0x1, s1  }
0x8c: {  	s16 =	sshll.u32 s0, $0xA;
	s2 =	sadd.s32 s3, s2  }
0x8d: {  	s2 =	sadd.s32 s2, s16  }
0x8e: {  	[smem:$0x3FBC] =	sst s2  }
0x8f: {  	_ = 	snop  }
0x90: {  	(tm) =	ssettm $0x1  }
0x91: {  	s17 =	sld [smem:$0x3FFB];
	_ =	sdelay $0x3  }
0x92: {  	_ =	strace s17  }
0x93: {  	s2 =	sld [smem:$0x3FFC];
	_ =	sdelay $0x3  }
0x94: {  	_ =	strace s2  }
0x95: {  	s2 =	sld [smem:$0x3FFD];
	_ =	sdelay $0x3  }
0x96: {  	_ =	strace s2  }
0x97: {  	_ =	strace $0x8FFFFFFF  }
0x98: {  	s18 =	sld [smem:$0x3FDB];
	_ =	sdelay $0x1  }
0x99: {  	s19 =	simm.s32 $_scs_section_size  }
0x9a: {  	s4 =	simm.s32 $_size__tile_overlayer_lowered;
	s5 =	simm.s32 $_tile_overlayer_lowered  }
0x9b: {  	s22 =	simm.s32 $0x1BFF;
	s21 =	sshll.u32 s5, $0x1;
	s2 =	sadd.s32 s19, s18  }
0x9c: {  	s6 =	simm.s32 $0x0;
	s20 =	sshll.u32 s4, $0x1;
	s4 =	sadd.s32 s21, s2  }
0x9d: {  	[timem:s6], [sflag:s22] =	dma.local [hbm:s4], s20  }
0x9e: {  	_ =	swait.ge [sflag:s22], s20  }
0x9f: {  	s3 =	ssub.s32 $0x0, s20;
	[sflag:s22] =	ssyncset.done $0x0  }
0xa0: {  	[sflag:s22] =	ssyncadd.s32 s3;
	_ =	sdelay $0x1  }
0xa1: {  	s23 =	simm.s32 $0x1B8B  }
0xa2: {  	_ =	swait.ge [sflag:s23], $0x1  }
0xa3: {  	[sflag:s23] =	ssyncset.done $0x0  }
0xa4: {  	s25 =	simm.s32 $0x1B8E;
	s24 =	sld [smem:$0x3FFE];
	[sflag:s23] =	ssyncadd.s32 $0xFFFFFFFF  }
0xa5: {  	s26 =	simm.s32 $execute0_lowered;
	[smem:$0x3FD2] =	sst s25  }
0xa6: {  	s4 =	sshll.u32 s26, $0x1;
	_ =	strace $0x80000046;
	[dreg:$0x1] =	wrdreg $0xFFFFFFFF  }
0xa7: {  	s28 =	simm.s32 $_size_execute0_lowered;
	s2 =	sadd.s32 s2, s4;
	[dreg:$0x0] =	wrdreg $0x0  }
0xa8: {  	s4 =	sshll.u32 s28, $0x1;
	[dreg:$0x2] =	wrdreg s2  }
0xa9: {  	[dreg:$0x3] =	wrdreg s4  }
0xaa: {  	[dreg:$0x4] =	wrdreg $0xC0  }
0xab: {  	_ =	task [dreg:s6], $0x5FFFF  }
0xac: {  	[dreg:$0x1] =	wrdreg $0xFFFFFFFF  }
0xad: {  	[dreg:$0x0] =	wrdreg $0x60  }
0xae: {  	[dreg:$0x2] =	wrdreg s24  }
0xaf: {  	[dreg:$0x3] =	wrdreg $0xA  }
0xb0: {  	_ =	task.clear_ibuf [dreg:s6], $0x4FFFF;
	_ =	strace $0x90000046  }
0xb1: {  	s29 =	simm.s32 $0xA;
	_ =	strace $0x80000048  }
0xb2: {  	_ =	swait.ge [sflag:s29], $0x1  }
0xb3: {  	[sflag:s29] =	ssyncadd.s32 $0xFFFFFFFF  }
0xb4: {  	_ =	strace $0x90000048  }
0xb5: {  	_ =	sfence  }
0xb6: {  	s30 =	sld [smem:$0x0];
	_ =	sdelay $0x2  }
0xb7: {  	s31 =	sshll.u32 s1, $0xD;
	s1 =	sshrl.u32 s1, $0x2  }
0xb8: {  	s3 =	sand.u32 $0x4000, s31;
	s1 =	sadd.s32 s1, s30  }
0xb9: {  	s0 =	sor.u32 s3, s0;
	s1 =	sshll.u32 s1, $0x11  }
0xba: {  	s0 =	sor.u32 s1, s0  }
0xbb: {  	s0 =	sadd.s32 $0x8F2B, s0  }
0xbc: {  	[sflag:s0] =	ssyncadd.remote.s32 $0x1  }
0xbd: {  	_ =	sfence.sel $0xFFFF  }
0xbe: {  	[dreg:$0x0] =	wrdreg $0xFFFFFFFF;
	(pc) =	sbr.abs _section_cstart, $3  }
0xbf: {  	[dreg:$0x1] =	wrdreg $0xFFFFFFFF  }
0xc0: {  	_ =	task.clear_ibuf [dreg:s6], $0x2FFFF;
	_ =	strace $0x9FFFFFFF  }
0xc1: {  	(tm) =	ssettm $0x7FFFFFFF  }
tec
execute0_lowered:
.L_overlay_start_1:
0x0: {  	(tag) =	ssettag $0x1  }
0x1: {  	s7 =	rddreg [dreg:$0x0]  }
0x2: {  	s0 =	rddreg [dreg:$0x1]  }
0x3: {  	s1 =	simm.s32 $0x0;
	s2 =	srdreg.scid;
	s12 =	simm.s32 $0x18E70  }
0x4: {  	s13 =	simm.s32 $0x19640;
	s14 =	simm.s32 $0x19E10;
	s15 =	simm.s32 $0x0  }
0x5: {  	[smem:$0x7FF] =	sst s1;
	s3 =	sadd.s32 $0x4D000, s7;
	s8 =	sand.u32 $0x1, s2  }
0x6: {  	s4 =	sadd.s32 $0x50200, s7;
	s2 =	stileid.u32;
	s5 =	sadd.s32 $0x33800, s7  }
0x7: {  	s6 =	sadd.s32 $0x2A00, s7;
	s7 =	sadd.s32 $0x69A00, s7;
	s9 =	ssub.s32 $0x2, s8  }
0x8: {  	_ =	strace $0x80000047;
	s11 =	sshll.u32 s2, $0x1;
	s10 =	sshrl.u32 s9, $0x1  }
0x9: {  	s8 =	sor.u32 s8, s11;
	s11 =	simm.s32 $0x186A0;
	s9 =	ssub.s32 s9, s10  }
0xa: {  	s8 =	smul.u32 $0x6590, s8;
	s10 =	simm.s32 $0x1;
	s9 =	smax.u32 s9, $0x1  }
.LBB2_1:
0xb: {  	[tilespmem:s1], [sflag:$0x1] =	stream.linear.gather [hbm4b:s3+s1], $0x186A0, $0x38;
	[tilespmem:$0x1A5E0] =	vst v63  }
0xc: {  	_ =	swait.ge [sflag:s10], $0x186A0  }
0xd: {  	[sflag:s10] =	ssyncset.done $0x0  }
0xe: {  	s16 =	simm.s32 $0x0;
	[sflag:s10] =	ssyncadd.s32 $0xFFFE7960  }
.LBB2_2:
0xf: {  	s17 =	smul.u32 $0x7D0, s16;
	_ =	sdelay $0x1  }
0x10: {  	s17 =	sadd.s32 s8, s17  }
0x11: {  	s17 =	sshrl.u32 s17, $0x3  }
0x12: {  	s19 =	simm.s32 $0x0;
	s18 =	sadd.s32 s4, s17  }
0x13: {  	[tilespmem:s11], [sflag:$0x1] =	stream.linear.gather [hbm4b:s18+s19], $0x7D0, $0x38;
	[tilespmem:$0x1A5E0] =	vst v63  }
0x14: {  	_ =	swait.ge [sflag:s10], $0x7D0  }
0x15: {  	[sflag:s10] =	ssyncset.done $0x0  }
0x16: {  	s31 =	sadd.s32 s5, s17;
	[sflag:s10] =	ssyncadd.s32 $0xFFFFF830  }
0x17: {  	[tilespmem:s12], [sflag:$0x1] =	stream.linear.gather [hbm4b:s31+s19], $0x7D0, $0x38;
	[tilespmem:$0x1A5E0] =	vst v63  }
0x18: {  	_ =	swait.ge [sflag:s10], $0x7D0  }
0x19: {  	[sflag:s10] =	ssyncset.done $0x0  }
0x1a: {  	s18 =	simm.s32 $0x0;
	[sflag:s10] =	ssyncadd.s32 $0xFFFFF830  }
0x1b: {  	v0 =	vld [tilespmem:s18+$0x186A0]  }
0x1c: {  	v1 =	vld [tilespmem:s18+$0x18E70];
	_ =	sdelay $0x3  }
0x1d: {  	v0 =	vshll.u32 v0, $0x1  }
0x1e: {  	v1 =	vshll.u32 v1, $0x1;
	_ =	sdelay $0x3  }
0x1f: {  	v2 =	vld.idx.msk [tilespmem:v0+s1+$0x0], $0xffff  }
0x20: {  	v3 =	vld.idx.msk [tilespmem:v1+s1+$0x0], $0xffff;
	_ =	sdelay $0x2  }
0x21: {  	v0 =	vor.u32 $0x1, v0  }
0x22: {  	v4 =	vor.u32 $0x1, v1  }
0x23: {  	s19 =	simm.s32 $0x10;
	v2 =	vsub.f32 v3, v2  }
0x24: {  	v5 =	vld [tilespmem:s19+$0x186A0]  }
0x25: {  	v1 =	vld [tilespmem:s19+$0x18E70];
	[tilespmem:s18+$0x19640] =	vst v2  }
0x26: {  	v2 =	vld.idx.msk [tilespmem:v0+s1+$0x0], $0xffff  }
0x27: {  	v3 =	vld.idx.msk [tilespmem:v4+s1+$0x0], $0xffff;
	_ =	sdelay $0x1  }
0x28: {  	s20 =	simm.s32 $0x80;
	v0 =	vshll.u32 v5, $0x1  }
.LBB2_3:
0x29: {  	p0 =	sne.s32 s20, $0x1F00;
	s21 =	smov.u32 s20;
	s20 =	sadd.s32 $0x40, s20  }
0x2a: {  	v1 =	vshll.u32 v1, $0x1  }
0x2b: {  	v2 =	vsub.f32 v3, v2;
	_ =	sdelay $0x1  }
0x2c: {  	[tilespmem:s18+$0x19E10] =	vst v2;
	s18 =	smov.u32 s19  }
0x2d: {  	v2 =	vld.idx.msk [tilespmem:v0+s1+$0x0], $0xffff  }
0x2e: {  	v3 =	vld.idx.msk [tilespmem:v1+s1+$0x0], $0xffff;
	_ =	sdelay $0x3  }
0x2f: {  	v4 =	vor.u32 $0x1, v1;
	v0 =	vor.u32 $0x1, v0;
	_ =	sdelay $0x1  }
0x30: {  	s19 =	sshra.s32 s21, $0x2;
	v2 =	vsub.f32 v3, v2  }
0x31: {  	v5 =	vld [tilespmem:s19+$0x186A0]  }
0x32: {  	v1 =	vld [tilespmem:s19+$0x18E70];
	[tilespmem:s18+$0x19640] =	vst v2  }
.Ltmp0:
0x33: {  	v2 =	vld.idx.msk [tilespmem:v0+s1+$0x0], $0xffff;
	(pc) =	sbr.rel @p0 .LBB2_3-.Ltmp0, $2  }
0x34: {  	v3 =	vld.idx.msk [tilespmem:v4+s1+$0x0], $0xffff;
	_ =	sdelay $0x2  }
0x35: {  	v0 =	vshll.u32 v5, $0x1  }
0x36: {  	v1 =	vshll.u32 v1, $0x1  }
0x37: {  	v2 =	vsub.f32 v3, v2;
	_ =	sdelay $0x1  }
0x38: {  	[tilespmem:s18+$0x19E10] =	vst v2  }
0x39: {  	v2 =	vld.idx.msk [tilespmem:v0+s1+$0x0], $0xffff  }
0x3a: {  	v62 =	vld.idx.msk [tilespmem:v1+s1+$0x0], $0xffff;
	_ =	sdelay $0x2  }
0x3b: {  	v63 =	vor.u32 $0x1, v0  }
0x3c: {  	v1 =	vor.u32 $0x1, v1  }
0x3d: {  	v2 =	vsub.f32 v62, v2;
	_ =	sdelay $0x1  }
0x3e: {  	[tilespmem:s19+$0x19640] =	vst v2  }
0x3f: {  	v0 =	vld.idx.msk [tilespmem:v63+s1+$0x0], $0xffff  }
0x40: {  	v1 =	vld.idx.msk [tilespmem:v1+s1+$0x0], $0xffff;
	_ =	sdelay $0x4  }
0x41: {  	v0 =	vsub.f32 v1, v0;
	_ =	sdelay $0x1  }
0x42: {  	s30 =	sadd.s32 s6, s17;
	[tilespmem:s19+$0x19E10] =	vst v0  }
0x43: {  	[hbm4b:s30+s1] =	stream.linear.scatter [tilespmem:s13], [sflag:$0x1], $0x7D0, $0x38;
	[tilespmem:$0x1A5E0] =	vst v63  }
0x44: {  	s16 =	sadd.s32 $0x1, s16;
	_ =	swait.ge [sflag:s10], $0x7D0  }
0x45: {  	p0 =	sne.s32 s16, $0xD;
	[sflag:s10] =	ssyncset.done $0x0  }
.Ltmp1:
0x46: {  	s31 =	sadd.s32 s7, s17;
	[sflag:s10] =	ssyncadd.s32 $0xFFFFF830;
	(pc) =	sbr.rel @p0 .LBB2_2-.Ltmp1, $4  }
0x47: {  	[hbm4b:s31+s1] =	stream.linear.scatter [tilespmem:s14], [sflag:$0x1], $0x7D0, $0x38;
	[tilespmem:$0x1A5E0] =	vst v63  }
0x48: {  	_ =	swait.ge [sflag:s10], $0x7D0  }
0x49: {  	[sflag:s10] =	ssyncset.done $0x0  }
0x4a: {  	[sflag:s10] =	ssyncadd.s32 $0xFFFFF830  }
0x4b: {  	s15 =	sadd.s32 $0x1, s15  }
0x4c: {  	p0 =	sne.s32 s15, s9  }
.Ltmp2:
0x4d: {  	_ = 	snop;
	(pc) =	sbr.rel @p0 .LBB2_1-.Ltmp2, $1  }
0x4e: {  	_ =	sdelay $0x3  }
0x4f: {  	_ =	sfence.sel $0x180000  }
0x50: {  	[bflag:$0x0] =	sbarrier.arrive $0xFFFF  }
0x51: {  	p0 =	sne.s32 s2, $0x0;
	_ =	strace $0x90000047  }
0x52: {  	s0 =	sadd.s32 @!p0 $0x100000, s0;
	[bflag:$0x2] =	sbarrier.arrive $0xFFFF  }
0x53: {  	[sflag:s0] =	ssyncadd.tile.s32 @!p0 $0x1;
	_ =	shalt  }
.Lfunc_end2:
_tile_overlayer_lowered:
.L_overlay_start_2:
0x54: {  	(tag) =	ssettag $0x2  }
0x55: {  	s0 =	rddreg [dreg:$0x0];
	s2 =	stileid.u32  }
0x56: {  	s1 =	rddreg [dreg:$0x1];
	p0 =	sne.s32 s2, $0x0  }
0x57: {  	s3 =	rddreg [dreg:$0x2];
	[bflag:$0x3] =	sbarrier.arrive $0xFFFF;
	s2 =	simm.s32 @!p0 $0x1C01  }
0x58: {  	[timem:s3], [sflag:s2] =	dma.local @!p0 [hbm:s0], s1  }
0x59: {  	s0 =	simm.s32 @!p0 $0x1  }
0x5a: {  	_ =	swait.ge @!p0 [sflag:s0], s1  }
0x5b: {  	s1 =	ssub.s32 @!p0 $0x0, s1;
	[sflag:s0] =	ssyncset.done @!p0 $0x0  }
0x5c: {  	[sflag:s0] =	ssyncadd.s32 @!p0 s1  }
0x5d: {  	[bflag:$0x3] =	sbarrier.arrive $0xFFFF  }
0x5e: {  	_ =	shalt  }

// kernel: kernel.15.cloned.1.call-start
scs
__scs_entry_jumppad:
0x0: {  	(pc) =	sbr.rel $0x88, $3  }
0x1: {  	(tag) =	ssettag $0x0;
	lr =	simm.s32 $0x1  }
0x2: {  	[smem:$0x3F95] =	sst lr;
	_ =	strace $0xD0000000  }
0x3: {  	_ = 	snop  }
0x4: {  	_ = 	snop  }
0x5: {  	_ = 	snop  }
0x6: {  	_ = 	snop  }
0x7: {  	_ = 	snop  }
__scs_overlays_trampoline_lowered:
0x8: {  	[smem:$0x3FA4] =	sst s0  }
0x9: {  	[smem:$0x3FA5] =	sst s1  }
0xa: {  	[smem:$0x3FA6] =	sst s2  }
0xb: {  	[smem:$0x3FA7] =	sst s3  }
0xc: {  	[smem:$0x3FA8] =	sst s4  }
0xd: {  	[smem:$0x3FA9] =	sst s5  }
0xe: {  	[smem:$0x3FAA] =	sst s6  }
0xf: {  	[smem:$0x3FAB] =	sst s7  }
0x10: {  	[smem:$0x3FAC] =	sst s8  }
0x11: {  	[smem:$0x3FAD] =	sst s9;
	s0 =	simm.s32 @!p0 $0x0  }
0x12: {  	s1 =	sld [smem:$0x3F93];
	s0 =	simm.s32 @p0 $0x1  }
0x13: {  	[smem:$0x3FAE] =	sst s0;
	s0 =	simm.s32 @!p1 $0x0  }
0x14: {  	s2 =	sld [smem:$0x3F92];
	s0 =	simm.s32 @p1 $0x1  }
0x15: {  	[smem:$0x3FAF] =	sst s0;
	s0 =	simm.s32 @!p2 $0x0  }
0x16: {  	s3 =	sld [smem:$0x3FDB];
	s0 =	simm.s32 @p2 $0x1  }
0x17: {  	s4 =	simm.s32 $0x1BF5;
	[smem:$0x3FB1] =	sst s0  }
0x18: {  	s0 =	sld [smem:$0x3F94];
	_ =	swait.ge [sflag:s4], $0x0  }
0x19: {  	s7 =	sld [smem:$0x3F95]  }
0x1a: {  	s8 =	sadd.s32 $0xFFFFE003, lr  }
0x1b: {  	s9 =	sadd.s32 $0xFFFFFEF7, lr;
	s5 =	simm.s32 $0xFFFFFFFF;
	p2 =	slt.u32 s8, $0xFFFFF086  }
0x1c: {  	p1 =	slt.u32 s9, $0xF7A;
	s5 =	simm.s32 @!p2 $0x0  }
0x1d: {  	s5 =	simm.s32 @p1 $0x1;
	p0 =	seq.s32 s7, s2  }
0x1e: {  	s7 =	smul.u32 @!p0 $0xF7A, s2;
	p2 =	seq.s32 @!p0 s5, $0x0  }
0x1f: {  	s9 =	smul.u32 $0xF7A, s1;
	s8 =	simm.s32 @!p0 $0x1BF5;
	p2 =	por !p2, p0  }
0x20: {  	[sflag:s8] =	ssyncset.s32 @!p0 $0xFFFFF086;
	s6 =	sadd.s32 @!p0 s3, s7;
	s7 =	simm.s32 @!p0 $0x108  }
0x21: {  	s3 =	sadd.s32 s3, s9;
	s6 =	sadd.s32 @!p0 $0x88, s6;
	s7 =	simm.s32 @p2 $0x1082  }
0x22: {  	[simem:s7], [sflag:s8] =	dma.local @!p0 [hbm:s6], $0xF7A  }
0x23: {  	s9 =	sor.u32 $0xD0000000, s2;
	s6 =	simm.s32 $0x108;
	_ =	swait.ge @!p0 [sflag:s8], $0x0  }
0x24: {  	s3 =	sadd.s32 $0x88, s3;
	s6 =	simm.s32 @!p1 $0x1082;
	[sflag:s4] =	ssyncset.s32 $0xFFFFF086  }
0x25: {  	[simem:s6], [sflag:s4] =	dma.local [hbm:s3], $0xF7A  }
0x26: {  	[smem:$0x3F95] =	sst s1;
	(tag) =	ssettag s2;
	_ =	strace s9  }
0x27: {  	s1 =	sld [smem:$0x3FA5]  }
0x28: {  	s2 =	sld [smem:$0x3FA6]  }
0x29: {  	s4 =	sld [smem:$0x3FA8]  }
0x2a: {  	p0 =	seq.s32 s5, $0x0;
	s5 =	sld [smem:$0x3FA9]  }
0x2b: {  	s6 =	sld [smem:$0x3FAA]  }
0x2c: {  	s7 =	sld [smem:$0x3FAB]  }
0x2d: {  	s3 =	simm.s32 $0x108;
	s8 =	sld [smem:$0x3FAC]  }
0x2e: {  	s3 =	simm.s32 @!p0 $0x1082;
	s9 =	sld [smem:$0x3FAD]  }
0x2f: {  	lr =	sadd.s32 s0, s3;
	s0 =	sld [smem:$0x3FA4]  }
0x30: {  	s3 =	sld [smem:$0x3FA7]  }
0x31: {  	[smem:$0x3FB0] =	sst s10  }
0x32: {  	s10 =	sld [smem:$0x3FAE];
	_ =	sdelay $0x3  }
0x33: {  	p0 =	seq.s32 s10, $0x1;
	s10 =	sld [smem:$0x3FB0];
	_ =	sdelay $0x3  }
0x34: {  	[smem:$0x3FB0] =	sst s10  }
0x35: {  	s10 =	sld [smem:$0x3FAF];
	_ =	sdelay $0x3  }
0x36: {  	p1 =	seq.s32 s10, $0x1;
	s10 =	sld [smem:$0x3FB0];
	_ =	sdelay $0x3  }
0x37: {  	[smem:$0x3FB0] =	sst s10  }
0x38: {  	s10 =	sld [smem:$0x3FB1]  }
0x39: {  	_ = 	snop;
	(pc) =	sbr.ind lr, $3  }
0x3a: {  	_ = 	snop  }
0x3b: {  	_ = 	snop  }
0x3c: {  	p2 =	seq.s32 s10, $0x1;
	s10 =	sld [smem:$0x3FB0]  }
0x3d: {  	_ =	shalt  }
0x3e: {  	_ =	shalt  }
0x3f: {  	_ =	shalt  }
0x40: {  	_ =	shalt  }
0x41: {  	_ =	shalt  }
0x42: {  	_ =	shalt  }
0x43: {  	_ =	shalt  }
0x44: {  	_ =	shalt  }
0x45: {  	_ =	shalt  }
0x46: {  	_ =	shalt  }
0x47: {  	_ =	shalt  }
0x48: {  	_ =	shalt  }
0x49: {  	_ =	shalt  }
0x4a: {  	_ =	shalt  }
0x4b: {  	_ =	shalt  }
0x4c: {  	_ =	shalt  }
0x4d: {  	_ =	shalt  }
0x4e: {  	_ =	shalt  }
0x4f: {  	_ =	shalt  }
0x50: {  	_ =	shalt  }
0x51: {  	_ =	shalt  }
0x52: {  	_ =	shalt  }
0x53: {  	_ =	shalt  }
0x54: {  	_ =	shalt  }
0x55: {  	_ =	shalt  }
0x56: {  	_ =	shalt  }
0x57: {  	_ =	shalt  }
0x58: {  	_ =	shalt  }
0x59: {  	_ =	shalt  }
0x5a: {  	_ =	shalt  }
0x5b: {  	_ =	shalt  }
0x5c: {  	_ =	shalt  }
0x5d: {  	_ =	shalt  }
0x5e: {  	_ =	shalt  }
0x5f: {  	_ =	shalt  }
0x60: {  	_ =	shalt  }
0x61: {  	_ =	shalt  }
0x62: {  	_ =	shalt  }
0x63: {  	_ =	shalt  }
0x64: {  	_ =	shalt  }
0x65: {  	_ =	shalt  }
0x66: {  	_ =	shalt  }
0x67: {  	_ =	shalt  }
0x68: {  	_ =	shalt  }
0x69: {  	_ =	shalt  }
0x6a: {  	_ =	shalt  }
0x6b: {  	_ =	shalt  }
0x6c: {  	_ =	shalt  }
0x6d: {  	_ =	shalt  }
0x6e: {  	_ =	shalt  }
0x6f: {  	_ =	shalt  }
0x70: {  	_ =	shalt  }
0x71: {  	_ =	shalt  }
0x72: {  	_ =	shalt  }
0x73: {  	_ =	shalt  }
0x74: {  	_ =	shalt  }
0x75: {  	_ =	shalt  }
0x76: {  	_ =	shalt  }
0x77: {  	_ =	shalt  }
0x78: {  	_ =	shalt  }
0x79: {  	_ =	shalt  }
0x7a: {  	_ =	shalt  }
0x7b: {  	_ =	shalt  }
0x7c: {  	_ =	shalt  }
0x7d: {  	_ =	shalt  }
0x7e: {  	_ =	shalt  }
0x7f: {  	_ =	shalt  }
0x80: {  	_ =	shalt  }
0x81: {  	_ =	shalt  }
0x82: {  	_ =	shalt  }
0x83: {  	_ =	shalt  }
0x84: {  	_ =	shalt  }
0x85: {  	_ =	shalt  }
0x86: {  	_ =	shalt  }
0x87: {  	_ =	shalt  }
.Lfunc_end0:
.L_simem_size_0:
called_computation.2_lowered:
.L_overlay_start_0:
0x88: {  	s2 =	sld [smem:$0x3FD9]  }
0x89: {  	s3 =	sld [smem:$0x3FFE];
	_ =	sdelay $0x1  }
0x8a: {  	s1 =	srdreg.scid  }
0x8b: {  	s0 =	sand.u32 $0x1, s1  }
0x8c: {  	s17 =	sshll.u32 s0, $0xA;
	s2 =	sadd.s32 s3, s2  }
0x8d: {  	s2 =	sadd.s32 s2, s17  }
0x8e: {  	[smem:$0x3FBC] =	sst s2  }
0x8f: {  	_ = 	snop  }
0x90: {  	(tm) =	ssettm $0x1  }
0x91: {  	s18 =	sld [smem:$0x3FFB];
	_ =	sdelay $0x3  }
0x92: {  	_ =	strace s18  }
0x93: {  	s2 =	sld [smem:$0x3FFC];
	_ =	sdelay $0x3  }
0x94: {  	_ =	strace s2  }
0x95: {  	s2 =	sld [smem:$0x3FFD];
	_ =	sdelay $0x3  }
0x96: {  	_ =	strace s2  }
0x97: {  	_ =	strace $0x8FFFFFFF  }
0x98: {  	s19 =	sld [smem:$0x3FDB];
	_ =	sdelay $0x1  }
0x99: {  	s20 =	simm.s32 $_scs_section_size  }
0x9a: {  	s4 =	simm.s32 $_size__tile_overlayer_lowered;
	s5 =	simm.s32 $_tile_overlayer_lowered  }
0x9b: {  	s6 =	simm.s32 $0x1BFF;
	s21 =	sshll.u32 s5, $0x1;
	s3 =	sadd.s32 s20, s19  }
0x9c: {  	s22 =	simm.s32 $0x0;
	s4 =	sshll.u32 s4, $0x1;
	s5 =	sadd.s32 s21, s3  }
0x9d: {  	[timem:s22], [sflag:s6] =	dma.local [hbm:s5], s4  }
0x9e: {  	_ =	swait.ge [sflag:s6], s4  }
0x9f: {  	s4 =	ssub.s32 $0x0, s4;
	[sflag:s6] =	ssyncset.done $0x0  }
0xa0: {  	[sflag:s6] =	ssyncadd.s32 s4;
	_ =	sdelay $0x1  }
0xa1: {  	s23 =	simm.s32 $0x1B8B  }
0xa2: {  	_ =	swait.ge [sflag:s23], $0x1  }
0xa3: {  	[sflag:s23] =	ssyncset.done $0x0  }
0xa4: {  	[sflag:s23] =	ssyncadd.s32 $0xFFFFFFFF  }
0xa5: {  	s4 =	sld [smem:$0x0]  }
0xa6: {  	s5 =	sand.u32 $0xFFFFFFFE, s1  }
0xa7: {  	p0 =	sne.s32 s1, s5  }
0xa8: {  	s5 =	sshll.u32 @p0 s5, $0xE  }
0xa9: {  	s5 =	sadd.s32 @p0 $0x11B8D, s5;
	s6 =	sshll.u32 @p0 s4, $0x11  }
0xaa: {  	s5 =	sor.u32 @p0 s6, s5  }
0xab: {  	[sflag:s5] =	ssyncadd.remote.s32 @p0 $0x1;
	_ =	sdelay $0x1  }
0xac: {  	s5 =	simm.s32 @p0 $0x1B8D  }
0xad: {  	_ =	swait.eq @p0 [sflag:s5], $0x1  }
0xae: {  	[sflag:s5] =	ssyncadd.s32 @p0 $0xFFFFFFFF  }
0xaf: {  	s6 =	sshll.u32 @!p0 s1, $0xE  }
0xb0: {  	s6 =	sor.u32 @!p0 $0x4000, s6;
	s5 =	simm.s32 @!p0 $0x1B8D  }
0xb1: {  	s4 =	sshll.u32 @!p0 s4, $0x11;
	s6 =	sadd.s32 @!p0 $0x11B8D, s6;
	_ =	swait.eq @!p0 [sflag:s5], $0x1  }
0xb2: {  	s4 =	sor.u32 @!p0 s4, s6;
	[sflag:s5] =	ssyncadd.s32 @!p0 $0xFFFFFFFF  }
0xb3: {  	s25 =	simm.s32 $0x1B8E;
	s24 =	sld [smem:$0x3FFE];
	[sflag:s4] =	ssyncadd.remote.s32 @!p0 $0x1  }
0xb4: {  	s26 =	simm.s32 $execute0_lowered;
	[smem:$0x3FD2] =	sst s25  }
0xb5: {  	s5 =	sshll.u32 s26, $0x1;
	_ =	strace $0x8000004F;
	[dreg:$0x1] =	wrdreg $0xFFFFFFFF  }
0xb6: {  	s28 =	simm.s32 $_size_execute0_lowered;
	s3 =	sadd.s32 s3, s5;
	[dreg:$0x0] =	wrdreg $0x0  }
0xb7: {  	s5 =	sshll.u32 s28, $0x1;
	[dreg:$0x2] =	wrdreg s3  }
0xb8: {  	[dreg:$0x3] =	wrdreg s5  }
0xb9: {  	[dreg:$0x4] =	wrdreg $0xC0  }
0xba: {  	_ =	task [dreg:s22], $0x5FFFF  }
0xbb: {  	[dreg:$0x1] =	wrdreg $0xFFFFFFFF  }
0xbc: {  	[dreg:$0x0] =	wrdreg $0x60  }
0xbd: {  	[dreg:$0x2] =	wrdreg s24  }
0xbe: {  	[dreg:$0x3] =	wrdreg $0x7D800  }
0xbf: {  	[dreg:$0x4] =	wrdreg $0x9  }
0xc0: {  	_ =	task.clear_ibuf [dreg:s22], $0x5FFFF;
	_ =	strace $0x9000004F  }
0xc1: {  	s29 =	simm.s32 $0x9;
	_ =	strace $0x80000051  }
0xc2: {  	_ =	swait.ge [sflag:s29], $0x1  }
0xc3: {  	[sflag:s29] =	ssyncadd.s32 $0xFFFFFFFF  }
0xc4: {  	_ =	strace $0x90000051  }
0xc5: {  	_ =	sfence  }
0xc6: {  	s30 =	sld [smem:$0x0];
	_ =	sdelay $0x2  }
0xc7: {  	s31 =	sshll.u32 s1, $0xD;
	s1 =	sshrl.u32 s1, $0x2  }
0xc8: {  	s4 =	sand.u32 $0x4000, s31;
	s1 =	sadd.s32 s1, s30  }
0xc9: {  	s0 =	sor.u32 s4, s0;
	s1 =	sshll.u32 s1, $0x11  }
0xca: {  	s0 =	sor.u32 s1, s0  }
0xcb: {  	s0 =	sadd.s32 $0x8F2B, s0  }
0xcc: {  	[sflag:s0] =	ssyncadd.remote.s32 $0x1  }
0xcd: {  	_ =	sfence.sel $0xFFFF  }
0xce: {  	[dreg:$0x0] =	wrdreg $0xFFFFFFFF;
	(pc) =	sbr.abs _section_cstart, $3  }
0xcf: {  	[dreg:$0x1] =	wrdreg $0xFFFFFFFF  }
0xd0: {  	_ =	task.clear_ibuf [dreg:s22], $0x2FFFF;
	_ =	strace $0x9FFFFFFF  }
0xd1: {  	(tm) =	ssettm $0x7FFFFFFF  }
tec
execute0_lowered:
.L_overlay_start_1:
0x0: {  	(tag) =	ssettag $0x1  }
0x1: {  	s0 =	rddreg [dreg:$0x0]  }
0x2: {  	s2 =	rddreg [dreg:$0x1];
	s9 =	stileid.u32;
	s3 =	simm.s32 $0x0  }
0x3: {  	s4 =	srdreg.scid;
	s12 =	simm.s32 $0x1B80;
	s13 =	simm.s32 $0x2  }
0x4: {  	s14 =	simm.s32 $0x780;
	s15 =	simm.s32 $0xA00;
	s16 =	simm.s32 $0xC80  }
0x5: {  	s17 =	simm.s32 $0xF00;
	s18 =	simm.s32 $0x1180;
	s19 =	simm.s32 $0x1400  }
0x6: {  	s20 =	simm.s32 $0x1680;
	s21 =	simm.s32 $0x1900;
	s22 =	simm.s32 $0x280  }
0x7: {  	s28 =	simm.s32 $0xF0;
	s29 =	simm.s32 $0x140;
	s30 =	simm.s32 $0x190  }
0x8: {  	s31 =	simm.s32 $0x1E0;
	s1 =	smul.u32 $0xA0, s9;
	[smem:$0x7FF] =	sst s3  }
0x9: {  	s5 =	sand.u32 $0x1, s4;
	s4 =	sadd.s32 $0x2A00, s0;
	s8 =	smul.u32 $0x6200, s9  }
0xa: {  	s24 =	sshll.u32 s9, $0x1;
	_ =	strace $0x80000050;
	s6 =	smul.u32 $0xC400, s5  }
0xb: {  	s7 =	ssub.s32 $0x2, s5;
	s5 =	smul.u32 $0x50, s5;
	[dreg:$0x3] =	wrdreg s24  }
0xc: {  	s1 =	sadd.s32 s1, s0;
	s23 =	sshrl.u32 s7, $0x1;
	s24 =	sshrl.u32 s8, $0x3  }
0xd: {  	s0 =	sadd.s32 s6, s0;
	s6 =	ssub.s32 s7, s23;
	s25 =	sadd.s32 s4, s24  }
0xe: {  	v0 =	vlaneseq.u32;
	s7 =	sadd.s32 s8, s2;
	s1 =	sadd.s32 s5, s1;
	s23 =	simm.s32 $0x500  }
.Ltmp0:
0xf: {  	v0 =	vmul.u32 $0x8, v0;
	[dreg:$0x4] =	wrdreg s25;
	s0 =	sadd.s32 $0xB2200, s0;
	(pc) =	sbr.rel .LBB2_1-.Ltmp0, $4  }
0x10: {  	s26 =	smax.u32 s6, $0x1;
	s9 =	sadd.s32 $0x9AA00, s1;
	s10 =	sadd.s32 $0x83200, s1  }
0x11: {  	v1 =	vor.u32 $0x1, v0;
	v2 =	vor.u32 $0x80, v0;
	v3 =	vor.u32 $0x81, v0;
	s11 =	sadd.s32 $0x27600, s1;
	s25 =	simm.s32 $0x50;
	s1 =	simm.s32 $0x1  }
0x12: {  	v4 =	vor.u32 $0x100, v0;
	v5 =	vor.u32 $0x101, v0;
	v6 =	vor.u32 $0x180, v0;
	s6 =	simm.s32 $0x0;
	[dreg:$0x5] =	wrdreg s26;
	s0 =	sadd.s32 s24, s0  }
0x13: {  	v7 =	vor.u32 $0x181, v0;
	v8 =	vor.u32 $0x200, v0;
	v9 =	vor.u32 $0x201, v0;
	s26 =	simm.s32 $0xA0;
	[dreg:$0x6] =	wrdreg s0;
	s0 =	simm.s32 $0x230  }
.LBB2_5:
0x14: {  	[bflag:$0x0] =	sbarrier.arrive $0xFFFF  }
0x15: {  	[tilespmem:s12], [sflag:$0x2] =	stream.linear.gather [spmem:s7], $0x6200, $0x38;
	[tilespmem:$0xDF80] =	vst v63  }
0x16: {  	_ =	swait.ge [sflag:s13], $0x6200  }
0x17: {  	[sflag:s13] =	ssyncset.done $0x0  }
0x18: {  	s5 =	rddreg [dreg:$0x6];
	[sflag:s13] =	ssyncadd.s32 $0xFFFF9E00  }
0x19: {  	[hbm4b:s5+s3] =	stream.linear.scatter [tilespmem:s12], [sflag:$0x2], $0x6200, $0x38;
	[tilespmem:$0xDF80] =	vst v63  }
0x1a: {  	_ =	swait.ge [sflag:s13], $0x6200  }
0x1b: {  	s6 =	sadd.s32 $0x1, s6;
	s24 =	rddreg [dreg:$0x5]  }
0x1c: {  	p0 =	sne.s32 s6, s24  }
.Ltmp1:
0x1d: {  	_ = 	snop;
	(pc) =	sbr.rel @!p0 .LBB2_6-.Ltmp1, $3  }
0x1e: {  	_ =	sdelay $0x1  }
0x1f: {  	[sflag:s13] =	ssyncset.done $0x0  }
0x20: {  	[sflag:s13] =	ssyncadd.s32 $0xFFFF9E00  }
.LBB2_1:
0x21: {  	s5 =	rddreg [dreg:$0x4]  }
0x22: {  	[tilespmem:s12], [sflag:$0x2] =	stream.linear.gather [hbm4b:s5+s3], $0x6200, $0x38;
	[tilespmem:$0xDF80] =	vst v63  }
0x23: {  	_ =	swait.ge [sflag:s13], $0x6200  }
0x24: {  	[sflag:s13] =	ssyncset.done $0x0  }
0x25: {  	[sflag:s13] =	ssyncadd.s32 $0xFFFF9E00  }
0x26: {  	[spmem:s7] =	stream.linear.scatter [tilespmem:s12], [sflag:$0x2], $0x6200, $0x38;
	[tilespmem:$0xDF80] =	vst v63  }
0x27: {  	_ =	swait.ge [sflag:s13], $0x6200  }
0x28: {  	[sflag:s13] =	ssyncset.done $0x0  }
0x29: {  	[sflag:s13] =	ssyncadd.s32 $0xFFFF9E00  }
0x2a: {  	[tilespmem:s14], [sflag:$0x2] =	stream.linear.gather [hbm4b:s4+s3], $0x280, $0x38;
	[tilespmem:$0xDF80] =	vst v63  }
0x2b: {  	_ =	swait.ge [sflag:s13], $0x280  }
0x2c: {  	[sflag:s13] =	ssyncset.done $0x0  }
0x2d: {  	[sflag:s13] =	ssyncadd.s32 $0xFFFFFD80  }
0x2e: {  	[tilespmem:s15], [sflag:$0x2] =	stream.linear.gather [hbm4b:s4+s3], $0x280, $0x38;
	[tilespmem:$0xDF80] =	vst v63  }
0x2f: {  	_ =	swait.ge [sflag:s13], $0x280  }
0x30: {  	[sflag:s13] =	ssyncset.done $0x0  }
0x31: {  	[sflag:s13] =	ssyncadd.s32 $0xFFFFFD80  }
0x32: {  	[tilespmem:s16], [sflag:$0x2] =	stream.linear.gather [hbm4b:s4+s3], $0x280, $0x38;
	[tilespmem:$0xDF80] =	vst v63  }
0x33: {  	_ =	swait.ge [sflag:s13], $0x280  }
0x34: {  	[sflag:s13] =	ssyncset.done $0x0  }
0x35: {  	[sflag:s13] =	ssyncadd.s32 $0xFFFFFD80  }
0x36: {  	[tilespmem:s17], [sflag:$0x2] =	stream.linear.gather [hbm4b:s4+s3], $0x280, $0x38;
	[tilespmem:$0xDF80] =	vst v63  }
0x37: {  	_ =	swait.ge [sflag:s13], $0x280  }
0x38: {  	[sflag:s13] =	ssyncset.done $0x0  }
0x39: {  	[sflag:s13] =	ssyncadd.s32 $0xFFFFFD80  }
0x3a: {  	[tilespmem:s18], [sflag:$0x2] =	stream.linear.gather [hbm4b:s4+s3], $0x280, $0x38;
	[tilespmem:$0xDF80] =	vst v63  }
0x3b: {  	_ =	swait.ge [sflag:s13], $0x280  }
0x3c: {  	[sflag:s13] =	ssyncset.done $0x0  }
0x3d: {  	[sflag:s13] =	ssyncadd.s32 $0xFFFFFD80  }
0x3e: {  	[tilespmem:s19], [sflag:$0x2] =	stream.linear.gather [hbm4b:s4+s3], $0x280, $0x38;
	[tilespmem:$0xDF80] =	vst v63  }
0x3f: {  	_ =	swait.ge [sflag:s13], $0x280  }
0x40: {  	[sflag:s13] =	ssyncset.done $0x0  }
0x41: {  	[sflag:s13] =	ssyncadd.s32 $0xFFFFFD80  }
0x42: {  	[tilespmem:s20], [sflag:$0x2] =	stream.linear.gather [hbm4b:s4+s3], $0x280, $0x38;
	[tilespmem:$0xDF80] =	vst v63  }
0x43: {  	_ =	swait.ge [sflag:s13], $0x280  }
0x44: {  	[sflag:s13] =	ssyncset.done $0x0  }
0x45: {  	[sflag:s13] =	ssyncadd.s32 $0xFFFFFD80  }
0x46: {  	[tilespmem:s21], [sflag:$0x2] =	stream.linear.gather [hbm4b:s4+s3], $0x280, $0x38;
	[tilespmem:$0xDF80] =	vst v63  }
.Ltmp2:
0x47: {  	_ =	swait.ge [sflag:s13], $0x280;
	(pc) =	sbr.rel .LBB2_2-.Ltmp2, $4  }
0x48: {  	[sflag:s13] =	ssyncset.done $0x0  }
0x49: {  	[sflag:s13] =	ssyncadd.s32 $0xFFFFFD80  }
0x4a: {  	[bflag:$0x0] =	sbarrier.arrive $0xFFFF  }
0x4b: {  	s8 =	simm.s32 $0x0;
	s5 =	rddreg [dreg:$0x3]  }
.LBB2_4:
0x4c: {  	s8 =	sadd.s32 $0xA00, s8  }
0x4d: {  	p0 =	sne.s32 s8, $0x17C00  }
.Ltmp3:
0x4e: {  	_ = 	snop;
	(pc) =	sbr.rel @!p0 .LBB2_5-.Ltmp3, $2  }
0x4f: {  	_ =	sdelay $0x2  }
0x50: {  	s5 =	sadd.s32 $0x20, s5  }
.LBB2_2:
0x51: {  	p0 =	sgt.u32 s5, $0x4AF  }
.Ltmp4:
0x52: {  	_ = 	snop;
	(pc) =	sbr.rel @p0 .LBB2_4-.Ltmp4, $1  }
0x53: {  	_ =	sdelay $0x3  }
0x54: {  	s24 =	sadd.s32 s8, s9  }
0x55: {  	[tilespmem:s3], [sflag:$0x2] =	stream.linear.gather [hbm4b:s24+s3], $0x280, $0x38;
	[tilespmem:$0xDF80] =	vst v63  }
0x56: {  	_ =	swait.ge [sflag:s13], $0x280  }
0x57: {  	[sflag:s13] =	ssyncset.done $0x0  }
0x58: {  	s24 =	sadd.s32 s8, s10;
	[sflag:s13] =	ssyncadd.s32 $0xFFFFFD80  }
0x59: {  	[tilespmem:s22], [sflag:$0x2] =	stream.linear.gather [hbm4b:s24+s3], $0x280, $0x38;
	[tilespmem:$0xDF80] =	vst v63  }
0x5a: {  	_ =	swait.ge [sflag:s13], $0x280  }
0x5b: {  	[sflag:s13] =	ssyncset.done $0x0  }
0x5c: {  	s24 =	sadd.s32 s8, s11;
	[sflag:s13] =	ssyncadd.s32 $0xFFFFFD80  }
0x5d: {  	[tilespmem:s23], [sflag:$0x2] =	stream.linear.gather [hbm4b:s24+s3], $0x280, $0x38;
	[tilespmem:$0xDF80] =	vst v63  }
0x5e: {  	_ =	swait.ge [sflag:s13], $0x280  }
0x5f: {  	[sflag:s13] =	ssyncset.done $0x0  }
0x60: {  	[sflag:s13] =	ssyncadd.s32 $0xFFFFFD80  }
0x61: {  	v10 =	vld [tilespmem:$0x280]  }
0x62: {  	v11 =	vld [tilespmem:$0x500];
	_ =	sdelay $0x3  }
0x63: {  	[tilespmem:v0+s14+$0x0] =	vst.idx.msk $0xffff, v10  }
0x64: {  	[tilespmem:v1+s14+$0x0] =	vst.idx.msk $0xffff, v11  }
0x65: {  	v10 =	vld [tilespmem:$0x290]  }
0x66: {  	v11 =	vld [tilespmem:$0x510];
	_ =	sdelay $0x3  }
0x67: {  	[tilespmem:v2+s14+$0x0] =	vst.idx.msk $0xffff, v10  }
0x68: {  	[tilespmem:v3+s14+$0x0] =	vst.idx.msk $0xffff, v11  }
0x69: {  	v10 =	vld [tilespmem:$0x2A0]  }
0x6a: {  	v11 =	vld [tilespmem:$0x520];
	_ =	sdelay $0x3  }
0x6b: {  	[tilespmem:v4+s14+$0x0] =	vst.idx.msk $0xffff, v10  }
0x6c: {  	[tilespmem:v5+s14+$0x0] =	vst.idx.msk $0xffff, v11  }
0x6d: {  	v10 =	vld [tilespmem:$0x2B0]  }
0x6e: {  	v11 =	vld [tilespmem:$0x530];
	_ =	sdelay $0x3  }
0x6f: {  	[tilespmem:v6+s14+$0x0] =	vst.idx.msk $0xffff, v10  }
0x70: {  	[tilespmem:v7+s14+$0x0] =	vst.idx.msk $0xffff, v11  }
0x71: {  	v10 =	vld [tilespmem:$0x2C0]  }
0x72: {  	v11 =	vld [tilespmem:$0x540];
	_ =	sdelay $0x3  }
0x73: {  	[tilespmem:v8+s14+$0x0] =	vst.idx.msk $0xffff, v10  }
0x74: {  	[tilespmem:v9+s14+$0x0] =	vst.idx.msk $0xffff, v11  }
0x75: {  	v10 =	vld [tilespmem:$0x2D0]  }
0x76: {  	v11 =	vld [tilespmem:$0x550];
	_ =	sdelay $0x3  }
0x77: {  	[tilespmem:v0+s15+$0x0] =	vst.idx.msk $0xffff, v10  }
0x78: {  	[tilespmem:v1+s15+$0x0] =	vst.idx.msk $0xffff, v11  }
0x79: {  	v10 =	vld [tilespmem:$0x2E0]  }
0x7a: {  	v11 =	vld [tilespmem:$0x560];
	_ =	sdelay $0x3  }
0x7b: {  	[tilespmem:v2+s15+$0x0] =	vst.idx.msk $0xffff, v10  }
0x7c: {  	[tilespmem:v3+s15+$0x0] =	vst.idx.msk $0xffff, v11  }
0x7d: {  	v10 =	vld [tilespmem:$0x2F0]  }
0x7e: {  	v11 =	vld [tilespmem:$0x570];
	_ =	sdelay $0x3  }
0x7f: {  	[tilespmem:v4+s15+$0x0] =	vst.idx.msk $0xffff, v10  }
0x80: {  	[tilespmem:v5+s15+$0x0] =	vst.idx.msk $0xffff, v11  }
0x81: {  	v10 =	vld [tilespmem:$0x300]  }
0x82: {  	v11 =	vld [tilespmem:$0x580];
	_ =	sdelay $0x3  }
0x83: {  	[tilespmem:v6+s15+$0x0] =	vst.idx.msk $0xffff, v10  }
0x84: {  	[tilespmem:v7+s15+$0x0] =	vst.idx.msk $0xffff, v11  }
0x85: {  	v10 =	vld [tilespmem:$0x310]  }
0x86: {  	v11 =	vld [tilespmem:$0x590];
	_ =	sdelay $0x3  }
0x87: {  	[tilespmem:v8+s15+$0x0] =	vst.idx.msk $0xffff, v10  }
0x88: {  	[tilespmem:v9+s15+$0x0] =	vst.idx.msk $0xffff, v11  }
0x89: {  	v10 =	vld [tilespmem:$0x320]  }
0x8a: {  	v11 =	vld [tilespmem:$0x5A0];
	_ =	sdelay $0x3  }
0x8b: {  	[tilespmem:v0+s16+$0x0] =	vst.idx.msk $0xffff, v10  }
0x8c: {  	[tilespmem:v1+s16+$0x0] =	vst.idx.msk $0xffff, v11  }
0x8d: {  	v10 =	vld [tilespmem:$0x330]  }
0x8e: {  	v11 =	vld [tilespmem:$0x5B0];
	_ =	sdelay $0x3  }
0x8f: {  	[tilespmem:v2+s16+$0x0] =	vst.idx.msk $0xffff, v10  }
0x90: {  	[tilespmem:v3+s16+$0x0] =	vst.idx.msk $0xffff, v11  }
0x91: {  	v10 =	vld [tilespmem:$0x340]  }
0x92: {  	v11 =	vld [tilespmem:$0x5C0];
	_ =	sdelay $0x3  }
0x93: {  	[tilespmem:v4+s16+$0x0] =	vst.idx.msk $0xffff, v10  }
0x94: {  	[tilespmem:v5+s16+$0x0] =	vst.idx.msk $0xffff, v11  }
0x95: {  	v10 =	vld [tilespmem:$0x350]  }
0x96: {  	v11 =	vld [tilespmem:$0x5D0];
	_ =	sdelay $0x3  }
0x97: {  	[tilespmem:v6+s16+$0x0] =	vst.idx.msk $0xffff, v10  }
0x98: {  	[tilespmem:v7+s16+$0x0] =	vst.idx.msk $0xffff, v11  }
0x99: {  	v10 =	vld [tilespmem:$0x360]  }
0x9a: {  	v11 =	vld [tilespmem:$0x5E0];
	_ =	sdelay $0x3  }
0x9b: {  	[tilespmem:v8+s16+$0x0] =	vst.idx.msk $0xffff, v10  }
0x9c: {  	[tilespmem:v9+s16+$0x0] =	vst.idx.msk $0xffff, v11  }
0x9d: {  	v10 =	vld [tilespmem:$0x370]  }
0x9e: {  	v11 =	vld [tilespmem:$0x5F0];
	_ =	sdelay $0x3  }
0x9f: {  	[tilespmem:v0+s17+$0x0] =	vst.idx.msk $0xffff, v10  }
0xa0: {  	[tilespmem:v1+s17+$0x0] =	vst.idx.msk $0xffff, v11  }
0xa1: {  	v10 =	vld [tilespmem:$0x380]  }
0xa2: {  	v11 =	vld [tilespmem:$0x600];
	_ =	sdelay $0x3  }
0xa3: {  	[tilespmem:v2+s17+$0x0] =	vst.idx.msk $0xffff, v10  }
0xa4: {  	[tilespmem:v3+s17+$0x0] =	vst.idx.msk $0xffff, v11  }
0xa5: {  	v10 =	vld [tilespmem:$0x390]  }
0xa6: {  	v11 =	vld [tilespmem:$0x610];
	_ =	sdelay $0x3  }
0xa7: {  	[tilespmem:v4+s17+$0x0] =	vst.idx.msk $0xffff, v10  }
0xa8: {  	[tilespmem:v5+s17+$0x0] =	vst.idx.msk $0xffff, v11  }
0xa9: {  	v10 =	vld [tilespmem:$0x3A0]  }
0xaa: {  	v11 =	vld [tilespmem:$0x620];
	_ =	sdelay $0x3  }
0xab: {  	[tilespmem:v6+s17+$0x0] =	vst.idx.msk $0xffff, v10  }
0xac: {  	[tilespmem:v7+s17+$0x0] =	vst.idx.msk $0xffff, v11  }
0xad: {  	v10 =	vld [tilespmem:$0x3B0]  }
0xae: {  	v11 =	vld [tilespmem:$0x630];
	_ =	sdelay $0x3  }
0xaf: {  	[tilespmem:v8+s17+$0x0] =	vst.idx.msk $0xffff, v10  }
0xb0: {  	[tilespmem:v9+s17+$0x0] =	vst.idx.msk $0xffff, v11  }
0xb1: {  	v10 =	vld [tilespmem:$0x3C0]  }
0xb2: {  	v11 =	vld [tilespmem:$0x640];
	_ =	sdelay $0x3  }
0xb3: {  	[tilespmem:v0+s18+$0x0] =	vst.idx.msk $0xffff, v10  }
0xb4: {  	[tilespmem:v1+s18+$0x0] =	vst.idx.msk $0xffff, v11  }
0xb5: {  	v10 =	vld [tilespmem:$0x3D0]  }
0xb6: {  	v11 =	vld [tilespmem:$0x650];
	_ =	sdelay $0x3  }
0xb7: {  	[tilespmem:v2+s18+$0x0] =	vst.idx.msk $0xffff, v10  }
0xb8: {  	[tilespmem:v3+s18+$0x0] =	vst.idx.msk $0xffff, v11  }
0xb9: {  	v10 =	vld [tilespmem:$0x3E0]  }
0xba: {  	v11 =	vld [tilespmem:$0x660];
	_ =	sdelay $0x3  }
0xbb: {  	[tilespmem:v4+s18+$0x0] =	vst.idx.msk $0xffff, v10  }
0xbc: {  	[tilespmem:v5+s18+$0x0] =	vst.idx.msk $0xffff, v11  }
0xbd: {  	v10 =	vld [tilespmem:$0x3F0]  }
0xbe: {  	v11 =	vld [tilespmem:$0x670];
	_ =	sdelay $0x3  }
0xbf: {  	[tilespmem:v6+s18+$0x0] =	vst.idx.msk $0xffff, v10  }
0xc0: {  	[tilespmem:v7+s18+$0x0] =	vst.idx.msk $0xffff, v11  }
0xc1: {  	v10 =	vld [tilespmem:$0x400]  }
0xc2: {  	v11 =	vld [tilespmem:$0x680];
	_ =	sdelay $0x3  }
0xc3: {  	[tilespmem:v8+s18+$0x0] =	vst.idx.msk $0xffff, v10  }
0xc4: {  	[tilespmem:v9+s18+$0x0] =	vst.idx.msk $0xffff, v11  }
0xc5: {  	v10 =	vld [tilespmem:$0x410]  }
0xc6: {  	v11 =	vld [tilespmem:$0x690];
	_ =	sdelay $0x3  }
0xc7: {  	[tilespmem:v0+s19+$0x0] =	vst.idx.msk $0xffff, v10  }
0xc8: {  	[tilespmem:v1+s19+$0x0] =	vst.idx.msk $0xffff, v11  }
0xc9: {  	v10 =	vld [tilespmem:$0x420]  }
0xca: {  	v11 =	vld [tilespmem:$0x6A0];
	_ =	sdelay $0x3  }
0xcb: {  	[tilespmem:v2+s19+$0x0] =	vst.idx.msk $0xffff, v10  }
0xcc: {  	[tilespmem:v3+s19+$0x0] =	vst.idx.msk $0xffff, v11  }
0xcd: {  	v10 =	vld [tilespmem:$0x430]  }
0xce: {  	v11 =	vld [tilespmem:$0x6B0];
	_ =	sdelay $0x3  }
0xcf: {  	[tilespmem:v4+s19+$0x0] =	vst.idx.msk $0xffff, v10  }
0xd0: {  	[tilespmem:v5+s19+$0x0] =	vst.idx.msk $0xffff, v11  }
0xd1: {  	v10 =	vld [tilespmem:$0x440]  }
0xd2: {  	v11 =	vld [tilespmem:$0x6C0];
	_ =	sdelay $0x3  }
0xd3: {  	[tilespmem:v6+s19+$0x0] =	vst.idx.msk $0xffff, v10  }
0xd4: {  	[tilespmem:v7+s19+$0x0] =	vst.idx.msk $0xffff, v11  }
0xd5: {  	v10 =	vld [tilespmem:$0x450]  }
0xd6: {  	v11 =	vld [tilespmem:$0x6D0];
	_ =	sdelay $0x3  }
0xd7: {  	[tilespmem:v8+s19+$0x0] =	vst.idx.msk $0xffff, v10  }
0xd8: {  	[tilespmem:v9+s19+$0x0] =	vst.idx.msk $0xffff, v11  }
0xd9: {  	v10 =	vld [tilespmem:$0x460]  }
0xda: {  	v11 =	vld [tilespmem:$0x6E0];
	_ =	sdelay $0x3  }
0xdb: {  	[tilespmem:v0+s20+$0x0] =	vst.idx.msk $0xffff, v10  }
0xdc: {  	[tilespmem:v1+s20+$0x0] =	vst.idx.msk $0xffff, v11  }
0xdd: {  	v10 =	vld [tilespmem:$0x470]  }
0xde: {  	v11 =	vld [tilespmem:$0x6F0];
	_ =	sdelay $0x3  }
0xdf: {  	[tilespmem:v2+s20+$0x0] =	vst.idx.msk $0xffff, v10  }
0xe0: {  	[tilespmem:v3+s20+$0x0] =	vst.idx.msk $0xffff, v11  }
0xe1: {  	v10 =	vld [tilespmem:$0x480]  }
0xe2: {  	v11 =	vld [tilespmem:$0x700];
	_ =	sdelay $0x3  }
0xe3: {  	[tilespmem:v4+s20+$0x0] =	vst.idx.msk $0xffff, v10  }
0xe4: {  	[tilespmem:v5+s20+$0x0] =	vst.idx.msk $0xffff, v11  }
0xe5: {  	v10 =	vld [tilespmem:$0x490]  }
0xe6: {  	v11 =	vld [tilespmem:$0x710];
	_ =	sdelay $0x3  }
0xe7: {  	[tilespmem:v6+s20+$0x0] =	vst.idx.msk $0xffff, v10  }
0xe8: {  	[tilespmem:v7+s20+$0x0] =	vst.idx.msk $0xffff, v11  }
0xe9: {  	v10 =	vld [tilespmem:$0x4A0]  }
0xea: {  	v11 =	vld [tilespmem:$0x720];
	_ =	sdelay $0x3  }
0xeb: {  	[tilespmem:v8+s20+$0x0] =	vst.idx.msk $0xffff, v10  }
0xec: {  	[tilespmem:v9+s20+$0x0] =	vst.idx.msk $0xffff, v11  }
0xed: {  	v10 =	vld [tilespmem:$0x4B0]  }
0xee: {  	v11 =	vld [tilespmem:$0x730];
	_ =	sdelay $0x3  }
0xef: {  	[tilespmem:v0+s21+$0x0] =	vst.idx.msk $0xffff, v10  }
0xf0: {  	[tilespmem:v1+s21+$0x0] =	vst.idx.msk $0xffff, v11  }
0xf1: {  	v10 =	vld [tilespmem:$0x4C0]  }
0xf2: {  	v11 =	vld [tilespmem:$0x740];
	_ =	sdelay $0x3  }
0xf3: {  	[tilespmem:v2+s21+$0x0] =	vst.idx.msk $0xffff, v10  }
0xf4: {  	[tilespmem:v3+s21+$0x0] =	vst.idx.msk $0xffff, v11  }
0xf5: {  	v10 =	vld [tilespmem:$0x4D0]  }
0xf6: {  	v11 =	vld [tilespmem:$0x750];
	_ =	sdelay $0x3  }
0xf7: {  	[tilespmem:v4+s21+$0x0] =	vst.idx.msk $0xffff, v10  }
0xf8: {  	[tilespmem:v5+s21+$0x0] =	vst.idx.msk $0xffff, v11  }
0xf9: {  	v10 =	vld [tilespmem:$0x4E0]  }
0xfa: {  	v11 =	vld [tilespmem:$0x760];
	_ =	sdelay $0x3  }
0xfb: {  	[tilespmem:v6+s21+$0x0] =	vst.idx.msk $0xffff, v10  }
0xfc: {  	[tilespmem:v7+s21+$0x0] =	vst.idx.msk $0xffff, v11  }
0xfd: {  	v10 =	vld [tilespmem:$0x4F0]  }
0xfe: {  	v11 =	vld [tilespmem:$0x770];
	_ =	sdelay $0x3  }
0xff: {  	[tilespmem:v8+s21+$0x0] =	vst.idx.msk $0xffff, v10  }
0x100: {  	[tilespmem:v9+s21+$0x0] =	vst.idx.msk $0xffff, v11  }
0x101: {  	[spmem:s2] =	stream.indirect.scatter.add.f32 [tilespmem:s14], [sflag:$0x1], $0x8, s3, s25, $0xb8;
	[tilespmem:$0xDF80] =	vst v63  }
0x102: {  	_ = 	snop  }
0x103: {  	[spmem:s2] =	stream.indirect.scatter.add.f32 [tilespmem:s15], [sflag:$0x1], $0x8, s25, s25, $0xb8;
	[tilespmem:$0xDF80] =	vst v63  }
0x104: {  	_ = 	snop  }
0x105: {  	[spmem:s2] =	stream.indirect.scatter.add.f32 [tilespmem:s16], [sflag:$0x1], $0x8, s26, s25, $0xb8;
	[tilespmem:$0xDF80] =	vst v63  }
0x106: {  	_ = 	snop  }
0x107: {  	[spmem:s2] =	stream.indirect.scatter.add.f32 [tilespmem:s17], [sflag:$0x1], $0x8, s28, s25, $0xb8;
	[tilespmem:$0xDF80] =	vst v63  }
0x108: {  	_ = 	snop  }
0x109: {  	[spmem:s2] =	stream.indirect.scatter.add.f32 [tilespmem:s18], [sflag:$0x1], $0x8, s29, s25, $0xb8;
	[tilespmem:$0xDF80] =	vst v63  }
0x10a: {  	_ = 	snop  }
0x10b: {  	[spmem:s2] =	stream.indirect.scatter.add.f32 [tilespmem:s19], [sflag:$0x1], $0x8, s30, s25, $0xb8;
	[tilespmem:$0xDF80] =	vst v63  }
0x10c: {  	_ = 	snop  }
0x10d: {  	[spmem:s2] =	stream.indirect.scatter.add.f32 [tilespmem:s20], [sflag:$0x1], $0x8, s31, s25, $0xb8;
	[tilespmem:$0xDF80] =	vst v63  }
0x10e: {  	_ = 	snop  }
0x10f: {  	[spmem:s2] =	stream.indirect.scatter.add.f32 [tilespmem:s21], [sflag:$0x1], $0x8, s0, s25, $0xb8;
	[tilespmem:$0xDF80] =	vst v63  }
0x110: {  	_ =	swait.ge [sflag:s1], $0x280  }
0x111: {  	[sflag:s1] =	ssyncset.done $0x0  }
0x112: {  	[sflag:s1] =	ssyncadd.s32 $0xFFFFFD80  }
0x113: {  	_ =	swait.ge [sflag:s1], $0x280  }
0x114: {  	[sflag:s1] =	ssyncset.done $0x0  }
0x115: {  	[sflag:s1] =	ssyncadd.s32 $0xFFFFFD80  }
0x116: {  	_ =	swait.ge [sflag:s1], $0x280  }
0x117: {  	[sflag:s1] =	ssyncset.done $0x0  }
0x118: {  	[sflag:s1] =	ssyncadd.s32 $0xFFFFFD80  }
0x119: {  	_ =	swait.ge [sflag:s1], $0x280  }
0x11a: {  	[sflag:s1] =	ssyncset.done $0x0  }
0x11b: {  	[sflag:s1] =	ssyncadd.s32 $0xFFFFFD80  }
0x11c: {  	_ =	swait.ge [sflag:s1], $0x280  }
0x11d: {  	[sflag:s1] =	ssyncset.done $0x0  }
0x11e: {  	[sflag:s1] =	ssyncadd.s32 $0xFFFFFD80  }
0x11f: {  	_ =	swait.ge [sflag:s1], $0x280  }
0x120: {  	[sflag:s1] =	ssyncset.done $0x0  }
0x121: {  	[sflag:s1] =	ssyncadd.s32 $0xFFFFFD80  }
0x122: {  	_ =	swait.ge [sflag:s1], $0x280  }
.Ltmp5:
0x123: {  	[sflag:s1] =	ssyncset.done $0x0;
	(pc) =	sbr.rel .LBB2_4-.Ltmp5, $4  }
0x124: {  	[sflag:s1] =	ssyncadd.s32 $0xFFFFFD80  }
0x125: {  	_ =	swait.ge [sflag:s1], $0x280  }
0x126: {  	[sflag:s1] =	ssyncset.done $0x0  }
0x127: {  	[sflag:s1] =	ssyncadd.s32 $0xFFFFFD80  }
.LBB2_6:
0x128: {  	_ =	sfence.sel $0x180000  }
0x129: {  	[bflag:$0x0] =	sbarrier.arrive $0xFFFF  }
0x12a: {  	_ =	strace $0x90000050  }
0x12b: {  	s0 =	stileid.u32;
	[bflag:$0x2] =	sbarrier.arrive $0xFFFF  }
0x12c: {  	p0 =	sne.s32 s0, $0x0;
	s0 =	rddreg [dreg:$0x2]  }
0x12d: {  	s0 =	sadd.s32 @!p0 $0x100000, s0  }
0x12e: {  	[sflag:s0] =	ssyncadd.tile.s32 @!p0 $0x1;
	_ =	shalt  }
.Lfunc_end2:
_tile_overlayer_lowered:
.L_overlay_start_2:
0x12f: {  	(tag) =	ssettag $0x2  }
0x130: {  	s0 =	rddreg [dreg:$0x0];
	s2 =	stileid.u32  }
0x131: {  	s1 =	rddreg [dreg:$0x1];
	p0 =	sne.s32 s2, $0x0  }
0x132: {  	s3 =	rddreg [dreg:$0x2];
	[bflag:$0x3] =	sbarrier.arrive $0xFFFF;
	s2 =	simm.s32 @!p0 $0x1C02  }
0x133: {  	[timem:s3], [sflag:s2] =	dma.local @!p0 [hbm:s0], s1  }
0x134: {  	s0 =	simm.s32 @!p0 $0x2  }
0x135: {  	_ =	swait.ge @!p0 [sflag:s0], s1  }
0x136: {  	s1 =	ssub.s32 @!p0 $0x0, s1;
	[sflag:s0] =	ssyncset.done @!p0 $0x0  }
0x137: {  	[sflag:s0] =	ssyncadd.s32 @!p0 s1  }
0x138: {  	[bflag:$0x3] =	sbarrier.arrive $0xFFFF  }
0x139: {  	_ =	shalt  }

// kernel: kernel.18.cloned.1.call-start
scs
__scs_entry_jumppad:
0x0: {  	(pc) =	sbr.rel $0x88, $3  }
0x1: {  	(tag) =	ssettag $0x0;
	lr =	simm.s32 $0x1  }
0x2: {  	[smem:$0x3F95] =	sst lr;
	_ =	strace $0xD0000000  }
0x3: {  	_ = 	snop  }
0x4: {  	_ = 	snop  }
0x5: {  	_ = 	snop  }
0x6: {  	_ = 	snop  }
0x7: {  	_ = 	snop  }
__scs_overlays_trampoline_lowered:
0x8: {  	[smem:$0x3FA4] =	sst s0  }
0x9: {  	[smem:$0x3FA5] =	sst s1  }
0xa: {  	[smem:$0x3FA6] =	sst s2  }
0xb: {  	[smem:$0x3FA7] =	sst s3  }
0xc: {  	[smem:$0x3FA8] =	sst s4  }
0xd: {  	[smem:$0x3FA9] =	sst s5  }
0xe: {  	[smem:$0x3FAA] =	sst s6  }
0xf: {  	[smem:$0x3FAB] =	sst s7  }
0x10: {  	[smem:$0x3FAC] =	sst s8  }
0x11: {  	[smem:$0x3FAD] =	sst s9;
	s0 =	simm.s32 @!p0 $0x0  }
0x12: {  	s1 =	sld [smem:$0x3F93];
	s0 =	simm.s32 @p0 $0x1  }
0x13: {  	[smem:$0x3FAE] =	sst s0;
	s0 =	simm.s32 @!p1 $0x0  }
0x14: {  	s2 =	sld [smem:$0x3F92];
	s0 =	simm.s32 @p1 $0x1  }
0x15: {  	[smem:$0x3FAF] =	sst s0;
	s0 =	simm.s32 @!p2 $0x0  }
0x16: {  	s3 =	sld [smem:$0x3FDB];
	s0 =	simm.s32 @p2 $0x1  }
0x17: {  	s4 =	simm.s32 $0x1BF5;
	[smem:$0x3FB1] =	sst s0  }
0x18: {  	s0 =	sld [smem:$0x3F94];
	_ =	swait.ge [sflag:s4], $0x0  }
0x19: {  	s7 =	sld [smem:$0x3F95]  }
0x1a: {  	s8 =	sadd.s32 $0xFFFFE003, lr  }
0x1b: {  	s9 =	sadd.s32 $0xFFFFFEF7, lr;
	s5 =	simm.s32 $0xFFFFFFFF;
	p2 =	slt.u32 s8, $0xFFFFF086  }
0x1c: {  	p1 =	slt.u32 s9, $0xF7A;
	s5 =	simm.s32 @!p2 $0x0  }
0x1d: {  	s5 =	simm.s32 @p1 $0x1;
	p0 =	seq.s32 s7, s2  }
0x1e: {  	s7 =	smul.u32 @!p0 $0xF7A, s2;
	p2 =	seq.s32 @!p0 s5, $0x0  }
0x1f: {  	s9 =	smul.u32 $0xF7A, s1;
	s8 =	simm.s32 @!p0 $0x1BF5;
	p2 =	por !p2, p0  }
0x20: {  	[sflag:s8] =	ssyncset.s32 @!p0 $0xFFFFF086;
	s6 =	sadd.s32 @!p0 s3, s7;
	s7 =	simm.s32 @!p0 $0x108  }
0x21: {  	s3 =	sadd.s32 s3, s9;
	s6 =	sadd.s32 @!p0 $0x88, s6;
	s7 =	simm.s32 @p2 $0x1082  }
0x22: {  	[simem:s7], [sflag:s8] =	dma.local @!p0 [hbm:s6], $0xF7A  }
0x23: {  	s9 =	sor.u32 $0xD0000000, s2;
	s6 =	simm.s32 $0x108;
	_ =	swait.ge @!p0 [sflag:s8], $0x0  }
0x24: {  	s3 =	sadd.s32 $0x88, s3;
	s6 =	simm.s32 @!p1 $0x1082;
	[sflag:s4] =	ssyncset.s32 $0xFFFFF086  }
0x25: {  	[simem:s6], [sflag:s4] =	dma.local [hbm:s3], $0xF7A  }
0x26: {  	[smem:$0x3F95] =	sst s1;
	(tag) =	ssettag s2;
	_ =	strace s9  }
0x27: {  	s1 =	sld [smem:$0x3FA5]  }
0x28: {  	s2 =	sld [smem:$0x3FA6]  }
0x29: {  	s4 =	sld [smem:$0x3FA8]  }
0x2a: {  	p0 =	seq.s32 s5, $0x0;
	s5 =	sld [smem:$0x3FA9]  }
0x2b: {  	s6 =	sld [smem:$0x3FAA]  }
0x2c: {  	s7 =	sld [smem:$0x3FAB]  }
0x2d: {  	s3 =	simm.s32 $0x108;
	s8 =	sld [smem:$0x3FAC]  }
0x2e: {  	s3 =	simm.s32 @!p0 $0x1082;
	s9 =	sld [smem:$0x3FAD]  }
0x2f: {  	lr =	sadd.s32 s0, s3;
	s0 =	sld [smem:$0x3FA4]  }
0x30: {  	s3 =	sld [smem:$0x3FA7]  }
0x31: {  	[smem:$0x3FB0] =	sst s10  }
0x32: {  	s10 =	sld [smem:$0x3FAE];
	_ =	sdelay $0x3  }
0x33: {  	p0 =	seq.s32 s10, $0x1;
	s10 =	sld [smem:$0x3FB0];
	_ =	sdelay $0x3  }
0x34: {  	[smem:$0x3FB0] =	sst s10  }
0x35: {  	s10 =	sld [smem:$0x3FAF];
	_ =	sdelay $0x3  }
0x36: {  	p1 =	seq.s32 s10, $0x1;
	s10 =	sld [smem:$0x3FB0];
	_ =	sdelay $0x3  }
0x37: {  	[smem:$0x3FB0] =	sst s10  }
0x38: {  	s10 =	sld [smem:$0x3FB1]  }
0x39: {  	_ = 	snop;
	(pc) =	sbr.ind lr, $3  }
0x3a: {  	_ = 	snop  }
0x3b: {  	_ = 	snop  }
0x3c: {  	p2 =	seq.s32 s10, $0x1;
	s10 =	sld [smem:$0x3FB0]  }
0x3d: {  	_ =	shalt  }
0x3e: {  	_ =	shalt  }
0x3f: {  	_ =	shalt  }
0x40: {  	_ =	shalt  }
0x41: {  	_ =	shalt  }
0x42: {  	_ =	shalt  }
0x43: {  	_ =	shalt  }
0x44: {  	_ =	shalt  }
0x45: {  	_ =	shalt  }
0x46: {  	_ =	shalt  }
0x47: {  	_ =	shalt  }
0x48: {  	_ =	shalt  }
0x49: {  	_ =	shalt  }
0x4a: {  	_ =	shalt  }
0x4b: {  	_ =	shalt  }
0x4c: {  	_ =	shalt  }
0x4d: {  	_ =	shalt  }
0x4e: {  	_ =	shalt  }
0x4f: {  	_ =	shalt  }
0x50: {  	_ =	shalt  }
0x51: {  	_ =	shalt  }
0x52: {  	_ =	shalt  }
0x53: {  	_ =	shalt  }
0x54: {  	_ =	shalt  }
0x55: {  	_ =	shalt  }
0x56: {  	_ =	shalt  }
0x57: {  	_ =	shalt  }
0x58: {  	_ =	shalt  }
0x59: {  	_ =	shalt  }
0x5a: {  	_ =	shalt  }
0x5b: {  	_ =	shalt  }
0x5c: {  	_ =	shalt  }
0x5d: {  	_ =	shalt  }
0x5e: {  	_ =	shalt  }
0x5f: {  	_ =	shalt  }
0x60: {  	_ =	shalt  }
0x61: {  	_ =	shalt  }
0x62: {  	_ =	shalt  }
0x63: {  	_ =	shalt  }
0x64: {  	_ =	shalt  }
0x65: {  	_ =	shalt  }
0x66: {  	_ =	shalt  }
0x67: {  	_ =	shalt  }
0x68: {  	_ =	shalt  }
0x69: {  	_ =	shalt  }
0x6a: {  	_ =	shalt  }
0x6b: {  	_ =	shalt  }
0x6c: {  	_ =	shalt  }
0x6d: {  	_ =	shalt  }
0x6e: {  	_ =	shalt  }
0x6f: {  	_ =	shalt  }
0x70: {  	_ =	shalt  }
0x71: {  	_ =	shalt  }
0x72: {  	_ =	shalt  }
0x73: {  	_ =	shalt  }
0x74: {  	_ =	shalt  }
0x75: {  	_ =	shalt  }
0x76: {  	_ =	shalt  }
0x77: {  	_ =	shalt  }
0x78: {  	_ =	shalt  }
0x79: {  	_ =	shalt  }
0x7a: {  	_ =	shalt  }
0x7b: {  	_ =	shalt  }
0x7c: {  	_ =	shalt  }
0x7d: {  	_ =	shalt  }
0x7e: {  	_ =	shalt  }
0x7f: {  	_ =	shalt  }
0x80: {  	_ =	shalt  }
0x81: {  	_ =	shalt  }
0x82: {  	_ =	shalt  }
0x83: {  	_ =	shalt  }
0x84: {  	_ =	shalt  }
0x85: {  	_ =	shalt  }
0x86: {  	_ =	shalt  }
0x87: {  	_ =	shalt  }
.Lfunc_end0:
.L_simem_size_0:
called_computation.3_lowered:
.L_overlay_start_0:
0x88: {  	s2 =	sld [smem:$0x3FD9]  }
0x89: {  	s3 =	sld [smem:$0x3FFE];
	_ =	sdelay $0x1  }
0x8a: {  	s1 =	srdreg.scid  }
0x8b: {  	s0 =	sand.u32 $0x1, s1  }
0x8c: {  	s17 =	sshll.u32 s0, $0xA;
	s2 =	sadd.s32 s3, s2  }
0x8d: {  	s2 =	sadd.s32 s2, s17  }
0x8e: {  	[smem:$0x3FBC] =	sst s2  }
0x8f: {  	_ = 	snop  }
0x90: {  	(tm) =	ssettm $0x1  }
0x91: {  	s18 =	sld [smem:$0x3FFB];
	_ =	sdelay $0x3  }
0x92: {  	_ =	strace s18  }
0x93: {  	s2 =	sld [smem:$0x3FFC];
	_ =	sdelay $0x3  }
0x94: {  	_ =	strace s2  }
0x95: {  	s2 =	sld [smem:$0x3FFD];
	_ =	sdelay $0x3  }
0x96: {  	_ =	strace s2  }
0x97: {  	_ =	strace $0x8FFFFFFF  }
0x98: {  	s19 =	sld [smem:$0x3FDB];
	_ =	sdelay $0x1  }
0x99: {  	s20 =	simm.s32 $_scs_section_size  }
0x9a: {  	s4 =	simm.s32 $_size__tile_overlayer_lowered;
	s5 =	simm.s32 $_tile_overlayer_lowered  }
0x9b: {  	s6 =	simm.s32 $0x1BFF;
	s21 =	sshll.u32 s5, $0x1;
	s3 =	sadd.s32 s20, s19  }
0x9c: {  	s22 =	simm.s32 $0x0;
	s4 =	sshll.u32 s4, $0x1;
	s5 =	sadd.s32 s21, s3  }
0x9d: {  	[timem:s22], [sflag:s6] =	dma.local [hbm:s5], s4  }
0x9e: {  	_ =	swait.ge [sflag:s6], s4  }
0x9f: {  	s4 =	ssub.s32 $0x0, s4;
	[sflag:s6] =	ssyncset.done $0x0  }
0xa0: {  	[sflag:s6] =	ssyncadd.s32 s4;
	_ =	sdelay $0x1  }
0xa1: {  	s23 =	simm.s32 $0x1B8B  }
0xa2: {  	_ =	swait.ge [sflag:s23], $0x1  }
0xa3: {  	[sflag:s23] =	ssyncset.done $0x0  }
0xa4: {  	[sflag:s23] =	ssyncadd.s32 $0xFFFFFFFF  }
0xa5: {  	s4 =	sld [smem:$0x0]  }
0xa6: {  	s5 =	sand.u32 $0xFFFFFFFE, s1  }
0xa7: {  	p0 =	sne.s32 s1, s5  }
0xa8: {  	s5 =	sshll.u32 @p0 s5, $0xE  }
0xa9: {  	s5 =	sadd.s32 @p0 $0x11B8D, s5;
	s6 =	sshll.u32 @p0 s4, $0x11  }
0xaa: {  	s5 =	sor.u32 @p0 s6, s5  }
0xab: {  	[sflag:s5] =	ssyncadd.remote.s32 @p0 $0x1;
	_ =	sdelay $0x1  }
0xac: {  	s5 =	simm.s32 @p0 $0x1B8D  }
0xad: {  	_ =	swait.eq @p0 [sflag:s5], $0x1  }
0xae: {  	[sflag:s5] =	ssyncadd.s32 @p0 $0xFFFFFFFF  }
0xaf: {  	s6 =	sshll.u32 @!p0 s1, $0xE  }
0xb0: {  	s6 =	sor.u32 @!p0 $0x4000, s6;
	s5 =	simm.s32 @!p0 $0x1B8D  }
0xb1: {  	s4 =	sshll.u32 @!p0 s4, $0x11;
	s6 =	sadd.s32 @!p0 $0x11B8D, s6;
	_ =	swait.eq @!p0 [sflag:s5], $0x1  }
0xb2: {  	s4 =	sor.u32 @!p0 s4, s6;
	[sflag:s5] =	ssyncadd.s32 @!p0 $0xFFFFFFFF  }
0xb3: {  	s25 =	simm.s32 $0x1B8E;
	s24 =	sld [smem:$0x3FFE];
	[sflag:s4] =	ssyncadd.remote.s32 @!p0 $0x1  }
0xb4: {  	s26 =	simm.s32 $execute0_lowered;
	[smem:$0x3FD2] =	sst s25  }
0xb5: {  	s5 =	sshll.u32 s26, $0x1;
	_ =	strace $0x8000004C;
	[dreg:$0x1] =	wrdreg $0xFFFFFFFF  }
0xb6: {  	s28 =	simm.s32 $_size_execute0_lowered;
	s3 =	sadd.s32 s3, s5;
	[dreg:$0x0] =	wrdreg $0x0  }
0xb7: {  	s5 =	sshll.u32 s28, $0x1;
	[dreg:$0x2] =	wrdreg s3  }
0xb8: {  	[dreg:$0x3] =	wrdreg s5  }
0xb9: {  	[dreg:$0x4] =	wrdreg $0xC0  }
0xba: {  	_ =	task [dreg:s22], $0x5FFFF  }
0xbb: {  	[dreg:$0x1] =	wrdreg $0xFFFFFFFF  }
0xbc: {  	[dreg:$0x0] =	wrdreg $0x60  }
0xbd: {  	[dreg:$0x2] =	wrdreg s24  }
0xbe: {  	[dreg:$0x3] =	wrdreg $0x7D800  }
0xbf: {  	[dreg:$0x4] =	wrdreg $0xA  }
0xc0: {  	_ =	task.clear_ibuf [dreg:s22], $0x5FFFF;
	_ =	strace $0x9000004C  }
0xc1: {  	s29 =	simm.s32 $0xA;
	_ =	strace $0x8000004E  }
0xc2: {  	_ =	swait.ge [sflag:s29], $0x1  }
0xc3: {  	[sflag:s29] =	ssyncadd.s32 $0xFFFFFFFF  }
0xc4: {  	_ =	strace $0x9000004E  }
0xc5: {  	_ =	sfence  }
0xc6: {  	s30 =	sld [smem:$0x0];
	_ =	sdelay $0x2  }
0xc7: {  	s31 =	sshll.u32 s1, $0xD;
	s1 =	sshrl.u32 s1, $0x2  }
0xc8: {  	s4 =	sand.u32 $0x4000, s31;
	s1 =	sadd.s32 s1, s30  }
0xc9: {  	s0 =	sor.u32 s4, s0;
	s1 =	sshll.u32 s1, $0x11  }
0xca: {  	s0 =	sor.u32 s1, s0  }
0xcb: {  	s0 =	sadd.s32 $0x8F2B, s0  }
0xcc: {  	[sflag:s0] =	ssyncadd.remote.s32 $0x1  }
0xcd: {  	_ =	sfence.sel $0xFFFF  }
0xce: {  	[dreg:$0x0] =	wrdreg $0xFFFFFFFF;
	(pc) =	sbr.abs _section_cstart, $3  }
0xcf: {  	[dreg:$0x1] =	wrdreg $0xFFFFFFFF  }
0xd0: {  	_ =	task.clear_ibuf [dreg:s22], $0x2FFFF;
	_ =	strace $0x9FFFFFFF  }
0xd1: {  	(tm) =	ssettm $0x7FFFFFFF  }
tec
execute0_lowered:
.L_overlay_start_1:
0x0: {  	(tag) =	ssettag $0x1  }
0x1: {  	s0 =	rddreg [dreg:$0x0]  }
0x2: {  	s2 =	rddreg [dreg:$0x1];
	s9 =	stileid.u32;
	s3 =	simm.s32 $0x0  }
0x3: {  	s4 =	srdreg.scid;
	s12 =	simm.s32 $0x1B80;
	s13 =	simm.s32 $0x2  }
0x4: {  	s14 =	simm.s32 $0x780;
	s15 =	simm.s32 $0xA00;
	s16 =	simm.s32 $0xC80  }
0x5: {  	s17 =	simm.s32 $0xF00;
	s18 =	simm.s32 $0x1180;
	s19 =	simm.s32 $0x1400  }
0x6: {  	s20 =	simm.s32 $0x1680;
	s21 =	simm.s32 $0x1900;
	s22 =	simm.s32 $0x280  }
0x7: {  	s28 =	simm.s32 $0xF0;
	s29 =	simm.s32 $0x140;
	s30 =	simm.s32 $0x190  }
0x8: {  	s31 =	simm.s32 $0x1E0;
	s1 =	smul.u32 $0xA0, s9;
	[smem:$0x7FF] =	sst s3  }
0x9: {  	s5 =	sand.u32 $0x1, s4;
	s4 =	sadd.s32 $0x2A00, s0;
	s8 =	smul.u32 $0x6200, s9  }
0xa: {  	s24 =	sshll.u32 s9, $0x1;
	_ =	strace $0x8000004D;
	s6 =	smul.u32 $0xC400, s5  }
0xb: {  	s7 =	ssub.s32 $0x2, s5;
	s5 =	smul.u32 $0x50, s5;
	[dreg:$0x3] =	wrdreg s24  }
0xc: {  	s1 =	sadd.s32 s1, s0;
	s23 =	sshrl.u32 s7, $0x1;
	s24 =	sshrl.u32 s8, $0x3  }
0xd: {  	s0 =	sadd.s32 s6, s0;
	s6 =	ssub.s32 s7, s23;
	s25 =	sadd.s32 s4, s24  }
0xe: {  	v0 =	vlaneseq.u32;
	s7 =	sadd.s32 s8, s2;
	s1 =	sadd.s32 s5, s1;
	s23 =	simm.s32 $0x500  }
.Ltmp0:
0xf: {  	v0 =	vmul.u32 $0x8, v0;
	[dreg:$0x4] =	wrdreg s25;
	s0 =	sadd.s32 $0xEE00, s0;
	(pc) =	sbr.rel .LBB2_1-.Ltmp0, $4  }
0x10: {  	s26 =	smax.u32 s6, $0x1;
	s9 =	sadd.s32 $0xE1200, s1;
	s10 =	sadd.s32 $0x69A00, s1  }
0x11: {  	v1 =	vor.u32 $0x1, v0;
	v2 =	vor.u32 $0x80, v0;
	v3 =	vor.u32 $0x81, v0;
	s11 =	sadd.s32 $0x50200, s1;
	s25 =	simm.s32 $0x50;
	s1 =	simm.s32 $0x1  }
0x12: {  	v4 =	vor.u32 $0x100, v0;
	v5 =	vor.u32 $0x101, v0;
	v6 =	vor.u32 $0x180, v0;
	s6 =	simm.s32 $0x0;
	[dreg:$0x5] =	wrdreg s26;
	s0 =	sadd.s32 s24, s0  }
0x13: {  	v7 =	vor.u32 $0x181, v0;
	v8 =	vor.u32 $0x200, v0;
	v9 =	vor.u32 $0x201, v0;
	s26 =	simm.s32 $0xA0;
	[dreg:$0x6] =	wrdreg s0;
	s0 =	simm.s32 $0x230  }
.LBB2_5:
0x14: {  	[bflag:$0x0] =	sbarrier.arrive $0xFFFF  }
0x15: {  	[tilespmem:s12], [sflag:$0x2] =	stream.linear.gather [spmem:s7], $0x6200, $0x38;
	[tilespmem:$0xDF80] =	vst v63  }
0x16: {  	_ =	swait.ge [sflag:s13], $0x6200  }
0x17: {  	[sflag:s13] =	ssyncset.done $0x0  }
0x18: {  	s5 =	rddreg [dreg:$0x6];
	[sflag:s13] =	ssyncadd.s32 $0xFFFF9E00  }
0x19: {  	[hbm4b:s5+s3] =	stream.linear.scatter [tilespmem:s12], [sflag:$0x2], $0x6200, $0x38;
	[tilespmem:$0xDF80] =	vst v63  }
0x1a: {  	_ =	swait.ge [sflag:s13], $0x6200  }
0x1b: {  	s6 =	sadd.s32 $0x1, s6;
	s24 =	rddreg [dreg:$0x5]  }
0x1c: {  	p0 =	sne.s32 s6, s24  }
.Ltmp1:
0x1d: {  	_ = 	snop;
	(pc) =	sbr.rel @!p0 .LBB2_6-.Ltmp1, $3  }
0x1e: {  	_ =	sdelay $0x1  }
0x1f: {  	[sflag:s13] =	ssyncset.done $0x0  }
0x20: {  	[sflag:s13] =	ssyncadd.s32 $0xFFFF9E00  }
.LBB2_1:
0x21: {  	s5 =	rddreg [dreg:$0x4]  }
0x22: {  	[tilespmem:s12], [sflag:$0x2] =	stream.linear.gather [hbm4b:s5+s3], $0x6200, $0x38;
	[tilespmem:$0xDF80] =	vst v63  }
0x23: {  	_ =	swait.ge [sflag:s13], $0x6200  }
0x24: {  	[sflag:s13] =	ssyncset.done $0x0  }
0x25: {  	[sflag:s13] =	ssyncadd.s32 $0xFFFF9E00  }
0x26: {  	[spmem:s7] =	stream.linear.scatter [tilespmem:s12], [sflag:$0x2], $0x6200, $0x38;
	[tilespmem:$0xDF80] =	vst v63  }
0x27: {  	_ =	swait.ge [sflag:s13], $0x6200  }
0x28: {  	[sflag:s13] =	ssyncset.done $0x0  }
0x29: {  	[sflag:s13] =	ssyncadd.s32 $0xFFFF9E00  }
0x2a: {  	[tilespmem:s14], [sflag:$0x2] =	stream.linear.gather [hbm4b:s4+s3], $0x280, $0x38;
	[tilespmem:$0xDF80] =	vst v63  }
0x2b: {  	_ =	swait.ge [sflag:s13], $0x280  }
0x2c: {  	[sflag:s13] =	ssyncset.done $0x0  }
0x2d: {  	[sflag:s13] =	ssyncadd.s32 $0xFFFFFD80  }
0x2e: {  	[tilespmem:s15], [sflag:$0x2] =	stream.linear.gather [hbm4b:s4+s3], $0x280, $0x38;
	[tilespmem:$0xDF80] =	vst v63  }
0x2f: {  	_ =	swait.ge [sflag:s13], $0x280  }
0x30: {  	[sflag:s13] =	ssyncset.done $0x0  }
0x31: {  	[sflag:s13] =	ssyncadd.s32 $0xFFFFFD80  }
0x32: {  	[tilespmem:s16], [sflag:$0x2] =	stream.linear.gather [hbm4b:s4+s3], $0x280, $0x38;
	[tilespmem:$0xDF80] =	vst v63  }
0x33: {  	_ =	swait.ge [sflag:s13], $0x280  }
0x34: {  	[sflag:s13] =	ssyncset.done $0x0  }
0x35: {  	[sflag:s13] =	ssyncadd.s32 $0xFFFFFD80  }
0x36: {  	[tilespmem:s17], [sflag:$0x2] =	stream.linear.gather [hbm4b:s4+s3], $0x280, $0x38;
	[tilespmem:$0xDF80] =	vst v63  }
0x37: {  	_ =	swait.ge [sflag:s13], $0x280  }
0x38: {  	[sflag:s13] =	ssyncset.done $0x0  }
0x39: {  	[sflag:s13] =	ssyncadd.s32 $0xFFFFFD80  }
0x3a: {  	[tilespmem:s18], [sflag:$0x2] =	stream.linear.gather [hbm4b:s4+s3], $0x280, $0x38;
	[tilespmem:$0xDF80] =	vst v63  }
0x3b: {  	_ =	swait.ge [sflag:s13], $0x280  }
0x3c: {  	[sflag:s13] =	ssyncset.done $0x0  }
0x3d: {  	[sflag:s13] =	ssyncadd.s32 $0xFFFFFD80  }
0x3e: {  	[tilespmem:s19], [sflag:$0x2] =	stream.linear.gather [hbm4b:s4+s3], $0x280, $0x38;
	[tilespmem:$0xDF80] =	vst v63  }
0x3f: {  	_ =	swait.ge [sflag:s13], $0x280  }
0x40: {  	[sflag:s13] =	ssyncset.done $0x0  }
0x41: {  	[sflag:s13] =	ssyncadd.s32 $0xFFFFFD80  }
0x42: {  	[tilespmem:s20], [sflag:$0x2] =	stream.linear.gather [hbm4b:s4+s3], $0x280, $0x38;
	[tilespmem:$0xDF80] =	vst v63  }
0x43: {  	_ =	swait.ge [sflag:s13], $0x280  }
0x44: {  	[sflag:s13] =	ssyncset.done $0x0  }
0x45: {  	[sflag:s13] =	ssyncadd.s32 $0xFFFFFD80  }
0x46: {  	[tilespmem:s21], [sflag:$0x2] =	stream.linear.gather [hbm4b:s4+s3], $0x280, $0x38;
	[tilespmem:$0xDF80] =	vst v63  }
.Ltmp2:
0x47: {  	_ =	swait.ge [sflag:s13], $0x280;
	(pc) =	sbr.rel .LBB2_2-.Ltmp2, $4  }
0x48: {  	[sflag:s13] =	ssyncset.done $0x0  }
0x49: {  	[sflag:s13] =	ssyncadd.s32 $0xFFFFFD80  }
0x4a: {  	[bflag:$0x0] =	sbarrier.arrive $0xFFFF  }
0x4b: {  	s8 =	simm.s32 $0x0;
	s5 =	rddreg [dreg:$0x3]  }
.LBB2_4:
0x4c: {  	s8 =	sadd.s32 $0xA00, s8  }
0x4d: {  	p0 =	sne.s32 s8, $0x19A00  }
.Ltmp3:
0x4e: {  	_ = 	snop;
	(pc) =	sbr.rel @!p0 .LBB2_5-.Ltmp3, $2  }
0x4f: {  	_ =	sdelay $0x2  }
0x50: {  	s5 =	sadd.s32 $0x20, s5  }
.LBB2_2:
0x51: {  	p0 =	sgt.u32 s5, $0x513  }
.Ltmp4:
0x52: {  	_ = 	snop;
	(pc) =	sbr.rel @p0 .LBB2_4-.Ltmp4, $1  }
0x53: {  	_ =	sdelay $0x3  }
0x54: {  	s24 =	sadd.s32 s8, s9  }
0x55: {  	[tilespmem:s3], [sflag:$0x2] =	stream.linear.gather [hbm4b:s24+s3], $0x280, $0x38;
	[tilespmem:$0xDF80] =	vst v63  }
0x56: {  	_ =	swait.ge [sflag:s13], $0x280  }
0x57: {  	[sflag:s13] =	ssyncset.done $0x0  }
0x58: {  	s24 =	sadd.s32 s8, s10;
	[sflag:s13] =	ssyncadd.s32 $0xFFFFFD80  }
0x59: {  	[tilespmem:s22], [sflag:$0x2] =	stream.linear.gather [hbm4b:s24+s3], $0x280, $0x38;
	[tilespmem:$0xDF80] =	vst v63  }
0x5a: {  	_ =	swait.ge [sflag:s13], $0x280  }
0x5b: {  	[sflag:s13] =	ssyncset.done $0x0  }
0x5c: {  	s24 =	sadd.s32 s8, s11;
	[sflag:s13] =	ssyncadd.s32 $0xFFFFFD80  }
0x5d: {  	[tilespmem:s23], [sflag:$0x2] =	stream.linear.gather [hbm4b:s24+s3], $0x280, $0x38;
	[tilespmem:$0xDF80] =	vst v63  }
0x5e: {  	_ =	swait.ge [sflag:s13], $0x280  }
0x5f: {  	[sflag:s13] =	ssyncset.done $0x0  }
0x60: {  	[sflag:s13] =	ssyncadd.s32 $0xFFFFFD80  }
0x61: {  	v10 =	vld [tilespmem:$0x280]  }
0x62: {  	v11 =	vld [tilespmem:$0x500];
	_ =	sdelay $0x3  }
0x63: {  	[tilespmem:v0+s14+$0x0] =	vst.idx.msk $0xffff, v10  }
0x64: {  	[tilespmem:v1+s14+$0x0] =	vst.idx.msk $0xffff, v11  }
0x65: {  	v10 =	vld [tilespmem:$0x290]  }
0x66: {  	v11 =	vld [tilespmem:$0x510];
	_ =	sdelay $0x3  }
0x67: {  	[tilespmem:v2+s14+$0x0] =	vst.idx.msk $0xffff, v10  }
0x68: {  	[tilespmem:v3+s14+$0x0] =	vst.idx.msk $0xffff, v11  }
0x69: {  	v10 =	vld [tilespmem:$0x2A0]  }
0x6a: {  	v11 =	vld [tilespmem:$0x520];
	_ =	sdelay $0x3  }
0x6b: {  	[tilespmem:v4+s14+$0x0] =	vst.idx.msk $0xffff, v10  }
0x6c: {  	[tilespmem:v5+s14+$0x0] =	vst.idx.msk $0xffff, v11  }
0x6d: {  	v10 =	vld [tilespmem:$0x2B0]  }
0x6e: {  	v11 =	vld [tilespmem:$0x530];
	_ =	sdelay $0x3  }
0x6f: {  	[tilespmem:v6+s14+$0x0] =	vst.idx.msk $0xffff, v10  }
0x70: {  	[tilespmem:v7+s14+$0x0] =	vst.idx.msk $0xffff, v11  }
0x71: {  	v10 =	vld [tilespmem:$0x2C0]  }
0x72: {  	v11 =	vld [tilespmem:$0x540];
	_ =	sdelay $0x3  }
0x73: {  	[tilespmem:v8+s14+$0x0] =	vst.idx.msk $0xffff, v10  }
0x74: {  	[tilespmem:v9+s14+$0x0] =	vst.idx.msk $0xffff, v11  }
0x75: {  	v10 =	vld [tilespmem:$0x2D0]  }
0x76: {  	v11 =	vld [tilespmem:$0x550];
	_ =	sdelay $0x3  }
0x77: {  	[tilespmem:v0+s15+$0x0] =	vst.idx.msk $0xffff, v10  }
0x78: {  	[tilespmem:v1+s15+$0x0] =	vst.idx.msk $0xffff, v11  }
0x79: {  	v10 =	vld [tilespmem:$0x2E0]  }
0x7a: {  	v11 =	vld [tilespmem:$0x560];
	_ =	sdelay $0x3  }
0x7b: {  	[tilespmem:v2+s15+$0x0] =	vst.idx.msk $0xffff, v10  }
0x7c: {  	[tilespmem:v3+s15+$0x0] =	vst.idx.msk $0xffff, v11  }
0x7d: {  	v10 =	vld [tilespmem:$0x2F0]  }
0x7e: {  	v11 =	vld [tilespmem:$0x570];
	_ =	sdelay $0x3  }
0x7f: {  	[tilespmem:v4+s15+$0x0] =	vst.idx.msk $0xffff, v10  }
0x80: {  	[tilespmem:v5+s15+$0x0] =	vst.idx.msk $0xffff, v11  }
0x81: {  	v10 =	vld [tilespmem:$0x300]  }
0x82: {  	v11 =	vld [tilespmem:$0x580];
	_ =	sdelay $0x3  }
0x83: {  	[tilespmem:v6+s15+$0x0] =	vst.idx.msk $0xffff, v10  }
0x84: {  	[tilespmem:v7+s15+$0x0] =	vst.idx.msk $0xffff, v11  }
0x85: {  	v10 =	vld [tilespmem:$0x310]  }
0x86: {  	v11 =	vld [tilespmem:$0x590];
	_ =	sdelay $0x3  }
0x87: {  	[tilespmem:v8+s15+$0x0] =	vst.idx.msk $0xffff, v10  }
0x88: {  	[tilespmem:v9+s15+$0x0] =	vst.idx.msk $0xffff, v11  }
0x89: {  	v10 =	vld [tilespmem:$0x320]  }
0x8a: {  	v11 =	vld [tilespmem:$0x5A0];
	_ =	sdelay $0x3  }
0x8b: {  	[tilespmem:v0+s16+$0x0] =	vst.idx.msk $0xffff, v10  }
0x8c: {  	[tilespmem:v1+s16+$0x0] =	vst.idx.msk $0xffff, v11  }
0x8d: {  	v10 =	vld [tilespmem:$0x330]  }
0x8e: {  	v11 =	vld [tilespmem:$0x5B0];
	_ =	sdelay $0x3  }
0x8f: {  	[tilespmem:v2+s16+$0x0] =	vst.idx.msk $0xffff, v10  }
0x90: {  	[tilespmem:v3+s16+$0x0] =	vst.idx.msk $0xffff, v11  }
0x91: {  	v10 =	vld [tilespmem:$0x340]  }
0x92: {  	v11 =	vld [tilespmem:$0x5C0];
	_ =	sdelay $0x3  }
0x93: {  	[tilespmem:v4+s16+$0x0] =	vst.idx.msk $0xffff, v10  }
0x94: {  	[tilespmem:v5+s16+$0x0] =	vst.idx.msk $0xffff, v11  }
0x95: {  	v10 =	vld [tilespmem:$0x350]  }
0x96: {  	v11 =	vld [tilespmem:$0x5D0];
	_ =	sdelay $0x3  }
0x97: {  	[tilespmem:v6+s16+$0x0] =	vst.idx.msk $0xffff, v10  }
0x98: {  	[tilespmem:v7+s16+$0x0] =	vst.idx.msk $0xffff, v11  }
0x99: {  	v10 =	vld [tilespmem:$0x360]  }
0x9a: {  	v11 =	vld [tilespmem:$0x5E0];
	_ =	sdelay $0x3  }
0x9b: {  	[tilespmem:v8+s16+$0x0] =	vst.idx.msk $0xffff, v10  }
0x9c: {  	[tilespmem:v9+s16+$0x0] =	vst.idx.msk $0xffff, v11  }
0x9d: {  	v10 =	vld [tilespmem:$0x370]  }
0x9e: {  	v11 =	vld [tilespmem:$0x5F0];
	_ =	sdelay $0x3  }
0x9f: {  	[tilespmem:v0+s17+$0x0] =	vst.idx.msk $0xffff, v10  }
0xa0: {  	[tilespmem:v1+s17+$0x0] =	vst.idx.msk $0xffff, v11  }
0xa1: {  	v10 =	vld [tilespmem:$0x380]  }
0xa2: {  	v11 =	vld [tilespmem:$0x600];
	_ =	sdelay $0x3  }
0xa3: {  	[tilespmem:v2+s17+$0x0] =	vst.idx.msk $0xffff, v10  }
0xa4: {  	[tilespmem:v3+s17+$0x0] =	vst.idx.msk $0xffff, v11  }
0xa5: {  	v10 =	vld [tilespmem:$0x390]  }
0xa6: {  	v11 =	vld [tilespmem:$0x610];
	_ =	sdelay $0x3  }
0xa7: {  	[tilespmem:v4+s17+$0x0] =	vst.idx.msk $0xffff, v10  }
0xa8: {  	[tilespmem:v5+s17+$0x0] =	vst.idx.msk $0xffff, v11  }
0xa9: {  	v10 =	vld [tilespmem:$0x3A0]  }
0xaa: {  	v11 =	vld [tilespmem:$0x620];
	_ =	sdelay $0x3  }
0xab: {  	[tilespmem:v6+s17+$0x0] =	vst.idx.msk $0xffff, v10  }
0xac: {  	[tilespmem:v7+s17+$0x0] =	vst.idx.msk $0xffff, v11  }
0xad: {  	v10 =	vld [tilespmem:$0x3B0]  }
0xae: {  	v11 =	vld [tilespmem:$0x630];
	_ =	sdelay $0x3  }
0xaf: {  	[tilespmem:v8+s17+$0x0] =	vst.idx.msk $0xffff, v10  }
0xb0: {  	[tilespmem:v9+s17+$0x0] =	vst.idx.msk $0xffff, v11  }
0xb1: {  	v10 =	vld [tilespmem:$0x3C0]  }
0xb2: {  	v11 =	vld [tilespmem:$0x640];
	_ =	sdelay $0x3  }
0xb3: {  	[tilespmem:v0+s18+$0x0] =	vst.idx.msk $0xffff, v10  }
0xb4: {  	[tilespmem:v1+s18+$0x0] =	vst.idx.msk $0xffff, v11  }
0xb5: {  	v10 =	vld [tilespmem:$0x3D0]  }
0xb6: {  	v11 =	vld [tilespmem:$0x650];
	_ =	sdelay $0x3  }
0xb7: {  	[tilespmem:v2+s18+$0x0] =	vst.idx.msk $0xffff, v10  }
0xb8: {  	[tilespmem:v3+s18+$0x0] =	vst.idx.msk $0xffff, v11  }
0xb9: {  	v10 =	vld [tilespmem:$0x3E0]  }
0xba: {  	v11 =	vld [tilespmem:$0x660];
	_ =	sdelay $0x3  }
0xbb: {  	[tilespmem:v4+s18+$0x0] =	vst.idx.msk $0xffff, v10  }
0xbc: {  	[tilespmem:v5+s18+$0x0] =	vst.idx.msk $0xffff, v11  }
0xbd: {  	v10 =	vld [tilespmem:$0x3F0]  }
0xbe: {  	v11 =	vld [tilespmem:$0x670];
	_ =	sdelay $0x3  }
0xbf: {  	[tilespmem:v6+s18+$0x0] =	vst.idx.msk $0xffff, v10  }
0xc0: {  	[tilespmem:v7+s18+$0x0] =	vst.idx.msk $0xffff, v11  }
0xc1: {  	v10 =	vld [tilespmem:$0x400]  }
0xc2: {  	v11 =	vld [tilespmem:$0x680];
	_ =	sdelay $0x3  }
0xc3: {  	[tilespmem:v8+s18+$0x0] =	vst.idx.msk $0xffff, v10  }
0xc4: {  	[tilespmem:v9+s18+$0x0] =	vst.idx.msk $0xffff, v11  }
0xc5: {  	v10 =	vld [tilespmem:$0x410]  }
0xc6: {  	v11 =	vld [tilespmem:$0x690];
	_ =	sdelay $0x3  }
0xc7: {  	[tilespmem:v0+s19+$0x0] =	vst.idx.msk $0xffff, v10  }
0xc8: {  	[tilespmem:v1+s19+$0x0] =	vst.idx.msk $0xffff, v11  }
0xc9: {  	v10 =	vld [tilespmem:$0x420]  }
0xca: {  	v11 =	vld [tilespmem:$0x6A0];
	_ =	sdelay $0x3  }
0xcb: {  	[tilespmem:v2+s19+$0x0] =	vst.idx.msk $0xffff, v10  }
0xcc: {  	[tilespmem:v3+s19+$0x0] =	vst.idx.msk $0xffff, v11  }
0xcd: {  	v10 =	vld [tilespmem:$0x430]  }
0xce: {  	v11 =	vld [tilespmem:$0x6B0];
	_ =	sdelay $0x3  }
0xcf: {  	[tilespmem:v4+s19+$0x0] =	vst.idx.msk $0xffff, v10  }
0xd0: {  	[tilespmem:v5+s19+$0x0] =	vst.idx.msk $0xffff, v11  }
0xd1: {  	v10 =	vld [tilespmem:$0x440]  }
0xd2: {  	v11 =	vld [tilespmem:$0x6C0];
	_ =	sdelay $0x3  }
0xd3: {  	[tilespmem:v6+s19+$0x0] =	vst.idx.msk $0xffff, v10  }
0xd4: {  	[tilespmem:v7+s19+$0x0] =	vst.idx.msk $0xffff, v11  }
0xd5: {  	v10 =	vld [tilespmem:$0x450]  }
0xd6: {  	v11 =	vld [tilespmem:$0x6D0];
	_ =	sdelay $0x3  }
0xd7: {  	[tilespmem:v8+s19+$0x0] =	vst.idx.msk $0xffff, v10  }
0xd8: {  	[tilespmem:v9+s19+$0x0] =	vst.idx.msk $0xffff, v11  }
0xd9: {  	v10 =	vld [tilespmem:$0x460]  }
0xda: {  	v11 =	vld [tilespmem:$0x6E0];
	_ =	sdelay $0x3  }
0xdb: {  	[tilespmem:v0+s20+$0x0] =	vst.idx.msk $0xffff, v10  }
0xdc: {  	[tilespmem:v1+s20+$0x0] =	vst.idx.msk $0xffff, v11  }
0xdd: {  	v10 =	vld [tilespmem:$0x470]  }
0xde: {  	v11 =	vld [tilespmem:$0x6F0];
	_ =	sdelay $0x3  }
0xdf: {  	[tilespmem:v2+s20+$0x0] =	vst.idx.msk $0xffff, v10  }
0xe0: {  	[tilespmem:v3+s20+$0x0] =	vst.idx.msk $0xffff, v11  }
0xe1: {  	v10 =	vld [tilespmem:$0x480]  }
0xe2: {  	v11 =	vld [tilespmem:$0x700];
	_ =	sdelay $0x3  }
0xe3: {  	[tilespmem:v4+s20+$0x0] =	vst.idx.msk $0xffff, v10  }
0xe4: {  	[tilespmem:v5+s20+$0x0] =	vst.idx.msk $0xffff, v11  }
0xe5: {  	v10 =	vld [tilespmem:$0x490]  }
0xe6: {  	v11 =	vld [tilespmem:$0x710];
	_ =	sdelay $0x3  }
0xe7: {  	[tilespmem:v6+s20+$0x0] =	vst.idx.msk $0xffff, v10  }
0xe8: {  	[tilespmem:v7+s20+$0x0] =	vst.idx.msk $0xffff, v11  }
0xe9: {  	v10 =	vld [tilespmem:$0x4A0]  }
0xea: {  	v11 =	vld [tilespmem:$0x720];
	_ =	sdelay $0x3  }
0xeb: {  	[tilespmem:v8+s20+$0x0] =	vst.idx.msk $0xffff, v10  }
0xec: {  	[tilespmem:v9+s20+$0x0] =	vst.idx.msk $0xffff, v11  }
0xed: {  	v10 =	vld [tilespmem:$0x4B0]  }
0xee: {  	v11 =	vld [tilespmem:$0x730];
	_ =	sdelay $0x3  }
0xef: {  	[tilespmem:v0+s21+$0x0] =	vst.idx.msk $0xffff, v10  }
0xf0: {  	[tilespmem:v1+s21+$0x0] =	vst.idx.msk $0xffff, v11  }
0xf1: {  	v10 =	vld [tilespmem:$0x4C0]  }
0xf2: {  	v11 =	vld [tilespmem:$0x740];
	_ =	sdelay $0x3  }
0xf3: {  	[tilespmem:v2+s21+$0x0] =	vst.idx.msk $0xffff, v10  }
0xf4: {  	[tilespmem:v3+s21+$0x0] =	vst.idx.msk $0xffff, v11  }
0xf5: {  	v10 =	vld [tilespmem:$0x4D0]  }
0xf6: {  	v11 =	vld [tilespmem:$0x750];
	_ =	sdelay $0x3  }
0xf7: {  	[tilespmem:v4+s21+$0x0] =	vst.idx.msk $0xffff, v10  }
0xf8: {  	[tilespmem:v5+s21+$0x0] =	vst.idx.msk $0xffff, v11  }
0xf9: {  	v10 =	vld [tilespmem:$0x4E0]  }
0xfa: {  	v11 =	vld [tilespmem:$0x760];
	_ =	sdelay $0x3  }
0xfb: {  	[tilespmem:v6+s21+$0x0] =	vst.idx.msk $0xffff, v10  }
0xfc: {  	[tilespmem:v7+s21+$0x0] =	vst.idx.msk $0xffff, v11  }
0xfd: {  	v10 =	vld [tilespmem:$0x4F0]  }
0xfe: {  	v11 =	vld [tilespmem:$0x770];
	_ =	sdelay $0x3  }
0xff: {  	[tilespmem:v8+s21+$0x0] =	vst.idx.msk $0xffff, v10  }
0x100: {  	[tilespmem:v9+s21+$0x0] =	vst.idx.msk $0xffff, v11  }
0x101: {  	[spmem:s2] =	stream.indirect.scatter.add.f32 [tilespmem:s14], [sflag:$0x1], $0x8, s3, s25, $0xb8;
	[tilespmem:$0xDF80] =	vst v63  }
0x102: {  	_ = 	snop  }
0x103: {  	[spmem:s2] =	stream.indirect.scatter.add.f32 [tilespmem:s15], [sflag:$0x1], $0x8, s25, s25, $0xb8;
	[tilespmem:$0xDF80] =	vst v63  }
0x104: {  	_ = 	snop  }
0x105: {  	[spmem:s2] =	stream.indirect.scatter.add.f32 [tilespmem:s16], [sflag:$0x1], $0x8, s26, s25, $0xb8;
	[tilespmem:$0xDF80] =	vst v63  }
0x106: {  	_ = 	snop  }
0x107: {  	[spmem:s2] =	stream.indirect.scatter.add.f32 [tilespmem:s17], [sflag:$0x1], $0x8, s28, s25, $0xb8;
	[tilespmem:$0xDF80] =	vst v63  }
0x108: {  	_ = 	snop  }
0x109: {  	[spmem:s2] =	stream.indirect.scatter.add.f32 [tilespmem:s18], [sflag:$0x1], $0x8, s29, s25, $0xb8;
	[tilespmem:$0xDF80] =	vst v63  }
0x10a: {  	_ = 	snop  }
0x10b: {  	[spmem:s2] =	stream.indirect.scatter.add.f32 [tilespmem:s19], [sflag:$0x1], $0x8, s30, s25, $0xb8;
	[tilespmem:$0xDF80] =	vst v63  }
0x10c: {  	_ = 	snop  }
0x10d: {  	[spmem:s2] =	stream.indirect.scatter.add.f32 [tilespmem:s20], [sflag:$0x1], $0x8, s31, s25, $0xb8;
	[tilespmem:$0xDF80] =	vst v63  }
0x10e: {  	_ = 	snop  }
0x10f: {  	[spmem:s2] =	stream.indirect.scatter.add.f32 [tilespmem:s21], [sflag:$0x1], $0x8, s0, s25, $0xb8;
	[tilespmem:$0xDF80] =	vst v63  }
0x110: {  	_ =	swait.ge [sflag:s1], $0x280  }
0x111: {  	[sflag:s1] =	ssyncset.done $0x0  }
0x112: {  	[sflag:s1] =	ssyncadd.s32 $0xFFFFFD80  }
0x113: {  	_ =	swait.ge [sflag:s1], $0x280  }
0x114: {  	[sflag:s1] =	ssyncset.done $0x0  }
0x115: {  	[sflag:s1] =	ssyncadd.s32 $0xFFFFFD80  }
0x116: {  	_ =	swait.ge [sflag:s1], $0x280  }
0x117: {  	[sflag:s1] =	ssyncset.done $0x0  }
0x118: {  	[sflag:s1] =	ssyncadd.s32 $0xFFFFFD80  }
0x119: {  	_ =	swait.ge [sflag:s1], $0x280  }
0x11a: {  	[sflag:s1] =	ssyncset.done $0x0  }
0x11b: {  	[sflag:s1] =	ssyncadd.s32 $0xFFFFFD80  }
0x11c: {  	_ =	swait.ge [sflag:s1], $0x280  }
0x11d: {  	[sflag:s1] =	ssyncset.done $0x0  }
0x11e: {  	[sflag:s1] =	ssyncadd.s32 $0xFFFFFD80  }
0x11f: {  	_ =	swait.ge [sflag:s1], $0x280  }
0x120: {  	[sflag:s1] =	ssyncset.done $0x0  }
0x121: {  	[sflag:s1] =	ssyncadd.s32 $0xFFFFFD80  }
0x122: {  	_ =	swait.ge [sflag:s1], $0x280  }
.Ltmp5:
0x123: {  	[sflag:s1] =	ssyncset.done $0x0;
	(pc) =	sbr.rel .LBB2_4-.Ltmp5, $4  }
0x124: {  	[sflag:s1] =	ssyncadd.s32 $0xFFFFFD80  }
0x125: {  	_ =	swait.ge [sflag:s1], $0x280  }
0x126: {  	[sflag:s1] =	ssyncset.done $0x0  }
0x127: {  	[sflag:s1] =	ssyncadd.s32 $0xFFFFFD80  }
.LBB2_6:
0x128: {  	_ =	sfence.sel $0x180000  }
0x129: {  	[bflag:$0x0] =	sbarrier.arrive $0xFFFF  }
0x12a: {  	_ =	strace $0x9000004D  }
0x12b: {  	s0 =	stileid.u32;
	[bflag:$0x2] =	sbarrier.arrive $0xFFFF  }
0x12c: {  	p0 =	sne.s32 s0, $0x0;
	s0 =	rddreg [dreg:$0x2]  }
0x12d: {  	s0 =	sadd.s32 @!p0 $0x100000, s0  }
0x12e: {  	[sflag:s0] =	ssyncadd.tile.s32 @!p0 $0x1;
	_ =	shalt  }
.Lfunc_end2:
_tile_overlayer_lowered:
.L_overlay_start_2:
0x12f: {  	(tag) =	ssettag $0x2  }
0x130: {  	s0 =	rddreg [dreg:$0x0];
	s2 =	stileid.u32  }
0x131: {  	s1 =	rddreg [dreg:$0x1];
	p0 =	sne.s32 s2, $0x0  }
0x132: {  	s3 =	rddreg [dreg:$0x2];
	[bflag:$0x3] =	sbarrier.arrive $0xFFFF;
	s2 =	simm.s32 @!p0 $0x1C02  }
0x133: {  	[timem:s3], [sflag:s2] =	dma.local @!p0 [hbm:s0], s1  }
0x134: {  	s0 =	simm.s32 @!p0 $0x2  }
0x135: {  	_ =	swait.ge @!p0 [sflag:s0], s1  }
0x136: {  	s1 =	ssub.s32 @!p0 $0x0, s1;
	[sflag:s0] =	ssyncset.done @!p0 $0x0  }
0x137: {  	[sflag:s0] =	ssyncadd.s32 @!p0 s1  }
0x138: {  	[bflag:$0x3] =	sbarrier.arrive $0xFFFF  }
0x139: {  	_ =	shalt  }

// kernel: kernel.9.cloned.1.call-start
scs
__scs_entry_jumppad:
0x0: {  	(pc) =	sbr.rel $0x88, $3  }
0x1: {  	(tag) =	ssettag $0x0;
	lr =	simm.s32 $0x1  }
0x2: {  	[smem:$0x3F95] =	sst lr;
	_ =	strace $0xD0000000  }
0x3: {  	_ = 	snop  }
0x4: {  	_ = 	snop  }
0x5: {  	_ = 	snop  }
0x6: {  	_ = 	snop  }
0x7: {  	_ = 	snop  }
__scs_overlays_trampoline_lowered:
0x8: {  	[smem:$0x3FA4] =	sst s0  }
0x9: {  	[smem:$0x3FA5] =	sst s1  }
0xa: {  	[smem:$0x3FA6] =	sst s2  }
0xb: {  	[smem:$0x3FA7] =	sst s3  }
0xc: {  	[smem:$0x3FA8] =	sst s4  }
0xd: {  	[smem:$0x3FA9] =	sst s5  }
0xe: {  	[smem:$0x3FAA] =	sst s6  }
0xf: {  	[smem:$0x3FAB] =	sst s7  }
0x10: {  	[smem:$0x3FAC] =	sst s8  }
0x11: {  	[smem:$0x3FAD] =	sst s9;
	s0 =	simm.s32 @!p0 $0x0  }
0x12: {  	s1 =	sld [smem:$0x3F93];
	s0 =	simm.s32 @p0 $0x1  }
0x13: {  	[smem:$0x3FAE] =	sst s0;
	s0 =	simm.s32 @!p1 $0x0  }
0x14: {  	s2 =	sld [smem:$0x3F92];
	s0 =	simm.s32 @p1 $0x1  }
0x15: {  	[smem:$0x3FAF] =	sst s0;
	s0 =	simm.s32 @!p2 $0x0  }
0x16: {  	s3 =	sld [smem:$0x3FDB];
	s0 =	simm.s32 @p2 $0x1  }
0x17: {  	s4 =	simm.s32 $0x1BF5;
	[smem:$0x3FB1] =	sst s0  }
0x18: {  	s0 =	sld [smem:$0x3F94];
	_ =	swait.ge [sflag:s4], $0x0  }
0x19: {  	s7 =	sld [smem:$0x3F95]  }
0x1a: {  	s8 =	sadd.s32 $0xFFFFE003, lr  }
0x1b: {  	s9 =	sadd.s32 $0xFFFFFEF7, lr;
	s5 =	simm.s32 $0xFFFFFFFF;
	p2 =	slt.u32 s8, $0xFFFFF086  }
0x1c: {  	p1 =	slt.u32 s9, $0xF7A;
	s5 =	simm.s32 @!p2 $0x0  }
0x1d: {  	s5 =	simm.s32 @p1 $0x1;
	p0 =	seq.s32 s7, s2  }
0x1e: {  	s7 =	smul.u32 @!p0 $0xF7A, s2;
	p2 =	seq.s32 @!p0 s5, $0x0  }
0x1f: {  	s9 =	smul.u32 $0xF7A, s1;
	s8 =	simm.s32 @!p0 $0x1BF5;
	p2 =	por !p2, p0  }
0x20: {  	[sflag:s8] =	ssyncset.s32 @!p0 $0xFFFFF086;
	s6 =	sadd.s32 @!p0 s3, s7;
	s7 =	simm.s32 @!p0 $0x108  }
0x21: {  	s3 =	sadd.s32 s3, s9;
	s6 =	sadd.s32 @!p0 $0x88, s6;
	s7 =	simm.s32 @p2 $0x1082  }
0x22: {  	[simem:s7], [sflag:s8] =	dma.local @!p0 [hbm:s6], $0xF7A  }
0x23: {  	s9 =	sor.u32 $0xD0000000, s2;
	s6 =	simm.s32 $0x108;
	_ =	swait.ge @!p0 [sflag:s8], $0x0  }
0x24: {  	s3 =	sadd.s32 $0x88, s3;
	s6 =	simm.s32 @!p1 $0x1082;
	[sflag:s4] =	ssyncset.s32 $0xFFFFF086  }
0x25: {  	[simem:s6], [sflag:s4] =	dma.local [hbm:s3], $0xF7A  }
0x26: {  	[smem:$0x3F95] =	sst s1;
	(tag) =	ssettag s2;
	_ =	strace s9  }
0x27: {  	s1 =	sld [smem:$0x3FA5]  }
0x28: {  	s2 =	sld [smem:$0x3FA6]  }
0x29: {  	s4 =	sld [smem:$0x3FA8]  }
0x2a: {  	p0 =	seq.s32 s5, $0x0;
	s5 =	sld [smem:$0x3FA9]  }
0x2b: {  	s6 =	sld [smem:$0x3FAA]  }
0x2c: {  	s7 =	sld [smem:$0x3FAB]  }
0x2d: {  	s3 =	simm.s32 $0x108;
	s8 =	sld [smem:$0x3FAC]  }
0x2e: {  	s3 =	simm.s32 @!p0 $0x1082;
	s9 =	sld [smem:$0x3FAD]  }
0x2f: {  	lr =	sadd.s32 s0, s3;
	s0 =	sld [smem:$0x3FA4]  }
0x30: {  	s3 =	sld [smem:$0x3FA7]  }
0x31: {  	[smem:$0x3FB0] =	sst s10  }
0x32: {  	s10 =	sld [smem:$0x3FAE];
	_ =	sdelay $0x3  }
0x33: {  	p0 =	seq.s32 s10, $0x1;
	s10 =	sld [smem:$0x3FB0];
	_ =	sdelay $0x3  }
0x34: {  	[smem:$0x3FB0] =	sst s10  }
0x35: {  	s10 =	sld [smem:$0x3FAF];
	_ =	sdelay $0x3  }
0x36: {  	p1 =	seq.s32 s10, $0x1;
	s10 =	sld [smem:$0x3FB0];
	_ =	sdelay $0x3  }
0x37: {  	[smem:$0x3FB0] =	sst s10  }
0x38: {  	s10 =	sld [smem:$0x3FB1]  }
0x39: {  	_ = 	snop;
	(pc) =	sbr.ind lr, $3  }
0x3a: {  	_ = 	snop  }
0x3b: {  	_ = 	snop  }
0x3c: {  	p2 =	seq.s32 s10, $0x1;
	s10 =	sld [smem:$0x3FB0]  }
0x3d: {  	_ =	shalt  }
0x3e: {  	_ =	shalt  }
0x3f: {  	_ =	shalt  }
0x40: {  	_ =	shalt  }
0x41: {  	_ =	shalt  }
0x42: {  	_ =	shalt  }
0x43: {  	_ =	shalt  }
0x44: {  	_ =	shalt  }
0x45: {  	_ =	shalt  }
0x46: {  	_ =	shalt  }
0x47: {  	_ =	shalt  }
0x48: {  	_ =	shalt  }
0x49: {  	_ =	shalt  }
0x4a: {  	_ =	shalt  }
0x4b: {  	_ =	shalt  }
0x4c: {  	_ =	shalt  }
0x4d: {  	_ =	shalt  }
0x4e: {  	_ =	shalt  }
0x4f: {  	_ =	shalt  }
0x50: {  	_ =	shalt  }
0x51: {  	_ =	shalt  }
0x52: {  	_ =	shalt  }
0x53: {  	_ =	shalt  }
0x54: {  	_ =	shalt  }
0x55: {  	_ =	shalt  }
0x56: {  	_ =	shalt  }
0x57: {  	_ =	shalt  }
0x58: {  	_ =	shalt  }
0x59: {  	_ =	shalt  }
0x5a: {  	_ =	shalt  }
0x5b: {  	_ =	shalt  }
0x5c: {  	_ =	shalt  }
0x5d: {  	_ =	shalt  }
0x5e: {  	_ =	shalt  }
0x5f: {  	_ =	shalt  }
0x60: {  	_ =	shalt  }
0x61: {  	_ =	shalt  }
0x62: {  	_ =	shalt  }
0x63: {  	_ =	shalt  }
0x64: {  	_ =	shalt  }
0x65: {  	_ =	shalt  }
0x66: {  	_ =	shalt  }
0x67: {  	_ =	shalt  }
0x68: {  	_ =	shalt  }
0x69: {  	_ =	shalt  }
0x6a: {  	_ =	shalt  }
0x6b: {  	_ =	shalt  }
0x6c: {  	_ =	shalt  }
0x6d: {  	_ =	shalt  }
0x6e: {  	_ =	shalt  }
0x6f: {  	_ =	shalt  }
0x70: {  	_ =	shalt  }
0x71: {  	_ =	shalt  }
0x72: {  	_ =	shalt  }
0x73: {  	_ =	shalt  }
0x74: {  	_ =	shalt  }
0x75: {  	_ =	shalt  }
0x76: {  	_ =	shalt  }
0x77: {  	_ =	shalt  }
0x78: {  	_ =	shalt  }
0x79: {  	_ =	shalt  }
0x7a: {  	_ =	shalt  }
0x7b: {  	_ =	shalt  }
0x7c: {  	_ =	shalt  }
0x7d: {  	_ =	shalt  }
0x7e: {  	_ =	shalt  }
0x7f: {  	_ =	shalt  }
0x80: {  	_ =	shalt  }
0x81: {  	_ =	shalt  }
0x82: {  	_ =	shalt  }
0x83: {  	_ =	shalt  }
0x84: {  	_ =	shalt  }
0x85: {  	_ =	shalt  }
0x86: {  	_ =	shalt  }
0x87: {  	_ =	shalt  }
.Lfunc_end0:
.L_simem_size_0:
called_computation_lowered:
.L_overlay_start_0:
0x88: {  	s2 =	sld [smem:$0x3FD9]  }
0x89: {  	s3 =	sld [smem:$0x3FFE];
	_ =	sdelay $0x1  }
0x8a: {  	s1 =	srdreg.scid  }
0x8b: {  	s0 =	sand.u32 $0x1, s1  }
0x8c: {  	s17 =	sshll.u32 s0, $0xA;
	s2 =	sadd.s32 s3, s2  }
0x8d: {  	s2 =	sadd.s32 s2, s17  }
0x8e: {  	[smem:$0x3FBC] =	sst s2  }
0x8f: {  	_ = 	snop  }
0x90: {  	(tm) =	ssettm $0x1  }
0x91: {  	s18 =	sld [smem:$0x3FFB];
	_ =	sdelay $0x3  }
0x92: {  	_ =	strace s18  }
0x93: {  	s2 =	sld [smem:$0x3FFC];
	_ =	sdelay $0x3  }
0x94: {  	_ =	strace s2  }
0x95: {  	s2 =	sld [smem:$0x3FFD];
	_ =	sdelay $0x3  }
0x96: {  	_ =	strace s2  }
0x97: {  	_ =	strace $0x8FFFFFFF  }
0x98: {  	s19 =	sld [smem:$0x3FDB];
	_ =	sdelay $0x1  }
0x99: {  	s20 =	simm.s32 $_scs_section_size  }
0x9a: {  	s4 =	simm.s32 $_size__tile_overlayer_lowered;
	s5 =	simm.s32 $_tile_overlayer_lowered  }
0x9b: {  	s6 =	simm.s32 $0x1BFF;
	s21 =	sshll.u32 s5, $0x1;
	s3 =	sadd.s32 s20, s19  }
0x9c: {  	s22 =	simm.s32 $0x0;
	s4 =	sshll.u32 s4, $0x1;
	s5 =	sadd.s32 s21, s3  }
0x9d: {  	[timem:s22], [sflag:s6] =	dma.local [hbm:s5], s4  }
0x9e: {  	_ =	swait.ge [sflag:s6], s4  }
0x9f: {  	s4 =	ssub.s32 $0x0, s4;
	[sflag:s6] =	ssyncset.done $0x0  }
0xa0: {  	[sflag:s6] =	ssyncadd.s32 s4;
	_ =	sdelay $0x1  }
0xa1: {  	s23 =	simm.s32 $0x1B8B  }
0xa2: {  	_ =	swait.ge [sflag:s23], $0x1  }
0xa3: {  	[sflag:s23] =	ssyncset.done $0x0  }
0xa4: {  	[sflag:s23] =	ssyncadd.s32 $0xFFFFFFFF  }
0xa5: {  	s4 =	sld [smem:$0x0]  }
0xa6: {  	s5 =	sand.u32 $0xFFFFFFFE, s1  }
0xa7: {  	p0 =	sne.s32 s1, s5  }
0xa8: {  	s5 =	sshll.u32 @p0 s5, $0xE  }
0xa9: {  	s5 =	sadd.s32 @p0 $0x11B8D, s5;
	s6 =	sshll.u32 @p0 s4, $0x11  }
0xaa: {  	s5 =	sor.u32 @p0 s6, s5  }
0xab: {  	[sflag:s5] =	ssyncadd.remote.s32 @p0 $0x1;
	_ =	sdelay $0x1  }
0xac: {  	s5 =	simm.s32 @p0 $0x1B8D  }
0xad: {  	_ =	swait.eq @p0 [sflag:s5], $0x1  }
0xae: {  	[sflag:s5] =	ssyncadd.s32 @p0 $0xFFFFFFFF  }
0xaf: {  	s6 =	sshll.u32 @!p0 s1, $0xE  }
0xb0: {  	s6 =	sor.u32 @!p0 $0x4000, s6;
	s5 =	simm.s32 @!p0 $0x1B8D  }
0xb1: {  	s4 =	sshll.u32 @!p0 s4, $0x11;
	s6 =	sadd.s32 @!p0 $0x11B8D, s6;
	_ =	swait.eq @!p0 [sflag:s5], $0x1  }
0xb2: {  	s4 =	sor.u32 @!p0 s4, s6;
	[sflag:s5] =	ssyncadd.s32 @!p0 $0xFFFFFFFF  }
0xb3: {  	s25 =	simm.s32 $0x1B8E;
	s24 =	sld [smem:$0x3FFE];
	[sflag:s4] =	ssyncadd.remote.s32 @!p0 $0x1  }
0xb4: {  	s26 =	simm.s32 $execute0_lowered;
	[smem:$0x3FD2] =	sst s25  }
0xb5: {  	s5 =	sshll.u32 s26, $0x1;
	_ =	strace $0x80000049;
	[dreg:$0x1] =	wrdreg $0xFFFFFFFF  }
0xb6: {  	s28 =	simm.s32 $_size_execute0_lowered;
	s3 =	sadd.s32 s3, s5;
	[dreg:$0x0] =	wrdreg $0x0  }
0xb7: {  	s5 =	sshll.u32 s28, $0x1;
	[dreg:$0x2] =	wrdreg s3  }
0xb8: {  	[dreg:$0x3] =	wrdreg s5  }
0xb9: {  	[dreg:$0x4] =	wrdreg $0xC0  }
0xba: {  	_ =	task [dreg:s22], $0x5FFFF  }
0xbb: {  	[dreg:$0x1] =	wrdreg $0xFFFFFFFF  }
0xbc: {  	[dreg:$0x0] =	wrdreg $0x60  }
0xbd: {  	[dreg:$0x2] =	wrdreg s24  }
0xbe: {  	[dreg:$0x3] =	wrdreg $0x9  }
0xbf: {  	_ =	task.clear_ibuf [dreg:s22], $0x4FFFF;
	_ =	strace $0x90000049  }
0xc0: {  	s29 =	simm.s32 $0x9;
	_ =	strace $0x8000004B  }
0xc1: {  	_ =	swait.ge [sflag:s29], $0x1  }
0xc2: {  	[sflag:s29] =	ssyncadd.s32 $0xFFFFFFFF  }
0xc3: {  	_ =	strace $0x9000004B  }
0xc4: {  	_ =	sfence  }
0xc5: {  	s30 =	sld [smem:$0x0];
	_ =	sdelay $0x2  }
0xc6: {  	s31 =	sshll.u32 s1, $0xD;
	s1 =	sshrl.u32 s1, $0x2  }
0xc7: {  	s4 =	sand.u32 $0x4000, s31;
	s1 =	sadd.s32 s1, s30  }
0xc8: {  	s0 =	sor.u32 s4, s0;
	s1 =	sshll.u32 s1, $0x11  }
0xc9: {  	s0 =	sor.u32 s1, s0  }
0xca: {  	s0 =	sadd.s32 $0x8F2B, s0  }
0xcb: {  	[sflag:s0] =	ssyncadd.remote.s32 $0x1  }
0xcc: {  	_ =	sfence.sel $0xFFFF  }
0xcd: {  	[dreg:$0x0] =	wrdreg $0xFFFFFFFF;
	(pc) =	sbr.abs _section_cstart, $3  }
0xce: {  	[dreg:$0x1] =	wrdreg $0xFFFFFFFF  }
0xcf: {  	_ =	task.clear_ibuf [dreg:s22], $0x2FFFF;
	_ =	strace $0x9FFFFFFF  }
0xd0: {  	(tm) =	ssettm $0x7FFFFFFF  }
0xd1: {  	_ =	shalt  }
tec
execute0_lowered:
.L_overlay_start_1:
0x0: {  	(tag) =	ssettag $0x1  }
0x1: {  	s7 =	rddreg [dreg:$0x0]  }
0x2: {  	s0 =	rddreg [dreg:$0x1]  }
0x3: {  	s1 =	simm.s32 $0x0;
	s2 =	srdreg.scid;
	s12 =	simm.s32 $0x18E70  }
0x4: {  	s13 =	simm.s32 $0x19640;
	s14 =	simm.s32 $0x19E10;
	s15 =	simm.s32 $0x0  }
0x5: {  	[smem:$0x7FF] =	sst s1;
	s3 =	sadd.s32 $0x4D000, s7;
	s8 =	sand.u32 $0x1, s2  }
0x6: {  	s4 =	sadd.s32 $0x83200, s7;
	s2 =	stileid.u32;
	s5 =	sadd.s32 $0x9AA00, s7  }
0x7: {  	s6 =	sadd.s32 $0xB2200, s7;
	s7 =	sadd.s32 $0xC9A00, s7;
	s9 =	ssub.s32 $0x2, s8  }
0x8: {  	_ =	strace $0x8000004A;
	s11 =	sshll.u32 s2, $0x1;
	s10 =	sshrl.u32 s9, $0x1  }
0x9: {  	s8 =	sor.u32 s8, s11;
	s11 =	simm.s32 $0x186A0;
	s9 =	ssub.s32 s9, s10  }
0xa: {  	s8 =	smul.u32 $0x5DC0, s8;
	s10 =	simm.s32 $0x1;
	s9 =	smax.u32 s9, $0x1  }
.LBB2_1:
0xb: {  	[tilespmem:s1], [sflag:$0x1] =	stream.linear.gather [hbm4b:s3+s1], $0x186A0, $0x38;
	[tilespmem:$0x1A5E0] =	vst v63  }
0xc: {  	_ =	swait.ge [sflag:s10], $0x186A0  }
0xd: {  	[sflag:s10] =	ssyncset.done $0x0  }
0xe: {  	s16 =	simm.s32 $0x0;
	[sflag:s10] =	ssyncadd.s32 $0xFFFE7960  }
.LBB2_2:
0xf: {  	s17 =	smul.u32 $0x7D0, s16;
	_ =	sdelay $0x1  }
0x10: {  	s17 =	sadd.s32 s8, s17  }
0x11: {  	s17 =	sshrl.u32 s17, $0x3  }
0x12: {  	s19 =	simm.s32 $0x0;
	s18 =	sadd.s32 s4, s17  }
0x13: {  	[tilespmem:s11], [sflag:$0x1] =	stream.linear.gather [hbm4b:s18+s19], $0x7D0, $0x38;
	[tilespmem:$0x1A5E0] =	vst v63  }
0x14: {  	_ =	swait.ge [sflag:s10], $0x7D0  }
0x15: {  	[sflag:s10] =	ssyncset.done $0x0  }
0x16: {  	s31 =	sadd.s32 s5, s17;
	[sflag:s10] =	ssyncadd.s32 $0xFFFFF830  }
0x17: {  	[tilespmem:s12], [sflag:$0x1] =	stream.linear.gather [hbm4b:s31+s19], $0x7D0, $0x38;
	[tilespmem:$0x1A5E0] =	vst v63  }
0x18: {  	_ =	swait.ge [sflag:s10], $0x7D0  }
0x19: {  	[sflag:s10] =	ssyncset.done $0x0  }
0x1a: {  	s18 =	simm.s32 $0x0;
	[sflag:s10] =	ssyncadd.s32 $0xFFFFF830  }
0x1b: {  	v0 =	vld [tilespmem:s18+$0x186A0]  }
0x1c: {  	v1 =	vld [tilespmem:s18+$0x18E70];
	_ =	sdelay $0x3  }
0x1d: {  	v0 =	vshll.u32 v0, $0x1  }
0x1e: {  	v1 =	vshll.u32 v1, $0x1;
	_ =	sdelay $0x3  }
0x1f: {  	v2 =	vld.idx.msk [tilespmem:v0+s1+$0x0], $0xffff  }
0x20: {  	v3 =	vld.idx.msk [tilespmem:v1+s1+$0x0], $0xffff;
	_ =	sdelay $0x2  }
0x21: {  	v0 =	vor.u32 $0x1, v0  }
0x22: {  	v4 =	vor.u32 $0x1, v1  }
0x23: {  	s19 =	simm.s32 $0x10;
	v2 =	vsub.f32 v3, v2  }
0x24: {  	v5 =	vld [tilespmem:s19+$0x186A0]  }
0x25: {  	v1 =	vld [tilespmem:s19+$0x18E70];
	[tilespmem:s18+$0x19640] =	vst v2  }
0x26: {  	v2 =	vld.idx.msk [tilespmem:v0+s1+$0x0], $0xffff  }
0x27: {  	v3 =	vld.idx.msk [tilespmem:v4+s1+$0x0], $0xffff;
	_ =	sdelay $0x1  }
0x28: {  	s20 =	simm.s32 $0x80;
	v0 =	vshll.u32 v5, $0x1  }
.LBB2_3:
0x29: {  	p0 =	sne.s32 s20, $0x1F00;
	s21 =	smov.u32 s20;
	s20 =	sadd.s32 $0x40, s20  }
0x2a: {  	v1 =	vshll.u32 v1, $0x1  }
0x2b: {  	v2 =	vsub.f32 v3, v2;
	_ =	sdelay $0x1  }
0x2c: {  	[tilespmem:s18+$0x19E10] =	vst v2;
	s18 =	smov.u32 s19  }
0x2d: {  	v2 =	vld.idx.msk [tilespmem:v0+s1+$0x0], $0xffff  }
0x2e: {  	v3 =	vld.idx.msk [tilespmem:v1+s1+$0x0], $0xffff;
	_ =	sdelay $0x3  }
0x2f: {  	v4 =	vor.u32 $0x1, v1;
	v0 =	vor.u32 $0x1, v0;
	_ =	sdelay $0x1  }
0x30: {  	s19 =	sshra.s32 s21, $0x2;
	v2 =	vsub.f32 v3, v2  }
0x31: {  	v5 =	vld [tilespmem:s19+$0x186A0]  }
0x32: {  	v1 =	vld [tilespmem:s19+$0x18E70];
	[tilespmem:s18+$0x19640] =	vst v2  }
.Ltmp0:
0x33: {  	v2 =	vld.idx.msk [tilespmem:v0+s1+$0x0], $0xffff;
	(pc) =	sbr.rel @p0 .LBB2_3-.Ltmp0, $2  }
0x34: {  	v3 =	vld.idx.msk [tilespmem:v4+s1+$0x0], $0xffff;
	_ =	sdelay $0x2  }
0x35: {  	v0 =	vshll.u32 v5, $0x1  }
0x36: {  	v1 =	vshll.u32 v1, $0x1  }
0x37: {  	v2 =	vsub.f32 v3, v2;
	_ =	sdelay $0x1  }
0x38: {  	[tilespmem:s18+$0x19E10] =	vst v2  }
0x39: {  	v2 =	vld.idx.msk [tilespmem:v0+s1+$0x0], $0xffff  }
0x3a: {  	v62 =	vld.idx.msk [tilespmem:v1+s1+$0x0], $0xffff;
	_ =	sdelay $0x2  }
0x3b: {  	v63 =	vor.u32 $0x1, v0  }
0x3c: {  	v1 =	vor.u32 $0x1, v1  }
0x3d: {  	v2 =	vsub.f32 v62, v2;
	_ =	sdelay $0x1  }
0x3e: {  	[tilespmem:s19+$0x19640] =	vst v2  }
0x3f: {  	v0 =	vld.idx.msk [tilespmem:v63+s1+$0x0], $0xffff  }
0x40: {  	v1 =	vld.idx.msk [tilespmem:v1+s1+$0x0], $0xffff;
	_ =	sdelay $0x4  }
0x41: {  	v0 =	vsub.f32 v1, v0;
	_ =	sdelay $0x1  }
0x42: {  	s30 =	sadd.s32 s6, s17;
	[tilespmem:s19+$0x19E10] =	vst v0  }
0x43: {  	[hbm4b:s30+s1] =	stream.linear.scatter [tilespmem:s13], [sflag:$0x1], $0x7D0, $0x38;
	[tilespmem:$0x1A5E0] =	vst v63  }
0x44: {  	s16 =	sadd.s32 $0x1, s16;
	_ =	swait.ge [sflag:s10], $0x7D0  }
0x45: {  	p0 =	sne.s32 s16, $0xC;
	[sflag:s10] =	ssyncset.done $0x0  }
.Ltmp1:
0x46: {  	s31 =	sadd.s32 s7, s17;
	[sflag:s10] =	ssyncadd.s32 $0xFFFFF830;
	(pc) =	sbr.rel @p0 .LBB2_2-.Ltmp1, $4  }
0x47: {  	[hbm4b:s31+s1] =	stream.linear.scatter [tilespmem:s14], [sflag:$0x1], $0x7D0, $0x38;
	[tilespmem:$0x1A5E0] =	vst v63  }
0x48: {  	_ =	swait.ge [sflag:s10], $0x7D0  }
0x49: {  	[sflag:s10] =	ssyncset.done $0x0  }
0x4a: {  	[sflag:s10] =	ssyncadd.s32 $0xFFFFF830  }
0x4b: {  	s15 =	sadd.s32 $0x1, s15  }
0x4c: {  	p0 =	sne.s32 s15, s9  }
.Ltmp2:
0x4d: {  	_ = 	snop;
	(pc) =	sbr.rel @p0 .LBB2_1-.Ltmp2, $1  }
0x4e: {  	_ =	sdelay $0x3  }
0x4f: {  	_ =	sfence.sel $0x180000  }
0x50: {  	[bflag:$0x0] =	sbarrier.arrive $0xFFFF  }
0x51: {  	p0 =	sne.s32 s2, $0x0;
	_ =	strace $0x9000004A  }
0x52: {  	s0 =	sadd.s32 @!p0 $0x100000, s0;
	[bflag:$0x2] =	sbarrier.arrive $0xFFFF  }
0x53: {  	[sflag:s0] =	ssyncadd.tile.s32 @!p0 $0x1;
	_ =	shalt  }
.Lfunc_end2:
_tile_overlayer_lowered:
.L_overlay_start_2:
0x54: {  	(tag) =	ssettag $0x2  }
0x55: {  	s0 =	rddreg [dreg:$0x0];
	s2 =	stileid.u32  }
0x56: {  	s1 =	rddreg [dreg:$0x1];
	p0 =	sne.s32 s2, $0x0  }
0x57: {  	s3 =	rddreg [dreg:$0x2];
	[bflag:$0x3] =	sbarrier.arrive $0xFFFF;
	s2 =	simm.s32 @!p0 $0x1C01  }
0x58: {  	[timem:s3], [sflag:s2] =	dma.local @!p0 [hbm:s0], s1  }
0x59: {  	s0 =	simm.s32 @!p0 $0x1  }
0x5a: {  	_ =	swait.ge @!p0 [sflag:s0], s1  }
0x5b: {  	s1 =	ssub.s32 @!p0 $0x0, s1;
	[sflag:s0] =	ssyncset.done @!p0 $0x0  }
0x5c: {  	[sflag:s0] =	ssyncadd.s32 @!p0 s1  }
0x5d: {  	[bflag:$0x3] =	sbarrier.arrive $0xFFFF  }
0x5e: {  	_ =	shalt  }

</sc_bundles>
